<compile_context>
chip_gen: v7x
topology: tpu7x:2x2x1
jax: 0.10.2.dev20260603
libtpu: 0.0.44.dev20260713+nightly
codegen_flags: <defaults>
</compile_context>

<pallas_src>
import functools

import jax
import jax.numpy as jnp
from jax import lax
from jax.experimental import pallas as pl
from jax.experimental.pallas import tpu as pltpu
from jax.experimental.pallas import tpu_sc as plsc

N = 50000
NP = 50048
H = NP // 2
HROWS = H + 8
SROWS = NP + 16
E = 800000
EP = 823296
F = 64
NG = 64
R = 6256

_MESH = plsc.VectorSubcoreMesh(
    core_axis_name="c", subcore_axis_name="s", num_cores=2, num_subcores=16
)
_SC_PARAMS = pltpu.CompilerParams(use_tc_tiling_on_sc=False)
_f32 = jnp.float32


_NB = 3


def _sc_pipeline(nch, idx_issue, idx_wait, prep, gather_issue, gather_wait,
                 scat_issue, scat_drain):
    for t0 in range(2):
        idx_issue(t0, t0)

    hmax = {1: (nch - 4) // 3, 2: (nch - 5) // 3}

    def step(h, k):
        t = h * 3 + k
        b = k
        a = (k - 1) % 3

        def drain():
            scat_drain(b)

        def gwait_scat():
            gather_wait(a)
            scat_issue(a)

        def prefetch():
            idx_issue(t + 2, a)

        pl.when(h >= 1)(drain)
        idx_wait(t, b)
        prep(b)
        gather_issue(t, b)
        if k == 0:
            pl.when(h >= 1)(gwait_scat)
            prefetch()
        else:
            gwait_scat()
            pl.when(h <= hmax[k])(prefetch)

    def body(h, carry):
        for k in range(3):
            step(h, k)
        return carry

    lax.fori_loop(0, nch // 3, body, 0)
    last = (nch - 1) % 3
    gather_wait(last)
    scat_issue(last)
    for b in range(3):
        scat_drain(b)


@functools.partial(
    pl.kernel,
    out_type=jax.ShapeDtypeStruct((2 * NP, 16), _f32),
    mesh=_MESH,
    compiler_params=_SC_PARAMS,
    scratch_types=[
        pltpu.VMEM_SHARED((SROWS, 16), _f32),
        pltpu.VMEM((_NB, 256), jnp.int32),
        pltpu.VMEM((_NB, 128), jnp.int32),
        pltpu.VMEM((128, 16), _f32),
    ]
    + [pltpu.SemaphoreType.DMA] * 6,
)
def _deg_pass(eic_hbm, ones_hbm, zeros_hbm, out_hbm, acc, idxb, dwr, ones_v,
              *sems):
    cid = lax.axis_index("c")
    sid = lax.axis_index("s")
    wid = cid * 16 + sid
    isem = sems[0:3]
    ssem = sems[3:6]
    pltpu.sync_copy(zeros_hbm.at[pl.ds(0, 3128)], acc.at[pl.ds(sid * 3128, 3128)])

    @pl.when(sid == 0)
    def _():
        pltpu.sync_copy(zeros_hbm.at[pl.ds(0, 16)], acc.at[pl.ds(NP, 16)])

    pltpu.sync_copy(ones_hbm, ones_v)
    plsc.subcore_barrier()

    def idx_issue(t, b):
        pltpu.async_copy(eic_hbm.at[pl.ds((wid * 201 + t) * 256, 256)],
                         idxb.at[b], isem[b])

    def idx_wait(t, b):
        pltpu.make_async_copy(eic_hbm.at[pl.ds((wid * 201 + t) * 256, 256)],
                              idxb.at[b], isem[b]).wait()

    def prep(b):
        for j in range(8):
            dwr[b, pl.ds(j * 16, 16)] = idxb[b, pl.ds(128 + j * 16, 16)]

    def scat_issue(b):
        pltpu.async_copy(ones_v, acc.at[dwr.at[b]], ssem[b], add=True)

    def scat_drain(b):
        pltpu.make_async_copy(ones_v, acc.at[dwr.at[b]], ssem[b]).wait()

    _sc_pipeline(201, idx_issue, idx_wait, prep, lambda t, b: None,
                 lambda b: None, scat_issue, scat_drain)
    plsc.subcore_barrier()
    pltpu.sync_copy(
        acc.at[pl.ds(sid * 3128, 3128)],
        out_hbm.at[pl.ds(cid * NP + sid * 3128, 3128)],
    )


@functools.partial(
    pl.kernel,
    out_type=jax.ShapeDtypeStruct((2 * NP, 16), _f32),
    mesh=_MESH,
    compiler_params=_SC_PARAMS,
    scratch_types=[
        pltpu.VMEM_SHARED((SROWS, 16), _f32),
        pltpu.VMEM((_NB, 256), jnp.int32),
        pltpu.VMEM((_NB, 128), jnp.int32),
        pltpu.VMEM((_NB, 128, 16), _f32),
    ]
    + [pltpu.SemaphoreType.DMA] * 9,
)
def _scalar_pass(t1_hbm, eic_hbm, zeros_hbm, out_hbm, acc, idxb, dwr, rows,
                 *sems):
    cid = lax.axis_index("c")
    sid = lax.axis_index("s")
    wid = cid * 16 + sid
    isem = sems[0:3]
    gsem = sems[3:6]
    ssem = sems[6:9]
    pltpu.sync_copy(zeros_hbm.at[pl.ds(0, 3128)], acc.at[pl.ds(sid * 3128, 3128)])

    @pl.when(sid == 0)
    def _():
        pltpu.sync_copy(zeros_hbm.at[pl.ds(0, 16)], acc.at[pl.ds(NP, 16)])

    plsc.subcore_barrier()

    def idx_issue(t, b):
        pltpu.async_copy(eic_hbm.at[pl.ds((wid * 201 + t) * 256, 256)],
                         idxb.at[b], isem[b])

    def idx_wait(t, b):
        pltpu.make_async_copy(eic_hbm.at[pl.ds((wid * 201 + t) * 256, 256)],
                              idxb.at[b], isem[b]).wait()

    def prep(b):
        for j in range(8):
            dwr[b, pl.ds(j * 16, 16)] = idxb[b, pl.ds(128 + j * 16, 16)]

    def gather_issue(t, b):
        pltpu.async_copy(t1_hbm.at[idxb.at[b, pl.ds(0, 128)]], rows.at[b],
                         gsem[b])

    def gather_wait(b):
        pltpu.make_async_copy(t1_hbm.at[idxb.at[b, pl.ds(0, 128)]],
                              rows.at[b], gsem[b]).wait()

    def scat_issue(b):
        pltpu.async_copy(rows.at[b], acc.at[dwr.at[b]], ssem[b], add=True)

    def scat_drain(b):
        pltpu.make_async_copy(rows.at[b], acc.at[dwr.at[b]], ssem[b]).wait()

    _sc_pipeline(201, idx_issue, idx_wait, prep, gather_issue, gather_wait,
                 scat_issue, scat_drain)
    plsc.subcore_barrier()
    pltpu.sync_copy(
        acc.at[pl.ds(sid * 3128, 3128)],
        out_hbm.at[pl.ds(cid * NP + sid * 3128, 3128)],
    )


@functools.partial(
    pl.kernel,
    out_type=jax.ShapeDtypeStruct((2 * H, F), _f32),
    mesh=_MESH,
    compiler_params=_SC_PARAMS,
    scratch_types=[
        pltpu.VMEM_SHARED((HROWS, F), _f32),
        pltpu.VMEM((_NB, 256), jnp.int32),
        pltpu.VMEM((_NB, 128), jnp.int32),
        pltpu.VMEM((_NB, 128, F), _f32),
    ]
    + [pltpu.SemaphoreType.DMA] * 9,
)
def _edge_pass(g_hbm, eic_hbm, zrow_hbm, out_hbm, acc, idxb, dloc, rows,
               *sems):
    cid = lax.axis_index("c")
    sid = lax.axis_index("s")
    base_node = cid * H
    isem = sems[0:3]
    gsem = sems[3:6]
    ssem = sems[6:9]
    pltpu.sync_copy(zrow_hbm.at[pl.ds(0, 1564)], acc.at[pl.ds(sid * 1564, 1564)])

    @pl.when(sid == 0)
    def _():
        pltpu.sync_copy(zrow_hbm.at[pl.ds(0, 8)], acc.at[pl.ds(H, 8)])

    plsc.subcore_barrier()

    def idx_issue(t, b):
        pltpu.async_copy(eic_hbm.at[pl.ds((sid * 402 + t) * 256, 256)],
                         idxb.at[b], isem[b])

    def idx_wait(t, b):
        pltpu.make_async_copy(eic_hbm.at[pl.ds((sid * 402 + t) * 256, 256)],
                              idxb.at[b], isem[b]).wait()

    def prep(b):
        for j in range(8):
            d = idxb[b, pl.ds(128 + j * 16, 16)]
            loc = d - base_node
            ok = (loc >= 0) & (loc < H)
            dloc[b, pl.ds(j * 16, 16)] = jnp.where(ok, loc, H)

    def gather_issue(t, b):
        pltpu.async_copy(g_hbm.at[idxb.at[b, pl.ds(0, 128)]], rows.at[b],
                         gsem[b])

    def gather_wait(b):
        pltpu.make_async_copy(g_hbm.at[idxb.at[b, pl.ds(0, 128)]],
                              rows.at[b], gsem[b]).wait()

    def scat_issue(b):
        pltpu.async_copy(rows.at[b], acc.at[dloc.at[b]], ssem[b], add=True)

    def scat_drain(b):
        pltpu.make_async_copy(rows.at[b], acc.at[dloc.at[b]], ssem[b]).wait()

    _sc_pipeline(402, idx_issue, idx_wait, prep, gather_issue, gather_wait,
                 scat_issue, scat_drain)
    plsc.subcore_barrier()
    pltpu.sync_copy(
        acc.at[pl.ds(sid * 1564, 1564)],
        out_hbm.at[pl.ds(cid * H + sid * 1564, 1564)],
    )


def _tc_prep_body(degp_ref, x_ref, dinv_ref, t1_ref):
    deg = degp_ref[0] + degp_ref[1] + 1.0
    idx = (
        lax.broadcasted_iota(jnp.int32, (391, 128), 0) * 128
        + lax.broadcasted_iota(jnp.int32, (391, 128), 1)
    )
    dinv = jnp.where(idx < N, lax.rsqrt(deg), 0.0)
    dinv_ref[...] = dinv
    t1_ref[...] = dinv * x_ref[...]


def _tc_q_body(sp_ref, t1_ref, dinv_ref, q_ref):
    q_ref[...] = dinv_ref[...] * (sp_ref[0] + sp_ref[1] + t1_ref[...])


def _tc_l1_body(q_ref, dinv_ref, w1_ref, b1_ref, w2_ref, g2_ref):
    h1 = jax.nn.relu(q_ref[...] * w1_ref[...] + b1_ref[...])
    g2_ref[...] = dinv_ref[...] * jnp.dot(
        h1, w2_ref[...], preferred_element_type=_f32
    )


def _tc_layer_body(s_ref, g_ref, dinv_ref, b_ref, w_ref, out_ref):
    h = jax.nn.relu(dinv_ref[...] * (s_ref[...] + g_ref[...]) + b_ref[...])
    out_ref[...] = dinv_ref[...] * jnp.dot(
        h, w_ref[...], preferred_element_type=_f32
    )


def _tc_final_body(s_ref, g_ref, dinv_ref, b3_ref, batch_ref,
                   cw1_ref, cb1_ref, cw2_ref, cb2_ref, cw3_ref, cb3_ref,
                   z_ref, psum, cnt):
    i = pl.program_id(0)

    @pl.when(i == 0)
    def _():
        psum[...] = jnp.zeros((NG, F), _f32)
        cnt[...] = jnp.zeros((NG, F), _f32)

    h3 = jax.nn.relu(
        dinv_ref[...] * (s_ref[...] + g_ref[...]) + b3_ref[...]
    )
    seg = lax.broadcasted_iota(jnp.int32, (R, NG), 1)
    mf = (batch_ref[...] == seg).astype(_f32)
    dn = (((0,), (0,)), ((), ()))
    psum[...] += lax.dot_general(mf, h3, dn, preferred_element_type=_f32)
    cnt[...] += lax.dot_general(
        mf, jnp.ones((R, F), _f32), dn, preferred_element_type=_f32
    )

    @pl.when(i == pl.num_programs(0) - 1)
    def _():
        pooled = psum[...] / jnp.maximum(cnt[...], 1.0)
        z = jax.nn.relu(
            jnp.dot(pooled, cw1_ref[...], preferred_element_type=_f32)
            + cb1_ref[...]
        )
        z = jax.nn.relu(
            jnp.dot(z, cw2_ref[...], preferred_element_type=_f32)
            + cb2_ref[...]
        )
        z_ref[...] = (
            jnp.dot(z, cw3_ref[...], preferred_element_type=_f32)
            + cb3_ref[...]
        )


def _whole(shape):
    return pl.BlockSpec(shape, lambda i: tuple(0 for _ in shape))


def _rows(shape):
    return pl.BlockSpec(shape, lambda i: (i,) + tuple(0 for _ in shape[1:]))


def kernel(x, edge_index, batch, W1, b1, W2, b2, W3, b3,
           CW1, Cb1, CW2, Cb2, CW3, Cb3):
    ei = edge_index.astype(jnp.int32)
    src = jnp.concatenate([ei[0], jnp.zeros((EP - E,), jnp.int32)])
    dst = jnp.concatenate([ei[1], jnp.full((EP - E,), NP, jnp.int32)])
    eic = jnp.stack([src.reshape(-1, 128), dst.reshape(-1, 128)],
                    axis=1).reshape(-1)
    xp = jnp.pad(x[:, 0], (0, NP - N)).reshape(391, 128)
    ones_col = jnp.ones((128, 16), _f32)
    zeros_col = jnp.zeros((3128, 16), _f32)
    zrow = jnp.zeros((1564, F), _f32)

    degp = _deg_pass(eic, ones_col, zeros_col)[:, 0].reshape(2, 391, 128)
    dinv2, t12 = pl.pallas_call(
        _tc_prep_body,
        out_shape=(
            jax.ShapeDtypeStruct((391, 128), _f32),
            jax.ShapeDtypeStruct((391, 128), _f32),
        ),
    )(degp, xp)

    t1w = jnp.pad(t12.reshape(NP, 1), ((0, 0), (0, 15)))
    sp = _scalar_pass(t1w, eic, zeros_col)
    q2 = pl.pallas_call(
        _tc_q_body,
        out_shape=jax.ShapeDtypeStruct((391, 128), _f32),
    )(sp[:, 0].reshape(2, 391, 128), t12, dinv2)

    dinv_col = dinv2.reshape(NP, 1)
    g2 = pl.pallas_call(
        _tc_l1_body,
        grid=(NP // R,),
        in_specs=[
            _rows((R, 1)),
            _rows((R, 1)),
            _whole((1, F)),
            _whole((1, F)),
            _whole((F, F)),
        ],
        out_specs=_rows((R, F)),
        out_shape=jax.ShapeDtypeStruct((NP, F), _f32),
    )(q2.reshape(NP, 1), dinv_col, W1, b1.reshape(1, F), W2)

    layer = pl.pallas_call(
        _tc_layer_body,
        grid=(NP // R,),
        in_specs=[
            _rows((R, F)),
            _rows((R, F)),
            _rows((R, 1)),
            _whole((1, F)),
            _whole((F, F)),
        ],
        out_specs=_rows((R, F)),
        out_shape=jax.ShapeDtypeStruct((NP, F), _f32),
    )

    s2 = _edge_pass(g2, eic, zrow).reshape(NP, F)
    g3 = layer(s2, g2, dinv_col, b2.reshape(1, F), W3)
    s3 = _edge_pass(g3, eic, zrow).reshape(NP, F)

    bp = jnp.concatenate(
        [batch.astype(jnp.int32), jnp.full((NP - N,), 1 << 20, jnp.int32)]
    ).reshape(NP, 1)
    z = pl.pallas_call(
        _tc_final_body,
        grid=(NP // R,),
        in_specs=[
            _rows((R, F)),
            _rows((R, F)),
            _rows((R, 1)),
            _whole((1, F)),
            _rows((R, 1)),
            _whole((F, F // 2)),
            _whole((1, F // 2)),
            _whole((F // 2, F // 4)),
            _whole((1, F // 4)),
            _whole((F // 4, 4)),
            _whole((1, 4)),
        ],
        out_specs=_whole((NG, 4)),
        out_shape=jax.ShapeDtypeStruct((NG, 4), _f32),
        scratch_shapes=[
            pltpu.VMEM((NG, F), _f32),
            pltpu.VMEM((NG, F), _f32),
        ],
    )(s3, g3, dinv_col, b3.reshape(1, F), bp,
      CW1, Cb1.reshape(1, F // 2), CW2, Cb2.reshape(1, F // 4),
      CW3, Cb3.reshape(1, 4))
    return z

# --- scband reference (transcript-rebuilt; emitter-appended) ---
"""Pipeline reference for scband-gnn-9749575761953 (READ-ONLY COPY).

The authoritative reference and input builder live on the scoring server;
editing this copy changes nothing except your own understanding.
"""

import jax, jax.numpy as jnp
import numpy as np

N_NODES = 50000
N_EDGES = 800000
HIDDEN = 64
NUM_CLASSES = 4
NUM_GRAPHS = 64


def glorot(key, shape):
    fan_in, fan_out = shape[0], shape[1]
    limit = np.sqrt(6.0 / (fan_in + fan_out))
    return jax.random.uniform(key, shape, dtype=jnp.float32, minval=-limit, maxval=limit)


def setup_inputs(seed: int = 0) -> dict:
    key = jax.random.key(seed)
    ks = jax.random.split(key, 16)
    x = jax.random.normal(ks[0], (N_NODES, 1), dtype=jnp.float32)
    edge_index = jax.random.randint(ks[1], (2, N_EDGES), 0, N_NODES, dtype=jnp.int64)
    batch = jnp.sort(jax.random.randint(ks[2], (N_NODES,), 0, NUM_GRAPHS, dtype=jnp.int64))
    W1 = glorot(ks[3], (1, HIDDEN)); b1 = jnp.zeros((HIDDEN,), jnp.float32)
    W2 = glorot(ks[4], (HIDDEN, HIDDEN)); b2 = jnp.zeros((HIDDEN,), jnp.float32)
    W3 = glorot(ks[5], (HIDDEN, HIDDEN)); b3 = jnp.zeros((HIDDEN,), jnp.float32)
    CW1 = glorot(ks[6], (HIDDEN, HIDDEN // 2)); Cb1 = jnp.zeros((HIDDEN // 2,), jnp.float32)
    CW2 = glorot(ks[7], (HIDDEN // 2, HIDDEN // 4)); Cb2 = jnp.zeros((HIDDEN // 4,), jnp.float32)
    CW3 = glorot(ks[8], (HIDDEN // 4, NUM_CLASSES)); Cb3 = jnp.zeros((NUM_CLASSES,), jnp.float32)
    return {"x": x, "edge_index": edge_index, "batch": batch,
            "W1": W1, "b1": b1, "W2": W2, "b2": b2, "W3": W3, "b3": b3,
            "CW1": CW1, "Cb1": Cb1, "CW2": CW2, "Cb2": Cb2, "CW3": CW3, "Cb3": Cb3}


def gcn_conv(x, W, b, edge_index, num_nodes):
    # GCNConv: x' = D^{-1/2} (A + I) D^{-1/2} (X W) + b
    h = x @ W
    loop = jnp.arange(num_nodes, dtype=edge_index.dtype)
    src = jnp.concatenate([edge_index[0], loop])
    dst = jnp.concatenate([edge_index[1], loop])
    deg = jnp.zeros((num_nodes,), jnp.float32).at[dst].add(1.0)
    dinv = jnp.where(deg > 0, 1.0 / jnp.sqrt(deg), 0.0)
    norm = dinv[src] * dinv[dst]
    msgs = h[src] * norm[:, None]
    out = jnp.zeros_like(h).at[dst].add(msgs)
    return out + b


def reference(x, edge_index, batch, W1, b1, W2, b2, W3, b3, CW1, Cb1, CW2, Cb2, CW3, Cb3):
    n = x.shape[0]
    h = jax.nn.relu(gcn_conv(x, W1, b1, edge_index, n))
    h = jax.nn.relu(gcn_conv(h, W2, b2, edge_index, n))
    h = jax.nn.relu(gcn_conv(h, W3, b3, edge_index, n))
    # global_mean_pool over batch assignment
    sums = jax.ops.segment_sum(h, batch, num_segments=NUM_GRAPHS)
    counts = jax.ops.segment_sum(jnp.ones((n,), jnp.float32), batch, num_segments=NUM_GRAPHS)
    pooled = sums / jnp.maximum(counts, 1.0)[:, None]
    # classifier MLP (dropout is identity in eval)
    z = jax.nn.relu(pooled @ CW1 + Cb1)
    z = jax.nn.relu(z @ CW2 + Cb2)
    z = z @ CW3 + Cb3
    return z

if __name__ == "__main__":
    import jax
    _d = setup_inputs()
    print(jax.jit(kernel)(*tuple(_d.values())))

</pallas_src>

<mosaic_0001>
#map = affine_map<(d0, d1) -> (0, 0)>
#map1 = affine_map<(d0, d1) -> (0)>
module attributes {stable_mosaic.version = 14 : i64} {
  func.func @_edge_pass(%arg0: i32, %arg1: i32, %arg2: memref<50048x64xf32, #tpu.memory_space<hbm>>, %arg3: memref<1646592xi32, #tpu.memory_space<hbm>>, %arg4: memref<1564x64xf32, #tpu.memory_space<hbm>>, %arg5: memref<50048x64xf32, #tpu.memory_space<hbm>>, %arg6: memref<25032x64xf32, #tpu.memory_space<vmem_shared>>, %arg7: memref<3x256xi32, #tpu.memory_space<vmem>>, %arg8: memref<3x128xi32, #tpu.memory_space<vmem>>, %arg9: memref<3x128x64xf32, #tpu.memory_space<vmem>>, %arg10: memref<!tpu.dma_semaphore, #tpu.memory_space<semaphore_mem>>, %arg11: memref<!tpu.dma_semaphore, #tpu.memory_space<semaphore_mem>>, %arg12: memref<!tpu.dma_semaphore, #tpu.memory_space<semaphore_mem>>, %arg13: memref<!tpu.dma_semaphore, #tpu.memory_space<semaphore_mem>>, %arg14: memref<!tpu.dma_semaphore, #tpu.memory_space<semaphore_mem>>, %arg15: memref<!tpu.dma_semaphore, #tpu.memory_space<semaphore_mem>>, %arg16: memref<!tpu.dma_semaphore, #tpu.memory_space<semaphore_mem>>, %arg17: memref<!tpu.dma_semaphore, #tpu.memory_space<semaphore_mem>>, %arg18: memref<!tpu.dma_semaphore, #tpu.memory_space<semaphore_mem>>) attributes {dimension_semantics = [#tpu.dimension_semantics<core_parallel>, #tpu.dimension_semantics<subcore_parallel>], iteration_bounds = array<i64: 2, 16>, scalar_prefetch = 0 : i64, scratch_operands = 13 : i64, tpu.core_type = #tpu.core_type<sc_vector_subcore>, window_params = [{transform_indices = #map}, {transform_indices = #map1}, {transform_indices = #map}, {transform_indices = #map}]} {
    %mul3A = arith.constant 25024 : i32
    %mul3A_0 = arith.muli %arg0, %mul3A : i32
    %mul3A_1 = arith.constant 1564 : i32
    %mul3A_2 = arith.muli %arg1, %mul3A_1 : i32
    "tpu.region"() ({
      %run_scoped3A = tpu.sem_alloc : memref<!tpu.dma_semaphore, #tpu.memory_space<semaphore_mem>>
      %dma_start3A_105 = arith.constant 0 : i32
      %dma_start3A_106 = tpu.memref_slice %arg6[%mul3A_2, %dma_start3A_105] : memref<25032x64xf32, #tpu.memory_space<vmem_shared>> -> memref<1564x64xf32, #tpu.memory_space<vmem_shared>>
      %dma_start3A_107 = arith.constant 0 : i32
      %dma_start3A_108 = arith.constant 0 : i32
      %dma_start3A_109 = tpu.memref_slice %arg4[%dma_start3A_107, %dma_start3A_108] : memref<1564x64xf32, #tpu.memory_space<hbm>> -> memref<1564x64xf32, #tpu.memory_space<hbm>>
      tpu.enqueue_dma source(%dma_start3A_109 : memref<1564x64xf32, #tpu.memory_space<hbm>>) target(%dma_start3A_106 : memref<1564x64xf32, #tpu.memory_space<vmem_shared>>) target_semaphore(%run_scoped3A : memref<!tpu.dma_semaphore, #tpu.memory_space<semaphore_mem>>)
      %dma_wait3A_110 = arith.constant 0 : i32
      %dma_wait3A_111 = tpu.memref_slice %arg6[%mul3A_2, %dma_wait3A_110] : memref<25032x64xf32, #tpu.memory_space<vmem_shared>> -> memref<1564x64xf32, #tpu.memory_space<vmem_shared>>
      %dma_wait3A_112 = arith.constant 0 : i32
      %dma_wait3A_113 = arith.constant 0 : i32
      %dma_wait3A_114 = tpu.memref_slice %arg4[%dma_wait3A_112, %dma_wait3A_113] : memref<1564x64xf32, #tpu.memory_space<hbm>> -> memref<1564x64xf32, #tpu.memory_space<hbm>>
      tpu.wait_dma2 semaphore(%run_scoped3A : memref<!tpu.dma_semaphore, #tpu.memory_space<semaphore_mem>>) src(%dma_wait3A_114 : memref<1564x64xf32, #tpu.memory_space<hbm>>) dst(%dma_wait3A_111 : memref<1564x64xf32, #tpu.memory_space<vmem_shared>>)
      tpu.yield
    }) : () -> ()
    %eq3A = arith.constant 0 : i32
    %eq3A_3 = arith.cmpi eq, %arg1, %eq3A : i32
    %convert_element_type3A = arith.extui %eq3A_3 : i1 to i32
    %cond3A = arith.constant 0 : i32
    %cond3A_4 = arith.cmpi ne, %convert_element_type3A, %cond3A : i32
    scf.if %cond3A_4 {
      "tpu.region"() ({
        %run_scoped3A = tpu.sem_alloc : memref<!tpu.dma_semaphore, #tpu.memory_space<semaphore_mem>>
        %dma_start3A_105 = arith.constant 25024 : i32
        %dma_start3A_106 = arith.constant 0 : i32
        %dma_start3A_107 = tpu.memref_slice %arg6[%dma_start3A_105, %dma_start3A_106] : memref<25032x64xf32, #tpu.memory_space<vmem_shared>> -> memref<8x64xf32, #tpu.memory_space<vmem_shared>>
        %dma_start3A_108 = arith.constant 0 : i32
        %dma_start3A_109 = arith.constant 0 : i32
        %dma_start3A_110 = tpu.memref_slice %arg4[%dma_start3A_108, %dma_start3A_109] : memref<1564x64xf32, #tpu.memory_space<hbm>> -> memref<8x64xf32, #tpu.memory_space<hbm>>
        tpu.enqueue_dma source(%dma_start3A_110 : memref<8x64xf32, #tpu.memory_space<hbm>>) target(%dma_start3A_107 : memref<8x64xf32, #tpu.memory_space<vmem_shared>>) target_semaphore(%run_scoped3A : memref<!tpu.dma_semaphore, #tpu.memory_space<semaphore_mem>>)
        %dma_wait3A_111 = arith.constant 25024 : i32
        %dma_wait3A_112 = arith.constant 0 : i32
        %dma_wait3A_113 = tpu.memref_slice %arg6[%dma_wait3A_111, %dma_wait3A_112] : memref<25032x64xf32, #tpu.memory_space<vmem_shared>> -> memref<8x64xf32, #tpu.memory_space<vmem_shared>>
        %dma_wait3A_114 = arith.constant 0 : i32
        %dma_wait3A_115 = arith.constant 0 : i32
        %dma_wait3A_116 = tpu.memref_slice %arg4[%dma_wait3A_114, %dma_wait3A_115] : memref<1564x64xf32, #tpu.memory_space<hbm>> -> memref<8x64xf32, #tpu.memory_space<hbm>>
        tpu.wait_dma2 semaphore(%run_scoped3A : memref<!tpu.dma_semaphore, #tpu.memory_space<semaphore_mem>>) src(%dma_wait3A_116 : memref<8x64xf32, #tpu.memory_space<hbm>>) dst(%dma_wait3A_113 : memref<8x64xf32, #tpu.memory_space<vmem_shared>>)
        tpu.yield
      }) : () -> ()
    } else {
    }
    %barrier3A = arith.constant 0 : index
    tpu.barrier barrier_id(%barrier3A)
    %mul3A_5 = arith.constant 402 : i32
    %mul3A_6 = arith.muli %arg1, %mul3A_5 : i32
    %add3A = arith.constant 0 : i32
    %add3A_7 = arith.addi %mul3A_6, %add3A : i32
    %mul3A_8 = arith.constant 256 : i32
    %mul3A_9 = arith.muli %add3A_7, %mul3A_8 : i32
    %dma_start3A = arith.constant 0 : i32
    %dma_start3A_10 = arith.constant 0 : i32
    %dma_start3A_11 = tpu.memref_slice %arg7[%dma_start3A, %dma_start3A_10] : memref<3x256xi32, #tpu.memory_space<vmem>> -> memref<1x256xi32, #tpu.memory_space<vmem>>
    %dma_start3A_12 = tpu.memref_squeeze %dma_start3A_11 : memref<1x256xi32, #tpu.memory_space<vmem>> -> memref<256xi32, #tpu.memory_space<vmem>>
    %dma_start3A_13 = tpu.memref_slice %arg3[%mul3A_9] : memref<1646592xi32, #tpu.memory_space<hbm>> -> memref<256xi32, #tpu.memory_space<hbm>>
    %dma_start3A_14 = arith.constant 0 : i32
    %dma_start3A_15 = tpu.memref_slice %arg7[%dma_start3A, %dma_start3A_14] : memref<3x256xi32, #tpu.memory_space<vmem>> -> memref<1x256xi32, #tpu.memory_space<vmem>>
    %dma_start3A_16 = tpu.memref_squeeze %dma_start3A_15 : memref<1x256xi32, #tpu.memory_space<vmem>> -> memref<256xi32, #tpu.memory_space<vmem>>
    %dma_start3A_17 = tpu.memref_slice %arg3[%mul3A_9] : memref<1646592xi32, #tpu.memory_space<hbm>> -> memref<256xi32, #tpu.memory_space<hbm>>
    tpu.enqueue_dma source(%dma_start3A_17 : memref<256xi32, #tpu.memory_space<hbm>>) target(%dma_start3A_16 : memref<256xi32, #tpu.memory_space<vmem>>) target_semaphore(%arg10 : memref<!tpu.dma_semaphore, #tpu.memory_space<semaphore_mem>>)
    %mul3A_18 = arith.constant 402 : i32
    %mul3A_19 = arith.muli %arg1, %mul3A_18 : i32
    %add3A_20 = arith.constant 1 : i32
    %add3A_21 = arith.addi %mul3A_19, %add3A_20 : i32
    %mul3A_22 = arith.constant 256 : i32
    %mul3A_23 = arith.muli %add3A_21, %mul3A_22 : i32
    %dma_start3A_24 = arith.constant 1 : i32
    %dma_start3A_25 = arith.constant 0 : i32
    %dma_start3A_26 = tpu.memref_slice %arg7[%dma_start3A_24, %dma_start3A_25] : memref<3x256xi32, #tpu.memory_space<vmem>> -> memref<1x256xi32, #tpu.memory_space<vmem>>
    %dma_start3A_27 = tpu.memref_squeeze %dma_start3A_26 : memref<1x256xi32, #tpu.memory_space<vmem>> -> memref<256xi32, #tpu.memory_space<vmem>>
    %dma_start3A_28 = tpu.memref_slice %arg3[%mul3A_23] : memref<1646592xi32, #tpu.memory_space<hbm>> -> memref<256xi32, #tpu.memory_space<hbm>>
    %dma_start3A_29 = arith.constant 0 : i32
    %dma_start3A_30 = tpu.memref_slice %arg7[%dma_start3A_24, %dma_start3A_29] : memref<3x256xi32, #tpu.memory_space<vmem>> -> memref<1x256xi32, #tpu.memory_space<vmem>>
    %dma_start3A_31 = tpu.memref_squeeze %dma_start3A_30 : memref<1x256xi32, #tpu.memory_space<vmem>> -> memref<256xi32, #tpu.memory_space<vmem>>
    %dma_start3A_32 = tpu.memref_slice %arg3[%mul3A_23] : memref<1646592xi32, #tpu.memory_space<hbm>> -> memref<256xi32, #tpu.memory_space<hbm>>
    tpu.enqueue_dma source(%dma_start3A_32 : memref<256xi32, #tpu.memory_space<hbm>>) target(%dma_start3A_31 : memref<256xi32, #tpu.memory_space<vmem>>) target_semaphore(%arg11 : memref<!tpu.dma_semaphore, #tpu.memory_space<semaphore_mem>>)
    %scan3A = arith.constant 0 : i32
    %scan3A_33 = arith.constant 0 : i32
    %scan3A_34 = arith.constant 134 : i32
    %scan3A_35 = arith.addi %scan3A_33, %scan3A_34 : i32
    %scan3A_36 = arith.constant 1 : i32
    scf.for %scan3A_105 = %scan3A_33 to %scan3A_35 step %scan3A_36  : i32 {
      %mul3A_106 = arith.constant 3 : i32
      %mul3A_107 = arith.muli %scan3A_105, %mul3A_106 : i32
      %add3A_108 = arith.constant 0 : i32
      %add3A_109 = arith.addi %mul3A_107, %add3A_108 : i32
      %ge3A = arith.constant 1 : i32
      %ge3A_110 = arith.cmpi sge, %scan3A_105, %ge3A : i32
      %convert_element_type3A_111 = arith.extui %ge3A_110 : i1 to i32
      %cond3A_112 = arith.constant 0 : i32
      %cond3A_113 = arith.cmpi ne, %convert_element_type3A_111, %cond3A_112 : i32
      scf.if %cond3A_113 {
        %dma_wait3A_832 = arith.constant 0 : i32
        %dma_wait3A_833 = arith.constant 0 : i32
        %dma_wait3A_834 = arith.constant 0 : i32
        %dma_wait3A_835 = arith.constant 0 : i32
        %dma_wait3A_836 = tpu.memref_slice %arg9[%dma_wait3A_832, %dma_wait3A_834, %dma_wait3A_835] : memref<3x128x64xf32, #tpu.memory_space<vmem>> -> memref<1x128x64xf32, #tpu.memory_space<vmem>>
        %dma_wait3A_837 = tpu.memref_squeeze %dma_wait3A_836 : memref<1x128x64xf32, #tpu.memory_space<vmem>> -> memref<128x64xf32, #tpu.memory_space<vmem>>
        %dma_wait3A_838 = arith.constant 0 : i32
        %dma_wait3A_839 = tpu.memref_slice %arg8[%dma_wait3A_833, %dma_wait3A_838] : memref<3x128xi32, #tpu.memory_space<vmem>> -> memref<1x128xi32, #tpu.memory_space<vmem>>
        %dma_wait3A_840 = tpu.memref_squeeze %dma_wait3A_839 : memref<1x128xi32, #tpu.memory_space<vmem>> -> memref<128xi32, #tpu.memory_space<vmem>>
        %dma_wait3A_841 = arith.constant 0 : i32
        %dma_wait3A_842 = arith.constant 0 : i32
        %dma_wait3A_843 = tpu.memref_slice %arg6[%dma_wait3A_841, %dma_wait3A_842] : memref<25032x64xf32, #tpu.memory_space<vmem_shared>> -> memref<25032x64xf32, #tpu.memory_space<vmem_shared>>
        tpu.wait_indirect_dma semaphore(%arg16 : memref<!tpu.dma_semaphore, #tpu.memory_space<semaphore_mem>>) src(%dma_wait3A_837 : memref<128x64xf32, #tpu.memory_space<vmem>>) dst(%dma_wait3A_843 : memref<25032x64xf32, #tpu.memory_space<vmem_shared>>)
      } else {
      }
      %mul3A_114 = arith.constant 402 : i32
      %mul3A_115 = arith.muli %arg1, %mul3A_114 : i32
      %add3A_116 = arith.addi %mul3A_115, %add3A_109 : i32
      %mul3A_117 = arith.constant 256 : i32
      %mul3A_118 = arith.muli %add3A_116, %mul3A_117 : i32
      %dma_wait3A_119 = arith.constant 0 : i32
      %dma_wait3A_120 = arith.constant 0 : i32
      %dma_wait3A_121 = tpu.memref_slice %arg7[%dma_wait3A_119, %dma_wait3A_120] : memref<3x256xi32, #tpu.memory_space<vmem>> -> memref<1x256xi32, #tpu.memory_space<vmem>>
      %dma_wait3A_122 = tpu.memref_squeeze %dma_wait3A_121 : memref<1x256xi32, #tpu.memory_space<vmem>> -> memref<256xi32, #tpu.memory_space<vmem>>
      %dma_wait3A_123 = tpu.memref_slice %arg3[%mul3A_118] : memref<1646592xi32, #tpu.memory_space<hbm>> -> memref<256xi32, #tpu.memory_space<hbm>>
      %dma_wait3A_124 = arith.constant 0 : i32
      %dma_wait3A_125 = tpu.memref_slice %arg7[%dma_wait3A_119, %dma_wait3A_124] : memref<3x256xi32, #tpu.memory_space<vmem>> -> memref<1x256xi32, #tpu.memory_space<vmem>>
      %dma_wait3A_126 = tpu.memref_squeeze %dma_wait3A_125 : memref<1x256xi32, #tpu.memory_space<vmem>> -> memref<256xi32, #tpu.memory_space<vmem>>
      %dma_wait3A_127 = tpu.memref_slice %arg3[%mul3A_118] : memref<1646592xi32, #tpu.memory_space<hbm>> -> memref<256xi32, #tpu.memory_space<hbm>>
      tpu.wait_dma2 semaphore(%arg10 : memref<!tpu.dma_semaphore, #tpu.memory_space<semaphore_mem>>) src(%dma_wait3A_127 : memref<256xi32, #tpu.memory_space<hbm>>) dst(%dma_wait3A_126 : memref<256xi32, #tpu.memory_space<vmem>>)
      %get3A = arith.constant 0 : i32
      %get3A_128 = arith.index_cast %get3A : i32 to index
      %get3A_129 = arith.constant 128 : index
      %get3A_130 = tpu.vector_load %arg7[%get3A_128, %get3A_129] {strides = array<i32>} : memref<3x256xi32, #tpu.memory_space<vmem>>, vector<1x16xi32>,
      %get3A_131 = vector.shape_cast %get3A_130 : vector<1x16xi32> to vector<16xi32>
      %sub3A = vector.broadcast %mul3A_0 : i32 to vector<16xi32>
      %sub3A_132 = arith.subi %get3A_131, %sub3A : vector<16xi32>
      %ge3A_133 = arith.constant 0 : i32
      %ge3A_134 = vector.broadcast %ge3A_133 : i32 to vector<16xi32>
      %ge3A_135 = arith.cmpi sge, %sub3A_132, %ge3A_134 : vector<16xi32>
      %lt3A = arith.constant 25024 : i32
      %lt3A_136 = vector.broadcast %lt3A : i32 to vector<16xi32>
      %lt3A_137 = arith.cmpi slt, %sub3A_132, %lt3A_136 : vector<16xi32>
      %and3A = arith.andi %ge3A_135, %lt3A_137 : vector<16xi1>
      %jit3A = arith.constant 25024 : i32
      %broadcast_in_dim3A = vector.broadcast %jit3A : i32 to vector<16xi32>
      %select_n3A = arith.select %and3A, %sub3A_132, %broadcast_in_dim3A : vector<16xi1>, vector<16xi32>
      %swap3A = arith.constant 0 : i32
      %swap3A_138 = arith.index_cast %swap3A : i32 to index
      %swap3A_139 = arith.constant 0 : index
      %swap3A_140 = tpu.vector_load %arg8[%swap3A_138, %swap3A_139] {strides = array<i32>} : memref<3x128xi32, #tpu.memory_space<vmem>>, vector<1x16xi32>,
      %swap3A_141 = vector.shape_cast %swap3A_140 : vector<1x16xi32> to vector<16xi32>
      %swap3A_142 = vector.shape_cast %select_n3A : vector<16xi32> to vector<1x16xi32>
      tpu.vector_store %arg8[%swap3A_138, %swap3A_139], %swap3A_142 {strides = array<i32>} : memref<3x128xi32, #tpu.memory_space<vmem>>, vector<1x16xi32>,
      %get3A_143 = arith.constant 0 : i32
      %get3A_144 = arith.index_cast %get3A_143 : i32 to index
      %get3A_145 = arith.constant 144 : index
      %get3A_146 = tpu.vector_load %arg7[%get3A_144, %get3A_145] {strides = array<i32>} : memref<3x256xi32, #tpu.memory_space<vmem>>, vector<1x16xi32>,
      %get3A_147 = vector.shape_cast %get3A_146 : vector<1x16xi32> to vector<16xi32>
      %sub3A_148 = vector.broadcast %mul3A_0 : i32 to vector<16xi32>
      %sub3A_149 = arith.subi %get3A_147, %sub3A_148 : vector<16xi32>
      %ge3A_150 = arith.constant 0 : i32
      %ge3A_151 = vector.broadcast %ge3A_150 : i32 to vector<16xi32>
      %ge3A_152 = arith.cmpi sge, %sub3A_149, %ge3A_151 : vector<16xi32>
      %lt3A_153 = arith.constant 25024 : i32
      %lt3A_154 = vector.broadcast %lt3A_153 : i32 to vector<16xi32>
      %lt3A_155 = arith.cmpi slt, %sub3A_149, %lt3A_154 : vector<16xi32>
      %and3A_156 = arith.andi %ge3A_152, %lt3A_155 : vector<16xi1>
      %jit3A_157 = arith.constant 25024 : i32
      %broadcast_in_dim3A_158 = vector.broadcast %jit3A_157 : i32 to vector<16xi32>
      %select_n3A_159 = arith.select %and3A_156, %sub3A_149, %broadcast_in_dim3A_158 : vector<16xi1>, vector<16xi32>
      %swap3A_160 = arith.constant 0 : i32
      %swap3A_161 = arith.index_cast %swap3A_160 : i32 to index
      %swap3A_162 = arith.constant 16 : index
      %swap3A_163 = tpu.vector_load %arg8[%swap3A_161, %swap3A_162] {strides = array<i32>} : memref<3x128xi32, #tpu.memory_space<vmem>>, vector<1x16xi32>,
      %swap3A_164 = vector.shape_cast %swap3A_163 : vector<1x16xi32> to vector<16xi32>
      %swap3A_165 = vector.shape_cast %select_n3A_159 : vector<16xi32> to vector<1x16xi32>
      tpu.vector_store %arg8[%swap3A_161, %swap3A_162], %swap3A_165 {strides = array<i32>} : memref<3x128xi32, #tpu.memory_space<vmem>>, vector<1x16xi32>,
      %get3A_166 = arith.constant 0 : i32
      %get3A_167 = arith.index_cast %get3A_166 : i32 to index
      %get3A_168 = arith.constant 160 : index
      %get3A_169 = tpu.vector_load %arg7[%get3A_167, %get3A_168] {strides = array<i32>} : memref<3x256xi32, #tpu.memory_space<vmem>>, vector<1x16xi32>,
      %get3A_170 = vector.shape_cast %get3A_169 : vector<1x16xi32> to vector<16xi32>
      %sub3A_171 = vector.broadcast %mul3A_0 : i32 to vector<16xi32>
      %sub3A_172 = arith.subi %get3A_170, %sub3A_171 : vector<16xi32>
      %ge3A_173 = arith.constant 0 : i32
      %ge3A_174 = vector.broadcast %ge3A_173 : i32 to vector<16xi32>
      %ge3A_175 = arith.cmpi sge, %sub3A_172, %ge3A_174 : vector<16xi32>
      %lt3A_176 = arith.constant 25024 : i32
      %lt3A_177 = vector.broadcast %lt3A_176 : i32 to vector<16xi32>
      %lt3A_178 = arith.cmpi slt, %sub3A_172, %lt3A_177 : vector<16xi32>
      %and3A_179 = arith.andi %ge3A_175, %lt3A_178 : vector<16xi1>
      %jit3A_180 = arith.constant 25024 : i32
      %broadcast_in_dim3A_181 = vector.broadcast %jit3A_180 : i32 to vector<16xi32>
      %select_n3A_182 = arith.select %and3A_179, %sub3A_172, %broadcast_in_dim3A_181 : vector<16xi1>, vector<16xi32>
      %swap3A_183 = arith.constant 0 : i32
      %swap3A_184 = arith.index_cast %swap3A_183 : i32 to index
      %swap3A_185 = arith.constant 32 : index
      %swap3A_186 = tpu.vector_load %arg8[%swap3A_184, %swap3A_185] {strides = array<i32>} : memref<3x128xi32, #tpu.memory_space<vmem>>, vector<1x16xi32>,
      %swap3A_187 = vector.shape_cast %swap3A_186 : vector<1x16xi32> to vector<16xi32>
      %swap3A_188 = vector.shape_cast %select_n3A_182 : vector<16xi32> to vector<1x16xi32>
      tpu.vector_store %arg8[%swap3A_184, %swap3A_185], %swap3A_188 {strides = array<i32>} : memref<3x128xi32, #tpu.memory_space<vmem>>, vector<1x16xi32>,
      %get3A_189 = arith.constant 0 : i32
      %get3A_190 = arith.index_cast %get3A_189 : i32 to index
      %get3A_191 = arith.constant 176 : index
      %get3A_192 = tpu.vector_load %arg7[%get3A_190, %get3A_191] {strides = array<i32>} : memref<3x256xi32, #tpu.memory_space<vmem>>, vector<1x16xi32>,
      %get3A_193 = vector.shape_cast %get3A_192 : vector<1x16xi32> to vector<16xi32>
      %sub3A_194 = vector.broadcast %mul3A_0 : i32 to vector<16xi32>
      %sub3A_195 = arith.subi %get3A_193, %sub3A_194 : vector<16xi32>
      %ge3A_196 = arith.constant 0 : i32
      %ge3A_197 = vector.broadcast %ge3A_196 : i32 to vector<16xi32>
      %ge3A_198 = arith.cmpi sge, %sub3A_195, %ge3A_197 : vector<16xi32>
      %lt3A_199 = arith.constant 25024 : i32
      %lt3A_200 = vector.broadcast %lt3A_199 : i32 to vector<16xi32>
      %lt3A_201 = arith.cmpi slt, %sub3A_195, %lt3A_200 : vector<16xi32>
      %and3A_202 = arith.andi %ge3A_198, %lt3A_201 : vector<16xi1>
      %jit3A_203 = arith.constant 25024 : i32
      %broadcast_in_dim3A_204 = vector.broadcast %jit3A_203 : i32 to vector<16xi32>
      %select_n3A_205 = arith.select %and3A_202, %sub3A_195, %broadcast_in_dim3A_204 : vector<16xi1>, vector<16xi32>
      %swap3A_206 = arith.constant 0 : i32
      %swap3A_207 = arith.index_cast %swap3A_206 : i32 to index
      %swap3A_208 = arith.constant 48 : index
      %swap3A_209 = tpu.vector_load %arg8[%swap3A_207, %swap3A_208] {strides = array<i32>} : memref<3x128xi32, #tpu.memory_space<vmem>>, vector<1x16xi32>,
      %swap3A_210 = vector.shape_cast %swap3A_209 : vector<1x16xi32> to vector<16xi32>
      %swap3A_211 = vector.shape_cast %select_n3A_205 : vector<16xi32> to vector<1x16xi32>
      tpu.vector_store %arg8[%swap3A_207, %swap3A_208], %swap3A_211 {strides = array<i32>} : memref<3x128xi32, #tpu.memory_space<vmem>>, vector<1x16xi32>,
      %get3A_212 = arith.constant 0 : i32
      %get3A_213 = arith.index_cast %get3A_212 : i32 to index
      %get3A_214 = arith.constant 192 : index
      %get3A_215 = tpu.vector_load %arg7[%get3A_213, %get3A_214] {strides = array<i32>} : memref<3x256xi32, #tpu.memory_space<vmem>>, vector<1x16xi32>,
      %get3A_216 = vector.shape_cast %get3A_215 : vector<1x16xi32> to vector<16xi32>
      %sub3A_217 = vector.broadcast %mul3A_0 : i32 to vector<16xi32>
      %sub3A_218 = arith.subi %get3A_216, %sub3A_217 : vector<16xi32>
      %ge3A_219 = arith.constant 0 : i32
      %ge3A_220 = vector.broadcast %ge3A_219 : i32 to vector<16xi32>
      %ge3A_221 = arith.cmpi sge, %sub3A_218, %ge3A_220 : vector<16xi32>
      %lt3A_222 = arith.constant 25024 : i32
      %lt3A_223 = vector.broadcast %lt3A_222 : i32 to vector<16xi32>
      %lt3A_224 = arith.cmpi slt, %sub3A_218, %lt3A_223 : vector<16xi32>
      %and3A_225 = arith.andi %ge3A_221, %lt3A_224 : vector<16xi1>
      %jit3A_226 = arith.constant 25024 : i32
      %broadcast_in_dim3A_227 = vector.broadcast %jit3A_226 : i32 to vector<16xi32>
      %select_n3A_228 = arith.select %and3A_225, %sub3A_218, %broadcast_in_dim3A_227 : vector<16xi1>, vector<16xi32>
      %swap3A_229 = arith.constant 0 : i32
      %swap3A_230 = arith.index_cast %swap3A_229 : i32 to index
      %swap3A_231 = arith.constant 64 : index
      %swap3A_232 = tpu.vector_load %arg8[%swap3A_230, %swap3A_231] {strides = array<i32>} : memref<3x128xi32, #tpu.memory_space<vmem>>, vector<1x16xi32>,
      %swap3A_233 = vector.shape_cast %swap3A_232 : vector<1x16xi32> to vector<16xi32>
      %swap3A_234 = vector.shape_cast %select_n3A_228 : vector<16xi32> to vector<1x16xi32>
      tpu.vector_store %arg8[%swap3A_230, %swap3A_231], %swap3A_234 {strides = array<i32>} : memref<3x128xi32, #tpu.memory_space<vmem>>, vector<1x16xi32>,
      %get3A_235 = arith.constant 0 : i32
      %get3A_236 = arith.index_cast %get3A_235 : i32 to index
      %get3A_237 = arith.constant 208 : index
      %get3A_238 = tpu.vector_load %arg7[%get3A_236, %get3A_237] {strides = array<i32>} : memref<3x256xi32, #tpu.memory_space<vmem>>, vector<1x16xi32>,
      %get3A_239 = vector.shape_cast %get3A_238 : vector<1x16xi32> to vector<16xi32>
      %sub3A_240 = vector.broadcast %mul3A_0 : i32 to vector<16xi32>
      %sub3A_241 = arith.subi %get3A_239, %sub3A_240 : vector<16xi32>
      %ge3A_242 = arith.constant 0 : i32
      %ge3A_243 = vector.broadcast %ge3A_242 : i32 to vector<16xi32>
      %ge3A_244 = arith.cmpi sge, %sub3A_241, %ge3A_243 : vector<16xi32>
      %lt3A_245 = arith.constant 25024 : i32
      %lt3A_246 = vector.broadcast %lt3A_245 : i32 to vector<16xi32>
      %lt3A_247 = arith.cmpi slt, %sub3A_241, %lt3A_246 : vector<16xi32>
      %and3A_248 = arith.andi %ge3A_244, %lt3A_247 : vector<16xi1>
      %jit3A_249 = arith.constant 25024 : i32
      %broadcast_in_dim3A_250 = vector.broadcast %jit3A_249 : i32 to vector<16xi32>
      %select_n3A_251 = arith.select %and3A_248, %sub3A_241, %broadcast_in_dim3A_250 : vector<16xi1>, vector<16xi32>
      %swap3A_252 = arith.constant 0 : i32
      %swap3A_253 = arith.index_cast %swap3A_252 : i32 to index
      %swap3A_254 = arith.constant 80 : index
      %swap3A_255 = tpu.vector_load %arg8[%swap3A_253, %swap3A_254] {strides = array<i32>} : memref<3x128xi32, #tpu.memory_space<vmem>>, vector<1x16xi32>,
      %swap3A_256 = vector.shape_cast %swap3A_255 : vector<1x16xi32> to vector<16xi32>
      %swap3A_257 = vector.shape_cast %select_n3A_251 : vector<16xi32> to vector<1x16xi32>
      tpu.vector_store %arg8[%swap3A_253, %swap3A_254], %swap3A_257 {strides = array<i32>} : memref<3x128xi32, #tpu.memory_space<vmem>>, vector<1x16xi32>,
      %get3A_258 = arith.constant 0 : i32
      %get3A_259 = arith.index_cast %get3A_258 : i32 to index
      %get3A_260 = arith.constant 224 : index
      %get3A_261 = tpu.vector_load %arg7[%get3A_259, %get3A_260] {strides = array<i32>} : memref<3x256xi32, #tpu.memory_space<vmem>>, vector<1x16xi32>,
      %get3A_262 = vector.shape_cast %get3A_261 : vector<1x16xi32> to vector<16xi32>
      %sub3A_263 = vector.broadcast %mul3A_0 : i32 to vector<16xi32>
      %sub3A_264 = arith.subi %get3A_262, %sub3A_263 : vector<16xi32>
      %ge3A_265 = arith.constant 0 : i32
      %ge3A_266 = vector.broadcast %ge3A_265 : i32 to vector<16xi32>
      %ge3A_267 = arith.cmpi sge, %sub3A_264, %ge3A_266 : vector<16xi32>
      %lt3A_268 = arith.constant 25024 : i32
      %lt3A_269 = vector.broadcast %lt3A_268 : i32 to vector<16xi32>
      %lt3A_270 = arith.cmpi slt, %sub3A_264, %lt3A_269 : vector<16xi32>
      %and3A_271 = arith.andi %ge3A_267, %lt3A_270 : vector<16xi1>
      %jit3A_272 = arith.constant 25024 : i32
      %broadcast_in_dim3A_273 = vector.broadcast %jit3A_272 : i32 to vector<16xi32>
      %select_n3A_274 = arith.select %and3A_271, %sub3A_264, %broadcast_in_dim3A_273 : vector<16xi1>, vector<16xi32>
      %swap3A_275 = arith.constant 0 : i32
      %swap3A_276 = arith.index_cast %swap3A_275 : i32 to index
      %swap3A_277 = arith.constant 96 : index
      %swap3A_278 = tpu.vector_load %arg8[%swap3A_276, %swap3A_277] {strides = array<i32>} : memref<3x128xi32, #tpu.memory_space<vmem>>, vector<1x16xi32>,
      %swap3A_279 = vector.shape_cast %swap3A_278 : vector<1x16xi32> to vector<16xi32>
      %swap3A_280 = vector.shape_cast %select_n3A_274 : vector<16xi32> to vector<1x16xi32>
      tpu.vector_store %arg8[%swap3A_276, %swap3A_277], %swap3A_280 {strides = array<i32>} : memref<3x128xi32, #tpu.memory_space<vmem>>, vector<1x16xi32>,
      %get3A_281 = arith.constant 0 : i32
      %get3A_282 = arith.index_cast %get3A_281 : i32 to index
      %get3A_283 = arith.constant 240 : index
      %get3A_284 = tpu.vector_load %arg7[%get3A_282, %get3A_283] {strides = array<i32>} : memref<3x256xi32, #tpu.memory_space<vmem>>, vector<1x16xi32>,
      %get3A_285 = vector.shape_cast %get3A_284 : vector<1x16xi32> to vector<16xi32>
      %sub3A_286 = vector.broadcast %mul3A_0 : i32 to vector<16xi32>
      %sub3A_287 = arith.subi %get3A_285, %sub3A_286 : vector<16xi32>
      %ge3A_288 = arith.constant 0 : i32
      %ge3A_289 = vector.broadcast %ge3A_288 : i32 to vector<16xi32>
      %ge3A_290 = arith.cmpi sge, %sub3A_287, %ge3A_289 : vector<16xi32>
      %lt3A_291 = arith.constant 25024 : i32
      %lt3A_292 = vector.broadcast %lt3A_291 : i32 to vector<16xi32>
      %lt3A_293 = arith.cmpi slt, %sub3A_287, %lt3A_292 : vector<16xi32>
      %and3A_294 = arith.andi %ge3A_290, %lt3A_293 : vector<16xi1>
      %jit3A_295 = arith.constant 25024 : i32
      %broadcast_in_dim3A_296 = vector.broadcast %jit3A_295 : i32 to vector<16xi32>
      %select_n3A_297 = arith.select %and3A_294, %sub3A_287, %broadcast_in_dim3A_296 : vector<16xi1>, vector<16xi32>
      %swap3A_298 = arith.constant 0 : i32
      %swap3A_299 = arith.index_cast %swap3A_298 : i32 to index
      %swap3A_300 = arith.constant 112 : index
      %swap3A_301 = tpu.vector_load %arg8[%swap3A_299, %swap3A_300] {strides = array<i32>} : memref<3x128xi32, #tpu.memory_space<vmem>>, vector<1x16xi32>,
      %swap3A_302 = vector.shape_cast %swap3A_301 : vector<1x16xi32> to vector<16xi32>
      %swap3A_303 = vector.shape_cast %select_n3A_297 : vector<16xi32> to vector<1x16xi32>
      tpu.vector_store %arg8[%swap3A_299, %swap3A_300], %swap3A_303 {strides = array<i32>} : memref<3x128xi32, #tpu.memory_space<vmem>>, vector<1x16xi32>,
      %dma_start3A_304 = arith.constant 0 : i32
      %dma_start3A_305 = arith.constant 0 : i32
      %dma_start3A_306 = arith.constant 0 : i32
      %dma_start3A_307 = arith.constant 0 : i32
      %dma_start3A_308 = tpu.memref_slice %arg9[%dma_start3A_305, %dma_start3A_306, %dma_start3A_307] : memref<3x128x64xf32, #tpu.memory_space<vmem>> -> memref<1x128x64xf32, #tpu.memory_space<vmem>>
      %dma_start3A_309 = tpu.memref_squeeze %dma_start3A_308 : memref<1x128x64xf32, #tpu.memory_space<vmem>> -> memref<128x64xf32, #tpu.memory_space<vmem>>
      %dma_start3A_310 = arith.constant 0 : i32
      %dma_start3A_311 = tpu.memref_slice %arg7[%dma_start3A_304, %dma_start3A_310] : memref<3x256xi32, #tpu.memory_space<vmem>> -> memref<1x128xi32, #tpu.memory_space<vmem>>
      %dma_start3A_312 = tpu.memref_squeeze %dma_start3A_311 : memref<1x128xi32, #tpu.memory_space<vmem>> -> memref<128xi32, #tpu.memory_space<vmem>>
      %dma_start3A_313 = arith.constant 0 : i32
      %dma_start3A_314 = arith.constant 0 : i32
      %dma_start3A_315 = tpu.memref_slice %arg2[%dma_start3A_313, %dma_start3A_314] : memref<50048x64xf32, #tpu.memory_space<hbm>> -> memref<50048x64xf32, #tpu.memory_space<hbm>>
      tpu.enqueue_indirect_dma source(%dma_start3A_315 : memref<50048x64xf32, #tpu.memory_space<hbm>>) target(%dma_start3A_309 : memref<128x64xf32, #tpu.memory_space<vmem>>) offsets(%dma_start3A_312 : memref<128xi32, #tpu.memory_space<vmem>>) semaphore(%arg13 : memref<!tpu.dma_semaphore, #tpu.memory_space<semaphore_mem>>)
      %ge3A_316 = arith.constant 1 : i32
      %ge3A_317 = arith.cmpi sge, %scan3A_105, %ge3A_316 : i32
      %convert_element_type3A_318 = arith.extui %ge3A_317 : i1 to i32
      %cond3A_319 = arith.constant 0 : i32
      %cond3A_320 = arith.cmpi ne, %convert_element_type3A_318, %cond3A_319 : i32
      scf.if %cond3A_320 {
        %dma_wait3A_832 = arith.constant 2 : i32
        %dma_wait3A_833 = arith.constant 2 : i32
        %dma_wait3A_834 = arith.constant 0 : i32
        %dma_wait3A_835 = arith.constant 0 : i32
        %dma_wait3A_836 = tpu.memref_slice %arg9[%dma_wait3A_833, %dma_wait3A_834, %dma_wait3A_835] : memref<3x128x64xf32, #tpu.memory_space<vmem>> -> memref<1x128x64xf32, #tpu.memory_space<vmem>>
        %dma_wait3A_837 = tpu.memref_squeeze %dma_wait3A_836 : memref<1x128x64xf32, #tpu.memory_space<vmem>> -> memref<128x64xf32, #tpu.memory_space<vmem>>
        %dma_wait3A_838 = arith.constant 0 : i32
        %dma_wait3A_839 = tpu.memref_slice %arg7[%dma_wait3A_832, %dma_wait3A_838] : memref<3x256xi32, #tpu.memory_space<vmem>> -> memref<1x128xi32, #tpu.memory_space<vmem>>
        %dma_wait3A_840 = tpu.memref_squeeze %dma_wait3A_839 : memref<1x128xi32, #tpu.memory_space<vmem>> -> memref<128xi32, #tpu.memory_space<vmem>>
        %dma_wait3A_841 = arith.constant 0 : i32
        %dma_wait3A_842 = arith.constant 0 : i32
        %dma_wait3A_843 = tpu.memref_slice %arg2[%dma_wait3A_841, %dma_wait3A_842] : memref<50048x64xf32, #tpu.memory_space<hbm>> -> memref<50048x64xf32, #tpu.memory_space<hbm>>
        tpu.wait_indirect_dma semaphore(%arg15 : memref<!tpu.dma_semaphore, #tpu.memory_space<semaphore_mem>>) src(%dma_wait3A_843 : memref<50048x64xf32, #tpu.memory_space<hbm>>) dst(%dma_wait3A_837 : memref<128x64xf32, #tpu.memory_space<vmem>>)
        %dma_start3A_844 = arith.constant 2 : i32
        %dma_start3A_845 = arith.constant 2 : i32
        %dma_start3A_846 = arith.constant 0 : i32
        %dma_start3A_847 = arith.constant 0 : i32
        %dma_start3A_848 = tpu.memref_slice %arg9[%dma_start3A_844, %dma_start3A_846, %dma_start3A_847] : memref<3x128x64xf32, #tpu.memory_space<vmem>> -> memref<1x128x64xf32, #tpu.memory_space<vmem>>
        %dma_start3A_849 = tpu.memref_squeeze %dma_start3A_848 : memref<1x128x64xf32, #tpu.memory_space<vmem>> -> memref<128x64xf32, #tpu.memory_space<vmem>>
        %dma_start3A_850 = arith.constant 0 : i32
        %dma_start3A_851 = tpu.memref_slice %arg8[%dma_start3A_845, %dma_start3A_850] : memref<3x128xi32, #tpu.memory_space<vmem>> -> memref<1x128xi32, #tpu.memory_space<vmem>>
        %dma_start3A_852 = tpu.memref_squeeze %dma_start3A_851 : memref<1x128xi32, #tpu.memory_space<vmem>> -> memref<128xi32, #tpu.memory_space<vmem>>
        %dma_start3A_853 = arith.constant 0 : i32
        %dma_start3A_854 = arith.constant 0 : i32
        %dma_start3A_855 = tpu.memref_slice %arg6[%dma_start3A_853, %dma_start3A_854] : memref<25032x64xf32, #tpu.memory_space<vmem_shared>> -> memref<25032x64xf32, #tpu.memory_space<vmem_shared>>
        tpu.enqueue_indirect_dma source(%dma_start3A_849 : memref<128x64xf32, #tpu.memory_space<vmem>>) target(%dma_start3A_855 : memref<25032x64xf32, #tpu.memory_space<vmem_shared>>) offsets(%dma_start3A_852 : memref<128xi32, #tpu.memory_space<vmem>>) semaphore(%arg18 : memref<!tpu.dma_semaphore, #tpu.memory_space<semaphore_mem>>) {add = true}
      } else {
      }
      %add3A_321 = arith.constant 2 : i32
      %add3A_322 = arith.addi %add3A_109, %add3A_321 : i32
      %mul3A_323 = arith.constant 402 : i32
      %mul3A_324 = arith.muli %arg1, %mul3A_323 : i32
      %add3A_325 = arith.addi %mul3A_324, %add3A_322 : i32
      %mul3A_326 = arith.constant 256 : i32
      %mul3A_327 = arith.muli %add3A_325, %mul3A_326 : i32
      %dma_start3A_328 = arith.constant 2 : i32
      %dma_start3A_329 = arith.constant 0 : i32
      %dma_start3A_330 = tpu.memref_slice %arg7[%dma_start3A_328, %dma_start3A_329] : memref<3x256xi32, #tpu.memory_space<vmem>> -> memref<1x256xi32, #tpu.memory_space<vmem>>
      %dma_start3A_331 = tpu.memref_squeeze %dma_start3A_330 : memref<1x256xi32, #tpu.memory_space<vmem>> -> memref<256xi32, #tpu.memory_space<vmem>>
      %dma_start3A_332 = tpu.memref_slice %arg3[%mul3A_327] : memref<1646592xi32, #tpu.memory_space<hbm>> -> memref<256xi32, #tpu.memory_space<hbm>>
      %dma_start3A_333 = arith.constant 0 : i32
      %dma_start3A_334 = tpu.memref_slice %arg7[%dma_start3A_328, %dma_start3A_333] : memref<3x256xi32, #tpu.memory_space<vmem>> -> memref<1x256xi32, #tpu.memory_space<vmem>>
      %dma_start3A_335 = tpu.memref_squeeze %dma_start3A_334 : memref<1x256xi32, #tpu.memory_space<vmem>> -> memref<256xi32, #tpu.memory_space<vmem>>
      %dma_start3A_336 = tpu.memref_slice %arg3[%mul3A_327] : memref<1646592xi32, #tpu.memory_space<hbm>> -> memref<256xi32, #tpu.memory_space<hbm>>
      tpu.enqueue_dma source(%dma_start3A_336 : memref<256xi32, #tpu.memory_space<hbm>>) target(%dma_start3A_335 : memref<256xi32, #tpu.memory_space<vmem>>) target_semaphore(%arg12 : memref<!tpu.dma_semaphore, #tpu.memory_space<semaphore_mem>>)
      %mul3A_337 = arith.constant 3 : i32
      %mul3A_338 = arith.muli %scan3A_105, %mul3A_337 : i32
      %add3A_339 = arith.constant 1 : i32
      %add3A_340 = arith.addi %mul3A_338, %add3A_339 : i32
      %ge3A_341 = arith.constant 1 : i32
      %ge3A_342 = arith.cmpi sge, %scan3A_105, %ge3A_341 : i32
      %convert_element_type3A_343 = arith.extui %ge3A_342 : i1 to i32
      %cond3A_344 = arith.constant 0 : i32
      %cond3A_345 = arith.cmpi ne, %convert_element_type3A_343, %cond3A_344 : i32
      scf.if %cond3A_345 {
        %dma_wait3A_832 = arith.constant 1 : i32
        %dma_wait3A_833 = arith.constant 1 : i32
        %dma_wait3A_834 = arith.constant 0 : i32
        %dma_wait3A_835 = arith.constant 0 : i32
        %dma_wait3A_836 = tpu.memref_slice %arg9[%dma_wait3A_832, %dma_wait3A_834, %dma_wait3A_835] : memref<3x128x64xf32, #tpu.memory_space<vmem>> -> memref<1x128x64xf32, #tpu.memory_space<vmem>>
        %dma_wait3A_837 = tpu.memref_squeeze %dma_wait3A_836 : memref<1x128x64xf32, #tpu.memory_space<vmem>> -> memref<128x64xf32, #tpu.memory_space<vmem>>
        %dma_wait3A_838 = arith.constant 0 : i32
        %dma_wait3A_839 = tpu.memref_slice %arg8[%dma_wait3A_833, %dma_wait3A_838] : memref<3x128xi32, #tpu.memory_space<vmem>> -> memref<1x128xi32, #tpu.memory_space<vmem>>
        %dma_wait3A_840 = tpu.memref_squeeze %dma_wait3A_839 : memref<1x128xi32, #tpu.memory_space<vmem>> -> memref<128xi32, #tpu.memory_space<vmem>>
        %dma_wait3A_841 = arith.constant 0 : i32
        %dma_wait3A_842 = arith.constant 0 : i32
        %dma_wait3A_843 = tpu.memref_slice %arg6[%dma_wait3A_841, %dma_wait3A_842] : memref<25032x64xf32, #tpu.memory_space<vmem_shared>> -> memref<25032x64xf32, #tpu.memory_space<vmem_shared>>
        tpu.wait_indirect_dma semaphore(%arg17 : memref<!tpu.dma_semaphore, #tpu.memory_space<semaphore_mem>>) src(%dma_wait3A_837 : memref<128x64xf32, #tpu.memory_space<vmem>>) dst(%dma_wait3A_843 : memref<25032x64xf32, #tpu.memory_space<vmem_shared>>)
      } else {
      }
      %mul3A_346 = arith.constant 402 : i32
      %mul3A_347 = arith.muli %arg1, %mul3A_346 : i32
      %add3A_348 = arith.addi %mul3A_347, %add3A_340 : i32
      %mul3A_349 = arith.constant 256 : i32
      %mul3A_350 = arith.muli %add3A_348, %mul3A_349 : i32
      %dma_wait3A_351 = arith.constant 1 : i32
      %dma_wait3A_352 = arith.constant 0 : i32
      %dma_wait3A_353 = tpu.memref_slice %arg7[%dma_wait3A_351, %dma_wait3A_352] : memref<3x256xi32, #tpu.memory_space<vmem>> -> memref<1x256xi32, #tpu.memory_space<vmem>>
      %dma_wait3A_354 = tpu.memref_squeeze %dma_wait3A_353 : memref<1x256xi32, #tpu.memory_space<vmem>> -> memref<256xi32, #tpu.memory_space<vmem>>
      %dma_wait3A_355 = tpu.memref_slice %arg3[%mul3A_350] : memref<1646592xi32, #tpu.memory_space<hbm>> -> memref<256xi32, #tpu.memory_space<hbm>>
      %dma_wait3A_356 = arith.constant 0 : i32
      %dma_wait3A_357 = tpu.memref_slice %arg7[%dma_wait3A_351, %dma_wait3A_356] : memref<3x256xi32, #tpu.memory_space<vmem>> -> memref<1x256xi32, #tpu.memory_space<vmem>>
      %dma_wait3A_358 = tpu.memref_squeeze %dma_wait3A_357 : memref<1x256xi32, #tpu.memory_space<vmem>> -> memref<256xi32, #tpu.memory_space<vmem>>
      %dma_wait3A_359 = tpu.memref_slice %arg3[%mul3A_350] : memref<1646592xi32, #tpu.memory_space<hbm>> -> memref<256xi32, #tpu.memory_space<hbm>>
      tpu.wait_dma2 semaphore(%arg11 : memref<!tpu.dma_semaphore, #tpu.memory_space<semaphore_mem>>) src(%dma_wait3A_359 : memref<256xi32, #tpu.memory_space<hbm>>) dst(%dma_wait3A_358 : memref<256xi32, #tpu.memory_space<vmem>>)
      %get3A_360 = arith.constant 1 : i32
      %get3A_361 = arith.index_cast %get3A_360 : i32 to index
      %get3A_362 = arith.constant 128 : index
      %get3A_363 = tpu.vector_load %arg7[%get3A_361, %get3A_362] {strides = array<i32>} : memref<3x256xi32, #tpu.memory_space<vmem>>, vector<1x16xi32>,
      %get3A_364 = vector.shape_cast %get3A_363 : vector<1x16xi32> to vector<16xi32>
      %sub3A_365 = vector.broadcast %mul3A_0 : i32 to vector<16xi32>
      %sub3A_366 = arith.subi %get3A_364, %sub3A_365 : vector<16xi32>
      %ge3A_367 = arith.constant 0 : i32
      %ge3A_368 = vector.broadcast %ge3A_367 : i32 to vector<16xi32>
      %ge3A_369 = arith.cmpi sge, %sub3A_366, %ge3A_368 : vector<16xi32>
      %lt3A_370 = arith.constant 25024 : i32
      %lt3A_371 = vector.broadcast %lt3A_370 : i32 to vector<16xi32>
      %lt3A_372 = arith.cmpi slt, %sub3A_366, %lt3A_371 : vector<16xi32>
      %and3A_373 = arith.andi %ge3A_369, %lt3A_372 : vector<16xi1>
      %jit3A_374 = arith.constant 25024 : i32
      %broadcast_in_dim3A_375 = vector.broadcast %jit3A_374 : i32 to vector<16xi32>
      %select_n3A_376 = arith.select %and3A_373, %sub3A_366, %broadcast_in_dim3A_375 : vector<16xi1>, vector<16xi32>
      %swap3A_377 = arith.constant 1 : i32
      %swap3A_378 = arith.index_cast %swap3A_377 : i32 to index
      %swap3A_379 = arith.constant 0 : index
      %swap3A_380 = tpu.vector_load %arg8[%swap3A_378, %swap3A_379] {strides = array<i32>} : memref<3x128xi32, #tpu.memory_space<vmem>>, vector<1x16xi32>,
      %swap3A_381 = vector.shape_cast %swap3A_380 : vector<1x16xi32> to vector<16xi32>
      %swap3A_382 = vector.shape_cast %select_n3A_376 : vector<16xi32> to vector<1x16xi32>
      tpu.vector_store %arg8[%swap3A_378, %swap3A_379], %swap3A_382 {strides = array<i32>} : memref<3x128xi32, #tpu.memory_space<vmem>>, vector<1x16xi32>,
      %get3A_383 = arith.constant 1 : i32
      %get3A_384 = arith.index_cast %get3A_383 : i32 to index
      %get3A_385 = arith.constant 144 : index
      %get3A_386 = tpu.vector_load %arg7[%get3A_384, %get3A_385] {strides = array<i32>} : memref<3x256xi32, #tpu.memory_space<vmem>>, vector<1x16xi32>,
      %get3A_387 = vector.shape_cast %get3A_386 : vector<1x16xi32> to vector<16xi32>
      %sub3A_388 = vector.broadcast %mul3A_0 : i32 to vector<16xi32>
      %sub3A_389 = arith.subi %get3A_387, %sub3A_388 : vector<16xi32>
      %ge3A_390 = arith.constant 0 : i32
      %ge3A_391 = vector.broadcast %ge3A_390 : i32 to vector<16xi32>
      %ge3A_392 = arith.cmpi sge, %sub3A_389, %ge3A_391 : vector<16xi32>
      %lt3A_393 = arith.constant 25024 : i32
      %lt3A_394 = vector.broadcast %lt3A_393 : i32 to vector<16xi32>
      %lt3A_395 = arith.cmpi slt, %sub3A_389, %lt3A_394 : vector<16xi32>
      %and3A_396 = arith.andi %ge3A_392, %lt3A_395 : vector<16xi1>
      %jit3A_397 = arith.constant 25024 : i32
      %broadcast_in_dim3A_398 = vector.broadcast %jit3A_397 : i32 to vector<16xi32>
      %select_n3A_399 = arith.select %and3A_396, %sub3A_389, %broadcast_in_dim3A_398 : vector<16xi1>, vector<16xi32>
      %swap3A_400 = arith.constant 1 : i32
      %swap3A_401 = arith.index_cast %swap3A_400 : i32 to index
      %swap3A_402 = arith.constant 16 : index
      %swap3A_403 = tpu.vector_load %arg8[%swap3A_401, %swap3A_402] {strides = array<i32>} : memref<3x128xi32, #tpu.memory_space<vmem>>, vector<1x16xi32>,
      %swap3A_404 = vector.shape_cast %swap3A_403 : vector<1x16xi32> to vector<16xi32>
      %swap3A_405 = vector.shape_cast %select_n3A_399 : vector<16xi32> to vector<1x16xi32>
      tpu.vector_store %arg8[%swap3A_401, %swap3A_402], %swap3A_405 {strides = array<i32>} : memref<3x128xi32, #tpu.memory_space<vmem>>, vector<1x16xi32>,
      %get3A_406 = arith.constant 1 : i32
      %get3A_407 = arith.index_cast %get3A_406 : i32 to index
      %get3A_408 = arith.constant 160 : index
      %get3A_409 = tpu.vector_load %arg7[%get3A_407, %get3A_408] {strides = array<i32>} : memref<3x256xi32, #tpu.memory_space<vmem>>, vector<1x16xi32>,
      %get3A_410 = vector.shape_cast %get3A_409 : vector<1x16xi32> to vector<16xi32>
      %sub3A_411 = vector.broadcast %mul3A_0 : i32 to vector<16xi32>
      %sub3A_412 = arith.subi %get3A_410, %sub3A_411 : vector<16xi32>
      %ge3A_413 = arith.constant 0 : i32
      %ge3A_414 = vector.broadcast %ge3A_413 : i32 to vector<16xi32>
      %ge3A_415 = arith.cmpi sge, %sub3A_412, %ge3A_414 : vector<16xi32>
      %lt3A_416 = arith.constant 25024 : i32
      %lt3A_417 = vector.broadcast %lt3A_416 : i32 to vector<16xi32>
      %lt3A_418 = arith.cmpi slt, %sub3A_412, %lt3A_417 : vector<16xi32>
      %and3A_419 = arith.andi %ge3A_415, %lt3A_418 : vector<16xi1>
      %jit3A_420 = arith.constant 25024 : i32
      %broadcast_in_dim3A_421 = vector.broadcast %jit3A_420 : i32 to vector<16xi32>
      %select_n3A_422 = arith.select %and3A_419, %sub3A_412, %broadcast_in_dim3A_421 : vector<16xi1>, vector<16xi32>
      %swap3A_423 = arith.constant 1 : i32
      %swap3A_424 = arith.index_cast %swap3A_423 : i32 to index
      %swap3A_425 = arith.constant 32 : index
      %swap3A_426 = tpu.vector_load %arg8[%swap3A_424, %swap3A_425] {strides = array<i32>} : memref<3x128xi32, #tpu.memory_space<vmem>>, vector<1x16xi32>,
      %swap3A_427 = vector.shape_cast %swap3A_426 : vector<1x16xi32> to vector<16xi32>
      %swap3A_428 = vector.shape_cast %select_n3A_422 : vector<16xi32> to vector<1x16xi32>
      tpu.vector_store %arg8[%swap3A_424, %swap3A_425], %swap3A_428 {strides = array<i32>} : memref<3x128xi32, #tpu.memory_space<vmem>>, vector<1x16xi32>,
      %get3A_429 = arith.constant 1 : i32
      %get3A_430 = arith.index_cast %get3A_429 : i32 to index
      %get3A_431 = arith.constant 176 : index
      %get3A_432 = tpu.vector_load %arg7[%get3A_430, %get3A_431] {strides = array<i32>} : memref<3x256xi32, #tpu.memory_space<vmem>>, vector<1x16xi32>,
      %get3A_433 = vector.shape_cast %get3A_432 : vector<1x16xi32> to vector<16xi32>
      %sub3A_434 = vector.broadcast %mul3A_0 : i32 to vector<16xi32>
      %sub3A_435 = arith.subi %get3A_433, %sub3A_434 : vector<16xi32>
      %ge3A_436 = arith.constant 0 : i32
      %ge3A_437 = vector.broadcast %ge3A_436 : i32 to vector<16xi32>
      %ge3A_438 = arith.cmpi sge, %sub3A_435, %ge3A_437 : vector<16xi32>
      %lt3A_439 = arith.constant 25024 : i32
      %lt3A_440 = vector.broadcast %lt3A_439 : i32 to vector<16xi32>
      %lt3A_441 = arith.cmpi slt, %sub3A_435, %lt3A_440 : vector<16xi32>
      %and3A_442 = arith.andi %ge3A_438, %lt3A_441 : vector<16xi1>
      %jit3A_443 = arith.constant 25024 : i32
      %broadcast_in_dim3A_444 = vector.broadcast %jit3A_443 : i32 to vector<16xi32>
      %select_n3A_445 = arith.select %and3A_442, %sub3A_435, %broadcast_in_dim3A_444 : vector<16xi1>, vector<16xi32>
      %swap3A_446 = arith.constant 1 : i32
      %swap3A_447 = arith.index_cast %swap3A_446 : i32 to index
      %swap3A_448 = arith.constant 48 : index
      %swap3A_449 = tpu.vector_load %arg8[%swap3A_447, %swap3A_448] {strides = array<i32>} : memref<3x128xi32, #tpu.memory_space<vmem>>, vector<1x16xi32>,
      %swap3A_450 = vector.shape_cast %swap3A_449 : vector<1x16xi32> to vector<16xi32>
      %swap3A_451 = vector.shape_cast %select_n3A_445 : vector<16xi32> to vector<1x16xi32>
      tpu.vector_store %arg8[%swap3A_447, %swap3A_448], %swap3A_451 {strides = array<i32>} : memref<3x128xi32, #tpu.memory_space<vmem>>, vector<1x16xi32>,
      %get3A_452 = arith.constant 1 : i32
      %get3A_453 = arith.index_cast %get3A_452 : i32 to index
      %get3A_454 = arith.constant 192 : index
      %get3A_455 = tpu.vector_load %arg7[%get3A_453, %get3A_454] {strides = array<i32>} : memref<3x256xi32, #tpu.memory_space<vmem>>, vector<1x16xi32>,
      %get3A_456 = vector.shape_cast %get3A_455 : vector<1x16xi32> to vector<16xi32>
      %sub3A_457 = vector.broadcast %mul3A_0 : i32 to vector<16xi32>
      %sub3A_458 = arith.subi %get3A_456, %sub3A_457 : vector<16xi32>
      %ge3A_459 = arith.constant 0 : i32
      %ge3A_460 = vector.broadcast %ge3A_459 : i32 to vector<16xi32>
      %ge3A_461 = arith.cmpi sge, %sub3A_458, %ge3A_460 : vector<16xi32>
      %lt3A_462 = arith.constant 25024 : i32
      %lt3A_463 = vector.broadcast %lt3A_462 : i32 to vector<16xi32>
      %lt3A_464 = arith.cmpi slt, %sub3A_458, %lt3A_463 : vector<16xi32>
      %and3A_465 = arith.andi %ge3A_461, %lt3A_464 : vector<16xi1>
      %jit3A_466 = arith.constant 25024 : i32
      %broadcast_in_dim3A_467 = vector.broadcast %jit3A_466 : i32 to vector<16xi32>
      %select_n3A_468 = arith.select %and3A_465, %sub3A_458, %broadcast_in_dim3A_467 : vector<16xi1>, vector<16xi32>
      %swap3A_469 = arith.constant 1 : i32
      %swap3A_470 = arith.index_cast %swap3A_469 : i32 to index
      %swap3A_471 = arith.constant 64 : index
      %swap3A_472 = tpu.vector_load %arg8[%swap3A_470, %swap3A_471] {strides = array<i32>} : memref<3x128xi32, #tpu.memory_space<vmem>>, vector<1x16xi32>,
      %swap3A_473 = vector.shape_cast %swap3A_472 : vector<1x16xi32> to vector<16xi32>
      %swap3A_474 = vector.shape_cast %select_n3A_468 : vector<16xi32> to vector<1x16xi32>
      tpu.vector_store %arg8[%swap3A_470, %swap3A_471], %swap3A_474 {strides = array<i32>} : memref<3x128xi32, #tpu.memory_space<vmem>>, vector<1x16xi32>,
      %get3A_475 = arith.constant 1 : i32
      %get3A_476 = arith.index_cast %get3A_475 : i32 to index
      %get3A_477 = arith.constant 208 : index
      %get3A_478 = tpu.vector_load %arg7[%get3A_476, %get3A_477] {strides = array<i32>} : memref<3x256xi32, #tpu.memory_space<vmem>>, vector<1x16xi32>,
      %get3A_479 = vector.shape_cast %get3A_478 : vector<1x16xi32> to vector<16xi32>
      %sub3A_480 = vector.broadcast %mul3A_0 : i32 to vector<16xi32>
      %sub3A_481 = arith.subi %get3A_479, %sub3A_480 : vector<16xi32>
      %ge3A_482 = arith.constant 0 : i32
      %ge3A_483 = vector.broadcast %ge3A_482 : i32 to vector<16xi32>
      %ge3A_484 = arith.cmpi sge, %sub3A_481, %ge3A_483 : vector<16xi32>
      %lt3A_485 = arith.constant 25024 : i32
      %lt3A_486 = vector.broadcast %lt3A_485 : i32 to vector<16xi32>
      %lt3A_487 = arith.cmpi slt, %sub3A_481, %lt3A_486 : vector<16xi32>
      %and3A_488 = arith.andi %ge3A_484, %lt3A_487 : vector<16xi1>
      %jit3A_489 = arith.constant 25024 : i32
      %broadcast_in_dim3A_490 = vector.broadcast %jit3A_489 : i32 to vector<16xi32>
      %select_n3A_491 = arith.select %and3A_488, %sub3A_481, %broadcast_in_dim3A_490 : vector<16xi1>, vector<16xi32>
      %swap3A_492 = arith.constant 1 : i32
      %swap3A_493 = arith.index_cast %swap3A_492 : i32 to index
      %swap3A_494 = arith.constant 80 : index
      %swap3A_495 = tpu.vector_load %arg8[%swap3A_493, %swap3A_494] {strides = array<i32>} : memref<3x128xi32, #tpu.memory_space<vmem>>, vector<1x16xi32>,
      %swap3A_496 = vector.shape_cast %swap3A_495 : vector<1x16xi32> to vector<16xi32>
      %swap3A_497 = vector.shape_cast %select_n3A_491 : vector<16xi32> to vector<1x16xi32>
      tpu.vector_store %arg8[%swap3A_493, %swap3A_494], %swap3A_497 {strides = array<i32>} : memref<3x128xi32, #tpu.memory_space<vmem>>, vector<1x16xi32>,
      %get3A_498 = arith.constant 1 : i32
      %get3A_499 = arith.index_cast %get3A_498 : i32 to index
      %get3A_500 = arith.constant 224 : index
      %get3A_501 = tpu.vector_load %arg7[%get3A_499, %get3A_500] {strides = array<i32>} : memref<3x256xi32, #tpu.memory_space<vmem>>, vector<1x16xi32>,
      %get3A_502 = vector.shape_cast %get3A_501 : vector<1x16xi32> to vector<16xi32>
      %sub3A_503 = vector.broadcast %mul3A_0 : i32 to vector<16xi32>
      %sub3A_504 = arith.subi %get3A_502, %sub3A_503 : vector<16xi32>
      %ge3A_505 = arith.constant 0 : i32
      %ge3A_506 = vector.broadcast %ge3A_505 : i32 to vector<16xi32>
      %ge3A_507 = arith.cmpi sge, %sub3A_504, %ge3A_506 : vector<16xi32>
      %lt3A_508 = arith.constant 25024 : i32
      %lt3A_509 = vector.broadcast %lt3A_508 : i32 to vector<16xi32>
      %lt3A_510 = arith.cmpi slt, %sub3A_504, %lt3A_509 : vector<16xi32>
      %and3A_511 = arith.andi %ge3A_507, %lt3A_510 : vector<16xi1>
      %jit3A_512 = arith.constant 25024 : i32
      %broadcast_in_dim3A_513 = vector.broadcast %jit3A_512 : i32 to vector<16xi32>
      %select_n3A_514 = arith.select %and3A_511, %sub3A_504, %broadcast_in_dim3A_513 : vector<16xi1>, vector<16xi32>
      %swap3A_515 = arith.constant 1 : i32
      %swap3A_516 = arith.index_cast %swap3A_515 : i32 to index
      %swap3A_517 = arith.constant 96 : index
      %swap3A_518 = tpu.vector_load %arg8[%swap3A_516, %swap3A_517] {strides = array<i32>} : memref<3x128xi32, #tpu.memory_space<vmem>>, vector<1x16xi32>,
      %swap3A_519 = vector.shape_cast %swap3A_518 : vector<1x16xi32> to vector<16xi32>
      %swap3A_520 = vector.shape_cast %select_n3A_514 : vector<16xi32> to vector<1x16xi32>
      tpu.vector_store %arg8[%swap3A_516, %swap3A_517], %swap3A_520 {strides = array<i32>} : memref<3x128xi32, #tpu.memory_space<vmem>>, vector<1x16xi32>,
      %get3A_521 = arith.constant 1 : i32
      %get3A_522 = arith.index_cast %get3A_521 : i32 to index
      %get3A_523 = arith.constant 240 : index
      %get3A_524 = tpu.vector_load %arg7[%get3A_522, %get3A_523] {strides = array<i32>} : memref<3x256xi32, #tpu.memory_space<vmem>>, vector<1x16xi32>,
      %get3A_525 = vector.shape_cast %get3A_524 : vector<1x16xi32> to vector<16xi32>
      %sub3A_526 = vector.broadcast %mul3A_0 : i32 to vector<16xi32>
      %sub3A_527 = arith.subi %get3A_525, %sub3A_526 : vector<16xi32>
      %ge3A_528 = arith.constant 0 : i32
      %ge3A_529 = vector.broadcast %ge3A_528 : i32 to vector<16xi32>
      %ge3A_530 = arith.cmpi sge, %sub3A_527, %ge3A_529 : vector<16xi32>
      %lt3A_531 = arith.constant 25024 : i32
      %lt3A_532 = vector.broadcast %lt3A_531 : i32 to vector<16xi32>
      %lt3A_533 = arith.cmpi slt, %sub3A_527, %lt3A_532 : vector<16xi32>
      %and3A_534 = arith.andi %ge3A_530, %lt3A_533 : vector<16xi1>
      %jit3A_535 = arith.constant 25024 : i32
      %broadcast_in_dim3A_536 = vector.broadcast %jit3A_535 : i32 to vector<16xi32>
      %select_n3A_537 = arith.select %and3A_534, %sub3A_527, %broadcast_in_dim3A_536 : vector<16xi1>, vector<16xi32>
      %swap3A_538 = arith.constant 1 : i32
      %swap3A_539 = arith.index_cast %swap3A_538 : i32 to index
      %swap3A_540 = arith.constant 112 : index
      %swap3A_541 = tpu.vector_load %arg8[%swap3A_539, %swap3A_540] {strides = array<i32>} : memref<3x128xi32, #tpu.memory_space<vmem>>, vector<1x16xi32>,
      %swap3A_542 = vector.shape_cast %swap3A_541 : vector<1x16xi32> to vector<16xi32>
      %swap3A_543 = vector.shape_cast %select_n3A_537 : vector<16xi32> to vector<1x16xi32>
      tpu.vector_store %arg8[%swap3A_539, %swap3A_540], %swap3A_543 {strides = array<i32>} : memref<3x128xi32, #tpu.memory_space<vmem>>, vector<1x16xi32>,
      %dma_start3A_544 = arith.constant 1 : i32
      %dma_start3A_545 = arith.constant 1 : i32
      %dma_start3A_546 = arith.constant 0 : i32
      %dma_start3A_547 = arith.constant 0 : i32
      %dma_start3A_548 = tpu.memref_slice %arg9[%dma_start3A_545, %dma_start3A_546, %dma_start3A_547] : memref<3x128x64xf32, #tpu.memory_space<vmem>> -> memref<1x128x64xf32, #tpu.memory_space<vmem>>
      %dma_start3A_549 = tpu.memref_squeeze %dma_start3A_548 : memref<1x128x64xf32, #tpu.memory_space<vmem>> -> memref<128x64xf32, #tpu.memory_space<vmem>>
      %dma_start3A_550 = arith.constant 0 : i32
      %dma_start3A_551 = tpu.memref_slice %arg7[%dma_start3A_544, %dma_start3A_550] : memref<3x256xi32, #tpu.memory_space<vmem>> -> memref<1x128xi32, #tpu.memory_space<vmem>>
      %dma_start3A_552 = tpu.memref_squeeze %dma_start3A_551 : memref<1x128xi32, #tpu.memory_space<vmem>> -> memref<128xi32, #tpu.memory_space<vmem>>
      %dma_start3A_553 = arith.constant 0 : i32
      %dma_start3A_554 = arith.constant 0 : i32
      %dma_start3A_555 = tpu.memref_slice %arg2[%dma_start3A_553, %dma_start3A_554] : memref<50048x64xf32, #tpu.memory_space<hbm>> -> memref<50048x64xf32, #tpu.memory_space<hbm>>
      tpu.enqueue_indirect_dma source(%dma_start3A_555 : memref<50048x64xf32, #tpu.memory_space<hbm>>) target(%dma_start3A_549 : memref<128x64xf32, #tpu.memory_space<vmem>>) offsets(%dma_start3A_552 : memref<128xi32, #tpu.memory_space<vmem>>) semaphore(%arg14 : memref<!tpu.dma_semaphore, #tpu.memory_space<semaphore_mem>>)
      %dma_wait3A_556 = arith.constant 0 : i32
      %dma_wait3A_557 = arith.constant 0 : i32
      %dma_wait3A_558 = arith.constant 0 : i32
      %dma_wait3A_559 = arith.constant 0 : i32
      %dma_wait3A_560 = tpu.memref_slice %arg9[%dma_wait3A_557, %dma_wait3A_558, %dma_wait3A_559] : memref<3x128x64xf32, #tpu.memory_space<vmem>> -> memref<1x128x64xf32, #tpu.memory_space<vmem>>
      %dma_wait3A_561 = tpu.memref_squeeze %dma_wait3A_560 : memref<1x128x64xf32, #tpu.memory_space<vmem>> -> memref<128x64xf32, #tpu.memory_space<vmem>>
      %dma_wait3A_562 = arith.constant 0 : i32
      %dma_wait3A_563 = tpu.memref_slice %arg7[%dma_wait3A_556, %dma_wait3A_562] : memref<3x256xi32, #tpu.memory_space<vmem>> -> memref<1x128xi32, #tpu.memory_space<vmem>>
      %dma_wait3A_564 = tpu.memref_squeeze %dma_wait3A_563 : memref<1x128xi32, #tpu.memory_space<vmem>> -> memref<128xi32, #tpu.memory_space<vmem>>
      %dma_wait3A_565 = arith.constant 0 : i32
      %dma_wait3A_566 = arith.constant 0 : i32
      %dma_wait3A_567 = tpu.memref_slice %arg2[%dma_wait3A_565, %dma_wait3A_566] : memref<50048x64xf32, #tpu.memory_space<hbm>> -> memref<50048x64xf32, #tpu.memory_space<hbm>>
      tpu.wait_indirect_dma semaphore(%arg13 : memref<!tpu.dma_semaphore, #tpu.memory_space<semaphore_mem>>) src(%dma_wait3A_567 : memref<50048x64xf32, #tpu.memory_space<hbm>>) dst(%dma_wait3A_561 : memref<128x64xf32, #tpu.memory_space<vmem>>)
      %dma_start3A_568 = arith.constant 0 : i32
      %dma_start3A_569 = arith.constant 0 : i32
      %dma_start3A_570 = arith.constant 0 : i32
      %dma_start3A_571 = arith.constant 0 : i32
      %dma_start3A_572 = tpu.memref_slice %arg9[%dma_start3A_568, %dma_start3A_570, %dma_start3A_571] : memref<3x128x64xf32, #tpu.memory_space<vmem>> -> memref<1x128x64xf32, #tpu.memory_space<vmem>>
      %dma_start3A_573 = tpu.memref_squeeze %dma_start3A_572 : memref<1x128x64xf32, #tpu.memory_space<vmem>> -> memref<128x64xf32, #tpu.memory_space<vmem>>
      %dma_start3A_574 = arith.constant 0 : i32
      %dma_start3A_575 = tpu.memref_slice %arg8[%dma_start3A_569, %dma_start3A_574] : memref<3x128xi32, #tpu.memory_space<vmem>> -> memref<1x128xi32, #tpu.memory_space<vmem>>
      %dma_start3A_576 = tpu.memref_squeeze %dma_start3A_575 : memref<1x128xi32, #tpu.memory_space<vmem>> -> memref<128xi32, #tpu.memory_space<vmem>>
      %dma_start3A_577 = arith.constant 0 : i32
      %dma_start3A_578 = arith.constant 0 : i32
      %dma_start3A_579 = tpu.memref_slice %arg6[%dma_start3A_577, %dma_start3A_578] : memref<25032x64xf32, #tpu.memory_space<vmem_shared>> -> memref<25032x64xf32, #tpu.memory_space<vmem_shared>>
      tpu.enqueue_indirect_dma source(%dma_start3A_573 : memref<128x64xf32, #tpu.memory_space<vmem>>) target(%dma_start3A_579 : memref<25032x64xf32, #tpu.memory_space<vmem_shared>>) offsets(%dma_start3A_576 : memref<128xi32, #tpu.memory_space<vmem>>) semaphore(%arg16 : memref<!tpu.dma_semaphore, #tpu.memory_space<semaphore_mem>>) {add = true}
      %le3A = arith.constant 132 : i32
      %le3A_580 = arith.cmpi sle, %scan3A_105, %le3A : i32
      %convert_element_type3A_581 = arith.extui %le3A_580 : i1 to i32
      %cond3A_582 = arith.constant 0 : i32
      %cond3A_583 = arith.cmpi ne, %convert_element_type3A_581, %cond3A_582 : i32
      scf.if %cond3A_583 {
        %add3A_832 = arith.constant 2 : i32
        %add3A_833 = arith.addi %add3A_340, %add3A_832 : i32
        %mul3A_834 = arith.constant 402 : i32
        %mul3A_835 = arith.muli %arg1, %mul3A_834 : i32
        %add3A_836 = arith.addi %mul3A_835, %add3A_833 : i32
        %mul3A_837 = arith.constant 256 : i32
        %mul3A_838 = arith.muli %add3A_836, %mul3A_837 : i32
        %dma_start3A_839 = arith.constant 0 : i32
        %dma_start3A_840 = arith.constant 0 : i32
        %dma_start3A_841 = tpu.memref_slice %arg7[%dma_start3A_839, %dma_start3A_840] : memref<3x256xi32, #tpu.memory_space<vmem>> -> memref<1x256xi32, #tpu.memory_space<vmem>>
        %dma_start3A_842 = tpu.memref_squeeze %dma_start3A_841 : memref<1x256xi32, #tpu.memory_space<vmem>> -> memref<256xi32, #tpu.memory_space<vmem>>
        %dma_start3A_843 = tpu.memref_slice %arg3[%mul3A_838] : memref<1646592xi32, #tpu.memory_space<hbm>> -> memref<256xi32, #tpu.memory_space<hbm>>
        %dma_start3A_844 = arith.constant 0 : i32
        %dma_start3A_845 = tpu.memref_slice %arg7[%dma_start3A_839, %dma_start3A_844] : memref<3x256xi32, #tpu.memory_space<vmem>> -> memref<1x256xi32, #tpu.memory_space<vmem>>
        %dma_start3A_846 = tpu.memref_squeeze %dma_start3A_845 : memref<1x256xi32, #tpu.memory_space<vmem>> -> memref<256xi32, #tpu.memory_space<vmem>>
        %dma_start3A_847 = tpu.memref_slice %arg3[%mul3A_838] : memref<1646592xi32, #tpu.memory_space<hbm>> -> memref<256xi32, #tpu.memory_space<hbm>>
        tpu.enqueue_dma source(%dma_start3A_847 : memref<256xi32, #tpu.memory_space<hbm>>) target(%dma_start3A_846 : memref<256xi32, #tpu.memory_space<vmem>>) target_semaphore(%arg10 : memref<!tpu.dma_semaphore, #tpu.memory_space<semaphore_mem>>)
      } else {
      }
      %mul3A_584 = arith.constant 3 : i32
      %mul3A_585 = arith.muli %scan3A_105, %mul3A_584 : i32
      %add3A_586 = arith.constant 2 : i32
      %add3A_587 = arith.addi %mul3A_585, %add3A_586 : i32
      %ge3A_588 = arith.constant 1 : i32
      %ge3A_589 = arith.cmpi sge, %scan3A_105, %ge3A_588 : i32
      %convert_element_type3A_590 = arith.extui %ge3A_589 : i1 to i32
      %cond3A_591 = arith.constant 0 : i32
      %cond3A_592 = arith.cmpi ne, %convert_element_type3A_590, %cond3A_591 : i32
      scf.if %cond3A_592 {
        %dma_wait3A_832 = arith.constant 2 : i32
        %dma_wait3A_833 = arith.constant 2 : i32
        %dma_wait3A_834 = arith.constant 0 : i32
        %dma_wait3A_835 = arith.constant 0 : i32
        %dma_wait3A_836 = tpu.memref_slice %arg9[%dma_wait3A_832, %dma_wait3A_834, %dma_wait3A_835] : memref<3x128x64xf32, #tpu.memory_space<vmem>> -> memref<1x128x64xf32, #tpu.memory_space<vmem>>
        %dma_wait3A_837 = tpu.memref_squeeze %dma_wait3A_836 : memref<1x128x64xf32, #tpu.memory_space<vmem>> -> memref<128x64xf32, #tpu.memory_space<vmem>>
        %dma_wait3A_838 = arith.constant 0 : i32
        %dma_wait3A_839 = tpu.memref_slice %arg8[%dma_wait3A_833, %dma_wait3A_838] : memref<3x128xi32, #tpu.memory_space<vmem>> -> memref<1x128xi32, #tpu.memory_space<vmem>>
        %dma_wait3A_840 = tpu.memref_squeeze %dma_wait3A_839 : memref<1x128xi32, #tpu.memory_space<vmem>> -> memref<128xi32, #tpu.memory_space<vmem>>
        %dma_wait3A_841 = arith.constant 0 : i32
        %dma_wait3A_842 = arith.constant 0 : i32
        %dma_wait3A_843 = tpu.memref_slice %arg6[%dma_wait3A_841, %dma_wait3A_842] : memref<25032x64xf32, #tpu.memory_space<vmem_shared>> -> memref<25032x64xf32, #tpu.memory_space<vmem_shared>>
        tpu.wait_indirect_dma semaphore(%arg18 : memref<!tpu.dma_semaphore, #tpu.memory_space<semaphore_mem>>) src(%dma_wait3A_837 : memref<128x64xf32, #tpu.memory_space<vmem>>) dst(%dma_wait3A_843 : memref<25032x64xf32, #tpu.memory_space<vmem_shared>>)
      } else {
      }
      %mul3A_593 = arith.constant 402 : i32
      %mul3A_594 = arith.muli %arg1, %mul3A_593 : i32
      %add3A_595 = arith.addi %mul3A_594, %add3A_587 : i32
      %mul3A_596 = arith.constant 256 : i32
      %mul3A_597 = arith.muli %add3A_595, %mul3A_596 : i32
      %dma_wait3A_598 = arith.constant 2 : i32
      %dma_wait3A_599 = arith.constant 0 : i32
      %dma_wait3A_600 = tpu.memref_slice %arg7[%dma_wait3A_598, %dma_wait3A_599] : memref<3x256xi32, #tpu.memory_space<vmem>> -> memref<1x256xi32, #tpu.memory_space<vmem>>
      %dma_wait3A_601 = tpu.memref_squeeze %dma_wait3A_600 : memref<1x256xi32, #tpu.memory_space<vmem>> -> memref<256xi32, #tpu.memory_space<vmem>>
      %dma_wait3A_602 = tpu.memref_slice %arg3[%mul3A_597] : memref<1646592xi32, #tpu.memory_space<hbm>> -> memref<256xi32, #tpu.memory_space<hbm>>
      %dma_wait3A_603 = arith.constant 0 : i32
      %dma_wait3A_604 = tpu.memref_slice %arg7[%dma_wait3A_598, %dma_wait3A_603] : memref<3x256xi32, #tpu.memory_space<vmem>> -> memref<1x256xi32, #tpu.memory_space<vmem>>
      %dma_wait3A_605 = tpu.memref_squeeze %dma_wait3A_604 : memref<1x256xi32, #tpu.memory_space<vmem>> -> memref<256xi32, #tpu.memory_space<vmem>>
      %dma_wait3A_606 = tpu.memref_slice %arg3[%mul3A_597] : memref<1646592xi32, #tpu.memory_space<hbm>> -> memref<256xi32, #tpu.memory_space<hbm>>
      tpu.wait_dma2 semaphore(%arg12 : memref<!tpu.dma_semaphore, #tpu.memory_space<semaphore_mem>>) src(%dma_wait3A_606 : memref<256xi32, #tpu.memory_space<hbm>>) dst(%dma_wait3A_605 : memref<256xi32, #tpu.memory_space<vmem>>)
      %get3A_607 = arith.constant 2 : i32
      %get3A_608 = arith.index_cast %get3A_607 : i32 to index
      %get3A_609 = arith.constant 128 : index
      %get3A_610 = tpu.vector_load %arg7[%get3A_608, %get3A_609] {strides = array<i32>} : memref<3x256xi32, #tpu.memory_space<vmem>>, vector<1x16xi32>,
      %get3A_611 = vector.shape_cast %get3A_610 : vector<1x16xi32> to vector<16xi32>
      %sub3A_612 = vector.broadcast %mul3A_0 : i32 to vector<16xi32>
      %sub3A_613 = arith.subi %get3A_611, %sub3A_612 : vector<16xi32>
      %ge3A_614 = arith.constant 0 : i32
      %ge3A_615 = vector.broadcast %ge3A_614 : i32 to vector<16xi32>
      %ge3A_616 = arith.cmpi sge, %sub3A_613, %ge3A_615 : vector<16xi32>
      %lt3A_617 = arith.constant 25024 : i32
      %lt3A_618 = vector.broadcast %lt3A_617 : i32 to vector<16xi32>
      %lt3A_619 = arith.cmpi slt, %sub3A_613, %lt3A_618 : vector<16xi32>
      %and3A_620 = arith.andi %ge3A_616, %lt3A_619 : vector<16xi1>
      %jit3A_621 = arith.constant 25024 : i32
      %broadcast_in_dim3A_622 = vector.broadcast %jit3A_621 : i32 to vector<16xi32>
      %select_n3A_623 = arith.select %and3A_620, %sub3A_613, %broadcast_in_dim3A_622 : vector<16xi1>, vector<16xi32>
      %swap3A_624 = arith.constant 2 : i32
      %swap3A_625 = arith.index_cast %swap3A_624 : i32 to index
      %swap3A_626 = arith.constant 0 : index
      %swap3A_627 = tpu.vector_load %arg8[%swap3A_625, %swap3A_626] {strides = array<i32>} : memref<3x128xi32, #tpu.memory_space<vmem>>, vector<1x16xi32>,
      %swap3A_628 = vector.shape_cast %swap3A_627 : vector<1x16xi32> to vector<16xi32>
      %swap3A_629 = vector.shape_cast %select_n3A_623 : vector<16xi32> to vector<1x16xi32>
      tpu.vector_store %arg8[%swap3A_625, %swap3A_626], %swap3A_629 {strides = array<i32>} : memref<3x128xi32, #tpu.memory_space<vmem>>, vector<1x16xi32>,
      %get3A_630 = arith.constant 2 : i32
      %get3A_631 = arith.index_cast %get3A_630 : i32 to index
      %get3A_632 = arith.constant 144 : index
      %get3A_633 = tpu.vector_load %arg7[%get3A_631, %get3A_632] {strides = array<i32>} : memref<3x256xi32, #tpu.memory_space<vmem>>, vector<1x16xi32>,
      %get3A_634 = vector.shape_cast %get3A_633 : vector<1x16xi32> to vector<16xi32>
      %sub3A_635 = vector.broadcast %mul3A_0 : i32 to vector<16xi32>
      %sub3A_636 = arith.subi %get3A_634, %sub3A_635 : vector<16xi32>
      %ge3A_637 = arith.constant 0 : i32
      %ge3A_638 = vector.broadcast %ge3A_637 : i32 to vector<16xi32>
      %ge3A_639 = arith.cmpi sge, %sub3A_636, %ge3A_638 : vector<16xi32>
      %lt3A_640 = arith.constant 25024 : i32
      %lt3A_641 = vector.broadcast %lt3A_640 : i32 to vector<16xi32>
      %lt3A_642 = arith.cmpi slt, %sub3A_636, %lt3A_641 : vector<16xi32>
      %and3A_643 = arith.andi %ge3A_639, %lt3A_642 : vector<16xi1>
      %jit3A_644 = arith.constant 25024 : i32
      %broadcast_in_dim3A_645 = vector.broadcast %jit3A_644 : i32 to vector<16xi32>
      %select_n3A_646 = arith.select %and3A_643, %sub3A_636, %broadcast_in_dim3A_645 : vector<16xi1>, vector<16xi32>
      %swap3A_647 = arith.constant 2 : i32
      %swap3A_648 = arith.index_cast %swap3A_647 : i32 to index
      %swap3A_649 = arith.constant 16 : index
      %swap3A_650 = tpu.vector_load %arg8[%swap3A_648, %swap3A_649] {strides = array<i32>} : memref<3x128xi32, #tpu.memory_space<vmem>>, vector<1x16xi32>,
      %swap3A_651 = vector.shape_cast %swap3A_650 : vector<1x16xi32> to vector<16xi32>
      %swap3A_652 = vector.shape_cast %select_n3A_646 : vector<16xi32> to vector<1x16xi32>
      tpu.vector_store %arg8[%swap3A_648, %swap3A_649], %swap3A_652 {strides = array<i32>} : memref<3x128xi32, #tpu.memory_space<vmem>>, vector<1x16xi32>,
      %get3A_653 = arith.constant 2 : i32
      %get3A_654 = arith.index_cast %get3A_653 : i32 to index
      %get3A_655 = arith.constant 160 : index
      %get3A_656 = tpu.vector_load %arg7[%get3A_654, %get3A_655] {strides = array<i32>} : memref<3x256xi32, #tpu.memory_space<vmem>>, vector<1x16xi32>,
      %get3A_657 = vector.shape_cast %get3A_656 : vector<1x16xi32> to vector<16xi32>
      %sub3A_658 = vector.broadcast %mul3A_0 : i32 to vector<16xi32>
      %sub3A_659 = arith.subi %get3A_657, %sub3A_658 : vector<16xi32>
      %ge3A_660 = arith.constant 0 : i32
      %ge3A_661 = vector.broadcast %ge3A_660 : i32 to vector<16xi32>
      %ge3A_662 = arith.cmpi sge, %sub3A_659, %ge3A_661 : vector<16xi32>
      %lt3A_663 = arith.constant 25024 : i32
      %lt3A_664 = vector.broadcast %lt3A_663 : i32 to vector<16xi32>
      %lt3A_665 = arith.cmpi slt, %sub3A_659, %lt3A_664 : vector<16xi32>
      %and3A_666 = arith.andi %ge3A_662, %lt3A_665 : vector<16xi1>
      %jit3A_667 = arith.constant 25024 : i32
      %broadcast_in_dim3A_668 = vector.broadcast %jit3A_667 : i32 to vector<16xi32>
      %select_n3A_669 = arith.select %and3A_666, %sub3A_659, %broadcast_in_dim3A_668 : vector<16xi1>, vector<16xi32>
      %swap3A_670 = arith.constant 2 : i32
      %swap3A_671 = arith.index_cast %swap3A_670 : i32 to index
      %swap3A_672 = arith.constant 32 : index
      %swap3A_673 = tpu.vector_load %arg8[%swap3A_671, %swap3A_672] {strides = array<i32>} : memref<3x128xi32, #tpu.memory_space<vmem>>, vector<1x16xi32>,
      %swap3A_674 = vector.shape_cast %swap3A_673 : vector<1x16xi32> to vector<16xi32>
      %swap3A_675 = vector.shape_cast %select_n3A_669 : vector<16xi32> to vector<1x16xi32>
      tpu.vector_store %arg8[%swap3A_671, %swap3A_672], %swap3A_675 {strides = array<i32>} : memref<3x128xi32, #tpu.memory_space<vmem>>, vector<1x16xi32>,
      %get3A_676 = arith.constant 2 : i32
      %get3A_677 = arith.index_cast %get3A_676 : i32 to index
      %get3A_678 = arith.constant 176 : index
      %get3A_679 = tpu.vector_load %arg7[%get3A_677, %get3A_678] {strides = array<i32>} : memref<3x256xi32, #tpu.memory_space<vmem>>, vector<1x16xi32>,
      %get3A_680 = vector.shape_cast %get3A_679 : vector<1x16xi32> to vector<16xi32>
      %sub3A_681 = vector.broadcast %mul3A_0 : i32 to vector<16xi32>
      %sub3A_682 = arith.subi %get3A_680, %sub3A_681 : vector<16xi32>
      %ge3A_683 = arith.constant 0 : i32
      %ge3A_684 = vector.broadcast %ge3A_683 : i32 to vector<16xi32>
      %ge3A_685 = arith.cmpi sge, %sub3A_682, %ge3A_684 : vector<16xi32>
      %lt3A_686 = arith.constant 25024 : i32
      %lt3A_687 = vector.broadcast %lt3A_686 : i32 to vector<16xi32>
      %lt3A_688 = arith.cmpi slt, %sub3A_682, %lt3A_687 : vector<16xi32>
      %and3A_689 = arith.andi %ge3A_685, %lt3A_688 : vector<16xi1>
      %jit3A_690 = arith.constant 25024 : i32
      %broadcast_in_dim3A_691 = vector.broadcast %jit3A_690 : i32 to vector<16xi32>
      %select_n3A_692 = arith.select %and3A_689, %sub3A_682, %broadcast_in_dim3A_691 : vector<16xi1>, vector<16xi32>
      %swap3A_693 = arith.constant 2 : i32
      %swap3A_694 = arith.index_cast %swap3A_693 : i32 to index
      %swap3A_695 = arith.constant 48 : index
      %swap3A_696 = tpu.vector_load %arg8[%swap3A_694, %swap3A_695] {strides = array<i32>} : memref<3x128xi32, #tpu.memory_space<vmem>>, vector<1x16xi32>,
      %swap3A_697 = vector.shape_cast %swap3A_696 : vector<1x16xi32> to vector<16xi32>
      %swap3A_698 = vector.shape_cast %select_n3A_692 : vector<16xi32> to vector<1x16xi32>
      tpu.vector_store %arg8[%swap3A_694, %swap3A_695], %swap3A_698 {strides = array<i32>} : memref<3x128xi32, #tpu.memory_space<vmem>>, vector<1x16xi32>,
      %get3A_699 = arith.constant 2 : i32
      %get3A_700 = arith.index_cast %get3A_699 : i32 to index
      %get3A_701 = arith.constant 192 : index
      %get3A_702 = tpu.vector_load %arg7[%get3A_700, %get3A_701] {strides = array<i32>} : memref<3x256xi32, #tpu.memory_space<vmem>>, vector<1x16xi32>,
      %get3A_703 = vector.shape_cast %get3A_702 : vector<1x16xi32> to vector<16xi32>
      %sub3A_704 = vector.broadcast %mul3A_0 : i32 to vector<16xi32>
      %sub3A_705 = arith.subi %get3A_703, %sub3A_704 : vector<16xi32>
      %ge3A_706 = arith.constant 0 : i32
      %ge3A_707 = vector.broadcast %ge3A_706 : i32 to vector<16xi32>
      %ge3A_708 = arith.cmpi sge, %sub3A_705, %ge3A_707 : vector<16xi32>
      %lt3A_709 = arith.constant 25024 : i32
      %lt3A_710 = vector.broadcast %lt3A_709 : i32 to vector<16xi32>
      %lt3A_711 = arith.cmpi slt, %sub3A_705, %lt3A_710 : vector<16xi32>
      %and3A_712 = arith.andi %ge3A_708, %lt3A_711 : vector<16xi1>
      %jit3A_713 = arith.constant 25024 : i32
      %broadcast_in_dim3A_714 = vector.broadcast %jit3A_713 : i32 to vector<16xi32>
      %select_n3A_715 = arith.select %and3A_712, %sub3A_705, %broadcast_in_dim3A_714 : vector<16xi1>, vector<16xi32>
      %swap3A_716 = arith.constant 2 : i32
      %swap3A_717 = arith.index_cast %swap3A_716 : i32 to index
      %swap3A_718 = arith.constant 64 : index
      %swap3A_719 = tpu.vector_load %arg8[%swap3A_717, %swap3A_718] {strides = array<i32>} : memref<3x128xi32, #tpu.memory_space<vmem>>, vector<1x16xi32>,
      %swap3A_720 = vector.shape_cast %swap3A_719 : vector<1x16xi32> to vector<16xi32>
      %swap3A_721 = vector.shape_cast %select_n3A_715 : vector<16xi32> to vector<1x16xi32>
      tpu.vector_store %arg8[%swap3A_717, %swap3A_718], %swap3A_721 {strides = array<i32>} : memref<3x128xi32, #tpu.memory_space<vmem>>, vector<1x16xi32>,
      %get3A_722 = arith.constant 2 : i32
      %get3A_723 = arith.index_cast %get3A_722 : i32 to index
      %get3A_724 = arith.constant 208 : index
      %get3A_725 = tpu.vector_load %arg7[%get3A_723, %get3A_724] {strides = array<i32>} : memref<3x256xi32, #tpu.memory_space<vmem>>, vector<1x16xi32>,
      %get3A_726 = vector.shape_cast %get3A_725 : vector<1x16xi32> to vector<16xi32>
      %sub3A_727 = vector.broadcast %mul3A_0 : i32 to vector<16xi32>
      %sub3A_728 = arith.subi %get3A_726, %sub3A_727 : vector<16xi32>
      %ge3A_729 = arith.constant 0 : i32
      %ge3A_730 = vector.broadcast %ge3A_729 : i32 to vector<16xi32>
      %ge3A_731 = arith.cmpi sge, %sub3A_728, %ge3A_730 : vector<16xi32>
      %lt3A_732 = arith.constant 25024 : i32
      %lt3A_733 = vector.broadcast %lt3A_732 : i32 to vector<16xi32>
      %lt3A_734 = arith.cmpi slt, %sub3A_728, %lt3A_733 : vector<16xi32>
      %and3A_735 = arith.andi %ge3A_731, %lt3A_734 : vector<16xi1>
      %jit3A_736 = arith.constant 25024 : i32
      %broadcast_in_dim3A_737 = vector.broadcast %jit3A_736 : i32 to vector<16xi32>
      %select_n3A_738 = arith.select %and3A_735, %sub3A_728, %broadcast_in_dim3A_737 : vector<16xi1>, vector<16xi32>
      %swap3A_739 = arith.constant 2 : i32
      %swap3A_740 = arith.index_cast %swap3A_739 : i32 to index
      %swap3A_741 = arith.constant 80 : index
      %swap3A_742 = tpu.vector_load %arg8[%swap3A_740, %swap3A_741] {strides = array<i32>} : memref<3x128xi32, #tpu.memory_space<vmem>>, vector<1x16xi32>,
      %swap3A_743 = vector.shape_cast %swap3A_742 : vector<1x16xi32> to vector<16xi32>
      %swap3A_744 = vector.shape_cast %select_n3A_738 : vector<16xi32> to vector<1x16xi32>
      tpu.vector_store %arg8[%swap3A_740, %swap3A_741], %swap3A_744 {strides = array<i32>} : memref<3x128xi32, #tpu.memory_space<vmem>>, vector<1x16xi32>,
      %get3A_745 = arith.constant 2 : i32
      %get3A_746 = arith.index_cast %get3A_745 : i32 to index
      %get3A_747 = arith.constant 224 : index
      %get3A_748 = tpu.vector_load %arg7[%get3A_746, %get3A_747] {strides = array<i32>} : memref<3x256xi32, #tpu.memory_space<vmem>>, vector<1x16xi32>,
      %get3A_749 = vector.shape_cast %get3A_748 : vector<1x16xi32> to vector<16xi32>
      %sub3A_750 = vector.broadcast %mul3A_0 : i32 to vector<16xi32>
      %sub3A_751 = arith.subi %get3A_749, %sub3A_750 : vector<16xi32>
      %ge3A_752 = arith.constant 0 : i32
      %ge3A_753 = vector.broadcast %ge3A_752 : i32 to vector<16xi32>
      %ge3A_754 = arith.cmpi sge, %sub3A_751, %ge3A_753 : vector<16xi32>
      %lt3A_755 = arith.constant 25024 : i32
      %lt3A_756 = vector.broadcast %lt3A_755 : i32 to vector<16xi32>
      %lt3A_757 = arith.cmpi slt, %sub3A_751, %lt3A_756 : vector<16xi32>
      %and3A_758 = arith.andi %ge3A_754, %lt3A_757 : vector<16xi1>
      %jit3A_759 = arith.constant 25024 : i32
      %broadcast_in_dim3A_760 = vector.broadcast %jit3A_759 : i32 to vector<16xi32>
      %select_n3A_761 = arith.select %and3A_758, %sub3A_751, %broadcast_in_dim3A_760 : vector<16xi1>, vector<16xi32>
      %swap3A_762 = arith.constant 2 : i32
      %swap3A_763 = arith.index_cast %swap3A_762 : i32 to index
      %swap3A_764 = arith.constant 96 : index
      %swap3A_765 = tpu.vector_load %arg8[%swap3A_763, %swap3A_764] {strides = array<i32>} : memref<3x128xi32, #tpu.memory_space<vmem>>, vector<1x16xi32>,
      %swap3A_766 = vector.shape_cast %swap3A_765 : vector<1x16xi32> to vector<16xi32>
      %swap3A_767 = vector.shape_cast %select_n3A_761 : vector<16xi32> to vector<1x16xi32>
      tpu.vector_store %arg8[%swap3A_763, %swap3A_764], %swap3A_767 {strides = array<i32>} : memref<3x128xi32, #tpu.memory_space<vmem>>, vector<1x16xi32>,
      %get3A_768 = arith.constant 2 : i32
      %get3A_769 = arith.index_cast %get3A_768 : i32 to index
      %get3A_770 = arith.constant 240 : index
      %get3A_771 = tpu.vector_load %arg7[%get3A_769, %get3A_770] {strides = array<i32>} : memref<3x256xi32, #tpu.memory_space<vmem>>, vector<1x16xi32>,
      %get3A_772 = vector.shape_cast %get3A_771 : vector<1x16xi32> to vector<16xi32>
      %sub3A_773 = vector.broadcast %mul3A_0 : i32 to vector<16xi32>
      %sub3A_774 = arith.subi %get3A_772, %sub3A_773 : vector<16xi32>
      %ge3A_775 = arith.constant 0 : i32
      %ge3A_776 = vector.broadcast %ge3A_775 : i32 to vector<16xi32>
      %ge3A_777 = arith.cmpi sge, %sub3A_774, %ge3A_776 : vector<16xi32>
      %lt3A_778 = arith.constant 25024 : i32
      %lt3A_779 = vector.broadcast %lt3A_778 : i32 to vector<16xi32>
      %lt3A_780 = arith.cmpi slt, %sub3A_774, %lt3A_779 : vector<16xi32>
      %and3A_781 = arith.andi %ge3A_777, %lt3A_780 : vector<16xi1>
      %jit3A_782 = arith.constant 25024 : i32
      %broadcast_in_dim3A_783 = vector.broadcast %jit3A_782 : i32 to vector<16xi32>
      %select_n3A_784 = arith.select %and3A_781, %sub3A_774, %broadcast_in_dim3A_783 : vector<16xi1>, vector<16xi32>
      %swap3A_785 = arith.constant 2 : i32
      %swap3A_786 = arith.index_cast %swap3A_785 : i32 to index
      %swap3A_787 = arith.constant 112 : index
      %swap3A_788 = tpu.vector_load %arg8[%swap3A_786, %swap3A_787] {strides = array<i32>} : memref<3x128xi32, #tpu.memory_space<vmem>>, vector<1x16xi32>,
      %swap3A_789 = vector.shape_cast %swap3A_788 : vector<1x16xi32> to vector<16xi32>
      %swap3A_790 = vector.shape_cast %select_n3A_784 : vector<16xi32> to vector<1x16xi32>
      tpu.vector_store %arg8[%swap3A_786, %swap3A_787], %swap3A_790 {strides = array<i32>} : memref<3x128xi32, #tpu.memory_space<vmem>>, vector<1x16xi32>,
      %dma_start3A_791 = arith.constant 2 : i32
      %dma_start3A_792 = arith.constant 2 : i32
      %dma_start3A_793 = arith.constant 0 : i32
      %dma_start3A_794 = arith.constant 0 : i32
      %dma_start3A_795 = tpu.memref_slice %arg9[%dma_start3A_792, %dma_start3A_793, %dma_start3A_794] : memref<3x128x64xf32, #tpu.memory_space<vmem>> -> memref<1x128x64xf32, #tpu.memory_space<vmem>>
      %dma_start3A_796 = tpu.memref_squeeze %dma_start3A_795 : memref<1x128x64xf32, #tpu.memory_space<vmem>> -> memref<128x64xf32, #tpu.memory_space<vmem>>
      %dma_start3A_797 = arith.constant 0 : i32
      %dma_start3A_798 = tpu.memref_slice %arg7[%dma_start3A_791, %dma_start3A_797] : memref<3x256xi32, #tpu.memory_space<vmem>> -> memref<1x128xi32, #tpu.memory_space<vmem>>
      %dma_start3A_799 = tpu.memref_squeeze %dma_start3A_798 : memref<1x128xi32, #tpu.memory_space<vmem>> -> memref<128xi32, #tpu.memory_space<vmem>>
      %dma_start3A_800 = arith.constant 0 : i32
      %dma_start3A_801 = arith.constant 0 : i32
      %dma_start3A_802 = tpu.memref_slice %arg2[%dma_start3A_800, %dma_start3A_801] : memref<50048x64xf32, #tpu.memory_space<hbm>> -> memref<50048x64xf32, #tpu.memory_space<hbm>>
      tpu.enqueue_indirect_dma source(%dma_start3A_802 : memref<50048x64xf32, #tpu.memory_space<hbm>>) target(%dma_start3A_796 : memref<128x64xf32, #tpu.memory_space<vmem>>) offsets(%dma_start3A_799 : memref<128xi32, #tpu.memory_space<vmem>>) semaphore(%arg15 : memref<!tpu.dma_semaphore, #tpu.memory_space<semaphore_mem>>)
      %dma_wait3A_803 = arith.constant 1 : i32
      %dma_wait3A_804 = arith.constant 1 : i32
      %dma_wait3A_805 = arith.constant 0 : i32
      %dma_wait3A_806 = arith.constant 0 : i32
      %dma_wait3A_807 = tpu.memref_slice %arg9[%dma_wait3A_804, %dma_wait3A_805, %dma_wait3A_806] : memref<3x128x64xf32, #tpu.memory_space<vmem>> -> memref<1x128x64xf32, #tpu.memory_space<vmem>>
      %dma_wait3A_808 = tpu.memref_squeeze %dma_wait3A_807 : memref<1x128x64xf32, #tpu.memory_space<vmem>> -> memref<128x64xf32, #tpu.memory_space<vmem>>
      %dma_wait3A_809 = arith.constant 0 : i32
      %dma_wait3A_810 = tpu.memref_slice %arg7[%dma_wait3A_803, %dma_wait3A_809] : memref<3x256xi32, #tpu.memory_space<vmem>> -> memref<1x128xi32, #tpu.memory_space<vmem>>
      %dma_wait3A_811 = tpu.memref_squeeze %dma_wait3A_810 : memref<1x128xi32, #tpu.memory_space<vmem>> -> memref<128xi32, #tpu.memory_space<vmem>>
      %dma_wait3A_812 = arith.constant 0 : i32
      %dma_wait3A_813 = arith.constant 0 : i32
      %dma_wait3A_814 = tpu.memref_slice %arg2[%dma_wait3A_812, %dma_wait3A_813] : memref<50048x64xf32, #tpu.memory_space<hbm>> -> memref<50048x64xf32, #tpu.memory_space<hbm>>
      tpu.wait_indirect_dma semaphore(%arg14 : memref<!tpu.dma_semaphore, #tpu.memory_space<semaphore_mem>>) src(%dma_wait3A_814 : memref<50048x64xf32, #tpu.memory_space<hbm>>) dst(%dma_wait3A_808 : memref<128x64xf32, #tpu.memory_space<vmem>>)
      %dma_start3A_815 = arith.constant 1 : i32
      %dma_start3A_816 = arith.constant 1 : i32
      %dma_start3A_817 = arith.constant 0 : i32
      %dma_start3A_818 = arith.constant 0 : i32
      %dma_start3A_819 = tpu.memref_slice %arg9[%dma_start3A_815, %dma_start3A_817, %dma_start3A_818] : memref<3x128x64xf32, #tpu.memory_space<vmem>> -> memref<1x128x64xf32, #tpu.memory_space<vmem>>
      %dma_start3A_820 = tpu.memref_squeeze %dma_start3A_819 : memref<1x128x64xf32, #tpu.memory_space<vmem>> -> memref<128x64xf32, #tpu.memory_space<vmem>>
      %dma_start3A_821 = arith.constant 0 : i32
      %dma_start3A_822 = tpu.memref_slice %arg8[%dma_start3A_816, %dma_start3A_821] : memref<3x128xi32, #tpu.memory_space<vmem>> -> memref<1x128xi32, #tpu.memory_space<vmem>>
      %dma_start3A_823 = tpu.memref_squeeze %dma_start3A_822 : memref<1x128xi32, #tpu.memory_space<vmem>> -> memref<128xi32, #tpu.memory_space<vmem>>
      %dma_start3A_824 = arith.constant 0 : i32
      %dma_start3A_825 = arith.constant 0 : i32
      %dma_start3A_826 = tpu.memref_slice %arg6[%dma_start3A_824, %dma_start3A_825] : memref<25032x64xf32, #tpu.memory_space<vmem_shared>> -> memref<25032x64xf32, #tpu.memory_space<vmem_shared>>
      tpu.enqueue_indirect_dma source(%dma_start3A_820 : memref<128x64xf32, #tpu.memory_space<vmem>>) target(%dma_start3A_826 : memref<25032x64xf32, #tpu.memory_space<vmem_shared>>) offsets(%dma_start3A_823 : memref<128xi32, #tpu.memory_space<vmem>>) semaphore(%arg17 : memref<!tpu.dma_semaphore, #tpu.memory_space<semaphore_mem>>) {add = true}
      %le3A_827 = arith.constant 132 : i32
      %le3A_828 = arith.cmpi sle, %scan3A_105, %le3A_827 : i32
      %convert_element_type3A_829 = arith.extui %le3A_828 : i1 to i32
      %cond3A_830 = arith.constant 0 : i32
      %cond3A_831 = arith.cmpi ne, %convert_element_type3A_829, %cond3A_830 : i32
      scf.if %cond3A_831 {
        %add3A_832 = arith.constant 2 : i32
        %add3A_833 = arith.addi %add3A_587, %add3A_832 : i32
        %mul3A_834 = arith.constant 402 : i32
        %mul3A_835 = arith.muli %arg1, %mul3A_834 : i32
        %add3A_836 = arith.addi %mul3A_835, %add3A_833 : i32
        %mul3A_837 = arith.constant 256 : i32
        %mul3A_838 = arith.muli %add3A_836, %mul3A_837 : i32
        %dma_start3A_839 = arith.constant 1 : i32
        %dma_start3A_840 = arith.constant 0 : i32
        %dma_start3A_841 = tpu.memref_slice %arg7[%dma_start3A_839, %dma_start3A_840] : memref<3x256xi32, #tpu.memory_space<vmem>> -> memref<1x256xi32, #tpu.memory_space<vmem>>
        %dma_start3A_842 = tpu.memref_squeeze %dma_start3A_841 : memref<1x256xi32, #tpu.memory_space<vmem>> -> memref<256xi32, #tpu.memory_space<vmem>>
        %dma_start3A_843 = tpu.memref_slice %arg3[%mul3A_838] : memref<1646592xi32, #tpu.memory_space<hbm>> -> memref<256xi32, #tpu.memory_space<hbm>>
        %dma_start3A_844 = arith.constant 0 : i32
        %dma_start3A_845 = tpu.memref_slice %arg7[%dma_start3A_839, %dma_start3A_844] : memref<3x256xi32, #tpu.memory_space<vmem>> -> memref<1x256xi32, #tpu.memory_space<vmem>>
        %dma_start3A_846 = tpu.memref_squeeze %dma_start3A_845 : memref<1x256xi32, #tpu.memory_space<vmem>> -> memref<256xi32, #tpu.memory_space<vmem>>
        %dma_start3A_847 = tpu.memref_slice %arg3[%mul3A_838] : memref<1646592xi32, #tpu.memory_space<hbm>> -> memref<256xi32, #tpu.memory_space<hbm>>
        tpu.enqueue_dma source(%dma_start3A_847 : memref<256xi32, #tpu.memory_space<hbm>>) target(%dma_start3A_846 : memref<256xi32, #tpu.memory_space<vmem>>) target_semaphore(%arg11 : memref<!tpu.dma_semaphore, #tpu.memory_space<semaphore_mem>>)
      } else {
      }
    }
    %scan3A_37 = arith.constant 134 : i32
    %dma_wait3A = arith.constant 2 : i32
    %dma_wait3A_38 = arith.constant 2 : i32
    %dma_wait3A_39 = arith.constant 0 : i32
    %dma_wait3A_40 = arith.constant 0 : i32
    %dma_wait3A_41 = tpu.memref_slice %arg9[%dma_wait3A_38, %dma_wait3A_39, %dma_wait3A_40] : memref<3x128x64xf32, #tpu.memory_space<vmem>> -> memref<1x128x64xf32, #tpu.memory_space<vmem>>
    %dma_wait3A_42 = tpu.memref_squeeze %dma_wait3A_41 : memref<1x128x64xf32, #tpu.memory_space<vmem>> -> memref<128x64xf32, #tpu.memory_space<vmem>>
    %dma_wait3A_43 = arith.constant 0 : i32
    %dma_wait3A_44 = tpu.memref_slice %arg7[%dma_wait3A, %dma_wait3A_43] : memref<3x256xi32, #tpu.memory_space<vmem>> -> memref<1x128xi32, #tpu.memory_space<vmem>>
    %dma_wait3A_45 = tpu.memref_squeeze %dma_wait3A_44 : memref<1x128xi32, #tpu.memory_space<vmem>> -> memref<128xi32, #tpu.memory_space<vmem>>
    %dma_wait3A_46 = arith.constant 0 : i32
    %dma_wait3A_47 = arith.constant 0 : i32
    %dma_wait3A_48 = tpu.memref_slice %arg2[%dma_wait3A_46, %dma_wait3A_47] : memref<50048x64xf32, #tpu.memory_space<hbm>> -> memref<50048x64xf32, #tpu.memory_space<hbm>>
    tpu.wait_indirect_dma semaphore(%arg15 : memref<!tpu.dma_semaphore, #tpu.memory_space<semaphore_mem>>) src(%dma_wait3A_48 : memref<50048x64xf32, #tpu.memory_space<hbm>>) dst(%dma_wait3A_42 : memref<128x64xf32, #tpu.memory_space<vmem>>)
    %dma_start3A_49 = arith.constant 2 : i32
    %dma_start3A_50 = arith.constant 2 : i32
    %dma_start3A_51 = arith.constant 0 : i32
    %dma_start3A_52 = arith.constant 0 : i32
    %dma_start3A_53 = tpu.memref_slice %arg9[%dma_start3A_49, %dma_start3A_51, %dma_start3A_52] : memref<3x128x64xf32, #tpu.memory_space<vmem>> -> memref<1x128x64xf32, #tpu.memory_space<vmem>>
    %dma_start3A_54 = tpu.memref_squeeze %dma_start3A_53 : memref<1x128x64xf32, #tpu.memory_space<vmem>> -> memref<128x64xf32, #tpu.memory_space<vmem>>
    %dma_start3A_55 = arith.constant 0 : i32
    %dma_start3A_56 = tpu.memref_slice %arg8[%dma_start3A_50, %dma_start3A_55] : memref<3x128xi32, #tpu.memory_space<vmem>> -> memref<1x128xi32, #tpu.memory_space<vmem>>
    %dma_start3A_57 = tpu.memref_squeeze %dma_start3A_56 : memref<1x128xi32, #tpu.memory_space<vmem>> -> memref<128xi32, #tpu.memory_space<vmem>>
    %dma_start3A_58 = arith.constant 0 : i32
    %dma_start3A_59 = arith.constant 0 : i32
    %dma_start3A_60 = tpu.memref_slice %arg6[%dma_start3A_58, %dma_start3A_59] : memref<25032x64xf32, #tpu.memory_space<vmem_shared>> -> memref<25032x64xf32, #tpu.memory_space<vmem_shared>>
    tpu.enqueue_indirect_dma source(%dma_start3A_54 : memref<128x64xf32, #tpu.memory_space<vmem>>) target(%dma_start3A_60 : memref<25032x64xf32, #tpu.memory_space<vmem_shared>>) offsets(%dma_start3A_57 : memref<128xi32, #tpu.memory_space<vmem>>) semaphore(%arg18 : memref<!tpu.dma_semaphore, #tpu.memory_space<semaphore_mem>>) {add = true}
    %dma_wait3A_61 = arith.constant 0 : i32
    %dma_wait3A_62 = arith.constant 0 : i32
    %dma_wait3A_63 = arith.constant 0 : i32
    %dma_wait3A_64 = arith.constant 0 : i32
    %dma_wait3A_65 = tpu.memref_slice %arg9[%dma_wait3A_61, %dma_wait3A_63, %dma_wait3A_64] : memref<3x128x64xf32, #tpu.memory_space<vmem>> -> memref<1x128x64xf32, #tpu.memory_space<vmem>>
    %dma_wait3A_66 = tpu.memref_squeeze %dma_wait3A_65 : memref<1x128x64xf32, #tpu.memory_space<vmem>> -> memref<128x64xf32, #tpu.memory_space<vmem>>
    %dma_wait3A_67 = arith.constant 0 : i32
    %dma_wait3A_68 = tpu.memref_slice %arg8[%dma_wait3A_62, %dma_wait3A_67] : memref<3x128xi32, #tpu.memory_space<vmem>> -> memref<1x128xi32, #tpu.memory_space<vmem>>
    %dma_wait3A_69 = tpu.memref_squeeze %dma_wait3A_68 : memref<1x128xi32, #tpu.memory_space<vmem>> -> memref<128xi32, #tpu.memory_space<vmem>>
    %dma_wait3A_70 = arith.constant 0 : i32
    %dma_wait3A_71 = arith.constant 0 : i32
    %dma_wait3A_72 = tpu.memref_slice %arg6[%dma_wait3A_70, %dma_wait3A_71] : memref<25032x64xf32, #tpu.memory_space<vmem_shared>> -> memref<25032x64xf32, #tpu.memory_space<vmem_shared>>
    tpu.wait_indirect_dma semaphore(%arg16 : memref<!tpu.dma_semaphore, #tpu.memory_space<semaphore_mem>>) src(%dma_wait3A_66 : memref<128x64xf32, #tpu.memory_space<vmem>>) dst(%dma_wait3A_72 : memref<25032x64xf32, #tpu.memory_space<vmem_shared>>)
    %dma_wait3A_73 = arith.constant 1 : i32
    %dma_wait3A_74 = arith.constant 1 : i32
    %dma_wait3A_75 = arith.constant 0 : i32
    %dma_wait3A_76 = arith.constant 0 : i32
    %dma_wait3A_77 = tpu.memref_slice %arg9[%dma_wait3A_73, %dma_wait3A_75, %dma_wait3A_76] : memref<3x128x64xf32, #tpu.memory_space<vmem>> -> memref<1x128x64xf32, #tpu.memory_space<vmem>>
    %dma_wait3A_78 = tpu.memref_squeeze %dma_wait3A_77 : memref<1x128x64xf32, #tpu.memory_space<vmem>> -> memref<128x64xf32, #tpu.memory_space<vmem>>
    %dma_wait3A_79 = arith.constant 0 : i32
    %dma_wait3A_80 = tpu.memref_slice %arg8[%dma_wait3A_74, %dma_wait3A_79] : memref<3x128xi32, #tpu.memory_space<vmem>> -> memref<1x128xi32, #tpu.memory_space<vmem>>
    %dma_wait3A_81 = tpu.memref_squeeze %dma_wait3A_80 : memref<1x128xi32, #tpu.memory_space<vmem>> -> memref<128xi32, #tpu.memory_space<vmem>>
    %dma_wait3A_82 = arith.constant 0 : i32
    %dma_wait3A_83 = arith.constant 0 : i32
    %dma_wait3A_84 = tpu.memref_slice %arg6[%dma_wait3A_82, %dma_wait3A_83] : memref<25032x64xf32, #tpu.memory_space<vmem_shared>> -> memref<25032x64xf32, #tpu.memory_space<vmem_shared>>
    tpu.wait_indirect_dma semaphore(%arg17 : memref<!tpu.dma_semaphore, #tpu.memory_space<semaphore_mem>>) src(%dma_wait3A_78 : memref<128x64xf32, #tpu.memory_space<vmem>>) dst(%dma_wait3A_84 : memref<25032x64xf32, #tpu.memory_space<vmem_shared>>)
    %dma_wait3A_85 = arith.constant 2 : i32
    %dma_wait3A_86 = arith.constant 2 : i32
    %dma_wait3A_87 = arith.constant 0 : i32
    %dma_wait3A_88 = arith.constant 0 : i32
    %dma_wait3A_89 = tpu.memref_slice %arg9[%dma_wait3A_85, %dma_wait3A_87, %dma_wait3A_88] : memref<3x128x64xf32, #tpu.memory_space<vmem>> -> memref<1x128x64xf32, #tpu.memory_space<vmem>>
    %dma_wait3A_90 = tpu.memref_squeeze %dma_wait3A_89 : memref<1x128x64xf32, #tpu.memory_space<vmem>> -> memref<128x64xf32, #tpu.memory_space<vmem>>
    %dma_wait3A_91 = arith.constant 0 : i32
    %dma_wait3A_92 = tpu.memref_slice %arg8[%dma_wait3A_86, %dma_wait3A_91] : memref<3x128xi32, #tpu.memory_space<vmem>> -> memref<1x128xi32, #tpu.memory_space<vmem>>
    %dma_wait3A_93 = tpu.memref_squeeze %dma_wait3A_92 : memref<1x128xi32, #tpu.memory_space<vmem>> -> memref<128xi32, #tpu.memory_space<vmem>>
    %dma_wait3A_94 = arith.constant 0 : i32
    %dma_wait3A_95 = arith.constant 0 : i32
    %dma_wait3A_96 = tpu.memref_slice %arg6[%dma_wait3A_94, %dma_wait3A_95] : memref<25032x64xf32, #tpu.memory_space<vmem_shared>> -> memref<25032x64xf32, #tpu.memory_space<vmem_shared>>
    tpu.wait_indirect_dma semaphore(%arg18 : memref<!tpu.dma_semaphore, #tpu.memory_space<semaphore_mem>>) src(%dma_wait3A_90 : memref<128x64xf32, #tpu.memory_space<vmem>>) dst(%dma_wait3A_96 : memref<25032x64xf32, #tpu.memory_space<vmem_shared>>)
    %barrier3A_97 = arith.constant 0 : index
    tpu.barrier barrier_id(%barrier3A_97)
    %mul3A_98 = arith.constant 1564 : i32
    %mul3A_99 = arith.muli %arg1, %mul3A_98 : i32
    %mul3A_100 = arith.constant 25024 : i32
    %mul3A_101 = arith.muli %arg0, %mul3A_100 : i32
    %mul3A_102 = arith.constant 1564 : i32
    %mul3A_103 = arith.muli %arg1, %mul3A_102 : i32
    %add3A_104 = arith.addi %mul3A_101, %mul3A_103 : i32
    "tpu.region"() ({
      %run_scoped3A = tpu.sem_alloc : memref<!tpu.dma_semaphore, #tpu.memory_space<semaphore_mem>>
      %dma_start3A_105 = arith.constant 0 : i32
      %dma_start3A_106 = tpu.memref_slice %arg5[%add3A_104, %dma_start3A_105] : memref<50048x64xf32, #tpu.memory_space<hbm>> -> memref<1564x64xf32, #tpu.memory_space<hbm>>
      %dma_start3A_107 = arith.constant 0 : i32
      %dma_start3A_108 = tpu.memref_slice %arg6[%mul3A_99, %dma_start3A_107] : memref<25032x64xf32, #tpu.memory_space<vmem_shared>> -> memref<1564x64xf32, #tpu.memory_space<vmem_shared>>
      tpu.enqueue_dma source(%dma_start3A_108 : memref<1564x64xf32, #tpu.memory_space<vmem_shared>>) target(%dma_start3A_106 : memref<1564x64xf32, #tpu.memory_space<hbm>>) target_semaphore(%run_scoped3A : memref<!tpu.dma_semaphore, #tpu.memory_space<semaphore_mem>>)
      %dma_wait3A_109 = arith.constant 0 : i32
      %dma_wait3A_110 = tpu.memref_slice %arg5[%add3A_104, %dma_wait3A_109] : memref<50048x64xf32, #tpu.memory_space<hbm>> -> memref<1564x64xf32, #tpu.memory_space<hbm>>
      %dma_wait3A_111 = arith.constant 0 : i32
      %dma_wait3A_112 = tpu.memref_slice %arg6[%mul3A_99, %dma_wait3A_111] : memref<25032x64xf32, #tpu.memory_space<vmem_shared>> -> memref<1564x64xf32, #tpu.memory_space<vmem_shared>>
      tpu.wait_dma2 semaphore(%run_scoped3A : memref<!tpu.dma_semaphore, #tpu.memory_space<semaphore_mem>>) src(%dma_wait3A_112 : memref<1564x64xf32, #tpu.memory_space<vmem_shared>>) dst(%dma_wait3A_110 : memref<1564x64xf32, #tpu.memory_space<hbm>>)
      tpu.yield
    }) : () -> ()
    return
  }
}

#map = affine_map<(d0, d1) -> (0)>
#map1 = affine_map<(d0, d1) -> (0, 0)>
module attributes {stable_mosaic.version = 14 : i64} {
  func.func @_deg_pass(%arg0: i32, %arg1: i32, %arg2: memref<1646592xi32, #tpu.memory_space<hbm>>, %arg3: memref<128x16xf32, #tpu.memory_space<hbm>>, %arg4: memref<3128x16xf32, #tpu.memory_space<hbm>>, %arg5: memref<100096x16xf32, #tpu.memory_space<hbm>>, %arg6: memref<50064x16xf32, #tpu.memory_space<vmem_shared>>, %arg7: memref<3x256xi32, #tpu.memory_space<vmem>>, %arg8: memref<3x128xi32, #tpu.memory_space<vmem>>, %arg9: memref<128x16xf32, #tpu.memory_space<vmem>>, %arg10: memref<!tpu.dma_semaphore, #tpu.memory_space<semaphore_mem>>, %arg11: memref<!tpu.dma_semaphore, #tpu.memory_space<semaphore_mem>>, %arg12: memref<!tpu.dma_semaphore, #tpu.memory_space<semaphore_mem>>, %arg13: memref<!tpu.dma_semaphore, #tpu.memory_space<semaphore_mem>>, %arg14: memref<!tpu.dma_semaphore, #tpu.memory_space<semaphore_mem>>, %arg15: memref<!tpu.dma_semaphore, #tpu.memory_space<semaphore_mem>>) attributes {dimension_semantics = [#tpu.dimension_semantics<core_parallel>, #tpu.dimension_semantics<subcore_parallel>], iteration_bounds = array<i64: 2, 16>, scalar_prefetch = 0 : i64, scratch_operands = 10 : i64, tpu.core_type = #tpu.core_type<sc_vector_subcore>, window_params = [{transform_indices = #map}, {transform_indices = #map1}, {transform_indices = #map1}, {transform_indices = #map1}]} {
    %mul3A = arith.constant 16 : i32
    %mul3A_0 = arith.muli %arg0, %mul3A : i32
    %add3A = arith.addi %mul3A_0, %arg1 : i32
    %mul3A_1 = arith.constant 3128 : i32
    %mul3A_2 = arith.muli %arg1, %mul3A_1 : i32
    "tpu.region"() ({
      %run_scoped3A = tpu.sem_alloc : memref<!tpu.dma_semaphore, #tpu.memory_space<semaphore_mem>>
      %dma_start3A_74 = arith.constant 0 : i32
      %dma_start3A_75 = tpu.memref_slice %arg6[%mul3A_2, %dma_start3A_74] : memref<50064x16xf32, #tpu.memory_space<vmem_shared>> -> memref<3128x16xf32, #tpu.memory_space<vmem_shared>>
      %dma_start3A_76 = arith.constant 0 : i32
      %dma_start3A_77 = arith.constant 0 : i32
      %dma_start3A_78 = tpu.memref_slice %arg4[%dma_start3A_76, %dma_start3A_77] : memref<3128x16xf32, #tpu.memory_space<hbm>> -> memref<3128x16xf32, #tpu.memory_space<hbm>>
      tpu.enqueue_dma source(%dma_start3A_78 : memref<3128x16xf32, #tpu.memory_space<hbm>>) target(%dma_start3A_75 : memref<3128x16xf32, #tpu.memory_space<vmem_shared>>) target_semaphore(%run_scoped3A : memref<!tpu.dma_semaphore, #tpu.memory_space<semaphore_mem>>)
      %dma_wait3A_79 = arith.constant 0 : i32
      %dma_wait3A_80 = tpu.memref_slice %arg6[%mul3A_2, %dma_wait3A_79] : memref<50064x16xf32, #tpu.memory_space<vmem_shared>> -> memref<3128x16xf32, #tpu.memory_space<vmem_shared>>
      %dma_wait3A_81 = arith.constant 0 : i32
      %dma_wait3A_82 = arith.constant 0 : i32
      %dma_wait3A_83 = tpu.memref_slice %arg4[%dma_wait3A_81, %dma_wait3A_82] : memref<3128x16xf32, #tpu.memory_space<hbm>> -> memref<3128x16xf32, #tpu.memory_space<hbm>>
      tpu.wait_dma2 semaphore(%run_scoped3A : memref<!tpu.dma_semaphore, #tpu.memory_space<semaphore_mem>>) src(%dma_wait3A_83 : memref<3128x16xf32, #tpu.memory_space<hbm>>) dst(%dma_wait3A_80 : memref<3128x16xf32, #tpu.memory_space<vmem_shared>>)
      tpu.yield
    }) : () -> ()
    %eq3A = arith.constant 0 : i32
    %eq3A_3 = arith.cmpi eq, %arg1, %eq3A : i32
    %convert_element_type3A = arith.extui %eq3A_3 : i1 to i32
    %cond3A = arith.constant 0 : i32
    %cond3A_4 = arith.cmpi ne, %convert_element_type3A, %cond3A : i32
    scf.if %cond3A_4 {
      "tpu.region"() ({
        %run_scoped3A = tpu.sem_alloc : memref<!tpu.dma_semaphore, #tpu.memory_space<semaphore_mem>>
        %dma_start3A_74 = arith.constant 50048 : i32
        %dma_start3A_75 = arith.constant 0 : i32
        %dma_start3A_76 = tpu.memref_slice %arg6[%dma_start3A_74, %dma_start3A_75] : memref<50064x16xf32, #tpu.memory_space<vmem_shared>> -> memref<16x16xf32, #tpu.memory_space<vmem_shared>>
        %dma_start3A_77 = arith.constant 0 : i32
        %dma_start3A_78 = arith.constant 0 : i32
        %dma_start3A_79 = tpu.memref_slice %arg4[%dma_start3A_77, %dma_start3A_78] : memref<3128x16xf32, #tpu.memory_space<hbm>> -> memref<16x16xf32, #tpu.memory_space<hbm>>
        tpu.enqueue_dma source(%dma_start3A_79 : memref<16x16xf32, #tpu.memory_space<hbm>>) target(%dma_start3A_76 : memref<16x16xf32, #tpu.memory_space<vmem_shared>>) target_semaphore(%run_scoped3A : memref<!tpu.dma_semaphore, #tpu.memory_space<semaphore_mem>>)
        %dma_wait3A_80 = arith.constant 50048 : i32
        %dma_wait3A_81 = arith.constant 0 : i32
        %dma_wait3A_82 = tpu.memref_slice %arg6[%dma_wait3A_80, %dma_wait3A_81] : memref<50064x16xf32, #tpu.memory_space<vmem_shared>> -> memref<16x16xf32, #tpu.memory_space<vmem_shared>>
        %dma_wait3A_83 = arith.constant 0 : i32
        %dma_wait3A_84 = arith.constant 0 : i32
        %dma_wait3A_85 = tpu.memref_slice %arg4[%dma_wait3A_83, %dma_wait3A_84] : memref<3128x16xf32, #tpu.memory_space<hbm>> -> memref<16x16xf32, #tpu.memory_space<hbm>>
        tpu.wait_dma2 semaphore(%run_scoped3A : memref<!tpu.dma_semaphore, #tpu.memory_space<semaphore_mem>>) src(%dma_wait3A_85 : memref<16x16xf32, #tpu.memory_space<hbm>>) dst(%dma_wait3A_82 : memref<16x16xf32, #tpu.memory_space<vmem_shared>>)
        tpu.yield
      }) : () -> ()
    } else {
    }
    "tpu.region"() ({
      %run_scoped3A = tpu.sem_alloc : memref<!tpu.dma_semaphore, #tpu.memory_space<semaphore_mem>>
      tpu.enqueue_dma source(%arg3 : memref<128x16xf32, #tpu.memory_space<hbm>>) target(%arg9 : memref<128x16xf32, #tpu.memory_space<vmem>>) target_semaphore(%run_scoped3A : memref<!tpu.dma_semaphore, #tpu.memory_space<semaphore_mem>>)
      tpu.wait_dma2 semaphore(%run_scoped3A : memref<!tpu.dma_semaphore, #tpu.memory_space<semaphore_mem>>) src(%arg3 : memref<128x16xf32, #tpu.memory_space<hbm>>) dst(%arg9 : memref<128x16xf32, #tpu.memory_space<vmem>>)
      tpu.yield
    }) : () -> ()
    %barrier3A = arith.constant 0 : index
    tpu.barrier barrier_id(%barrier3A)
    %mul3A_5 = arith.constant 201 : i32
    %mul3A_6 = arith.muli %add3A, %mul3A_5 : i32
    %add3A_7 = arith.constant 0 : i32
    %add3A_8 = arith.addi %mul3A_6, %add3A_7 : i32
    %mul3A_9 = arith.constant 256 : i32
    %mul3A_10 = arith.muli %add3A_8, %mul3A_9 : i32
    %dma_start3A = arith.constant 0 : i32
    %dma_start3A_11 = arith.constant 0 : i32
    %dma_start3A_12 = tpu.memref_slice %arg7[%dma_start3A, %dma_start3A_11] : memref<3x256xi32, #tpu.memory_space<vmem>> -> memref<1x256xi32, #tpu.memory_space<vmem>>
    %dma_start3A_13 = tpu.memref_squeeze %dma_start3A_12 : memref<1x256xi32, #tpu.memory_space<vmem>> -> memref<256xi32, #tpu.memory_space<vmem>>
    %dma_start3A_14 = tpu.memref_slice %arg2[%mul3A_10] : memref<1646592xi32, #tpu.memory_space<hbm>> -> memref<256xi32, #tpu.memory_space<hbm>>
    %dma_start3A_15 = arith.constant 0 : i32
    %dma_start3A_16 = tpu.memref_slice %arg7[%dma_start3A, %dma_start3A_15] : memref<3x256xi32, #tpu.memory_space<vmem>> -> memref<1x256xi32, #tpu.memory_space<vmem>>
    %dma_start3A_17 = tpu.memref_squeeze %dma_start3A_16 : memref<1x256xi32, #tpu.memory_space<vmem>> -> memref<256xi32, #tpu.memory_space<vmem>>
    %dma_start3A_18 = tpu.memref_slice %arg2[%mul3A_10] : memref<1646592xi32, #tpu.memory_space<hbm>> -> memref<256xi32, #tpu.memory_space<hbm>>
    tpu.enqueue_dma source(%dma_start3A_18 : memref<256xi32, #tpu.memory_space<hbm>>) target(%dma_start3A_17 : memref<256xi32, #tpu.memory_space<vmem>>) target_semaphore(%arg10 : memref<!tpu.dma_semaphore, #tpu.memory_space<semaphore_mem>>)
    %mul3A_19 = arith.constant 201 : i32
    %mul3A_20 = arith.muli %add3A, %mul3A_19 : i32
    %add3A_21 = arith.constant 1 : i32
    %add3A_22 = arith.addi %mul3A_20, %add3A_21 : i32
    %mul3A_23 = arith.constant 256 : i32
    %mul3A_24 = arith.muli %add3A_22, %mul3A_23 : i32
    %dma_start3A_25 = arith.constant 1 : i32
    %dma_start3A_26 = arith.constant 0 : i32
    %dma_start3A_27 = tpu.memref_slice %arg7[%dma_start3A_25, %dma_start3A_26] : memref<3x256xi32, #tpu.memory_space<vmem>> -> memref<1x256xi32, #tpu.memory_space<vmem>>
    %dma_start3A_28 = tpu.memref_squeeze %dma_start3A_27 : memref<1x256xi32, #tpu.memory_space<vmem>> -> memref<256xi32, #tpu.memory_space<vmem>>
    %dma_start3A_29 = tpu.memref_slice %arg2[%mul3A_24] : memref<1646592xi32, #tpu.memory_space<hbm>> -> memref<256xi32, #tpu.memory_space<hbm>>
    %dma_start3A_30 = arith.constant 0 : i32
    %dma_start3A_31 = tpu.memref_slice %arg7[%dma_start3A_25, %dma_start3A_30] : memref<3x256xi32, #tpu.memory_space<vmem>> -> memref<1x256xi32, #tpu.memory_space<vmem>>
    %dma_start3A_32 = tpu.memref_squeeze %dma_start3A_31 : memref<1x256xi32, #tpu.memory_space<vmem>> -> memref<256xi32, #tpu.memory_space<vmem>>
    %dma_start3A_33 = tpu.memref_slice %arg2[%mul3A_24] : memref<1646592xi32, #tpu.memory_space<hbm>> -> memref<256xi32, #tpu.memory_space<hbm>>
    tpu.enqueue_dma source(%dma_start3A_33 : memref<256xi32, #tpu.memory_space<hbm>>) target(%dma_start3A_32 : memref<256xi32, #tpu.memory_space<vmem>>) target_semaphore(%arg11 : memref<!tpu.dma_semaphore, #tpu.memory_space<semaphore_mem>>)
    %scan3A = arith.constant 0 : i32
    %scan3A_34 = arith.constant 0 : i32
    %scan3A_35 = arith.constant 67 : i32
    %scan3A_36 = arith.addi %scan3A_34, %scan3A_35 : i32
    %scan3A_37 = arith.constant 1 : i32
    scf.for %scan3A_74 = %scan3A_34 to %scan3A_36 step %scan3A_37  : i32 {
      %mul3A_75 = arith.constant 3 : i32
      %mul3A_76 = arith.muli %scan3A_74, %mul3A_75 : i32
      %add3A_77 = arith.constant 0 : i32
      %add3A_78 = arith.addi %mul3A_76, %add3A_77 : i32
      %ge3A = arith.constant 1 : i32
      %ge3A_79 = arith.cmpi sge, %scan3A_74, %ge3A : i32
      %convert_element_type3A_80 = arith.extui %ge3A_79 : i1 to i32
      %cond3A_81 = arith.constant 0 : i32
      %cond3A_82 = arith.cmpi ne, %convert_element_type3A_80, %cond3A_81 : i32
      scf.if %cond3A_82 {
        %dma_wait3A_449 = arith.constant 0 : i32
        %dma_wait3A_450 = arith.constant 0 : i32
        %dma_wait3A_451 = tpu.memref_slice %arg8[%dma_wait3A_449, %dma_wait3A_450] : memref<3x128xi32, #tpu.memory_space<vmem>> -> memref<1x128xi32, #tpu.memory_space<vmem>>
        %dma_wait3A_452 = tpu.memref_squeeze %dma_wait3A_451 : memref<1x128xi32, #tpu.memory_space<vmem>> -> memref<128xi32, #tpu.memory_space<vmem>>
        %dma_wait3A_453 = arith.constant 0 : i32
        %dma_wait3A_454 = arith.constant 0 : i32
        %dma_wait3A_455 = tpu.memref_slice %arg6[%dma_wait3A_453, %dma_wait3A_454] : memref<50064x16xf32, #tpu.memory_space<vmem_shared>> -> memref<50064x16xf32, #tpu.memory_space<vmem_shared>>
        tpu.wait_indirect_dma semaphore(%arg13 : memref<!tpu.dma_semaphore, #tpu.memory_space<semaphore_mem>>) src(%arg9 : memref<128x16xf32, #tpu.memory_space<vmem>>) dst(%dma_wait3A_455 : memref<50064x16xf32, #tpu.memory_space<vmem_shared>>)
      } else {
      }
      %mul3A_83 = arith.constant 201 : i32
      %mul3A_84 = arith.muli %add3A, %mul3A_83 : i32
      %add3A_85 = arith.addi %mul3A_84, %add3A_78 : i32
      %mul3A_86 = arith.constant 256 : i32
      %mul3A_87 = arith.muli %add3A_85, %mul3A_86 : i32
      %dma_wait3A_88 = arith.constant 0 : i32
      %dma_wait3A_89 = arith.constant 0 : i32
      %dma_wait3A_90 = tpu.memref_slice %arg7[%dma_wait3A_88, %dma_wait3A_89] : memref<3x256xi32, #tpu.memory_space<vmem>> -> memref<1x256xi32, #tpu.memory_space<vmem>>
      %dma_wait3A_91 = tpu.memref_squeeze %dma_wait3A_90 : memref<1x256xi32, #tpu.memory_space<vmem>> -> memref<256xi32, #tpu.memory_space<vmem>>
      %dma_wait3A_92 = tpu.memref_slice %arg2[%mul3A_87] : memref<1646592xi32, #tpu.memory_space<hbm>> -> memref<256xi32, #tpu.memory_space<hbm>>
      %dma_wait3A_93 = arith.constant 0 : i32
      %dma_wait3A_94 = tpu.memref_slice %arg7[%dma_wait3A_88, %dma_wait3A_93] : memref<3x256xi32, #tpu.memory_space<vmem>> -> memref<1x256xi32, #tpu.memory_space<vmem>>
      %dma_wait3A_95 = tpu.memref_squeeze %dma_wait3A_94 : memref<1x256xi32, #tpu.memory_space<vmem>> -> memref<256xi32, #tpu.memory_space<vmem>>
      %dma_wait3A_96 = tpu.memref_slice %arg2[%mul3A_87] : memref<1646592xi32, #tpu.memory_space<hbm>> -> memref<256xi32, #tpu.memory_space<hbm>>
      tpu.wait_dma2 semaphore(%arg10 : memref<!tpu.dma_semaphore, #tpu.memory_space<semaphore_mem>>) src(%dma_wait3A_96 : memref<256xi32, #tpu.memory_space<hbm>>) dst(%dma_wait3A_95 : memref<256xi32, #tpu.memory_space<vmem>>)
      %get3A = arith.constant 0 : i32
      %get3A_97 = arith.index_cast %get3A : i32 to index
      %get3A_98 = arith.constant 128 : index
      %get3A_99 = tpu.vector_load %arg7[%get3A_97, %get3A_98] {strides = array<i32>} : memref<3x256xi32, #tpu.memory_space<vmem>>, vector<1x16xi32>,
      %get3A_100 = vector.shape_cast %get3A_99 : vector<1x16xi32> to vector<16xi32>
      %swap3A = arith.constant 0 : i32
      %swap3A_101 = arith.index_cast %swap3A : i32 to index
      %swap3A_102 = arith.constant 0 : index
      %swap3A_103 = tpu.vector_load %arg8[%swap3A_101, %swap3A_102] {strides = array<i32>} : memref<3x128xi32, #tpu.memory_space<vmem>>, vector<1x16xi32>,
      %swap3A_104 = vector.shape_cast %swap3A_103 : vector<1x16xi32> to vector<16xi32>
      %swap3A_105 = vector.shape_cast %get3A_100 : vector<16xi32> to vector<1x16xi32>
      tpu.vector_store %arg8[%swap3A_101, %swap3A_102], %swap3A_105 {strides = array<i32>} : memref<3x128xi32, #tpu.memory_space<vmem>>, vector<1x16xi32>,
      %get3A_106 = arith.constant 0 : i32
      %get3A_107 = arith.index_cast %get3A_106 : i32 to index
      %get3A_108 = arith.constant 144 : index
      %get3A_109 = tpu.vector_load %arg7[%get3A_107, %get3A_108] {strides = array<i32>} : memref<3x256xi32, #tpu.memory_space<vmem>>, vector<1x16xi32>,
      %get3A_110 = vector.shape_cast %get3A_109 : vector<1x16xi32> to vector<16xi32>
      %swap3A_111 = arith.constant 0 : i32
      %swap3A_112 = arith.index_cast %swap3A_111 : i32 to index
      %swap3A_113 = arith.constant 16 : index
      %swap3A_114 = tpu.vector_load %arg8[%swap3A_112, %swap3A_113] {strides = array<i32>} : memref<3x128xi32, #tpu.memory_space<vmem>>, vector<1x16xi32>,
      %swap3A_115 = vector.shape_cast %swap3A_114 : vector<1x16xi32> to vector<16xi32>
      %swap3A_116 = vector.shape_cast %get3A_110 : vector<16xi32> to vector<1x16xi32>
      tpu.vector_store %arg8[%swap3A_112, %swap3A_113], %swap3A_116 {strides = array<i32>} : memref<3x128xi32, #tpu.memory_space<vmem>>, vector<1x16xi32>,
      %get3A_117 = arith.constant 0 : i32
      %get3A_118 = arith.index_cast %get3A_117 : i32 to index
      %get3A_119 = arith.constant 160 : index
      %get3A_120 = tpu.vector_load %arg7[%get3A_118, %get3A_119] {strides = array<i32>} : memref<3x256xi32, #tpu.memory_space<vmem>>, vector<1x16xi32>,
      %get3A_121 = vector.shape_cast %get3A_120 : vector<1x16xi32> to vector<16xi32>
      %swap3A_122 = arith.constant 0 : i32
      %swap3A_123 = arith.index_cast %swap3A_122 : i32 to index
      %swap3A_124 = arith.constant 32 : index
      %swap3A_125 = tpu.vector_load %arg8[%swap3A_123, %swap3A_124] {strides = array<i32>} : memref<3x128xi32, #tpu.memory_space<vmem>>, vector<1x16xi32>,
      %swap3A_126 = vector.shape_cast %swap3A_125 : vector<1x16xi32> to vector<16xi32>
      %swap3A_127 = vector.shape_cast %get3A_121 : vector<16xi32> to vector<1x16xi32>
      tpu.vector_store %arg8[%swap3A_123, %swap3A_124], %swap3A_127 {strides = array<i32>} : memref<3x128xi32, #tpu.memory_space<vmem>>, vector<1x16xi32>,
      %get3A_128 = arith.constant 0 : i32
      %get3A_129 = arith.index_cast %get3A_128 : i32 to index
      %get3A_130 = arith.constant 176 : index
      %get3A_131 = tpu.vector_load %arg7[%get3A_129, %get3A_130] {strides = array<i32>} : memref<3x256xi32, #tpu.memory_space<vmem>>, vector<1x16xi32>,
      %get3A_132 = vector.shape_cast %get3A_131 : vector<1x16xi32> to vector<16xi32>
      %swap3A_133 = arith.constant 0 : i32
      %swap3A_134 = arith.index_cast %swap3A_133 : i32 to index
      %swap3A_135 = arith.constant 48 : index
      %swap3A_136 = tpu.vector_load %arg8[%swap3A_134, %swap3A_135] {strides = array<i32>} : memref<3x128xi32, #tpu.memory_space<vmem>>, vector<1x16xi32>,
      %swap3A_137 = vector.shape_cast %swap3A_136 : vector<1x16xi32> to vector<16xi32>
      %swap3A_138 = vector.shape_cast %get3A_132 : vector<16xi32> to vector<1x16xi32>
      tpu.vector_store %arg8[%swap3A_134, %swap3A_135], %swap3A_138 {strides = array<i32>} : memref<3x128xi32, #tpu.memory_space<vmem>>, vector<1x16xi32>,
      %get3A_139 = arith.constant 0 : i32
      %get3A_140 = arith.index_cast %get3A_139 : i32 to index
      %get3A_141 = arith.constant 192 : index
      %get3A_142 = tpu.vector_load %arg7[%get3A_140, %get3A_141] {strides = array<i32>} : memref<3x256xi32, #tpu.memory_space<vmem>>, vector<1x16xi32>,
      %get3A_143 = vector.shape_cast %get3A_142 : vector<1x16xi32> to vector<16xi32>
      %swap3A_144 = arith.constant 0 : i32
      %swap3A_145 = arith.index_cast %swap3A_144 : i32 to index
      %swap3A_146 = arith.constant 64 : index
      %swap3A_147 = tpu.vector_load %arg8[%swap3A_145, %swap3A_146] {strides = array<i32>} : memref<3x128xi32, #tpu.memory_space<vmem>>, vector<1x16xi32>,
      %swap3A_148 = vector.shape_cast %swap3A_147 : vector<1x16xi32> to vector<16xi32>
      %swap3A_149 = vector.shape_cast %get3A_143 : vector<16xi32> to vector<1x16xi32>
      tpu.vector_store %arg8[%swap3A_145, %swap3A_146], %swap3A_149 {strides = array<i32>} : memref<3x128xi32, #tpu.memory_space<vmem>>, vector<1x16xi32>,
      %get3A_150 = arith.constant 0 : i32
      %get3A_151 = arith.index_cast %get3A_150 : i32 to index
      %get3A_152 = arith.constant 208 : index
      %get3A_153 = tpu.vector_load %arg7[%get3A_151, %get3A_152] {strides = array<i32>} : memref<3x256xi32, #tpu.memory_space<vmem>>, vector<1x16xi32>,
      %get3A_154 = vector.shape_cast %get3A_153 : vector<1x16xi32> to vector<16xi32>
      %swap3A_155 = arith.constant 0 : i32
      %swap3A_156 = arith.index_cast %swap3A_155 : i32 to index
      %swap3A_157 = arith.constant 80 : index
      %swap3A_158 = tpu.vector_load %arg8[%swap3A_156, %swap3A_157] {strides = array<i32>} : memref<3x128xi32, #tpu.memory_space<vmem>>, vector<1x16xi32>,
      %swap3A_159 = vector.shape_cast %swap3A_158 : vector<1x16xi32> to vector<16xi32>
      %swap3A_160 = vector.shape_cast %get3A_154 : vector<16xi32> to vector<1x16xi32>
      tpu.vector_store %arg8[%swap3A_156, %swap3A_157], %swap3A_160 {strides = array<i32>} : memref<3x128xi32, #tpu.memory_space<vmem>>, vector<1x16xi32>,
      %get3A_161 = arith.constant 0 : i32
      %get3A_162 = arith.index_cast %get3A_161 : i32 to index
      %get3A_163 = arith.constant 224 : index
      %get3A_164 = tpu.vector_load %arg7[%get3A_162, %get3A_163] {strides = array<i32>} : memref<3x256xi32, #tpu.memory_space<vmem>>, vector<1x16xi32>,
      %get3A_165 = vector.shape_cast %get3A_164 : vector<1x16xi32> to vector<16xi32>
      %swap3A_166 = arith.constant 0 : i32
      %swap3A_167 = arith.index_cast %swap3A_166 : i32 to index
      %swap3A_168 = arith.constant 96 : index
      %swap3A_169 = tpu.vector_load %arg8[%swap3A_167, %swap3A_168] {strides = array<i32>} : memref<3x128xi32, #tpu.memory_space<vmem>>, vector<1x16xi32>,
      %swap3A_170 = vector.shape_cast %swap3A_169 : vector<1x16xi32> to vector<16xi32>
      %swap3A_171 = vector.shape_cast %get3A_165 : vector<16xi32> to vector<1x16xi32>
      tpu.vector_store %arg8[%swap3A_167, %swap3A_168], %swap3A_171 {strides = array<i32>} : memref<3x128xi32, #tpu.memory_space<vmem>>, vector<1x16xi32>,
      %get3A_172 = arith.constant 0 : i32
      %get3A_173 = arith.index_cast %get3A_172 : i32 to index
      %get3A_174 = arith.constant 240 : index
      %get3A_175 = tpu.vector_load %arg7[%get3A_173, %get3A_174] {strides = array<i32>} : memref<3x256xi32, #tpu.memory_space<vmem>>, vector<1x16xi32>,
      %get3A_176 = vector.shape_cast %get3A_175 : vector<1x16xi32> to vector<16xi32>
      %swap3A_177 = arith.constant 0 : i32
      %swap3A_178 = arith.index_cast %swap3A_177 : i32 to index
      %swap3A_179 = arith.constant 112 : index
      %swap3A_180 = tpu.vector_load %arg8[%swap3A_178, %swap3A_179] {strides = array<i32>} : memref<3x128xi32, #tpu.memory_space<vmem>>, vector<1x16xi32>,
      %swap3A_181 = vector.shape_cast %swap3A_180 : vector<1x16xi32> to vector<16xi32>
      %swap3A_182 = vector.shape_cast %get3A_176 : vector<16xi32> to vector<1x16xi32>
      tpu.vector_store %arg8[%swap3A_178, %swap3A_179], %swap3A_182 {strides = array<i32>} : memref<3x128xi32, #tpu.memory_space<vmem>>, vector<1x16xi32>,
      %ge3A_183 = arith.constant 1 : i32
      %ge3A_184 = arith.cmpi sge, %scan3A_74, %ge3A_183 : i32
      %convert_element_type3A_185 = arith.extui %ge3A_184 : i1 to i32
      %cond3A_186 = arith.constant 0 : i32
      %cond3A_187 = arith.cmpi ne, %convert_element_type3A_185, %cond3A_186 : i32
      scf.if %cond3A_187 {
        %dma_start3A_449 = arith.constant 2 : i32
        %dma_start3A_450 = arith.constant 0 : i32
        %dma_start3A_451 = tpu.memref_slice %arg8[%dma_start3A_449, %dma_start3A_450] : memref<3x128xi32, #tpu.memory_space<vmem>> -> memref<1x128xi32, #tpu.memory_space<vmem>>
        %dma_start3A_452 = tpu.memref_squeeze %dma_start3A_451 : memref<1x128xi32, #tpu.memory_space<vmem>> -> memref<128xi32, #tpu.memory_space<vmem>>
        %dma_start3A_453 = arith.constant 0 : i32
        %dma_start3A_454 = arith.constant 0 : i32
        %dma_start3A_455 = tpu.memref_slice %arg6[%dma_start3A_453, %dma_start3A_454] : memref<50064x16xf32, #tpu.memory_space<vmem_shared>> -> memref<50064x16xf32, #tpu.memory_space<vmem_shared>>
        tpu.enqueue_indirect_dma source(%arg9 : memref<128x16xf32, #tpu.memory_space<vmem>>) target(%dma_start3A_455 : memref<50064x16xf32, #tpu.memory_space<vmem_shared>>) offsets(%dma_start3A_452 : memref<128xi32, #tpu.memory_space<vmem>>) semaphore(%arg15 : memref<!tpu.dma_semaphore, #tpu.memory_space<semaphore_mem>>) {add = true}
      } else {
      }
      %add3A_188 = arith.constant 2 : i32
      %add3A_189 = arith.addi %add3A_78, %add3A_188 : i32
      %mul3A_190 = arith.constant 201 : i32
      %mul3A_191 = arith.muli %add3A, %mul3A_190 : i32
      %add3A_192 = arith.addi %mul3A_191, %add3A_189 : i32
      %mul3A_193 = arith.constant 256 : i32
      %mul3A_194 = arith.muli %add3A_192, %mul3A_193 : i32
      %dma_start3A_195 = arith.constant 2 : i32
      %dma_start3A_196 = arith.constant 0 : i32
      %dma_start3A_197 = tpu.memref_slice %arg7[%dma_start3A_195, %dma_start3A_196] : memref<3x256xi32, #tpu.memory_space<vmem>> -> memref<1x256xi32, #tpu.memory_space<vmem>>
      %dma_start3A_198 = tpu.memref_squeeze %dma_start3A_197 : memref<1x256xi32, #tpu.memory_space<vmem>> -> memref<256xi32, #tpu.memory_space<vmem>>
      %dma_start3A_199 = tpu.memref_slice %arg2[%mul3A_194] : memref<1646592xi32, #tpu.memory_space<hbm>> -> memref<256xi32, #tpu.memory_space<hbm>>
      %dma_start3A_200 = arith.constant 0 : i32
      %dma_start3A_201 = tpu.memref_slice %arg7[%dma_start3A_195, %dma_start3A_200] : memref<3x256xi32, #tpu.memory_space<vmem>> -> memref<1x256xi32, #tpu.memory_space<vmem>>
      %dma_start3A_202 = tpu.memref_squeeze %dma_start3A_201 : memref<1x256xi32, #tpu.memory_space<vmem>> -> memref<256xi32, #tpu.memory_space<vmem>>
      %dma_start3A_203 = tpu.memref_slice %arg2[%mul3A_194] : memref<1646592xi32, #tpu.memory_space<hbm>> -> memref<256xi32, #tpu.memory_space<hbm>>
      tpu.enqueue_dma source(%dma_start3A_203 : memref<256xi32, #tpu.memory_space<hbm>>) target(%dma_start3A_202 : memref<256xi32, #tpu.memory_space<vmem>>) target_semaphore(%arg12 : memref<!tpu.dma_semaphore, #tpu.memory_space<semaphore_mem>>)
      %mul3A_204 = arith.constant 3 : i32
      %mul3A_205 = arith.muli %scan3A_74, %mul3A_204 : i32
      %add3A_206 = arith.constant 1 : i32
      %add3A_207 = arith.addi %mul3A_205, %add3A_206 : i32
      %ge3A_208 = arith.constant 1 : i32
      %ge3A_209 = arith.cmpi sge, %scan3A_74, %ge3A_208 : i32
      %convert_element_type3A_210 = arith.extui %ge3A_209 : i1 to i32
      %cond3A_211 = arith.constant 0 : i32
      %cond3A_212 = arith.cmpi ne, %convert_element_type3A_210, %cond3A_211 : i32
      scf.if %cond3A_212 {
        %dma_wait3A_449 = arith.constant 1 : i32
        %dma_wait3A_450 = arith.constant 0 : i32
        %dma_wait3A_451 = tpu.memref_slice %arg8[%dma_wait3A_449, %dma_wait3A_450] : memref<3x128xi32, #tpu.memory_space<vmem>> -> memref<1x128xi32, #tpu.memory_space<vmem>>
        %dma_wait3A_452 = tpu.memref_squeeze %dma_wait3A_451 : memref<1x128xi32, #tpu.memory_space<vmem>> -> memref<128xi32, #tpu.memory_space<vmem>>
        %dma_wait3A_453 = arith.constant 0 : i32
        %dma_wait3A_454 = arith.constant 0 : i32
        %dma_wait3A_455 = tpu.memref_slice %arg6[%dma_wait3A_453, %dma_wait3A_454] : memref<50064x16xf32, #tpu.memory_space<vmem_shared>> -> memref<50064x16xf32, #tpu.memory_space<vmem_shared>>
        tpu.wait_indirect_dma semaphore(%arg14 : memref<!tpu.dma_semaphore, #tpu.memory_space<semaphore_mem>>) src(%arg9 : memref<128x16xf32, #tpu.memory_space<vmem>>) dst(%dma_wait3A_455 : memref<50064x16xf32, #tpu.memory_space<vmem_shared>>)
      } else {
      }
      %mul3A_213 = arith.constant 201 : i32
      %mul3A_214 = arith.muli %add3A, %mul3A_213 : i32
      %add3A_215 = arith.addi %mul3A_214, %add3A_207 : i32
      %mul3A_216 = arith.constant 256 : i32
      %mul3A_217 = arith.muli %add3A_215, %mul3A_216 : i32
      %dma_wait3A_218 = arith.constant 1 : i32
      %dma_wait3A_219 = arith.constant 0 : i32
      %dma_wait3A_220 = tpu.memref_slice %arg7[%dma_wait3A_218, %dma_wait3A_219] : memref<3x256xi32, #tpu.memory_space<vmem>> -> memref<1x256xi32, #tpu.memory_space<vmem>>
      %dma_wait3A_221 = tpu.memref_squeeze %dma_wait3A_220 : memref<1x256xi32, #tpu.memory_space<vmem>> -> memref<256xi32, #tpu.memory_space<vmem>>
      %dma_wait3A_222 = tpu.memref_slice %arg2[%mul3A_217] : memref<1646592xi32, #tpu.memory_space<hbm>> -> memref<256xi32, #tpu.memory_space<hbm>>
      %dma_wait3A_223 = arith.constant 0 : i32
      %dma_wait3A_224 = tpu.memref_slice %arg7[%dma_wait3A_218, %dma_wait3A_223] : memref<3x256xi32, #tpu.memory_space<vmem>> -> memref<1x256xi32, #tpu.memory_space<vmem>>
      %dma_wait3A_225 = tpu.memref_squeeze %dma_wait3A_224 : memref<1x256xi32, #tpu.memory_space<vmem>> -> memref<256xi32, #tpu.memory_space<vmem>>
      %dma_wait3A_226 = tpu.memref_slice %arg2[%mul3A_217] : memref<1646592xi32, #tpu.memory_space<hbm>> -> memref<256xi32, #tpu.memory_space<hbm>>
      tpu.wait_dma2 semaphore(%arg11 : memref<!tpu.dma_semaphore, #tpu.memory_space<semaphore_mem>>) src(%dma_wait3A_226 : memref<256xi32, #tpu.memory_space<hbm>>) dst(%dma_wait3A_225 : memref<256xi32, #tpu.memory_space<vmem>>)
      %get3A_227 = arith.constant 1 : i32
      %get3A_228 = arith.index_cast %get3A_227 : i32 to index
      %get3A_229 = arith.constant 128 : index
      %get3A_230 = tpu.vector_load %arg7[%get3A_228, %get3A_229] {strides = array<i32>} : memref<3x256xi32, #tpu.memory_space<vmem>>, vector<1x16xi32>,
      %get3A_231 = vector.shape_cast %get3A_230 : vector<1x16xi32> to vector<16xi32>
      %swap3A_232 = arith.constant 1 : i32
      %swap3A_233 = arith.index_cast %swap3A_232 : i32 to index
      %swap3A_234 = arith.constant 0 : index
      %swap3A_235 = tpu.vector_load %arg8[%swap3A_233, %swap3A_234] {strides = array<i32>} : memref<3x128xi32, #tpu.memory_space<vmem>>, vector<1x16xi32>,
      %swap3A_236 = vector.shape_cast %swap3A_235 : vector<1x16xi32> to vector<16xi32>
      %swap3A_237 = vector.shape_cast %get3A_231 : vector<16xi32> to vector<1x16xi32>
      tpu.vector_store %arg8[%swap3A_233, %swap3A_234], %swap3A_237 {strides = array<i32>} : memref<3x128xi32, #tpu.memory_space<vmem>>, vector<1x16xi32>,
      %get3A_238 = arith.constant 1 : i32
      %get3A_239 = arith.index_cast %get3A_238 : i32 to index
      %get3A_240 = arith.constant 144 : index
      %get3A_241 = tpu.vector_load %arg7[%get3A_239, %get3A_240] {strides = array<i32>} : memref<3x256xi32, #tpu.memory_space<vmem>>, vector<1x16xi32>,
      %get3A_242 = vector.shape_cast %get3A_241 : vector<1x16xi32> to vector<16xi32>
      %swap3A_243 = arith.constant 1 : i32
      %swap3A_244 = arith.index_cast %swap3A_243 : i32 to index
      %swap3A_245 = arith.constant 16 : index
      %swap3A_246 = tpu.vector_load %arg8[%swap3A_244, %swap3A_245] {strides = array<i32>} : memref<3x128xi32, #tpu.memory_space<vmem>>, vector<1x16xi32>,
      %swap3A_247 = vector.shape_cast %swap3A_246 : vector<1x16xi32> to vector<16xi32>
      %swap3A_248 = vector.shape_cast %get3A_242 : vector<16xi32> to vector<1x16xi32>
      tpu.vector_store %arg8[%swap3A_244, %swap3A_245], %swap3A_248 {strides = array<i32>} : memref<3x128xi32, #tpu.memory_space<vmem>>, vector<1x16xi32>,
      %get3A_249 = arith.constant 1 : i32
      %get3A_250 = arith.index_cast %get3A_249 : i32 to index
      %get3A_251 = arith.constant 160 : index
      %get3A_252 = tpu.vector_load %arg7[%get3A_250, %get3A_251] {strides = array<i32>} : memref<3x256xi32, #tpu.memory_space<vmem>>, vector<1x16xi32>,
      %get3A_253 = vector.shape_cast %get3A_252 : vector<1x16xi32> to vector<16xi32>
      %swap3A_254 = arith.constant 1 : i32
      %swap3A_255 = arith.index_cast %swap3A_254 : i32 to index
      %swap3A_256 = arith.constant 32 : index
      %swap3A_257 = tpu.vector_load %arg8[%swap3A_255, %swap3A_256] {strides = array<i32>} : memref<3x128xi32, #tpu.memory_space<vmem>>, vector<1x16xi32>,
      %swap3A_258 = vector.shape_cast %swap3A_257 : vector<1x16xi32> to vector<16xi32>
      %swap3A_259 = vector.shape_cast %get3A_253 : vector<16xi32> to vector<1x16xi32>
      tpu.vector_store %arg8[%swap3A_255, %swap3A_256], %swap3A_259 {strides = array<i32>} : memref<3x128xi32, #tpu.memory_space<vmem>>, vector<1x16xi32>,
      %get3A_260 = arith.constant 1 : i32
      %get3A_261 = arith.index_cast %get3A_260 : i32 to index
      %get3A_262 = arith.constant 176 : index
      %get3A_263 = tpu.vector_load %arg7[%get3A_261, %get3A_262] {strides = array<i32>} : memref<3x256xi32, #tpu.memory_space<vmem>>, vector<1x16xi32>,
      %get3A_264 = vector.shape_cast %get3A_263 : vector<1x16xi32> to vector<16xi32>
      %swap3A_265 = arith.constant 1 : i32
      %swap3A_266 = arith.index_cast %swap3A_265 : i32 to index
      %swap3A_267 = arith.constant 48 : index
      %swap3A_268 = tpu.vector_load %arg8[%swap3A_266, %swap3A_267] {strides = array<i32>} : memref<3x128xi32, #tpu.memory_space<vmem>>, vector<1x16xi32>,
      %swap3A_269 = vector.shape_cast %swap3A_268 : vector<1x16xi32> to vector<16xi32>
      %swap3A_270 = vector.shape_cast %get3A_264 : vector<16xi32> to vector<1x16xi32>
      tpu.vector_store %arg8[%swap3A_266, %swap3A_267], %swap3A_270 {strides = array<i32>} : memref<3x128xi32, #tpu.memory_space<vmem>>, vector<1x16xi32>,
      %get3A_271 = arith.constant 1 : i32
      %get3A_272 = arith.index_cast %get3A_271 : i32 to index
      %get3A_273 = arith.constant 192 : index
      %get3A_274 = tpu.vector_load %arg7[%get3A_272, %get3A_273] {strides = array<i32>} : memref<3x256xi32, #tpu.memory_space<vmem>>, vector<1x16xi32>,
      %get3A_275 = vector.shape_cast %get3A_274 : vector<1x16xi32> to vector<16xi32>
      %swap3A_276 = arith.constant 1 : i32
      %swap3A_277 = arith.index_cast %swap3A_276 : i32 to index
      %swap3A_278 = arith.constant 64 : index
      %swap3A_279 = tpu.vector_load %arg8[%swap3A_277, %swap3A_278] {strides = array<i32>} : memref<3x128xi32, #tpu.memory_space<vmem>>, vector<1x16xi32>,
      %swap3A_280 = vector.shape_cast %swap3A_279 : vector<1x16xi32> to vector<16xi32>
      %swap3A_281 = vector.shape_cast %get3A_275 : vector<16xi32> to vector<1x16xi32>
      tpu.vector_store %arg8[%swap3A_277, %swap3A_278], %swap3A_281 {strides = array<i32>} : memref<3x128xi32, #tpu.memory_space<vmem>>, vector<1x16xi32>,
      %get3A_282 = arith.constant 1 : i32
      %get3A_283 = arith.index_cast %get3A_282 : i32 to index
      %get3A_284 = arith.constant 208 : index
      %get3A_285 = tpu.vector_load %arg7[%get3A_283, %get3A_284] {strides = array<i32>} : memref<3x256xi32, #tpu.memory_space<vmem>>, vector<1x16xi32>,
      %get3A_286 = vector.shape_cast %get3A_285 : vector<1x16xi32> to vector<16xi32>
      %swap3A_287 = arith.constant 1 : i32
      %swap3A_288 = arith.index_cast %swap3A_287 : i32 to index
      %swap3A_289 = arith.constant 80 : index
      %swap3A_290 = tpu.vector_load %arg8[%swap3A_288, %swap3A_289] {strides = array<i32>} : memref<3x128xi32, #tpu.memory_space<vmem>>, vector<1x16xi32>,
      %swap3A_291 = vector.shape_cast %swap3A_290 : vector<1x16xi32> to vector<16xi32>
      %swap3A_292 = vector.shape_cast %get3A_286 : vector<16xi32> to vector<1x16xi32>
      tpu.vector_store %arg8[%swap3A_288, %swap3A_289], %swap3A_292 {strides = array<i32>} : memref<3x128xi32, #tpu.memory_space<vmem>>, vector<1x16xi32>,
      %get3A_293 = arith.constant 1 : i32
      %get3A_294 = arith.index_cast %get3A_293 : i32 to index
      %get3A_295 = arith.constant 224 : index
      %get3A_296 = tpu.vector_load %arg7[%get3A_294, %get3A_295] {strides = array<i32>} : memref<3x256xi32, #tpu.memory_space<vmem>>, vector<1x16xi32>,
      %get3A_297 = vector.shape_cast %get3A_296 : vector<1x16xi32> to vector<16xi32>
      %swap3A_298 = arith.constant 1 : i32
      %swap3A_299 = arith.index_cast %swap3A_298 : i32 to index
      %swap3A_300 = arith.constant 96 : index
      %swap3A_301 = tpu.vector_load %arg8[%swap3A_299, %swap3A_300] {strides = array<i32>} : memref<3x128xi32, #tpu.memory_space<vmem>>, vector<1x16xi32>,
      %swap3A_302 = vector.shape_cast %swap3A_301 : vector<1x16xi32> to vector<16xi32>
      %swap3A_303 = vector.shape_cast %get3A_297 : vector<16xi32> to vector<1x16xi32>
      tpu.vector_store %arg8[%swap3A_299, %swap3A_300], %swap3A_303 {strides = array<i32>} : memref<3x128xi32, #tpu.memory_space<vmem>>, vector<1x16xi32>,
      %get3A_304 = arith.constant 1 : i32
      %get3A_305 = arith.index_cast %get3A_304 : i32 to index
      %get3A_306 = arith.constant 240 : index
      %get3A_307 = tpu.vector_load %arg7[%get3A_305, %get3A_306] {strides = array<i32>} : memref<3x256xi32, #tpu.memory_space<vmem>>, vector<1x16xi32>,
      %get3A_308 = vector.shape_cast %get3A_307 : vector<1x16xi32> to vector<16xi32>
      %swap3A_309 = arith.constant 1 : i32
      %swap3A_310 = arith.index_cast %swap3A_309 : i32 to index
      %swap3A_311 = arith.constant 112 : index
      %swap3A_312 = tpu.vector_load %arg8[%swap3A_310, %swap3A_311] {strides = array<i32>} : memref<3x128xi32, #tpu.memory_space<vmem>>, vector<1x16xi32>,
      %swap3A_313 = vector.shape_cast %swap3A_312 : vector<1x16xi32> to vector<16xi32>
      %swap3A_314 = vector.shape_cast %get3A_308 : vector<16xi32> to vector<1x16xi32>
      tpu.vector_store %arg8[%swap3A_310, %swap3A_311], %swap3A_314 {strides = array<i32>} : memref<3x128xi32, #tpu.memory_space<vmem>>, vector<1x16xi32>,
      %dma_start3A_315 = arith.constant 0 : i32
      %dma_start3A_316 = arith.constant 0 : i32
      %dma_start3A_317 = tpu.memref_slice %arg8[%dma_start3A_315, %dma_start3A_316] : memref<3x128xi32, #tpu.memory_space<vmem>> -> memref<1x128xi32, #tpu.memory_space<vmem>>
      %dma_start3A_318 = tpu.memref_squeeze %dma_start3A_317 : memref<1x128xi32, #tpu.memory_space<vmem>> -> memref<128xi32, #tpu.memory_space<vmem>>
      %dma_start3A_319 = arith.constant 0 : i32
      %dma_start3A_320 = arith.constant 0 : i32
      %dma_start3A_321 = tpu.memref_slice %arg6[%dma_start3A_319, %dma_start3A_320] : memref<50064x16xf32, #tpu.memory_space<vmem_shared>> -> memref<50064x16xf32, #tpu.memory_space<vmem_shared>>
      tpu.enqueue_indirect_dma source(%arg9 : memref<128x16xf32, #tpu.memory_space<vmem>>) target(%dma_start3A_321 : memref<50064x16xf32, #tpu.memory_space<vmem_shared>>) offsets(%dma_start3A_318 : memref<128xi32, #tpu.memory_space<vmem>>) semaphore(%arg13 : memref<!tpu.dma_semaphore, #tpu.memory_space<semaphore_mem>>) {add = true}
      %le3A = arith.constant 65 : i32
      %le3A_322 = arith.cmpi sle, %scan3A_74, %le3A : i32
      %convert_element_type3A_323 = arith.extui %le3A_322 : i1 to i32
      %cond3A_324 = arith.constant 0 : i32
      %cond3A_325 = arith.cmpi ne, %convert_element_type3A_323, %cond3A_324 : i32
      scf.if %cond3A_325 {
        %add3A_449 = arith.constant 2 : i32
        %add3A_450 = arith.addi %add3A_207, %add3A_449 : i32
        %mul3A_451 = arith.constant 201 : i32
        %mul3A_452 = arith.muli %add3A, %mul3A_451 : i32
        %add3A_453 = arith.addi %mul3A_452, %add3A_450 : i32
        %mul3A_454 = arith.constant 256 : i32
        %mul3A_455 = arith.muli %add3A_453, %mul3A_454 : i32
        %dma_start3A_456 = arith.constant 0 : i32
        %dma_start3A_457 = arith.constant 0 : i32
        %dma_start3A_458 = tpu.memref_slice %arg7[%dma_start3A_456, %dma_start3A_457] : memref<3x256xi32, #tpu.memory_space<vmem>> -> memref<1x256xi32, #tpu.memory_space<vmem>>
        %dma_start3A_459 = tpu.memref_squeeze %dma_start3A_458 : memref<1x256xi32, #tpu.memory_space<vmem>> -> memref<256xi32, #tpu.memory_space<vmem>>
        %dma_start3A_460 = tpu.memref_slice %arg2[%mul3A_455] : memref<1646592xi32, #tpu.memory_space<hbm>> -> memref<256xi32, #tpu.memory_space<hbm>>
        %dma_start3A_461 = arith.constant 0 : i32
        %dma_start3A_462 = tpu.memref_slice %arg7[%dma_start3A_456, %dma_start3A_461] : memref<3x256xi32, #tpu.memory_space<vmem>> -> memref<1x256xi32, #tpu.memory_space<vmem>>
        %dma_start3A_463 = tpu.memref_squeeze %dma_start3A_462 : memref<1x256xi32, #tpu.memory_space<vmem>> -> memref<256xi32, #tpu.memory_space<vmem>>
        %dma_start3A_464 = tpu.memref_slice %arg2[%mul3A_455] : memref<1646592xi32, #tpu.memory_space<hbm>> -> memref<256xi32, #tpu.memory_space<hbm>>
        tpu.enqueue_dma source(%dma_start3A_464 : memref<256xi32, #tpu.memory_space<hbm>>) target(%dma_start3A_463 : memref<256xi32, #tpu.memory_space<vmem>>) target_semaphore(%arg10 : memref<!tpu.dma_semaphore, #tpu.memory_space<semaphore_mem>>)
      } else {
      }
      %mul3A_326 = arith.constant 3 : i32
      %mul3A_327 = arith.muli %scan3A_74, %mul3A_326 : i32
      %add3A_328 = arith.constant 2 : i32
      %add3A_329 = arith.addi %mul3A_327, %add3A_328 : i32
      %ge3A_330 = arith.constant 1 : i32
      %ge3A_331 = arith.cmpi sge, %scan3A_74, %ge3A_330 : i32
      %convert_element_type3A_332 = arith.extui %ge3A_331 : i1 to i32
      %cond3A_333 = arith.constant 0 : i32
      %cond3A_334 = arith.cmpi ne, %convert_element_type3A_332, %cond3A_333 : i32
      scf.if %cond3A_334 {
        %dma_wait3A_449 = arith.constant 2 : i32
        %dma_wait3A_450 = arith.constant 0 : i32
        %dma_wait3A_451 = tpu.memref_slice %arg8[%dma_wait3A_449, %dma_wait3A_450] : memref<3x128xi32, #tpu.memory_space<vmem>> -> memref<1x128xi32, #tpu.memory_space<vmem>>
        %dma_wait3A_452 = tpu.memref_squeeze %dma_wait3A_451 : memref<1x128xi32, #tpu.memory_space<vmem>> -> memref<128xi32, #tpu.memory_space<vmem>>
        %dma_wait3A_453 = arith.constant 0 : i32
        %dma_wait3A_454 = arith.constant 0 : i32
        %dma_wait3A_455 = tpu.memref_slice %arg6[%dma_wait3A_453, %dma_wait3A_454] : memref<50064x16xf32, #tpu.memory_space<vmem_shared>> -> memref<50064x16xf32, #tpu.memory_space<vmem_shared>>
        tpu.wait_indirect_dma semaphore(%arg15 : memref<!tpu.dma_semaphore, #tpu.memory_space<semaphore_mem>>) src(%arg9 : memref<128x16xf32, #tpu.memory_space<vmem>>) dst(%dma_wait3A_455 : memref<50064x16xf32, #tpu.memory_space<vmem_shared>>)
      } else {
      }
      %mul3A_335 = arith.constant 201 : i32
      %mul3A_336 = arith.muli %add3A, %mul3A_335 : i32
      %add3A_337 = arith.addi %mul3A_336, %add3A_329 : i32
      %mul3A_338 = arith.constant 256 : i32
      %mul3A_339 = arith.muli %add3A_337, %mul3A_338 : i32
      %dma_wait3A_340 = arith.constant 2 : i32
      %dma_wait3A_341 = arith.constant 0 : i32
      %dma_wait3A_342 = tpu.memref_slice %arg7[%dma_wait3A_340, %dma_wait3A_341] : memref<3x256xi32, #tpu.memory_space<vmem>> -> memref<1x256xi32, #tpu.memory_space<vmem>>
      %dma_wait3A_343 = tpu.memref_squeeze %dma_wait3A_342 : memref<1x256xi32, #tpu.memory_space<vmem>> -> memref<256xi32, #tpu.memory_space<vmem>>
      %dma_wait3A_344 = tpu.memref_slice %arg2[%mul3A_339] : memref<1646592xi32, #tpu.memory_space<hbm>> -> memref<256xi32, #tpu.memory_space<hbm>>
      %dma_wait3A_345 = arith.constant 0 : i32
      %dma_wait3A_346 = tpu.memref_slice %arg7[%dma_wait3A_340, %dma_wait3A_345] : memref<3x256xi32, #tpu.memory_space<vmem>> -> memref<1x256xi32, #tpu.memory_space<vmem>>
      %dma_wait3A_347 = tpu.memref_squeeze %dma_wait3A_346 : memref<1x256xi32, #tpu.memory_space<vmem>> -> memref<256xi32, #tpu.memory_space<vmem>>
      %dma_wait3A_348 = tpu.memref_slice %arg2[%mul3A_339] : memref<1646592xi32, #tpu.memory_space<hbm>> -> memref<256xi32, #tpu.memory_space<hbm>>
      tpu.wait_dma2 semaphore(%arg12 : memref<!tpu.dma_semaphore, #tpu.memory_space<semaphore_mem>>) src(%dma_wait3A_348 : memref<256xi32, #tpu.memory_space<hbm>>) dst(%dma_wait3A_347 : memref<256xi32, #tpu.memory_space<vmem>>)
      %get3A_349 = arith.constant 2 : i32
      %get3A_350 = arith.index_cast %get3A_349 : i32 to index
      %get3A_351 = arith.constant 128 : index
      %get3A_352 = tpu.vector_load %arg7[%get3A_350, %get3A_351] {strides = array<i32>} : memref<3x256xi32, #tpu.memory_space<vmem>>, vector<1x16xi32>,
      %get3A_353 = vector.shape_cast %get3A_352 : vector<1x16xi32> to vector<16xi32>
      %swap3A_354 = arith.constant 2 : i32
      %swap3A_355 = arith.index_cast %swap3A_354 : i32 to index
      %swap3A_356 = arith.constant 0 : index
      %swap3A_357 = tpu.vector_load %arg8[%swap3A_355, %swap3A_356] {strides = array<i32>} : memref<3x128xi32, #tpu.memory_space<vmem>>, vector<1x16xi32>,
      %swap3A_358 = vector.shape_cast %swap3A_357 : vector<1x16xi32> to vector<16xi32>
      %swap3A_359 = vector.shape_cast %get3A_353 : vector<16xi32> to vector<1x16xi32>
      tpu.vector_store %arg8[%swap3A_355, %swap3A_356], %swap3A_359 {strides = array<i32>} : memref<3x128xi32, #tpu.memory_space<vmem>>, vector<1x16xi32>,
      %get3A_360 = arith.constant 2 : i32
      %get3A_361 = arith.index_cast %get3A_360 : i32 to index
      %get3A_362 = arith.constant 144 : index
      %get3A_363 = tpu.vector_load %arg7[%get3A_361, %get3A_362] {strides = array<i32>} : memref<3x256xi32, #tpu.memory_space<vmem>>, vector<1x16xi32>,
      %get3A_364 = vector.shape_cast %get3A_363 : vector<1x16xi32> to vector<16xi32>
      %swap3A_365 = arith.constant 2 : i32
      %swap3A_366 = arith.index_cast %swap3A_365 : i32 to index
      %swap3A_367 = arith.constant 16 : index
      %swap3A_368 = tpu.vector_load %arg8[%swap3A_366, %swap3A_367] {strides = array<i32>} : memref<3x128xi32, #tpu.memory_space<vmem>>, vector<1x16xi32>,
      %swap3A_369 = vector.shape_cast %swap3A_368 : vector<1x16xi32> to vector<16xi32>
      %swap3A_370 = vector.shape_cast %get3A_364 : vector<16xi32> to vector<1x16xi32>
      tpu.vector_store %arg8[%swap3A_366, %swap3A_367], %swap3A_370 {strides = array<i32>} : memref<3x128xi32, #tpu.memory_space<vmem>>, vector<1x16xi32>,
      %get3A_371 = arith.constant 2 : i32
      %get3A_372 = arith.index_cast %get3A_371 : i32 to index
      %get3A_373 = arith.constant 160 : index
      %get3A_374 = tpu.vector_load %arg7[%get3A_372, %get3A_373] {strides = array<i32>} : memref<3x256xi32, #tpu.memory_space<vmem>>, vector<1x16xi32>,
      %get3A_375 = vector.shape_cast %get3A_374 : vector<1x16xi32> to vector<16xi32>
      %swap3A_376 = arith.constant 2 : i32
      %swap3A_377 = arith.index_cast %swap3A_376 : i32 to index
      %swap3A_378 = arith.constant 32 : index
      %swap3A_379 = tpu.vector_load %arg8[%swap3A_377, %swap3A_378] {strides = array<i32>} : memref<3x128xi32, #tpu.memory_space<vmem>>, vector<1x16xi32>,
      %swap3A_380 = vector.shape_cast %swap3A_379 : vector<1x16xi32> to vector<16xi32>
      %swap3A_381 = vector.shape_cast %get3A_375 : vector<16xi32> to vector<1x16xi32>
      tpu.vector_store %arg8[%swap3A_377, %swap3A_378], %swap3A_381 {strides = array<i32>} : memref<3x128xi32, #tpu.memory_space<vmem>>, vector<1x16xi32>,
      %get3A_382 = arith.constant 2 : i32
      %get3A_383 = arith.index_cast %get3A_382 : i32 to index
      %get3A_384 = arith.constant 176 : index
      %get3A_385 = tpu.vector_load %arg7[%get3A_383, %get3A_384] {strides = array<i32>} : memref<3x256xi32, #tpu.memory_space<vmem>>, vector<1x16xi32>,
      %get3A_386 = vector.shape_cast %get3A_385 : vector<1x16xi32> to vector<16xi32>
      %swap3A_387 = arith.constant 2 : i32
      %swap3A_388 = arith.index_cast %swap3A_387 : i32 to index
      %swap3A_389 = arith.constant 48 : index
      %swap3A_390 = tpu.vector_load %arg8[%swap3A_388, %swap3A_389] {strides = array<i32>} : memref<3x128xi32, #tpu.memory_space<vmem>>, vector<1x16xi32>,
      %swap3A_391 = vector.shape_cast %swap3A_390 : vector<1x16xi32> to vector<16xi32>
      %swap3A_392 = vector.shape_cast %get3A_386 : vector<16xi32> to vector<1x16xi32>
      tpu.vector_store %arg8[%swap3A_388, %swap3A_389], %swap3A_392 {strides = array<i32>} : memref<3x128xi32, #tpu.memory_space<vmem>>, vector<1x16xi32>,
      %get3A_393 = arith.constant 2 : i32
      %get3A_394 = arith.index_cast %get3A_393 : i32 to index
      %get3A_395 = arith.constant 192 : index
      %get3A_396 = tpu.vector_load %arg7[%get3A_394, %get3A_395] {strides = array<i32>} : memref<3x256xi32, #tpu.memory_space<vmem>>, vector<1x16xi32>,
      %get3A_397 = vector.shape_cast %get3A_396 : vector<1x16xi32> to vector<16xi32>
      %swap3A_398 = arith.constant 2 : i32
      %swap3A_399 = arith.index_cast %swap3A_398 : i32 to index
      %swap3A_400 = arith.constant 64 : index
      %swap3A_401 = tpu.vector_load %arg8[%swap3A_399, %swap3A_400] {strides = array<i32>} : memref<3x128xi32, #tpu.memory_space<vmem>>, vector<1x16xi32>,
      %swap3A_402 = vector.shape_cast %swap3A_401 : vector<1x16xi32> to vector<16xi32>
      %swap3A_403 = vector.shape_cast %get3A_397 : vector<16xi32> to vector<1x16xi32>
      tpu.vector_store %arg8[%swap3A_399, %swap3A_400], %swap3A_403 {strides = array<i32>} : memref<3x128xi32, #tpu.memory_space<vmem>>, vector<1x16xi32>,
      %get3A_404 = arith.constant 2 : i32
      %get3A_405 = arith.index_cast %get3A_404 : i32 to index
      %get3A_406 = arith.constant 208 : index
      %get3A_407 = tpu.vector_load %arg7[%get3A_405, %get3A_406] {strides = array<i32>} : memref<3x256xi32, #tpu.memory_space<vmem>>, vector<1x16xi32>,
      %get3A_408 = vector.shape_cast %get3A_407 : vector<1x16xi32> to vector<16xi32>
      %swap3A_409 = arith.constant 2 : i32
      %swap3A_410 = arith.index_cast %swap3A_409 : i32 to index
      %swap3A_411 = arith.constant 80 : index
      %swap3A_412 = tpu.vector_load %arg8[%swap3A_410, %swap3A_411] {strides = array<i32>} : memref<3x128xi32, #tpu.memory_space<vmem>>, vector<1x16xi32>,
      %swap3A_413 = vector.shape_cast %swap3A_412 : vector<1x16xi32> to vector<16xi32>
      %swap3A_414 = vector.shape_cast %get3A_408 : vector<16xi32> to vector<1x16xi32>
      tpu.vector_store %arg8[%swap3A_410, %swap3A_411], %swap3A_414 {strides = array<i32>} : memref<3x128xi32, #tpu.memory_space<vmem>>, vector<1x16xi32>,
      %get3A_415 = arith.constant 2 : i32
      %get3A_416 = arith.index_cast %get3A_415 : i32 to index
      %get3A_417 = arith.constant 224 : index
      %get3A_418 = tpu.vector_load %arg7[%get3A_416, %get3A_417] {strides = array<i32>} : memref<3x256xi32, #tpu.memory_space<vmem>>, vector<1x16xi32>,
      %get3A_419 = vector.shape_cast %get3A_418 : vector<1x16xi32> to vector<16xi32>
      %swap3A_420 = arith.constant 2 : i32
      %swap3A_421 = arith.index_cast %swap3A_420 : i32 to index
      %swap3A_422 = arith.constant 96 : index
      %swap3A_423 = tpu.vector_load %arg8[%swap3A_421, %swap3A_422] {strides = array<i32>} : memref<3x128xi32, #tpu.memory_space<vmem>>, vector<1x16xi32>,
      %swap3A_424 = vector.shape_cast %swap3A_423 : vector<1x16xi32> to vector<16xi32>
      %swap3A_425 = vector.shape_cast %get3A_419 : vector<16xi32> to vector<1x16xi32>
      tpu.vector_store %arg8[%swap3A_421, %swap3A_422], %swap3A_425 {strides = array<i32>} : memref<3x128xi32, #tpu.memory_space<vmem>>, vector<1x16xi32>,
      %get3A_426 = arith.constant 2 : i32
      %get3A_427 = arith.index_cast %get3A_426 : i32 to index
      %get3A_428 = arith.constant 240 : index
      %get3A_429 = tpu.vector_load %arg7[%get3A_427, %get3A_428] {strides = array<i32>} : memref<3x256xi32, #tpu.memory_space<vmem>>, vector<1x16xi32>,
      %get3A_430 = vector.shape_cast %get3A_429 : vector<1x16xi32> to vector<16xi32>
      %swap3A_431 = arith.constant 2 : i32
      %swap3A_432 = arith.index_cast %swap3A_431 : i32 to index
      %swap3A_433 = arith.constant 112 : index
      %swap3A_434 = tpu.vector_load %arg8[%swap3A_432, %swap3A_433] {strides = array<i32>} : memref<3x128xi32, #tpu.memory_space<vmem>>, vector<1x16xi32>,
      %swap3A_435 = vector.shape_cast %swap3A_434 : vector<1x16xi32> to vector<16xi32>
      %swap3A_436 = vector.shape_cast %get3A_430 : vector<16xi32> to vector<1x16xi32>
      tpu.vector_store %arg8[%swap3A_432, %swap3A_433], %swap3A_436 {strides = array<i32>} : memref<3x128xi32, #tpu.memory_space<vmem>>, vector<1x16xi32>,
      %dma_start3A_437 = arith.constant 1 : i32
      %dma_start3A_438 = arith.constant 0 : i32
      %dma_start3A_439 = tpu.memref_slice %arg8[%dma_start3A_437, %dma_start3A_438] : memref<3x128xi32, #tpu.memory_space<vmem>> -> memref<1x128xi32, #tpu.memory_space<vmem>>
      %dma_start3A_440 = tpu.memref_squeeze %dma_start3A_439 : memref<1x128xi32, #tpu.memory_space<vmem>> -> memref<128xi32, #tpu.memory_space<vmem>>
      %dma_start3A_441 = arith.constant 0 : i32
      %dma_start3A_442 = arith.constant 0 : i32
      %dma_start3A_443 = tpu.memref_slice %arg6[%dma_start3A_441, %dma_start3A_442] : memref<50064x16xf32, #tpu.memory_space<vmem_shared>> -> memref<50064x16xf32, #tpu.memory_space<vmem_shared>>
      tpu.enqueue_indirect_dma source(%arg9 : memref<128x16xf32, #tpu.memory_space<vmem>>) target(%dma_start3A_443 : memref<50064x16xf32, #tpu.memory_space<vmem_shared>>) offsets(%dma_start3A_440 : memref<128xi32, #tpu.memory_space<vmem>>) semaphore(%arg14 : memref<!tpu.dma_semaphore, #tpu.memory_space<semaphore_mem>>) {add = true}
      %le3A_444 = arith.constant 65 : i32
      %le3A_445 = arith.cmpi sle, %scan3A_74, %le3A_444 : i32
      %convert_element_type3A_446 = arith.extui %le3A_445 : i1 to i32
      %cond3A_447 = arith.constant 0 : i32
      %cond3A_448 = arith.cmpi ne, %convert_element_type3A_446, %cond3A_447 : i32
      scf.if %cond3A_448 {
        %add3A_449 = arith.constant 2 : i32
        %add3A_450 = arith.addi %add3A_329, %add3A_449 : i32
        %mul3A_451 = arith.constant 201 : i32
        %mul3A_452 = arith.muli %add3A, %mul3A_451 : i32
        %add3A_453 = arith.addi %mul3A_452, %add3A_450 : i32
        %mul3A_454 = arith.constant 256 : i32
        %mul3A_455 = arith.muli %add3A_453, %mul3A_454 : i32
        %dma_start3A_456 = arith.constant 1 : i32
        %dma_start3A_457 = arith.constant 0 : i32
        %dma_start3A_458 = tpu.memref_slice %arg7[%dma_start3A_456, %dma_start3A_457] : memref<3x256xi32, #tpu.memory_space<vmem>> -> memref<1x256xi32, #tpu.memory_space<vmem>>
        %dma_start3A_459 = tpu.memref_squeeze %dma_start3A_458 : memref<1x256xi32, #tpu.memory_space<vmem>> -> memref<256xi32, #tpu.memory_space<vmem>>
        %dma_start3A_460 = tpu.memref_slice %arg2[%mul3A_455] : memref<1646592xi32, #tpu.memory_space<hbm>> -> memref<256xi32, #tpu.memory_space<hbm>>
        %dma_start3A_461 = arith.constant 0 : i32
        %dma_start3A_462 = tpu.memref_slice %arg7[%dma_start3A_456, %dma_start3A_461] : memref<3x256xi32, #tpu.memory_space<vmem>> -> memref<1x256xi32, #tpu.memory_space<vmem>>
        %dma_start3A_463 = tpu.memref_squeeze %dma_start3A_462 : memref<1x256xi32, #tpu.memory_space<vmem>> -> memref<256xi32, #tpu.memory_space<vmem>>
        %dma_start3A_464 = tpu.memref_slice %arg2[%mul3A_455] : memref<1646592xi32, #tpu.memory_space<hbm>> -> memref<256xi32, #tpu.memory_space<hbm>>
        tpu.enqueue_dma source(%dma_start3A_464 : memref<256xi32, #tpu.memory_space<hbm>>) target(%dma_start3A_463 : memref<256xi32, #tpu.memory_space<vmem>>) target_semaphore(%arg11 : memref<!tpu.dma_semaphore, #tpu.memory_space<semaphore_mem>>)
      } else {
      }
    }
    %scan3A_38 = arith.constant 67 : i32
    %dma_start3A_39 = arith.constant 2 : i32
    %dma_start3A_40 = arith.constant 0 : i32
    %dma_start3A_41 = tpu.memref_slice %arg8[%dma_start3A_39, %dma_start3A_40] : memref<3x128xi32, #tpu.memory_space<vmem>> -> memref<1x128xi32, #tpu.memory_space<vmem>>
    %dma_start3A_42 = tpu.memref_squeeze %dma_start3A_41 : memref<1x128xi32, #tpu.memory_space<vmem>> -> memref<128xi32, #tpu.memory_space<vmem>>
    %dma_start3A_43 = arith.constant 0 : i32
    %dma_start3A_44 = arith.constant 0 : i32
    %dma_start3A_45 = tpu.memref_slice %arg6[%dma_start3A_43, %dma_start3A_44] : memref<50064x16xf32, #tpu.memory_space<vmem_shared>> -> memref<50064x16xf32, #tpu.memory_space<vmem_shared>>
    tpu.enqueue_indirect_dma source(%arg9 : memref<128x16xf32, #tpu.memory_space<vmem>>) target(%dma_start3A_45 : memref<50064x16xf32, #tpu.memory_space<vmem_shared>>) offsets(%dma_start3A_42 : memref<128xi32, #tpu.memory_space<vmem>>) semaphore(%arg15 : memref<!tpu.dma_semaphore, #tpu.memory_space<semaphore_mem>>) {add = true}
    %dma_wait3A = arith.constant 0 : i32
    %dma_wait3A_46 = arith.constant 0 : i32
    %dma_wait3A_47 = tpu.memref_slice %arg8[%dma_wait3A, %dma_wait3A_46] : memref<3x128xi32, #tpu.memory_space<vmem>> -> memref<1x128xi32, #tpu.memory_space<vmem>>
    %dma_wait3A_48 = tpu.memref_squeeze %dma_wait3A_47 : memref<1x128xi32, #tpu.memory_space<vmem>> -> memref<128xi32, #tpu.memory_space<vmem>>
    %dma_wait3A_49 = arith.constant 0 : i32
    %dma_wait3A_50 = arith.constant 0 : i32
    %dma_wait3A_51 = tpu.memref_slice %arg6[%dma_wait3A_49, %dma_wait3A_50] : memref<50064x16xf32, #tpu.memory_space<vmem_shared>> -> memref<50064x16xf32, #tpu.memory_space<vmem_shared>>
    tpu.wait_indirect_dma semaphore(%arg13 : memref<!tpu.dma_semaphore, #tpu.memory_space<semaphore_mem>>) src(%arg9 : memref<128x16xf32, #tpu.memory_space<vmem>>) dst(%dma_wait3A_51 : memref<50064x16xf32, #tpu.memory_space<vmem_shared>>)
    %dma_wait3A_52 = arith.constant 1 : i32
    %dma_wait3A_53 = arith.constant 0 : i32
    %dma_wait3A_54 = tpu.memref_slice %arg8[%dma_wait3A_52, %dma_wait3A_53] : memref<3x128xi32, #tpu.memory_space<vmem>> -> memref<1x128xi32, #tpu.memory_space<vmem>>
    %dma_wait3A_55 = tpu.memref_squeeze %dma_wait3A_54 : memref<1x128xi32, #tpu.memory_space<vmem>> -> memref<128xi32, #tpu.memory_space<vmem>>
    %dma_wait3A_56 = arith.constant 0 : i32
    %dma_wait3A_57 = arith.constant 0 : i32
    %dma_wait3A_58 = tpu.memref_slice %arg6[%dma_wait3A_56, %dma_wait3A_57] : memref<50064x16xf32, #tpu.memory_space<vmem_shared>> -> memref<50064x16xf32, #tpu.memory_space<vmem_shared>>
    tpu.wait_indirect_dma semaphore(%arg14 : memref<!tpu.dma_semaphore, #tpu.memory_space<semaphore_mem>>) src(%arg9 : memref<128x16xf32, #tpu.memory_space<vmem>>) dst(%dma_wait3A_58 : memref<50064x16xf32, #tpu.memory_space<vmem_shared>>)
    %dma_wait3A_59 = arith.constant 2 : i32
    %dma_wait3A_60 = arith.constant 0 : i32
    %dma_wait3A_61 = tpu.memref_slice %arg8[%dma_wait3A_59, %dma_wait3A_60] : memref<3x128xi32, #tpu.memory_space<vmem>> -> memref<1x128xi32, #tpu.memory_space<vmem>>
    %dma_wait3A_62 = tpu.memref_squeeze %dma_wait3A_61 : memref<1x128xi32, #tpu.memory_space<vmem>> -> memref<128xi32, #tpu.memory_space<vmem>>
    %dma_wait3A_63 = arith.constant 0 : i32
    %dma_wait3A_64 = arith.constant 0 : i32
    %dma_wait3A_65 = tpu.memref_slice %arg6[%dma_wait3A_63, %dma_wait3A_64] : memref<50064x16xf32, #tpu.memory_space<vmem_shared>> -> memref<50064x16xf32, #tpu.memory_space<vmem_shared>>
    tpu.wait_indirect_dma semaphore(%arg15 : memref<!tpu.dma_semaphore, #tpu.memory_space<semaphore_mem>>) src(%arg9 : memref<128x16xf32, #tpu.memory_space<vmem>>) dst(%dma_wait3A_65 : memref<50064x16xf32, #tpu.memory_space<vmem_shared>>)
    %barrier3A_66 = arith.constant 0 : index
    tpu.barrier barrier_id(%barrier3A_66)
    %mul3A_67 = arith.constant 3128 : i32
    %mul3A_68 = arith.muli %arg1, %mul3A_67 : i32
    %mul3A_69 = arith.constant 50048 : i32
    %mul3A_70 = arith.muli %arg0, %mul3A_69 : i32
    %mul3A_71 = arith.constant 3128 : i32
    %mul3A_72 = arith.muli %arg1, %mul3A_71 : i32
    %add3A_73 = arith.addi %mul3A_70, %mul3A_72 : i32
    "tpu.region"() ({
      %run_scoped3A = tpu.sem_alloc : memref<!tpu.dma_semaphore, #tpu.memory_space<semaphore_mem>>
      %dma_start3A_74 = arith.constant 0 : i32
      %dma_start3A_75 = tpu.memref_slice %arg5[%add3A_73, %dma_start3A_74] : memref<100096x16xf32, #tpu.memory_space<hbm>> -> memref<3128x16xf32, #tpu.memory_space<hbm>>
      %dma_start3A_76 = arith.constant 0 : i32
      %dma_start3A_77 = tpu.memref_slice %arg6[%mul3A_68, %dma_start3A_76] : memref<50064x16xf32, #tpu.memory_space<vmem_shared>> -> memref<3128x16xf32, #tpu.memory_space<vmem_shared>>
      tpu.enqueue_dma source(%dma_start3A_77 : memref<3128x16xf32, #tpu.memory_space<vmem_shared>>) target(%dma_start3A_75 : memref<3128x16xf32, #tpu.memory_space<hbm>>) target_semaphore(%run_scoped3A : memref<!tpu.dma_semaphore, #tpu.memory_space<semaphore_mem>>)
      %dma_wait3A_78 = arith.constant 0 : i32
      %dma_wait3A_79 = tpu.memref_slice %arg5[%add3A_73, %dma_wait3A_78] : memref<100096x16xf32, #tpu.memory_space<hbm>> -> memref<3128x16xf32, #tpu.memory_space<hbm>>
      %dma_wait3A_80 = arith.constant 0 : i32
      %dma_wait3A_81 = tpu.memref_slice %arg6[%mul3A_68, %dma_wait3A_80] : memref<50064x16xf32, #tpu.memory_space<vmem_shared>> -> memref<3128x16xf32, #tpu.memory_space<vmem_shared>>
      tpu.wait_dma2 semaphore(%run_scoped3A : memref<!tpu.dma_semaphore, #tpu.memory_space<semaphore_mem>>) src(%dma_wait3A_81 : memref<3128x16xf32, #tpu.memory_space<vmem_shared>>) dst(%dma_wait3A_79 : memref<3128x16xf32, #tpu.memory_space<hbm>>)
      tpu.yield
    }) : () -> ()
    return
  }
}

#map = affine_map<(d0, d1) -> (0, 0)>
#map1 = affine_map<(d0, d1) -> (0)>
module attributes {stable_mosaic.version = 14 : i64} {
  func.func @_edge_pass(%arg0: i32, %arg1: i32, %arg2: memref<50048x64xf32, #tpu.memory_space<hbm>>, %arg3: memref<1646592xi32, #tpu.memory_space<hbm>>, %arg4: memref<1564x64xf32, #tpu.memory_space<hbm>>, %arg5: memref<50048x64xf32, #tpu.memory_space<hbm>>, %arg6: memref<25032x64xf32, #tpu.memory_space<vmem_shared>>, %arg7: memref<3x256xi32, #tpu.memory_space<vmem>>, %arg8: memref<3x128xi32, #tpu.memory_space<vmem>>, %arg9: memref<3x128x64xf32, #tpu.memory_space<vmem>>, %arg10: memref<!tpu.dma_semaphore, #tpu.memory_space<semaphore_mem>>, %arg11: memref<!tpu.dma_semaphore, #tpu.memory_space<semaphore_mem>>, %arg12: memref<!tpu.dma_semaphore, #tpu.memory_space<semaphore_mem>>, %arg13: memref<!tpu.dma_semaphore, #tpu.memory_space<semaphore_mem>>, %arg14: memref<!tpu.dma_semaphore, #tpu.memory_space<semaphore_mem>>, %arg15: memref<!tpu.dma_semaphore, #tpu.memory_space<semaphore_mem>>, %arg16: memref<!tpu.dma_semaphore, #tpu.memory_space<semaphore_mem>>, %arg17: memref<!tpu.dma_semaphore, #tpu.memory_space<semaphore_mem>>, %arg18: memref<!tpu.dma_semaphore, #tpu.memory_space<semaphore_mem>>) attributes {dimension_semantics = [#tpu.dimension_semantics<core_parallel>, #tpu.dimension_semantics<subcore_parallel>], iteration_bounds = array<i64: 2, 16>, scalar_prefetch = 0 : i64, scratch_operands = 13 : i64, tpu.core_type = #tpu.core_type<sc_vector_subcore>, window_params = [{transform_indices = #map}, {transform_indices = #map1}, {transform_indices = #map}, {transform_indices = #map}]} {
    %mul3A = arith.constant 25024 : i32
    %mul3A_0 = arith.muli %arg0, %mul3A : i32
    %mul3A_1 = arith.constant 1564 : i32
    %mul3A_2 = arith.muli %arg1, %mul3A_1 : i32
    "tpu.region"() ({
      %run_scoped3A = tpu.sem_alloc : memref<!tpu.dma_semaphore, #tpu.memory_space<semaphore_mem>>
      %dma_start3A_105 = arith.constant 0 : i32
      %dma_start3A_106 = tpu.memref_slice %arg6[%mul3A_2, %dma_start3A_105] : memref<25032x64xf32, #tpu.memory_space<vmem_shared>> -> memref<1564x64xf32, #tpu.memory_space<vmem_shared>>
      %dma_start3A_107 = arith.constant 0 : i32
      %dma_start3A_108 = arith.constant 0 : i32
      %dma_start3A_109 = tpu.memref_slice %arg4[%dma_start3A_107, %dma_start3A_108] : memref<1564x64xf32, #tpu.memory_space<hbm>> -> memref<1564x64xf32, #tpu.memory_space<hbm>>
      tpu.enqueue_dma source(%dma_start3A_109 : memref<1564x64xf32, #tpu.memory_space<hbm>>) target(%dma_start3A_106 : memref<1564x64xf32, #tpu.memory_space<vmem_shared>>) target_semaphore(%run_scoped3A : memref<!tpu.dma_semaphore, #tpu.memory_space<semaphore_mem>>)
      %dma_wait3A_110 = arith.constant 0 : i32
      %dma_wait3A_111 = tpu.memref_slice %arg6[%mul3A_2, %dma_wait3A_110] : memref<25032x64xf32, #tpu.memory_space<vmem_shared>> -> memref<1564x64xf32, #tpu.memory_space<vmem_shared>>
      %dma_wait3A_112 = arith.constant 0 : i32
      %dma_wait3A_113 = arith.constant 0 : i32
      %dma_wait3A_114 = tpu.memref_slice %arg4[%dma_wait3A_112, %dma_wait3A_113] : memref<1564x64xf32, #tpu.memory_space<hbm>> -> memref<1564x64xf32, #tpu.memory_space<hbm>>
      tpu.wait_dma2 semaphore(%run_scoped3A : memref<!tpu.dma_semaphore, #tpu.memory_space<semaphore_mem>>) src(%dma_wait3A_114 : memref<1564x64xf32, #tpu.memory_space<hbm>>) dst(%dma_wait3A_111 : memref<1564x64xf32, #tpu.memory_space<vmem_shared>>)
      tpu.yield
    }) : () -> ()
    %eq3A = arith.constant 0 : i32
    %eq3A_3 = arith.cmpi eq, %arg1, %eq3A : i32
    %convert_element_type3A = arith.extui %eq3A_3 : i1 to i32
    %cond3A = arith.constant 0 : i32
    %cond3A_4 = arith.cmpi ne, %convert_element_type3A, %cond3A : i32
    scf.if %cond3A_4 {
      "tpu.region"() ({
        %run_scoped3A = tpu.sem_alloc : memref<!tpu.dma_semaphore, #tpu.memory_space<semaphore_mem>>
        %dma_start3A_105 = arith.constant 25024 : i32
        %dma_start3A_106 = arith.constant 0 : i32
        %dma_start3A_107 = tpu.memref_slice %arg6[%dma_start3A_105, %dma_start3A_106] : memref<25032x64xf32, #tpu.memory_space<vmem_shared>> -> memref<8x64xf32, #tpu.memory_space<vmem_shared>>
        %dma_start3A_108 = arith.constant 0 : i32
        %dma_start3A_109 = arith.constant 0 : i32
        %dma_start3A_110 = tpu.memref_slice %arg4[%dma_start3A_108, %dma_start3A_109] : memref<1564x64xf32, #tpu.memory_space<hbm>> -> memref<8x64xf32, #tpu.memory_space<hbm>>
        tpu.enqueue_dma source(%dma_start3A_110 : memref<8x64xf32, #tpu.memory_space<hbm>>) target(%dma_start3A_107 : memref<8x64xf32, #tpu.memory_space<vmem_shared>>) target_semaphore(%run_scoped3A : memref<!tpu.dma_semaphore, #tpu.memory_space<semaphore_mem>>)
        %dma_wait3A_111 = arith.constant 25024 : i32
        %dma_wait3A_112 = arith.constant 0 : i32
        %dma_wait3A_113 = tpu.memref_slice %arg6[%dma_wait3A_111, %dma_wait3A_112] : memref<25032x64xf32, #tpu.memory_space<vmem_shared>> -> memref<8x64xf32, #tpu.memory_space<vmem_shared>>
        %dma_wait3A_114 = arith.constant 0 : i32
        %dma_wait3A_115 = arith.constant 0 : i32
        %dma_wait3A_116 = tpu.memref_slice %arg4[%dma_wait3A_114, %dma_wait3A_115] : memref<1564x64xf32, #tpu.memory_space<hbm>> -> memref<8x64xf32, #tpu.memory_space<hbm>>
        tpu.wait_dma2 semaphore(%run_scoped3A : memref<!tpu.dma_semaphore, #tpu.memory_space<semaphore_mem>>) src(%dma_wait3A_116 : memref<8x64xf32, #tpu.memory_space<hbm>>) dst(%dma_wait3A_113 : memref<8x64xf32, #tpu.memory_space<vmem_shared>>)
        tpu.yield
      }) : () -> ()
    } else {
    }
    %barrier3A = arith.constant 0 : index
    tpu.barrier barrier_id(%barrier3A)
    %mul3A_5 = arith.constant 402 : i32
    %mul3A_6 = arith.muli %arg1, %mul3A_5 : i32
    %add3A = arith.constant 0 : i32
    %add3A_7 = arith.addi %mul3A_6, %add3A : i32
    %mul3A_8 = arith.constant 256 : i32
    %mul3A_9 = arith.muli %add3A_7, %mul3A_8 : i32
    %dma_start3A = arith.constant 0 : i32
    %dma_start3A_10 = arith.constant 0 : i32
    %dma_start3A_11 = tpu.memref_slice %arg7[%dma_start3A, %dma_start3A_10] : memref<3x256xi32, #tpu.memory_space<vmem>> -> memref<1x256xi32, #tpu.memory_space<vmem>>
    %dma_start3A_12 = tpu.memref_squeeze %dma_start3A_11 : memref<1x256xi32, #tpu.memory_space<vmem>> -> memref<256xi32, #tpu.memory_space<vmem>>
    %dma_start3A_13 = tpu.memref_slice %arg3[%mul3A_9] : memref<1646592xi32, #tpu.memory_space<hbm>> -> memref<256xi32, #tpu.memory_space<hbm>>
    %dma_start3A_14 = arith.constant 0 : i32
    %dma_start3A_15 = tpu.memref_slice %arg7[%dma_start3A, %dma_start3A_14] : memref<3x256xi32, #tpu.memory_space<vmem>> -> memref<1x256xi32, #tpu.memory_space<vmem>>
    %dma_start3A_16 = tpu.memref_squeeze %dma_start3A_15 : memref<1x256xi32, #tpu.memory_space<vmem>> -> memref<256xi32, #tpu.memory_space<vmem>>
    %dma_start3A_17 = tpu.memref_slice %arg3[%mul3A_9] : memref<1646592xi32, #tpu.memory_space<hbm>> -> memref<256xi32, #tpu.memory_space<hbm>>
    tpu.enqueue_dma source(%dma_start3A_17 : memref<256xi32, #tpu.memory_space<hbm>>) target(%dma_start3A_16 : memref<256xi32, #tpu.memory_space<vmem>>) target_semaphore(%arg10 : memref<!tpu.dma_semaphore, #tpu.memory_space<semaphore_mem>>)
    %mul3A_18 = arith.constant 402 : i32
    %mul3A_19 = arith.muli %arg1, %mul3A_18 : i32
    %add3A_20 = arith.constant 1 : i32
    %add3A_21 = arith.addi %mul3A_19, %add3A_20 : i32
    %mul3A_22 = arith.constant 256 : i32
    %mul3A_23 = arith.muli %add3A_21, %mul3A_22 : i32
    %dma_start3A_24 = arith.constant 1 : i32
    %dma_start3A_25 = arith.constant 0 : i32
    %dma_start3A_26 = tpu.memref_slice %arg7[%dma_start3A_24, %dma_start3A_25] : memref<3x256xi32, #tpu.memory_space<vmem>> -> memref<1x256xi32, #tpu.memory_space<vmem>>
    %dma_start3A_27 = tpu.memref_squeeze %dma_start3A_26 : memref<1x256xi32, #tpu.memory_space<vmem>> -> memref<256xi32, #tpu.memory_space<vmem>>
    %dma_start3A_28 = tpu.memref_slice %arg3[%mul3A_23] : memref<1646592xi32, #tpu.memory_space<hbm>> -> memref<256xi32, #tpu.memory_space<hbm>>
    %dma_start3A_29 = arith.constant 0 : i32
    %dma_start3A_30 = tpu.memref_slice %arg7[%dma_start3A_24, %dma_start3A_29] : memref<3x256xi32, #tpu.memory_space<vmem>> -> memref<1x256xi32, #tpu.memory_space<vmem>>
    %dma_start3A_31 = tpu.memref_squeeze %dma_start3A_30 : memref<1x256xi32, #tpu.memory_space<vmem>> -> memref<256xi32, #tpu.memory_space<vmem>>
    %dma_start3A_32 = tpu.memref_slice %arg3[%mul3A_23] : memref<1646592xi32, #tpu.memory_space<hbm>> -> memref<256xi32, #tpu.memory_space<hbm>>
    tpu.enqueue_dma source(%dma_start3A_32 : memref<256xi32, #tpu.memory_space<hbm>>) target(%dma_start3A_31 : memref<256xi32, #tpu.memory_space<vmem>>) target_semaphore(%arg11 : memref<!tpu.dma_semaphore, #tpu.memory_space<semaphore_mem>>)
    %scan3A = arith.constant 0 : i32
    %scan3A_33 = arith.constant 0 : i32
    %scan3A_34 = arith.constant 134 : i32
    %scan3A_35 = arith.addi %scan3A_33, %scan3A_34 : i32
    %scan3A_36 = arith.constant 1 : i32
    scf.for %scan3A_105 = %scan3A_33 to %scan3A_35 step %scan3A_36  : i32 {
      %mul3A_106 = arith.constant 3 : i32
      %mul3A_107 = arith.muli %scan3A_105, %mul3A_106 : i32
      %add3A_108 = arith.constant 0 : i32
      %add3A_109 = arith.addi %mul3A_107, %add3A_108 : i32
      %ge3A = arith.constant 1 : i32
      %ge3A_110 = arith.cmpi sge, %scan3A_105, %ge3A : i32
      %convert_element_type3A_111 = arith.extui %ge3A_110 : i1 to i32
      %cond3A_112 = arith.constant 0 : i32
      %cond3A_113 = arith.cmpi ne, %convert_element_type3A_111, %cond3A_112 : i32
      scf.if %cond3A_113 {
        %dma_wait3A_832 = arith.constant 0 : i32
        %dma_wait3A_833 = arith.constant 0 : i32
        %dma_wait3A_834 = arith.constant 0 : i32
        %dma_wait3A_835 = arith.constant 0 : i32
        %dma_wait3A_836 = tpu.memref_slice %arg9[%dma_wait3A_832, %dma_wait3A_834, %dma_wait3A_835] : memref<3x128x64xf32, #tpu.memory_space<vmem>> -> memref<1x128x64xf32, #tpu.memory_space<vmem>>
        %dma_wait3A_837 = tpu.memref_squeeze %dma_wait3A_836 : memref<1x128x64xf32, #tpu.memory_space<vmem>> -> memref<128x64xf32, #tpu.memory_space<vmem>>
        %dma_wait3A_838 = arith.constant 0 : i32
        %dma_wait3A_839 = tpu.memref_slice %arg8[%dma_wait3A_833, %dma_wait3A_838] : memref<3x128xi32, #tpu.memory_space<vmem>> -> memref<1x128xi32, #tpu.memory_space<vmem>>
        %dma_wait3A_840 = tpu.memref_squeeze %dma_wait3A_839 : memref<1x128xi32, #tpu.memory_space<vmem>> -> memref<128xi32, #tpu.memory_space<vmem>>
        %dma_wait3A_841 = arith.constant 0 : i32
        %dma_wait3A_842 = arith.constant 0 : i32
        %dma_wait3A_843 = tpu.memref_slice %arg6[%dma_wait3A_841, %dma_wait3A_842] : memref<25032x64xf32, #tpu.memory_space<vmem_shared>> -> memref<25032x64xf32, #tpu.memory_space<vmem_shared>>
        tpu.wait_indirect_dma semaphore(%arg16 : memref<!tpu.dma_semaphore, #tpu.memory_space<semaphore_mem>>) src(%dma_wait3A_837 : memref<128x64xf32, #tpu.memory_space<vmem>>) dst(%dma_wait3A_843 : memref<25032x64xf32, #tpu.memory_space<vmem_shared>>)
      } else {
      }
      %mul3A_114 = arith.constant 402 : i32
      %mul3A_115 = arith.muli %arg1, %mul3A_114 : i32
      %add3A_116 = arith.addi %mul3A_115, %add3A_109 : i32
      %mul3A_117 = arith.constant 256 : i32
      %mul3A_118 = arith.muli %add3A_116, %mul3A_117 : i32
      %dma_wait3A_119 = arith.constant 0 : i32
      %dma_wait3A_120 = arith.constant 0 : i32
      %dma_wait3A_121 = tpu.memref_slice %arg7[%dma_wait3A_119, %dma_wait3A_120] : memref<3x256xi32, #tpu.memory_space<vmem>> -> memref<1x256xi32, #tpu.memory_space<vmem>>
      %dma_wait3A_122 = tpu.memref_squeeze %dma_wait3A_121 : memref<1x256xi32, #tpu.memory_space<vmem>> -> memref<256xi32, #tpu.memory_space<vmem>>
      %dma_wait3A_123 = tpu.memref_slice %arg3[%mul3A_118] : memref<1646592xi32, #tpu.memory_space<hbm>> -> memref<256xi32, #tpu.memory_space<hbm>>
      %dma_wait3A_124 = arith.constant 0 : i32
      %dma_wait3A_125 = tpu.memref_slice %arg7[%dma_wait3A_119, %dma_wait3A_124] : memref<3x256xi32, #tpu.memory_space<vmem>> -> memref<1x256xi32, #tpu.memory_space<vmem>>
      %dma_wait3A_126 = tpu.memref_squeeze %dma_wait3A_125 : memref<1x256xi32, #tpu.memory_space<vmem>> -> memref<256xi32, #tpu.memory_space<vmem>>
      %dma_wait3A_127 = tpu.memref_slice %arg3[%mul3A_118] : memref<1646592xi32, #tpu.memory_space<hbm>> -> memref<256xi32, #tpu.memory_space<hbm>>
      tpu.wait_dma2 semaphore(%arg10 : memref<!tpu.dma_semaphore, #tpu.memory_space<semaphore_mem>>) src(%dma_wait3A_127 : memref<256xi32, #tpu.memory_space<hbm>>) dst(%dma_wait3A_126 : memref<256xi32, #tpu.memory_space<vmem>>)
      %get3A = arith.constant 0 : i32
      %get3A_128 = arith.index_cast %get3A : i32 to index
      %get3A_129 = arith.constant 128 : index
      %get3A_130 = tpu.vector_load %arg7[%get3A_128, %get3A_129] {strides = array<i32>} : memref<3x256xi32, #tpu.memory_space<vmem>>, vector<1x16xi32>,
      %get3A_131 = vector.shape_cast %get3A_130 : vector<1x16xi32> to vector<16xi32>
      %sub3A = vector.broadcast %mul3A_0 : i32 to vector<16xi32>
      %sub3A_132 = arith.subi %get3A_131, %sub3A : vector<16xi32>
      %ge3A_133 = arith.constant 0 : i32
      %ge3A_134 = vector.broadcast %ge3A_133 : i32 to vector<16xi32>
      %ge3A_135 = arith.cmpi sge, %sub3A_132, %ge3A_134 : vector<16xi32>
      %lt3A = arith.constant 25024 : i32
      %lt3A_136 = vector.broadcast %lt3A : i32 to vector<16xi32>
      %lt3A_137 = arith.cmpi slt, %sub3A_132, %lt3A_136 : vector<16xi32>
      %and3A = arith.andi %ge3A_135, %lt3A_137 : vector<16xi1>
      %jit3A = arith.constant 25024 : i32
      %broadcast_in_dim3A = vector.broadcast %jit3A : i32 to vector<16xi32>
      %select_n3A = arith.select %and3A, %sub3A_132, %broadcast_in_dim3A : vector<16xi1>, vector<16xi32>
      %swap3A = arith.constant 0 : i32
      %swap3A_138 = arith.index_cast %swap3A : i32 to index
      %swap3A_139 = arith.constant 0 : index
      %swap3A_140 = tpu.vector_load %arg8[%swap3A_138, %swap3A_139] {strides = array<i32>} : memref<3x128xi32, #tpu.memory_space<vmem>>, vector<1x16xi32>,
      %swap3A_141 = vector.shape_cast %swap3A_140 : vector<1x16xi32> to vector<16xi32>
      %swap3A_142 = vector.shape_cast %select_n3A : vector<16xi32> to vector<1x16xi32>
      tpu.vector_store %arg8[%swap3A_138, %swap3A_139], %swap3A_142 {strides = array<i32>} : memref<3x128xi32, #tpu.memory_space<vmem>>, vector<1x16xi32>,
      %get3A_143 = arith.constant 0 : i32
      %get3A_144 = arith.index_cast %get3A_143 : i32 to index
      %get3A_145 = arith.constant 144 : index
      %get3A_146 = tpu.vector_load %arg7[%get3A_144, %get3A_145] {strides = array<i32>} : memref<3x256xi32, #tpu.memory_space<vmem>>, vector<1x16xi32>,
      %get3A_147 = vector.shape_cast %get3A_146 : vector<1x16xi32> to vector<16xi32>
      %sub3A_148 = vector.broadcast %mul3A_0 : i32 to vector<16xi32>
      %sub3A_149 = arith.subi %get3A_147, %sub3A_148 : vector<16xi32>
      %ge3A_150 = arith.constant 0 : i32
      %ge3A_151 = vector.broadcast %ge3A_150 : i32 to vector<16xi32>
      %ge3A_152 = arith.cmpi sge, %sub3A_149, %ge3A_151 : vector<16xi32>
      %lt3A_153 = arith.constant 25024 : i32
      %lt3A_154 = vector.broadcast %lt3A_153 : i32 to vector<16xi32>
      %lt3A_155 = arith.cmpi slt, %sub3A_149, %lt3A_154 : vector<16xi32>
      %and3A_156 = arith.andi %ge3A_152, %lt3A_155 : vector<16xi1>
      %jit3A_157 = arith.constant 25024 : i32
      %broadcast_in_dim3A_158 = vector.broadcast %jit3A_157 : i32 to vector<16xi32>
      %select_n3A_159 = arith.select %and3A_156, %sub3A_149, %broadcast_in_dim3A_158 : vector<16xi1>, vector<16xi32>
      %swap3A_160 = arith.constant 0 : i32
      %swap3A_161 = arith.index_cast %swap3A_160 : i32 to index
      %swap3A_162 = arith.constant 16 : index
      %swap3A_163 = tpu.vector_load %arg8[%swap3A_161, %swap3A_162] {strides = array<i32>} : memref<3x128xi32, #tpu.memory_space<vmem>>, vector<1x16xi32>,
      %swap3A_164 = vector.shape_cast %swap3A_163 : vector<1x16xi32> to vector<16xi32>
      %swap3A_165 = vector.shape_cast %select_n3A_159 : vector<16xi32> to vector<1x16xi32>
      tpu.vector_store %arg8[%swap3A_161, %swap3A_162], %swap3A_165 {strides = array<i32>} : memref<3x128xi32, #tpu.memory_space<vmem>>, vector<1x16xi32>,
      %get3A_166 = arith.constant 0 : i32
      %get3A_167 = arith.index_cast %get3A_166 : i32 to index
      %get3A_168 = arith.constant 160 : index
      %get3A_169 = tpu.vector_load %arg7[%get3A_167, %get3A_168] {strides = array<i32>} : memref<3x256xi32, #tpu.memory_space<vmem>>, vector<1x16xi32>,
      %get3A_170 = vector.shape_cast %get3A_169 : vector<1x16xi32> to vector<16xi32>
      %sub3A_171 = vector.broadcast %mul3A_0 : i32 to vector<16xi32>
      %sub3A_172 = arith.subi %get3A_170, %sub3A_171 : vector<16xi32>
      %ge3A_173 = arith.constant 0 : i32
      %ge3A_174 = vector.broadcast %ge3A_173 : i32 to vector<16xi32>
      %ge3A_175 = arith.cmpi sge, %sub3A_172, %ge3A_174 : vector<16xi32>
      %lt3A_176 = arith.constant 25024 : i32
      %lt3A_177 = vector.broadcast %lt3A_176 : i32 to vector<16xi32>
      %lt3A_178 = arith.cmpi slt, %sub3A_172, %lt3A_177 : vector<16xi32>
      %and3A_179 = arith.andi %ge3A_175, %lt3A_178 : vector<16xi1>
      %jit3A_180 = arith.constant 25024 : i32
      %broadcast_in_dim3A_181 = vector.broadcast %jit3A_180 : i32 to vector<16xi32>
      %select_n3A_182 = arith.select %and3A_179, %sub3A_172, %broadcast_in_dim3A_181 : vector<16xi1>, vector<16xi32>
      %swap3A_183 = arith.constant 0 : i32
      %swap3A_184 = arith.index_cast %swap3A_183 : i32 to index
      %swap3A_185 = arith.constant 32 : index
      %swap3A_186 = tpu.vector_load %arg8[%swap3A_184, %swap3A_185] {strides = array<i32>} : memref<3x128xi32, #tpu.memory_space<vmem>>, vector<1x16xi32>,
      %swap3A_187 = vector.shape_cast %swap3A_186 : vector<1x16xi32> to vector<16xi32>
      %swap3A_188 = vector.shape_cast %select_n3A_182 : vector<16xi32> to vector<1x16xi32>
      tpu.vector_store %arg8[%swap3A_184, %swap3A_185], %swap3A_188 {strides = array<i32>} : memref<3x128xi32, #tpu.memory_space<vmem>>, vector<1x16xi32>,
      %get3A_189 = arith.constant 0 : i32
      %get3A_190 = arith.index_cast %get3A_189 : i32 to index
      %get3A_191 = arith.constant 176 : index
      %get3A_192 = tpu.vector_load %arg7[%get3A_190, %get3A_191] {strides = array<i32>} : memref<3x256xi32, #tpu.memory_space<vmem>>, vector<1x16xi32>,
      %get3A_193 = vector.shape_cast %get3A_192 : vector<1x16xi32> to vector<16xi32>
      %sub3A_194 = vector.broadcast %mul3A_0 : i32 to vector<16xi32>
      %sub3A_195 = arith.subi %get3A_193, %sub3A_194 : vector<16xi32>
      %ge3A_196 = arith.constant 0 : i32
      %ge3A_197 = vector.broadcast %ge3A_196 : i32 to vector<16xi32>
      %ge3A_198 = arith.cmpi sge, %sub3A_195, %ge3A_197 : vector<16xi32>
      %lt3A_199 = arith.constant 25024 : i32
      %lt3A_200 = vector.broadcast %lt3A_199 : i32 to vector<16xi32>
      %lt3A_201 = arith.cmpi slt, %sub3A_195, %lt3A_200 : vector<16xi32>
      %and3A_202 = arith.andi %ge3A_198, %lt3A_201 : vector<16xi1>
      %jit3A_203 = arith.constant 25024 : i32
      %broadcast_in_dim3A_204 = vector.broadcast %jit3A_203 : i32 to vector<16xi32>
      %select_n3A_205 = arith.select %and3A_202, %sub3A_195, %broadcast_in_dim3A_204 : vector<16xi1>, vector<16xi32>
      %swap3A_206 = arith.constant 0 : i32
      %swap3A_207 = arith.index_cast %swap3A_206 : i32 to index
      %swap3A_208 = arith.constant 48 : index
      %swap3A_209 = tpu.vector_load %arg8[%swap3A_207, %swap3A_208] {strides = array<i32>} : memref<3x128xi32, #tpu.memory_space<vmem>>, vector<1x16xi32>,
      %swap3A_210 = vector.shape_cast %swap3A_209 : vector<1x16xi32> to vector<16xi32>
      %swap3A_211 = vector.shape_cast %select_n3A_205 : vector<16xi32> to vector<1x16xi32>
      tpu.vector_store %arg8[%swap3A_207, %swap3A_208], %swap3A_211 {strides = array<i32>} : memref<3x128xi32, #tpu.memory_space<vmem>>, vector<1x16xi32>,
      %get3A_212 = arith.constant 0 : i32
      %get3A_213 = arith.index_cast %get3A_212 : i32 to index
      %get3A_214 = arith.constant 192 : index
      %get3A_215 = tpu.vector_load %arg7[%get3A_213, %get3A_214] {strides = array<i32>} : memref<3x256xi32, #tpu.memory_space<vmem>>, vector<1x16xi32>,
      %get3A_216 = vector.shape_cast %get3A_215 : vector<1x16xi32> to vector<16xi32>
      %sub3A_217 = vector.broadcast %mul3A_0 : i32 to vector<16xi32>
      %sub3A_218 = arith.subi %get3A_216, %sub3A_217 : vector<16xi32>
      %ge3A_219 = arith.constant 0 : i32
      %ge3A_220 = vector.broadcast %ge3A_219 : i32 to vector<16xi32>
      %ge3A_221 = arith.cmpi sge, %sub3A_218, %ge3A_220 : vector<16xi32>
      %lt3A_222 = arith.constant 25024 : i32
      %lt3A_223 = vector.broadcast %lt3A_222 : i32 to vector<16xi32>
      %lt3A_224 = arith.cmpi slt, %sub3A_218, %lt3A_223 : vector<16xi32>
      %and3A_225 = arith.andi %ge3A_221, %lt3A_224 : vector<16xi1>
      %jit3A_226 = arith.constant 25024 : i32
      %broadcast_in_dim3A_227 = vector.broadcast %jit3A_226 : i32 to vector<16xi32>
      %select_n3A_228 = arith.select %and3A_225, %sub3A_218, %broadcast_in_dim3A_227 : vector<16xi1>, vector<16xi32>
      %swap3A_229 = arith.constant 0 : i32
      %swap3A_230 = arith.index_cast %swap3A_229 : i32 to index
      %swap3A_231 = arith.constant 64 : index
      %swap3A_232 = tpu.vector_load %arg8[%swap3A_230, %swap3A_231] {strides = array<i32>} : memref<3x128xi32, #tpu.memory_space<vmem>>, vector<1x16xi32>,
      %swap3A_233 = vector.shape_cast %swap3A_232 : vector<1x16xi32> to vector<16xi32>
      %swap3A_234 = vector.shape_cast %select_n3A_228 : vector<16xi32> to vector<1x16xi32>
      tpu.vector_store %arg8[%swap3A_230, %swap3A_231], %swap3A_234 {strides = array<i32>} : memref<3x128xi32, #tpu.memory_space<vmem>>, vector<1x16xi32>,
      %get3A_235 = arith.constant 0 : i32
      %get3A_236 = arith.index_cast %get3A_235 : i32 to index
      %get3A_237 = arith.constant 208 : index
      %get3A_238 = tpu.vector_load %arg7[%get3A_236, %get3A_237] {strides = array<i32>} : memref<3x256xi32, #tpu.memory_space<vmem>>, vector<1x16xi32>,
      %get3A_239 = vector.shape_cast %get3A_238 : vector<1x16xi32> to vector<16xi32>
      %sub3A_240 = vector.broadcast %mul3A_0 : i32 to vector<16xi32>
      %sub3A_241 = arith.subi %get3A_239, %sub3A_240 : vector<16xi32>
      %ge3A_242 = arith.constant 0 : i32
      %ge3A_243 = vector.broadcast %ge3A_242 : i32 to vector<16xi32>
      %ge3A_244 = arith.cmpi sge, %sub3A_241, %ge3A_243 : vector<16xi32>
      %lt3A_245 = arith.constant 25024 : i32
      %lt3A_246 = vector.broadcast %lt3A_245 : i32 to vector<16xi32>
      %lt3A_247 = arith.cmpi slt, %sub3A_241, %lt3A_246 : vector<16xi32>
      %and3A_248 = arith.andi %ge3A_244, %lt3A_247 : vector<16xi1>
      %jit3A_249 = arith.constant 25024 : i32
      %broadcast_in_dim3A_250 = vector.broadcast %jit3A_249 : i32 to vector<16xi32>
      %select_n3A_251 = arith.select %and3A_248, %sub3A_241, %broadcast_in_dim3A_250 : vector<16xi1>, vector<16xi32>
      %swap3A_252 = arith.constant 0 : i32
      %swap3A_253 = arith.index_cast %swap3A_252 : i32 to index
      %swap3A_254 = arith.constant 80 : index
      %swap3A_255 = tpu.vector_load %arg8[%swap3A_253, %swap3A_254] {strides = array<i32>} : memref<3x128xi32, #tpu.memory_space<vmem>>, vector<1x16xi32>,
      %swap3A_256 = vector.shape_cast %swap3A_255 : vector<1x16xi32> to vector<16xi32>
      %swap3A_257 = vector.shape_cast %select_n3A_251 : vector<16xi32> to vector<1x16xi32>
      tpu.vector_store %arg8[%swap3A_253, %swap3A_254], %swap3A_257 {strides = array<i32>} : memref<3x128xi32, #tpu.memory_space<vmem>>, vector<1x16xi32>,
      %get3A_258 = arith.constant 0 : i32
      %get3A_259 = arith.index_cast %get3A_258 : i32 to index
      %get3A_260 = arith.constant 224 : index
      %get3A_261 = tpu.vector_load %arg7[%get3A_259, %get3A_260] {strides = array<i32>} : memref<3x256xi32, #tpu.memory_space<vmem>>, vector<1x16xi32>,
      %get3A_262 = vector.shape_cast %get3A_261 : vector<1x16xi32> to vector<16xi32>
      %sub3A_263 = vector.broadcast %mul3A_0 : i32 to vector<16xi32>
      %sub3A_264 = arith.subi %get3A_262, %sub3A_263 : vector<16xi32>
      %ge3A_265 = arith.constant 0 : i32
      %ge3A_266 = vector.broadcast %ge3A_265 : i32 to vector<16xi32>
      %ge3A_267 = arith.cmpi sge, %sub3A_264, %ge3A_266 : vector<16xi32>
      %lt3A_268 = arith.constant 25024 : i32
      %lt3A_269 = vector.broadcast %lt3A_268 : i32 to vector<16xi32>
      %lt3A_270 = arith.cmpi slt, %sub3A_264, %lt3A_269 : vector<16xi32>
      %and3A_271 = arith.andi %ge3A_267, %lt3A_270 : vector<16xi1>
      %jit3A_272 = arith.constant 25024 : i32
      %broadcast_in_dim3A_273 = vector.broadcast %jit3A_272 : i32 to vector<16xi32>
      %select_n3A_274 = arith.select %and3A_271, %sub3A_264, %broadcast_in_dim3A_273 : vector<16xi1>, vector<16xi32>
      %swap3A_275 = arith.constant 0 : i32
      %swap3A_276 = arith.index_cast %swap3A_275 : i32 to index
      %swap3A_277 = arith.constant 96 : index
      %swap3A_278 = tpu.vector_load %arg8[%swap3A_276, %swap3A_277] {strides = array<i32>} : memref<3x128xi32, #tpu.memory_space<vmem>>, vector<1x16xi32>,
      %swap3A_279 = vector.shape_cast %swap3A_278 : vector<1x16xi32> to vector<16xi32>
      %swap3A_280 = vector.shape_cast %select_n3A_274 : vector<16xi32> to vector<1x16xi32>
      tpu.vector_store %arg8[%swap3A_276, %swap3A_277], %swap3A_280 {strides = array<i32>} : memref<3x128xi32, #tpu.memory_space<vmem>>, vector<1x16xi32>,
      %get3A_281 = arith.constant 0 : i32
      %get3A_282 = arith.index_cast %get3A_281 : i32 to index
      %get3A_283 = arith.constant 240 : index
      %get3A_284 = tpu.vector_load %arg7[%get3A_282, %get3A_283] {strides = array<i32>} : memref<3x256xi32, #tpu.memory_space<vmem>>, vector<1x16xi32>,
      %get3A_285 = vector.shape_cast %get3A_284 : vector<1x16xi32> to vector<16xi32>
      %sub3A_286 = vector.broadcast %mul3A_0 : i32 to vector<16xi32>
      %sub3A_287 = arith.subi %get3A_285, %sub3A_286 : vector<16xi32>
      %ge3A_288 = arith.constant 0 : i32
      %ge3A_289 = vector.broadcast %ge3A_288 : i32 to vector<16xi32>
      %ge3A_290 = arith.cmpi sge, %sub3A_287, %ge3A_289 : vector<16xi32>
      %lt3A_291 = arith.constant 25024 : i32
      %lt3A_292 = vector.broadcast %lt3A_291 : i32 to vector<16xi32>
      %lt3A_293 = arith.cmpi slt, %sub3A_287, %lt3A_292 : vector<16xi32>
      %and3A_294 = arith.andi %ge3A_290, %lt3A_293 : vector<16xi1>
      %jit3A_295 = arith.constant 25024 : i32
      %broadcast_in_dim3A_296 = vector.broadcast %jit3A_295 : i32 to vector<16xi32>
      %select_n3A_297 = arith.select %and3A_294, %sub3A_287, %broadcast_in_dim3A_296 : vector<16xi1>, vector<16xi32>
      %swap3A_298 = arith.constant 0 : i32
      %swap3A_299 = arith.index_cast %swap3A_298 : i32 to index
      %swap3A_300 = arith.constant 112 : index
      %swap3A_301 = tpu.vector_load %arg8[%swap3A_299, %swap3A_300] {strides = array<i32>} : memref<3x128xi32, #tpu.memory_space<vmem>>, vector<1x16xi32>,
      %swap3A_302 = vector.shape_cast %swap3A_301 : vector<1x16xi32> to vector<16xi32>
      %swap3A_303 = vector.shape_cast %select_n3A_297 : vector<16xi32> to vector<1x16xi32>
      tpu.vector_store %arg8[%swap3A_299, %swap3A_300], %swap3A_303 {strides = array<i32>} : memref<3x128xi32, #tpu.memory_space<vmem>>, vector<1x16xi32>,
      %dma_start3A_304 = arith.constant 0 : i32
      %dma_start3A_305 = arith.constant 0 : i32
      %dma_start3A_306 = arith.constant 0 : i32
      %dma_start3A_307 = arith.constant 0 : i32
      %dma_start3A_308 = tpu.memref_slice %arg9[%dma_start3A_305, %dma_start3A_306, %dma_start3A_307] : memref<3x128x64xf32, #tpu.memory_space<vmem>> -> memref<1x128x64xf32, #tpu.memory_space<vmem>>
      %dma_start3A_309 = tpu.memref_squeeze %dma_start3A_308 : memref<1x128x64xf32, #tpu.memory_space<vmem>> -> memref<128x64xf32, #tpu.memory_space<vmem>>
      %dma_start3A_310 = arith.constant 0 : i32
      %dma_start3A_311 = tpu.memref_slice %arg7[%dma_start3A_304, %dma_start3A_310] : memref<3x256xi32, #tpu.memory_space<vmem>> -> memref<1x128xi32, #tpu.memory_space<vmem>>
      %dma_start3A_312 = tpu.memref_squeeze %dma_start3A_311 : memref<1x128xi32, #tpu.memory_space<vmem>> -> memref<128xi32, #tpu.memory_space<vmem>>
      %dma_start3A_313 = arith.constant 0 : i32
      %dma_start3A_314 = arith.constant 0 : i32
      %dma_start3A_315 = tpu.memref_slice %arg2[%dma_start3A_313, %dma_start3A_314] : memref<50048x64xf32, #tpu.memory_space<hbm>> -> memref<50048x64xf32, #tpu.memory_space<hbm>>
      tpu.enqueue_indirect_dma source(%dma_start3A_315 : memref<50048x64xf32, #tpu.memory_space<hbm>>) target(%dma_start3A_309 : memref<128x64xf32, #tpu.memory_space<vmem>>) offsets(%dma_start3A_312 : memref<128xi32, #tpu.memory_space<vmem>>) semaphore(%arg13 : memref<!tpu.dma_semaphore, #tpu.memory_space<semaphore_mem>>)
      %ge3A_316 = arith.constant 1 : i32
      %ge3A_317 = arith.cmpi sge, %scan3A_105, %ge3A_316 : i32
      %convert_element_type3A_318 = arith.extui %ge3A_317 : i1 to i32
      %cond3A_319 = arith.constant 0 : i32
      %cond3A_320 = arith.cmpi ne, %convert_element_type3A_318, %cond3A_319 : i32
      scf.if %cond3A_320 {
        %dma_wait3A_832 = arith.constant 2 : i32
        %dma_wait3A_833 = arith.constant 2 : i32
        %dma_wait3A_834 = arith.constant 0 : i32
        %dma_wait3A_835 = arith.constant 0 : i32
        %dma_wait3A_836 = tpu.memref_slice %arg9[%dma_wait3A_833, %dma_wait3A_834, %dma_wait3A_835] : memref<3x128x64xf32, #tpu.memory_space<vmem>> -> memref<1x128x64xf32, #tpu.memory_space<vmem>>
        %dma_wait3A_837 = tpu.memref_squeeze %dma_wait3A_836 : memref<1x128x64xf32, #tpu.memory_space<vmem>> -> memref<128x64xf32, #tpu.memory_space<vmem>>
        %dma_wait3A_838 = arith.constant 0 : i32
        %dma_wait3A_839 = tpu.memref_slice %arg7[%dma_wait3A_832, %dma_wait3A_838] : memref<3x256xi32, #tpu.memory_space<vmem>> -> memref<1x128xi32, #tpu.memory_space<vmem>>
        %dma_wait3A_840 = tpu.memref_squeeze %dma_wait3A_839 : memref<1x128xi32, #tpu.memory_space<vmem>> -> memref<128xi32, #tpu.memory_space<vmem>>
        %dma_wait3A_841 = arith.constant 0 : i32
        %dma_wait3A_842 = arith.constant 0 : i32
        %dma_wait3A_843 = tpu.memref_slice %arg2[%dma_wait3A_841, %dma_wait3A_842] : memref<50048x64xf32, #tpu.memory_space<hbm>> -> memref<50048x64xf32, #tpu.memory_space<hbm>>
        tpu.wait_indirect_dma semaphore(%arg15 : memref<!tpu.dma_semaphore, #tpu.memory_space<semaphore_mem>>) src(%dma_wait3A_843 : memref<50048x64xf32, #tpu.memory_space<hbm>>) dst(%dma_wait3A_837 : memref<128x64xf32, #tpu.memory_space<vmem>>)
        %dma_start3A_844 = arith.constant 2 : i32
        %dma_start3A_845 = arith.constant 2 : i32
        %dma_start3A_846 = arith.constant 0 : i32
        %dma_start3A_847 = arith.constant 0 : i32
        %dma_start3A_848 = tpu.memref_slice %arg9[%dma_start3A_844, %dma_start3A_846, %dma_start3A_847] : memref<3x128x64xf32, #tpu.memory_space<vmem>> -> memref<1x128x64xf32, #tpu.memory_space<vmem>>
        %dma_start3A_849 = tpu.memref_squeeze %dma_start3A_848 : memref<1x128x64xf32, #tpu.memory_space<vmem>> -> memref<128x64xf32, #tpu.memory_space<vmem>>
        %dma_start3A_850 = arith.constant 0 : i32
        %dma_start3A_851 = tpu.memref_slice %arg8[%dma_start3A_845, %dma_start3A_850] : memref<3x128xi32, #tpu.memory_space<vmem>> -> memref<1x128xi32, #tpu.memory_space<vmem>>
        %dma_start3A_852 = tpu.memref_squeeze %dma_start3A_851 : memref<1x128xi32, #tpu.memory_space<vmem>> -> memref<128xi32, #tpu.memory_space<vmem>>
        %dma_start3A_853 = arith.constant 0 : i32
        %dma_start3A_854 = arith.constant 0 : i32
        %dma_start3A_855 = tpu.memref_slice %arg6[%dma_start3A_853, %dma_start3A_854] : memref<25032x64xf32, #tpu.memory_space<vmem_shared>> -> memref<25032x64xf32, #tpu.memory_space<vmem_shared>>
        tpu.enqueue_indirect_dma source(%dma_start3A_849 : memref<128x64xf32, #tpu.memory_space<vmem>>) target(%dma_start3A_855 : memref<25032x64xf32, #tpu.memory_space<vmem_shared>>) offsets(%dma_start3A_852 : memref<128xi32, #tpu.memory_space<vmem>>) semaphore(%arg18 : memref<!tpu.dma_semaphore, #tpu.memory_space<semaphore_mem>>) {add = true}
      } else {
      }
      %add3A_321 = arith.constant 2 : i32
      %add3A_322 = arith.addi %add3A_109, %add3A_321 : i32
      %mul3A_323 = arith.constant 402 : i32
      %mul3A_324 = arith.muli %arg1, %mul3A_323 : i32
      %add3A_325 = arith.addi %mul3A_324, %add3A_322 : i32
      %mul3A_326 = arith.constant 256 : i32
      %mul3A_327 = arith.muli %add3A_325, %mul3A_326 : i32
      %dma_start3A_328 = arith.constant 2 : i32
      %dma_start3A_329 = arith.constant 0 : i32
      %dma_start3A_330 = tpu.memref_slice %arg7[%dma_start3A_328, %dma_start3A_329] : memref<3x256xi32, #tpu.memory_space<vmem>> -> memref<1x256xi32, #tpu.memory_space<vmem>>
      %dma_start3A_331 = tpu.memref_squeeze %dma_start3A_330 : memref<1x256xi32, #tpu.memory_space<vmem>> -> memref<256xi32, #tpu.memory_space<vmem>>
      %dma_start3A_332 = tpu.memref_slice %arg3[%mul3A_327] : memref<1646592xi32, #tpu.memory_space<hbm>> -> memref<256xi32, #tpu.memory_space<hbm>>
      %dma_start3A_333 = arith.constant 0 : i32
      %dma_start3A_334 = tpu.memref_slice %arg7[%dma_start3A_328, %dma_start3A_333] : memref<3x256xi32, #tpu.memory_space<vmem>> -> memref<1x256xi32, #tpu.memory_space<vmem>>
      %dma_start3A_335 = tpu.memref_squeeze %dma_start3A_334 : memref<1x256xi32, #tpu.memory_space<vmem>> -> memref<256xi32, #tpu.memory_space<vmem>>
      %dma_start3A_336 = tpu.memref_slice %arg3[%mul3A_327] : memref<1646592xi32, #tpu.memory_space<hbm>> -> memref<256xi32, #tpu.memory_space<hbm>>
      tpu.enqueue_dma source(%dma_start3A_336 : memref<256xi32, #tpu.memory_space<hbm>>) target(%dma_start3A_335 : memref<256xi32, #tpu.memory_space<vmem>>) target_semaphore(%arg12 : memref<!tpu.dma_semaphore, #tpu.memory_space<semaphore_mem>>)
      %mul3A_337 = arith.constant 3 : i32
      %mul3A_338 = arith.muli %scan3A_105, %mul3A_337 : i32
      %add3A_339 = arith.constant 1 : i32
      %add3A_340 = arith.addi %mul3A_338, %add3A_339 : i32
      %ge3A_341 = arith.constant 1 : i32
      %ge3A_342 = arith.cmpi sge, %scan3A_105, %ge3A_341 : i32
      %convert_element_type3A_343 = arith.extui %ge3A_342 : i1 to i32
      %cond3A_344 = arith.constant 0 : i32
      %cond3A_345 = arith.cmpi ne, %convert_element_type3A_343, %cond3A_344 : i32
      scf.if %cond3A_345 {
        %dma_wait3A_832 = arith.constant 1 : i32
        %dma_wait3A_833 = arith.constant 1 : i32
        %dma_wait3A_834 = arith.constant 0 : i32
        %dma_wait3A_835 = arith.constant 0 : i32
        %dma_wait3A_836 = tpu.memref_slice %arg9[%dma_wait3A_832, %dma_wait3A_834, %dma_wait3A_835] : memref<3x128x64xf32, #tpu.memory_space<vmem>> -> memref<1x128x64xf32, #tpu.memory_space<vmem>>
        %dma_wait3A_837 = tpu.memref_squeeze %dma_wait3A_836 : memref<1x128x64xf32, #tpu.memory_space<vmem>> -> memref<128x64xf32, #tpu.memory_space<vmem>>
        %dma_wait3A_838 = arith.constant 0 : i32
        %dma_wait3A_839 = tpu.memref_slice %arg8[%dma_wait3A_833, %dma_wait3A_838] : memref<3x128xi32, #tpu.memory_space<vmem>> -> memref<1x128xi32, #tpu.memory_space<vmem>>
        %dma_wait3A_840 = tpu.memref_squeeze %dma_wait3A_839 : memref<1x128xi32, #tpu.memory_space<vmem>> -> memref<128xi32, #tpu.memory_space<vmem>>
        %dma_wait3A_841 = arith.constant 0 : i32
        %dma_wait3A_842 = arith.constant 0 : i32
        %dma_wait3A_843 = tpu.memref_slice %arg6[%dma_wait3A_841, %dma_wait3A_842] : memref<25032x64xf32, #tpu.memory_space<vmem_shared>> -> memref<25032x64xf32, #tpu.memory_space<vmem_shared>>
        tpu.wait_indirect_dma semaphore(%arg17 : memref<!tpu.dma_semaphore, #tpu.memory_space<semaphore_mem>>) src(%dma_wait3A_837 : memref<128x64xf32, #tpu.memory_space<vmem>>) dst(%dma_wait3A_843 : memref<25032x64xf32, #tpu.memory_space<vmem_shared>>)
      } else {
      }
      %mul3A_346 = arith.constant 402 : i32
      %mul3A_347 = arith.muli %arg1, %mul3A_346 : i32
      %add3A_348 = arith.addi %mul3A_347, %add3A_340 : i32
      %mul3A_349 = arith.constant 256 : i32
      %mul3A_350 = arith.muli %add3A_348, %mul3A_349 : i32
      %dma_wait3A_351 = arith.constant 1 : i32
      %dma_wait3A_352 = arith.constant 0 : i32
      %dma_wait3A_353 = tpu.memref_slice %arg7[%dma_wait3A_351, %dma_wait3A_352] : memref<3x256xi32, #tpu.memory_space<vmem>> -> memref<1x256xi32, #tpu.memory_space<vmem>>
      %dma_wait3A_354 = tpu.memref_squeeze %dma_wait3A_353 : memref<1x256xi32, #tpu.memory_space<vmem>> -> memref<256xi32, #tpu.memory_space<vmem>>
      %dma_wait3A_355 = tpu.memref_slice %arg3[%mul3A_350] : memref<1646592xi32, #tpu.memory_space<hbm>> -> memref<256xi32, #tpu.memory_space<hbm>>
      %dma_wait3A_356 = arith.constant 0 : i32
      %dma_wait3A_357 = tpu.memref_slice %arg7[%dma_wait3A_351, %dma_wait3A_356] : memref<3x256xi32, #tpu.memory_space<vmem>> -> memref<1x256xi32, #tpu.memory_space<vmem>>
      %dma_wait3A_358 = tpu.memref_squeeze %dma_wait3A_357 : memref<1x256xi32, #tpu.memory_space<vmem>> -> memref<256xi32, #tpu.memory_space<vmem>>
      %dma_wait3A_359 = tpu.memref_slice %arg3[%mul3A_350] : memref<1646592xi32, #tpu.memory_space<hbm>> -> memref<256xi32, #tpu.memory_space<hbm>>
      tpu.wait_dma2 semaphore(%arg11 : memref<!tpu.dma_semaphore, #tpu.memory_space<semaphore_mem>>) src(%dma_wait3A_359 : memref<256xi32, #tpu.memory_space<hbm>>) dst(%dma_wait3A_358 : memref<256xi32, #tpu.memory_space<vmem>>)
      %get3A_360 = arith.constant 1 : i32
      %get3A_361 = arith.index_cast %get3A_360 : i32 to index
      %get3A_362 = arith.constant 128 : index
      %get3A_363 = tpu.vector_load %arg7[%get3A_361, %get3A_362] {strides = array<i32>} : memref<3x256xi32, #tpu.memory_space<vmem>>, vector<1x16xi32>,
      %get3A_364 = vector.shape_cast %get3A_363 : vector<1x16xi32> to vector<16xi32>
      %sub3A_365 = vector.broadcast %mul3A_0 : i32 to vector<16xi32>
      %sub3A_366 = arith.subi %get3A_364, %sub3A_365 : vector<16xi32>
      %ge3A_367 = arith.constant 0 : i32
      %ge3A_368 = vector.broadcast %ge3A_367 : i32 to vector<16xi32>
      %ge3A_369 = arith.cmpi sge, %sub3A_366, %ge3A_368 : vector<16xi32>
      %lt3A_370 = arith.constant 25024 : i32
      %lt3A_371 = vector.broadcast %lt3A_370 : i32 to vector<16xi32>
      %lt3A_372 = arith.cmpi slt, %sub3A_366, %lt3A_371 : vector<16xi32>
      %and3A_373 = arith.andi %ge3A_369, %lt3A_372 : vector<16xi1>
      %jit3A_374 = arith.constant 25024 : i32
      %broadcast_in_dim3A_375 = vector.broadcast %jit3A_374 : i32 to vector<16xi32>
      %select_n3A_376 = arith.select %and3A_373, %sub3A_366, %broadcast_in_dim3A_375 : vector<16xi1>, vector<16xi32>
      %swap3A_377 = arith.constant 1 : i32
      %swap3A_378 = arith.index_cast %swap3A_377 : i32 to index
      %swap3A_379 = arith.constant 0 : index
      %swap3A_380 = tpu.vector_load %arg8[%swap3A_378, %swap3A_379] {strides = array<i32>} : memref<3x128xi32, #tpu.memory_space<vmem>>, vector<1x16xi32>,
      %swap3A_381 = vector.shape_cast %swap3A_380 : vector<1x16xi32> to vector<16xi32>
      %swap3A_382 = vector.shape_cast %select_n3A_376 : vector<16xi32> to vector<1x16xi32>
      tpu.vector_store %arg8[%swap3A_378, %swap3A_379], %swap3A_382 {strides = array<i32>} : memref<3x128xi32, #tpu.memory_space<vmem>>, vector<1x16xi32>,
      %get3A_383 = arith.constant 1 : i32
      %get3A_384 = arith.index_cast %get3A_383 : i32 to index
      %get3A_385 = arith.constant 144 : index
      %get3A_386 = tpu.vector_load %arg7[%get3A_384, %get3A_385] {strides = array<i32>} : memref<3x256xi32, #tpu.memory_space<vmem>>, vector<1x16xi32>,
      %get3A_387 = vector.shape_cast %get3A_386 : vector<1x16xi32> to vector<16xi32>
      %sub3A_388 = vector.broadcast %mul3A_0 : i32 to vector<16xi32>
      %sub3A_389 = arith.subi %get3A_387, %sub3A_388 : vector<16xi32>
      %ge3A_390 = arith.constant 0 : i32
      %ge3A_391 = vector.broadcast %ge3A_390 : i32 to vector<16xi32>
      %ge3A_392 = arith.cmpi sge, %sub3A_389, %ge3A_391 : vector<16xi32>
      %lt3A_393 = arith.constant 25024 : i32
      %lt3A_394 = vector.broadcast %lt3A_393 : i32 to vector<16xi32>
      %lt3A_395 = arith.cmpi slt, %sub3A_389, %lt3A_394 : vector<16xi32>
      %and3A_396 = arith.andi %ge3A_392, %lt3A_395 : vector<16xi1>
      %jit3A_397 = arith.constant 25024 : i32
      %broadcast_in_dim3A_398 = vector.broadcast %jit3A_397 : i32 to vector<16xi32>
      %select_n3A_399 = arith.select %and3A_396, %sub3A_389, %broadcast_in_dim3A_398 : vector<16xi1>, vector<16xi32>
      %swap3A_400 = arith.constant 1 : i32
      %swap3A_401 = arith.index_cast %swap3A_400 : i32 to index
      %swap3A_402 = arith.constant 16 : index
      %swap3A_403 = tpu.vector_load %arg8[%swap3A_401, %swap3A_402] {strides = array<i32>} : memref<3x128xi32, #tpu.memory_space<vmem>>, vector<1x16xi32>,
      %swap3A_404 = vector.shape_cast %swap3A_403 : vector<1x16xi32> to vector<16xi32>
      %swap3A_405 = vector.shape_cast %select_n3A_399 : vector<16xi32> to vector<1x16xi32>
      tpu.vector_store %arg8[%swap3A_401, %swap3A_402], %swap3A_405 {strides = array<i32>} : memref<3x128xi32, #tpu.memory_space<vmem>>, vector<1x16xi32>,
      %get3A_406 = arith.constant 1 : i32
      %get3A_407 = arith.index_cast %get3A_406 : i32 to index
      %get3A_408 = arith.constant 160 : index
      %get3A_409 = tpu.vector_load %arg7[%get3A_407, %get3A_408] {strides = array<i32>} : memref<3x256xi32, #tpu.memory_space<vmem>>, vector<1x16xi32>,
      %get3A_410 = vector.shape_cast %get3A_409 : vector<1x16xi32> to vector<16xi32>
      %sub3A_411 = vector.broadcast %mul3A_0 : i32 to vector<16xi32>
      %sub3A_412 = arith.subi %get3A_410, %sub3A_411 : vector<16xi32>
      %ge3A_413 = arith.constant 0 : i32
      %ge3A_414 = vector.broadcast %ge3A_413 : i32 to vector<16xi32>
      %ge3A_415 = arith.cmpi sge, %sub3A_412, %ge3A_414 : vector<16xi32>
      %lt3A_416 = arith.constant 25024 : i32
      %lt3A_417 = vector.broadcast %lt3A_416 : i32 to vector<16xi32>
      %lt3A_418 = arith.cmpi slt, %sub3A_412, %lt3A_417 : vector<16xi32>
      %and3A_419 = arith.andi %ge3A_415, %lt3A_418 : vector<16xi1>
      %jit3A_420 = arith.constant 25024 : i32
      %broadcast_in_dim3A_421 = vector.broadcast %jit3A_420 : i32 to vector<16xi32>
      %select_n3A_422 = arith.select %and3A_419, %sub3A_412, %broadcast_in_dim3A_421 : vector<16xi1>, vector<16xi32>
      %swap3A_423 = arith.constant 1 : i32
      %swap3A_424 = arith.index_cast %swap3A_423 : i32 to index
      %swap3A_425 = arith.constant 32 : index
      %swap3A_426 = tpu.vector_load %arg8[%swap3A_424, %swap3A_425] {strides = array<i32>} : memref<3x128xi32, #tpu.memory_space<vmem>>, vector<1x16xi32>,
      %swap3A_427 = vector.shape_cast %swap3A_426 : vector<1x16xi32> to vector<16xi32>
      %swap3A_428 = vector.shape_cast %select_n3A_422 : vector<16xi32> to vector<1x16xi32>
      tpu.vector_store %arg8[%swap3A_424, %swap3A_425], %swap3A_428 {strides = array<i32>} : memref<3x128xi32, #tpu.memory_space<vmem>>, vector<1x16xi32>,
      %get3A_429 = arith.constant 1 : i32
      %get3A_430 = arith.index_cast %get3A_429 : i32 to index
      %get3A_431 = arith.constant 176 : index
      %get3A_432 = tpu.vector_load %arg7[%get3A_430, %get3A_431] {strides = array<i32>} : memref<3x256xi32, #tpu.memory_space<vmem>>, vector<1x16xi32>,
      %get3A_433 = vector.shape_cast %get3A_432 : vector<1x16xi32> to vector<16xi32>
      %sub3A_434 = vector.broadcast %mul3A_0 : i32 to vector<16xi32>
      %sub3A_435 = arith.subi %get3A_433, %sub3A_434 : vector<16xi32>
      %ge3A_436 = arith.constant 0 : i32
      %ge3A_437 = vector.broadcast %ge3A_436 : i32 to vector<16xi32>
      %ge3A_438 = arith.cmpi sge, %sub3A_435, %ge3A_437 : vector<16xi32>
      %lt3A_439 = arith.constant 25024 : i32
      %lt3A_440 = vector.broadcast %lt3A_439 : i32 to vector<16xi32>
      %lt3A_441 = arith.cmpi slt, %sub3A_435, %lt3A_440 : vector<16xi32>
      %and3A_442 = arith.andi %ge3A_438, %lt3A_441 : vector<16xi1>
      %jit3A_443 = arith.constant 25024 : i32
      %broadcast_in_dim3A_444 = vector.broadcast %jit3A_443 : i32 to vector<16xi32>
      %select_n3A_445 = arith.select %and3A_442, %sub3A_435, %broadcast_in_dim3A_444 : vector<16xi1>, vector<16xi32>
      %swap3A_446 = arith.constant 1 : i32
      %swap3A_447 = arith.index_cast %swap3A_446 : i32 to index
      %swap3A_448 = arith.constant 48 : index
      %swap3A_449 = tpu.vector_load %arg8[%swap3A_447, %swap3A_448] {strides = array<i32>} : memref<3x128xi32, #tpu.memory_space<vmem>>, vector<1x16xi32>,
      %swap3A_450 = vector.shape_cast %swap3A_449 : vector<1x16xi32> to vector<16xi32>
      %swap3A_451 = vector.shape_cast %select_n3A_445 : vector<16xi32> to vector<1x16xi32>
      tpu.vector_store %arg8[%swap3A_447, %swap3A_448], %swap3A_451 {strides = array<i32>} : memref<3x128xi32, #tpu.memory_space<vmem>>, vector<1x16xi32>,
      %get3A_452 = arith.constant 1 : i32
      %get3A_453 = arith.index_cast %get3A_452 : i32 to index
      %get3A_454 = arith.constant 192 : index
      %get3A_455 = tpu.vector_load %arg7[%get3A_453, %get3A_454] {strides = array<i32>} : memref<3x256xi32, #tpu.memory_space<vmem>>, vector<1x16xi32>,
      %get3A_456 = vector.shape_cast %get3A_455 : vector<1x16xi32> to vector<16xi32>
      %sub3A_457 = vector.broadcast %mul3A_0 : i32 to vector<16xi32>
      %sub3A_458 = arith.subi %get3A_456, %sub3A_457 : vector<16xi32>
      %ge3A_459 = arith.constant 0 : i32
      %ge3A_460 = vector.broadcast %ge3A_459 : i32 to vector<16xi32>
      %ge3A_461 = arith.cmpi sge, %sub3A_458, %ge3A_460 : vector<16xi32>
      %lt3A_462 = arith.constant 25024 : i32
      %lt3A_463 = vector.broadcast %lt3A_462 : i32 to vector<16xi32>
      %lt3A_464 = arith.cmpi slt, %sub3A_458, %lt3A_463 : vector<16xi32>
      %and3A_465 = arith.andi %ge3A_461, %lt3A_464 : vector<16xi1>
      %jit3A_466 = arith.constant 25024 : i32
      %broadcast_in_dim3A_467 = vector.broadcast %jit3A_466 : i32 to vector<16xi32>
      %select_n3A_468 = arith.select %and3A_465, %sub3A_458, %broadcast_in_dim3A_467 : vector<16xi1>, vector<16xi32>
      %swap3A_469 = arith.constant 1 : i32
      %swap3A_470 = arith.index_cast %swap3A_469 : i32 to index
      %swap3A_471 = arith.constant 64 : index
      %swap3A_472 = tpu.vector_load %arg8[%swap3A_470, %swap3A_471] {strides = array<i32>} : memref<3x128xi32, #tpu.memory_space<vmem>>, vector<1x16xi32>,
      %swap3A_473 = vector.shape_cast %swap3A_472 : vector<1x16xi32> to vector<16xi32>
      %swap3A_474 = vector.shape_cast %select_n3A_468 : vector<16xi32> to vector<1x16xi32>
      tpu.vector_store %arg8[%swap3A_470, %swap3A_471], %swap3A_474 {strides = array<i32>} : memref<3x128xi32, #tpu.memory_space<vmem>>, vector<1x16xi32>,
      %get3A_475 = arith.constant 1 : i32
      %get3A_476 = arith.index_cast %get3A_475 : i32 to index
      %get3A_477 = arith.constant 208 : index
      %get3A_478 = tpu.vector_load %arg7[%get3A_476, %get3A_477] {strides = array<i32>} : memref<3x256xi32, #tpu.memory_space<vmem>>, vector<1x16xi32>,
      %get3A_479 = vector.shape_cast %get3A_478 : vector<1x16xi32> to vector<16xi32>
      %sub3A_480 = vector.broadcast %mul3A_0 : i32 to vector<16xi32>
      %sub3A_481 = arith.subi %get3A_479, %sub3A_480 : vector<16xi32>
      %ge3A_482 = arith.constant 0 : i32
      %ge3A_483 = vector.broadcast %ge3A_482 : i32 to vector<16xi32>
      %ge3A_484 = arith.cmpi sge, %sub3A_481, %ge3A_483 : vector<16xi32>
      %lt3A_485 = arith.constant 25024 : i32
      %lt3A_486 = vector.broadcast %lt3A_485 : i32 to vector<16xi32>
      %lt3A_487 = arith.cmpi slt, %sub3A_481, %lt3A_486 : vector<16xi32>
      %and3A_488 = arith.andi %ge3A_484, %lt3A_487 : vector<16xi1>
      %jit3A_489 = arith.constant 25024 : i32
      %broadcast_in_dim3A_490 = vector.broadcast %jit3A_489 : i32 to vector<16xi32>
      %select_n3A_491 = arith.select %and3A_488, %sub3A_481, %broadcast_in_dim3A_490 : vector<16xi1>, vector<16xi32>
      %swap3A_492 = arith.constant 1 : i32
      %swap3A_493 = arith.index_cast %swap3A_492 : i32 to index
      %swap3A_494 = arith.constant 80 : index
      %swap3A_495 = tpu.vector_load %arg8[%swap3A_493, %swap3A_494] {strides = array<i32>} : memref<3x128xi32, #tpu.memory_space<vmem>>, vector<1x16xi32>,
      %swap3A_496 = vector.shape_cast %swap3A_495 : vector<1x16xi32> to vector<16xi32>
      %swap3A_497 = vector.shape_cast %select_n3A_491 : vector<16xi32> to vector<1x16xi32>
      tpu.vector_store %arg8[%swap3A_493, %swap3A_494], %swap3A_497 {strides = array<i32>} : memref<3x128xi32, #tpu.memory_space<vmem>>, vector<1x16xi32>,
      %get3A_498 = arith.constant 1 : i32
      %get3A_499 = arith.index_cast %get3A_498 : i32 to index
      %get3A_500 = arith.constant 224 : index
      %get3A_501 = tpu.vector_load %arg7[%get3A_499, %get3A_500] {strides = array<i32>} : memref<3x256xi32, #tpu.memory_space<vmem>>, vector<1x16xi32>,
      %get3A_502 = vector.shape_cast %get3A_501 : vector<1x16xi32> to vector<16xi32>
      %sub3A_503 = vector.broadcast %mul3A_0 : i32 to vector<16xi32>
      %sub3A_504 = arith.subi %get3A_502, %sub3A_503 : vector<16xi32>
      %ge3A_505 = arith.constant 0 : i32
      %ge3A_506 = vector.broadcast %ge3A_505 : i32 to vector<16xi32>
      %ge3A_507 = arith.cmpi sge, %sub3A_504, %ge3A_506 : vector<16xi32>
      %lt3A_508 = arith.constant 25024 : i32
      %lt3A_509 = vector.broadcast %lt3A_508 : i32 to vector<16xi32>
      %lt3A_510 = arith.cmpi slt, %sub3A_504, %lt3A_509 : vector<16xi32>
      %and3A_511 = arith.andi %ge3A_507, %lt3A_510 : vector<16xi1>
      %jit3A_512 = arith.constant 25024 : i32
      %broadcast_in_dim3A_513 = vector.broadcast %jit3A_512 : i32 to vector<16xi32>
      %select_n3A_514 = arith.select %and3A_511, %sub3A_504, %broadcast_in_dim3A_513 : vector<16xi1>, vector<16xi32>
      %swap3A_515 = arith.constant 1 : i32
      %swap3A_516 = arith.index_cast %swap3A_515 : i32 to index
      %swap3A_517 = arith.constant 96 : index
      %swap3A_518 = tpu.vector_load %arg8[%swap3A_516, %swap3A_517] {strides = array<i32>} : memref<3x128xi32, #tpu.memory_space<vmem>>, vector<1x16xi32>,
      %swap3A_519 = vector.shape_cast %swap3A_518 : vector<1x16xi32> to vector<16xi32>
      %swap3A_520 = vector.shape_cast %select_n3A_514 : vector<16xi32> to vector<1x16xi32>
      tpu.vector_store %arg8[%swap3A_516, %swap3A_517], %swap3A_520 {strides = array<i32>} : memref<3x128xi32, #tpu.memory_space<vmem>>, vector<1x16xi32>,
      %get3A_521 = arith.constant 1 : i32
      %get3A_522 = arith.index_cast %get3A_521 : i32 to index
      %get3A_523 = arith.constant 240 : index
      %get3A_524 = tpu.vector_load %arg7[%get3A_522, %get3A_523] {strides = array<i32>} : memref<3x256xi32, #tpu.memory_space<vmem>>, vector<1x16xi32>,
      %get3A_525 = vector.shape_cast %get3A_524 : vector<1x16xi32> to vector<16xi32>
      %sub3A_526 = vector.broadcast %mul3A_0 : i32 to vector<16xi32>
      %sub3A_527 = arith.subi %get3A_525, %sub3A_526 : vector<16xi32>
      %ge3A_528 = arith.constant 0 : i32
      %ge3A_529 = vector.broadcast %ge3A_528 : i32 to vector<16xi32>
      %ge3A_530 = arith.cmpi sge, %sub3A_527, %ge3A_529 : vector<16xi32>
      %lt3A_531 = arith.constant 25024 : i32
      %lt3A_532 = vector.broadcast %lt3A_531 : i32 to vector<16xi32>
      %lt3A_533 = arith.cmpi slt, %sub3A_527, %lt3A_532 : vector<16xi32>
      %and3A_534 = arith.andi %ge3A_530, %lt3A_533 : vector<16xi1>
      %jit3A_535 = arith.constant 25024 : i32
      %broadcast_in_dim3A_536 = vector.broadcast %jit3A_535 : i32 to vector<16xi32>
      %select_n3A_537 = arith.select %and3A_534, %sub3A_527, %broadcast_in_dim3A_536 : vector<16xi1>, vector<16xi32>
      %swap3A_538 = arith.constant 1 : i32
      %swap3A_539 = arith.index_cast %swap3A_538 : i32 to index
      %swap3A_540 = arith.constant 112 : index
      %swap3A_541 = tpu.vector_load %arg8[%swap3A_539, %swap3A_540] {strides = array<i32>} : memref<3x128xi32, #tpu.memory_space<vmem>>, vector<1x16xi32>,
      %swap3A_542 = vector.shape_cast %swap3A_541 : vector<1x16xi32> to vector<16xi32>
      %swap3A_543 = vector.shape_cast %select_n3A_537 : vector<16xi32> to vector<1x16xi32>
      tpu.vector_store %arg8[%swap3A_539, %swap3A_540], %swap3A_543 {strides = array<i32>} : memref<3x128xi32, #tpu.memory_space<vmem>>, vector<1x16xi32>,
      %dma_start3A_544 = arith.constant 1 : i32
      %dma_start3A_545 = arith.constant 1 : i32
      %dma_start3A_546 = arith.constant 0 : i32
      %dma_start3A_547 = arith.constant 0 : i32
      %dma_start3A_548 = tpu.memref_slice %arg9[%dma_start3A_545, %dma_start3A_546, %dma_start3A_547] : memref<3x128x64xf32, #tpu.memory_space<vmem>> -> memref<1x128x64xf32, #tpu.memory_space<vmem>>
      %dma_start3A_549 = tpu.memref_squeeze %dma_start3A_548 : memref<1x128x64xf32, #tpu.memory_space<vmem>> -> memref<128x64xf32, #tpu.memory_space<vmem>>
      %dma_start3A_550 = arith.constant 0 : i32
      %dma_start3A_551 = tpu.memref_slice %arg7[%dma_start3A_544, %dma_start3A_550] : memref<3x256xi32, #tpu.memory_space<vmem>> -> memref<1x128xi32, #tpu.memory_space<vmem>>
      %dma_start3A_552 = tpu.memref_squeeze %dma_start3A_551 : memref<1x128xi32, #tpu.memory_space<vmem>> -> memref<128xi32, #tpu.memory_space<vmem>>
      %dma_start3A_553 = arith.constant 0 : i32
      %dma_start3A_554 = arith.constant 0 : i32
      %dma_start3A_555 = tpu.memref_slice %arg2[%dma_start3A_553, %dma_start3A_554] : memref<50048x64xf32, #tpu.memory_space<hbm>> -> memref<50048x64xf32, #tpu.memory_space<hbm>>
      tpu.enqueue_indirect_dma source(%dma_start3A_555 : memref<50048x64xf32, #tpu.memory_space<hbm>>) target(%dma_start3A_549 : memref<128x64xf32, #tpu.memory_space<vmem>>) offsets(%dma_start3A_552 : memref<128xi32, #tpu.memory_space<vmem>>) semaphore(%arg14 : memref<!tpu.dma_semaphore, #tpu.memory_space<semaphore_mem>>)
      %dma_wait3A_556 = arith.constant 0 : i32
      %dma_wait3A_557 = arith.constant 0 : i32
      %dma_wait3A_558 = arith.constant 0 : i32
      %dma_wait3A_559 = arith.constant 0 : i32
      %dma_wait3A_560 = tpu.memref_slice %arg9[%dma_wait3A_557, %dma_wait3A_558, %dma_wait3A_559] : memref<3x128x64xf32, #tpu.memory_space<vmem>> -> memref<1x128x64xf32, #tpu.memory_space<vmem>>
      %dma_wait3A_561 = tpu.memref_squeeze %dma_wait3A_560 : memref<1x128x64xf32, #tpu.memory_space<vmem>> -> memref<128x64xf32, #tpu.memory_space<vmem>>
      %dma_wait3A_562 = arith.constant 0 : i32
      %dma_wait3A_563 = tpu.memref_slice %arg7[%dma_wait3A_556, %dma_wait3A_562] : memref<3x256xi32, #tpu.memory_space<vmem>> -> memref<1x128xi32, #tpu.memory_space<vmem>>
      %dma_wait3A_564 = tpu.memref_squeeze %dma_wait3A_563 : memref<1x128xi32, #tpu.memory_space<vmem>> -> memref<128xi32, #tpu.memory_space<vmem>>
      %dma_wait3A_565 = arith.constant 0 : i32
      %dma_wait3A_566 = arith.constant 0 : i32
      %dma_wait3A_567 = tpu.memref_slice %arg2[%dma_wait3A_565, %dma_wait3A_566] : memref<50048x64xf32, #tpu.memory_space<hbm>> -> memref<50048x64xf32, #tpu.memory_space<hbm>>
      tpu.wait_indirect_dma semaphore(%arg13 : memref<!tpu.dma_semaphore, #tpu.memory_space<semaphore_mem>>) src(%dma_wait3A_567 : memref<50048x64xf32, #tpu.memory_space<hbm>>) dst(%dma_wait3A_561 : memref<128x64xf32, #tpu.memory_space<vmem>>)
      %dma_start3A_568 = arith.constant 0 : i32
      %dma_start3A_569 = arith.constant 0 : i32
      %dma_start3A_570 = arith.constant 0 : i32
      %dma_start3A_571 = arith.constant 0 : i32
      %dma_start3A_572 = tpu.memref_slice %arg9[%dma_start3A_568, %dma_start3A_570, %dma_start3A_571] : memref<3x128x64xf32, #tpu.memory_space<vmem>> -> memref<1x128x64xf32, #tpu.memory_space<vmem>>
      %dma_start3A_573 = tpu.memref_squeeze %dma_start3A_572 : memref<1x128x64xf32, #tpu.memory_space<vmem>> -> memref<128x64xf32, #tpu.memory_space<vmem>>
      %dma_start3A_574 = arith.constant 0 : i32
      %dma_start3A_575 = tpu.memref_slice %arg8[%dma_start3A_569, %dma_start3A_574] : memref<3x128xi32, #tpu.memory_space<vmem>> -> memref<1x128xi32, #tpu.memory_space<vmem>>
      %dma_start3A_576 = tpu.memref_squeeze %dma_start3A_575 : memref<1x128xi32, #tpu.memory_space<vmem>> -> memref<128xi32, #tpu.memory_space<vmem>>
      %dma_start3A_577 = arith.constant 0 : i32
      %dma_start3A_578 = arith.constant 0 : i32
      %dma_start3A_579 = tpu.memref_slice %arg6[%dma_start3A_577, %dma_start3A_578] : memref<25032x64xf32, #tpu.memory_space<vmem_shared>> -> memref<25032x64xf32, #tpu.memory_space<vmem_shared>>
      tpu.enqueue_indirect_dma source(%dma_start3A_573 : memref<128x64xf32, #tpu.memory_space<vmem>>) target(%dma_start3A_579 : memref<25032x64xf32, #tpu.memory_space<vmem_shared>>) offsets(%dma_start3A_576 : memref<128xi32, #tpu.memory_space<vmem>>) semaphore(%arg16 : memref<!tpu.dma_semaphore, #tpu.memory_space<semaphore_mem>>) {add = true}
      %le3A = arith.constant 132 : i32
      %le3A_580 = arith.cmpi sle, %scan3A_105, %le3A : i32
      %convert_element_type3A_581 = arith.extui %le3A_580 : i1 to i32
      %cond3A_582 = arith.constant 0 : i32
      %cond3A_583 = arith.cmpi ne, %convert_element_type3A_581, %cond3A_582 : i32
      scf.if %cond3A_583 {
        %add3A_832 = arith.constant 2 : i32
        %add3A_833 = arith.addi %add3A_340, %add3A_832 : i32
        %mul3A_834 = arith.constant 402 : i32
        %mul3A_835 = arith.muli %arg1, %mul3A_834 : i32
        %add3A_836 = arith.addi %mul3A_835, %add3A_833 : i32
        %mul3A_837 = arith.constant 256 : i32
        %mul3A_838 = arith.muli %add3A_836, %mul3A_837 : i32
        %dma_start3A_839 = arith.constant 0 : i32
        %dma_start3A_840 = arith.constant 0 : i32
        %dma_start3A_841 = tpu.memref_slice %arg7[%dma_start3A_839, %dma_start3A_840] : memref<3x256xi32, #tpu.memory_space<vmem>> -> memref<1x256xi32, #tpu.memory_space<vmem>>
        %dma_start3A_842 = tpu.memref_squeeze %dma_start3A_841 : memref<1x256xi32, #tpu.memory_space<vmem>> -> memref<256xi32, #tpu.memory_space<vmem>>
        %dma_start3A_843 = tpu.memref_slice %arg3[%mul3A_838] : memref<1646592xi32, #tpu.memory_space<hbm>> -> memref<256xi32, #tpu.memory_space<hbm>>
        %dma_start3A_844 = arith.constant 0 : i32
        %dma_start3A_845 = tpu.memref_slice %arg7[%dma_start3A_839, %dma_start3A_844] : memref<3x256xi32, #tpu.memory_space<vmem>> -> memref<1x256xi32, #tpu.memory_space<vmem>>
        %dma_start3A_846 = tpu.memref_squeeze %dma_start3A_845 : memref<1x256xi32, #tpu.memory_space<vmem>> -> memref<256xi32, #tpu.memory_space<vmem>>
        %dma_start3A_847 = tpu.memref_slice %arg3[%mul3A_838] : memref<1646592xi32, #tpu.memory_space<hbm>> -> memref<256xi32, #tpu.memory_space<hbm>>
        tpu.enqueue_dma source(%dma_start3A_847 : memref<256xi32, #tpu.memory_space<hbm>>) target(%dma_start3A_846 : memref<256xi32, #tpu.memory_space<vmem>>) target_semaphore(%arg10 : memref<!tpu.dma_semaphore, #tpu.memory_space<semaphore_mem>>)
      } else {
      }
      %mul3A_584 = arith.constant 3 : i32
      %mul3A_585 = arith.muli %scan3A_105, %mul3A_584 : i32
      %add3A_586 = arith.constant 2 : i32
      %add3A_587 = arith.addi %mul3A_585, %add3A_586 : i32
      %ge3A_588 = arith.constant 1 : i32
      %ge3A_589 = arith.cmpi sge, %scan3A_105, %ge3A_588 : i32
      %convert_element_type3A_590 = arith.extui %ge3A_589 : i1 to i32
      %cond3A_591 = arith.constant 0 : i32
      %cond3A_592 = arith.cmpi ne, %convert_element_type3A_590, %cond3A_591 : i32
      scf.if %cond3A_592 {
        %dma_wait3A_832 = arith.constant 2 : i32
        %dma_wait3A_833 = arith.constant 2 : i32
        %dma_wait3A_834 = arith.constant 0 : i32
        %dma_wait3A_835 = arith.constant 0 : i32
        %dma_wait3A_836 = tpu.memref_slice %arg9[%dma_wait3A_832, %dma_wait3A_834, %dma_wait3A_835] : memref<3x128x64xf32, #tpu.memory_space<vmem>> -> memref<1x128x64xf32, #tpu.memory_space<vmem>>
        %dma_wait3A_837 = tpu.memref_squeeze %dma_wait3A_836 : memref<1x128x64xf32, #tpu.memory_space<vmem>> -> memref<128x64xf32, #tpu.memory_space<vmem>>
        %dma_wait3A_838 = arith.constant 0 : i32
        %dma_wait3A_839 = tpu.memref_slice %arg8[%dma_wait3A_833, %dma_wait3A_838] : memref<3x128xi32, #tpu.memory_space<vmem>> -> memref<1x128xi32, #tpu.memory_space<vmem>>
        %dma_wait3A_840 = tpu.memref_squeeze %dma_wait3A_839 : memref<1x128xi32, #tpu.memory_space<vmem>> -> memref<128xi32, #tpu.memory_space<vmem>>
        %dma_wait3A_841 = arith.constant 0 : i32
        %dma_wait3A_842 = arith.constant 0 : i32
        %dma_wait3A_843 = tpu.memref_slice %arg6[%dma_wait3A_841, %dma_wait3A_842] : memref<25032x64xf32, #tpu.memory_space<vmem_shared>> -> memref<25032x64xf32, #tpu.memory_space<vmem_shared>>
        tpu.wait_indirect_dma semaphore(%arg18 : memref<!tpu.dma_semaphore, #tpu.memory_space<semaphore_mem>>) src(%dma_wait3A_837 : memref<128x64xf32, #tpu.memory_space<vmem>>) dst(%dma_wait3A_843 : memref<25032x64xf32, #tpu.memory_space<vmem_shared>>)
      } else {
      }
      %mul3A_593 = arith.constant 402 : i32
      %mul3A_594 = arith.muli %arg1, %mul3A_593 : i32
      %add3A_595 = arith.addi %mul3A_594, %add3A_587 : i32
      %mul3A_596 = arith.constant 256 : i32
      %mul3A_597 = arith.muli %add3A_595, %mul3A_596 : i32
      %dma_wait3A_598 = arith.constant 2 : i32
      %dma_wait3A_599 = arith.constant 0 : i32
      %dma_wait3A_600 = tpu.memref_slice %arg7[%dma_wait3A_598, %dma_wait3A_599] : memref<3x256xi32, #tpu.memory_space<vmem>> -> memref<1x256xi32, #tpu.memory_space<vmem>>
      %dma_wait3A_601 = tpu.memref_squeeze %dma_wait3A_600 : memref<1x256xi32, #tpu.memory_space<vmem>> -> memref<256xi32, #tpu.memory_space<vmem>>
      %dma_wait3A_602 = tpu.memref_slice %arg3[%mul3A_597] : memref<1646592xi32, #tpu.memory_space<hbm>> -> memref<256xi32, #tpu.memory_space<hbm>>
      %dma_wait3A_603 = arith.constant 0 : i32
      %dma_wait3A_604 = tpu.memref_slice %arg7[%dma_wait3A_598, %dma_wait3A_603] : memref<3x256xi32, #tpu.memory_space<vmem>> -> memref<1x256xi32, #tpu.memory_space<vmem>>
      %dma_wait3A_605 = tpu.memref_squeeze %dma_wait3A_604 : memref<1x256xi32, #tpu.memory_space<vmem>> -> memref<256xi32, #tpu.memory_space<vmem>>
      %dma_wait3A_606 = tpu.memref_slice %arg3[%mul3A_597] : memref<1646592xi32, #tpu.memory_space<hbm>> -> memref<256xi32, #tpu.memory_space<hbm>>
      tpu.wait_dma2 semaphore(%arg12 : memref<!tpu.dma_semaphore, #tpu.memory_space<semaphore_mem>>) src(%dma_wait3A_606 : memref<256xi32, #tpu.memory_space<hbm>>) dst(%dma_wait3A_605 : memref<256xi32, #tpu.memory_space<vmem>>)
      %get3A_607 = arith.constant 2 : i32
      %get3A_608 = arith.index_cast %get3A_607 : i32 to index
      %get3A_609 = arith.constant 128 : index
      %get3A_610 = tpu.vector_load %arg7[%get3A_608, %get3A_609] {strides = array<i32>} : memref<3x256xi32, #tpu.memory_space<vmem>>, vector<1x16xi32>,
      %get3A_611 = vector.shape_cast %get3A_610 : vector<1x16xi32> to vector<16xi32>
      %sub3A_612 = vector.broadcast %mul3A_0 : i32 to vector<16xi32>
      %sub3A_613 = arith.subi %get3A_611, %sub3A_612 : vector<16xi32>
      %ge3A_614 = arith.constant 0 : i32
      %ge3A_615 = vector.broadcast %ge3A_614 : i32 to vector<16xi32>
      %ge3A_616 = arith.cmpi sge, %sub3A_613, %ge3A_615 : vector<16xi32>
      %lt3A_617 = arith.constant 25024 : i32
      %lt3A_618 = vector.broadcast %lt3A_617 : i32 to vector<16xi32>
      %lt3A_619 = arith.cmpi slt, %sub3A_613, %lt3A_618 : vector<16xi32>
      %and3A_620 = arith.andi %ge3A_616, %lt3A_619 : vector<16xi1>
      %jit3A_621 = arith.constant 25024 : i32
      %broadcast_in_dim3A_622 = vector.broadcast %jit3A_621 : i32 to vector<16xi32>
      %select_n3A_623 = arith.select %and3A_620, %sub3A_613, %broadcast_in_dim3A_622 : vector<16xi1>, vector<16xi32>
      %swap3A_624 = arith.constant 2 : i32
      %swap3A_625 = arith.index_cast %swap3A_624 : i32 to index
      %swap3A_626 = arith.constant 0 : index
      %swap3A_627 = tpu.vector_load %arg8[%swap3A_625, %swap3A_626] {strides = array<i32>} : memref<3x128xi32, #tpu.memory_space<vmem>>, vector<1x16xi32>,
      %swap3A_628 = vector.shape_cast %swap3A_627 : vector<1x16xi32> to vector<16xi32>
      %swap3A_629 = vector.shape_cast %select_n3A_623 : vector<16xi32> to vector<1x16xi32>
      tpu.vector_store %arg8[%swap3A_625, %swap3A_626], %swap3A_629 {strides = array<i32>} : memref<3x128xi32, #tpu.memory_space<vmem>>, vector<1x16xi32>,
      %get3A_630 = arith.constant 2 : i32
      %get3A_631 = arith.index_cast %get3A_630 : i32 to index
      %get3A_632 = arith.constant 144 : index
      %get3A_633 = tpu.vector_load %arg7[%get3A_631, %get3A_632] {strides = array<i32>} : memref<3x256xi32, #tpu.memory_space<vmem>>, vector<1x16xi32>,
      %get3A_634 = vector.shape_cast %get3A_633 : vector<1x16xi32> to vector<16xi32>
      %sub3A_635 = vector.broadcast %mul3A_0 : i32 to vector<16xi32>
      %sub3A_636 = arith.subi %get3A_634, %sub3A_635 : vector<16xi32>
      %ge3A_637 = arith.constant 0 : i32
      %ge3A_638 = vector.broadcast %ge3A_637 : i32 to vector<16xi32>
      %ge3A_639 = arith.cmpi sge, %sub3A_636, %ge3A_638 : vector<16xi32>
      %lt3A_640 = arith.constant 25024 : i32
      %lt3A_641 = vector.broadcast %lt3A_640 : i32 to vector<16xi32>
      %lt3A_642 = arith.cmpi slt, %sub3A_636, %lt3A_641 : vector<16xi32>
      %and3A_643 = arith.andi %ge3A_639, %lt3A_642 : vector<16xi1>
      %jit3A_644 = arith.constant 25024 : i32
      %broadcast_in_dim3A_645 = vector.broadcast %jit3A_644 : i32 to vector<16xi32>
      %select_n3A_646 = arith.select %and3A_643, %sub3A_636, %broadcast_in_dim3A_645 : vector<16xi1>, vector<16xi32>
      %swap3A_647 = arith.constant 2 : i32
      %swap3A_648 = arith.index_cast %swap3A_647 : i32 to index
      %swap3A_649 = arith.constant 16 : index
      %swap3A_650 = tpu.vector_load %arg8[%swap3A_648, %swap3A_649] {strides = array<i32>} : memref<3x128xi32, #tpu.memory_space<vmem>>, vector<1x16xi32>,
      %swap3A_651 = vector.shape_cast %swap3A_650 : vector<1x16xi32> to vector<16xi32>
      %swap3A_652 = vector.shape_cast %select_n3A_646 : vector<16xi32> to vector<1x16xi32>
      tpu.vector_store %arg8[%swap3A_648, %swap3A_649], %swap3A_652 {strides = array<i32>} : memref<3x128xi32, #tpu.memory_space<vmem>>, vector<1x16xi32>,
      %get3A_653 = arith.constant 2 : i32
      %get3A_654 = arith.index_cast %get3A_653 : i32 to index
      %get3A_655 = arith.constant 160 : index
      %get3A_656 = tpu.vector_load %arg7[%get3A_654, %get3A_655] {strides = array<i32>} : memref<3x256xi32, #tpu.memory_space<vmem>>, vector<1x16xi32>,
      %get3A_657 = vector.shape_cast %get3A_656 : vector<1x16xi32> to vector<16xi32>
      %sub3A_658 = vector.broadcast %mul3A_0 : i32 to vector<16xi32>
      %sub3A_659 = arith.subi %get3A_657, %sub3A_658 : vector<16xi32>
      %ge3A_660 = arith.constant 0 : i32
      %ge3A_661 = vector.broadcast %ge3A_660 : i32 to vector<16xi32>
      %ge3A_662 = arith.cmpi sge, %sub3A_659, %ge3A_661 : vector<16xi32>
      %lt3A_663 = arith.constant 25024 : i32
      %lt3A_664 = vector.broadcast %lt3A_663 : i32 to vector<16xi32>
      %lt3A_665 = arith.cmpi slt, %sub3A_659, %lt3A_664 : vector<16xi32>
      %and3A_666 = arith.andi %ge3A_662, %lt3A_665 : vector<16xi1>
      %jit3A_667 = arith.constant 25024 : i32
      %broadcast_in_dim3A_668 = vector.broadcast %jit3A_667 : i32 to vector<16xi32>
      %select_n3A_669 = arith.select %and3A_666, %sub3A_659, %broadcast_in_dim3A_668 : vector<16xi1>, vector<16xi32>
      %swap3A_670 = arith.constant 2 : i32
      %swap3A_671 = arith.index_cast %swap3A_670 : i32 to index
      %swap3A_672 = arith.constant 32 : index
      %swap3A_673 = tpu.vector_load %arg8[%swap3A_671, %swap3A_672] {strides = array<i32>} : memref<3x128xi32, #tpu.memory_space<vmem>>, vector<1x16xi32>,
      %swap3A_674 = vector.shape_cast %swap3A_673 : vector<1x16xi32> to vector<16xi32>
      %swap3A_675 = vector.shape_cast %select_n3A_669 : vector<16xi32> to vector<1x16xi32>
      tpu.vector_store %arg8[%swap3A_671, %swap3A_672], %swap3A_675 {strides = array<i32>} : memref<3x128xi32, #tpu.memory_space<vmem>>, vector<1x16xi32>,
      %get3A_676 = arith.constant 2 : i32
      %get3A_677 = arith.index_cast %get3A_676 : i32 to index
      %get3A_678 = arith.constant 176 : index
      %get3A_679 = tpu.vector_load %arg7[%get3A_677, %get3A_678] {strides = array<i32>} : memref<3x256xi32, #tpu.memory_space<vmem>>, vector<1x16xi32>,
      %get3A_680 = vector.shape_cast %get3A_679 : vector<1x16xi32> to vector<16xi32>
      %sub3A_681 = vector.broadcast %mul3A_0 : i32 to vector<16xi32>
      %sub3A_682 = arith.subi %get3A_680, %sub3A_681 : vector<16xi32>
      %ge3A_683 = arith.constant 0 : i32
      %ge3A_684 = vector.broadcast %ge3A_683 : i32 to vector<16xi32>
      %ge3A_685 = arith.cmpi sge, %sub3A_682, %ge3A_684 : vector<16xi32>
      %lt3A_686 = arith.constant 25024 : i32
      %lt3A_687 = vector.broadcast %lt3A_686 : i32 to vector<16xi32>
      %lt3A_688 = arith.cmpi slt, %sub3A_682, %lt3A_687 : vector<16xi32>
      %and3A_689 = arith.andi %ge3A_685, %lt3A_688 : vector<16xi1>
      %jit3A_690 = arith.constant 25024 : i32
      %broadcast_in_dim3A_691 = vector.broadcast %jit3A_690 : i32 to vector<16xi32>
      %select_n3A_692 = arith.select %and3A_689, %sub3A_682, %broadcast_in_dim3A_691 : vector<16xi1>, vector<16xi32>
      %swap3A_693 = arith.constant 2 : i32
      %swap3A_694 = arith.index_cast %swap3A_693 : i32 to index
      %swap3A_695 = arith.constant 48 : index
      %swap3A_696 = tpu.vector_load %arg8[%swap3A_694, %swap3A_695] {strides = array<i32>} : memref<3x128xi32, #tpu.memory_space<vmem>>, vector<1x16xi32>,
      %swap3A_697 = vector.shape_cast %swap3A_696 : vector<1x16xi32> to vector<16xi32>
      %swap3A_698 = vector.shape_cast %select_n3A_692 : vector<16xi32> to vector<1x16xi32>
      tpu.vector_store %arg8[%swap3A_694, %swap3A_695], %swap3A_698 {strides = array<i32>} : memref<3x128xi32, #tpu.memory_space<vmem>>, vector<1x16xi32>,
      %get3A_699 = arith.constant 2 : i32
      %get3A_700 = arith.index_cast %get3A_699 : i32 to index
      %get3A_701 = arith.constant 192 : index
      %get3A_702 = tpu.vector_load %arg7[%get3A_700, %get3A_701] {strides = array<i32>} : memref<3x256xi32, #tpu.memory_space<vmem>>, vector<1x16xi32>,
      %get3A_703 = vector.shape_cast %get3A_702 : vector<1x16xi32> to vector<16xi32>
      %sub3A_704 = vector.broadcast %mul3A_0 : i32 to vector<16xi32>
      %sub3A_705 = arith.subi %get3A_703, %sub3A_704 : vector<16xi32>
      %ge3A_706 = arith.constant 0 : i32
      %ge3A_707 = vector.broadcast %ge3A_706 : i32 to vector<16xi32>
      %ge3A_708 = arith.cmpi sge, %sub3A_705, %ge3A_707 : vector<16xi32>
      %lt3A_709 = arith.constant 25024 : i32
      %lt3A_710 = vector.broadcast %lt3A_709 : i32 to vector<16xi32>
      %lt3A_711 = arith.cmpi slt, %sub3A_705, %lt3A_710 : vector<16xi32>
      %and3A_712 = arith.andi %ge3A_708, %lt3A_711 : vector<16xi1>
      %jit3A_713 = arith.constant 25024 : i32
      %broadcast_in_dim3A_714 = vector.broadcast %jit3A_713 : i32 to vector<16xi32>
      %select_n3A_715 = arith.select %and3A_712, %sub3A_705, %broadcast_in_dim3A_714 : vector<16xi1>, vector<16xi32>
      %swap3A_716 = arith.constant 2 : i32
      %swap3A_717 = arith.index_cast %swap3A_716 : i32 to index
      %swap3A_718 = arith.constant 64 : index
      %swap3A_719 = tpu.vector_load %arg8[%swap3A_717, %swap3A_718] {strides = array<i32>} : memref<3x128xi32, #tpu.memory_space<vmem>>, vector<1x16xi32>,
      %swap3A_720 = vector.shape_cast %swap3A_719 : vector<1x16xi32> to vector<16xi32>
      %swap3A_721 = vector.shape_cast %select_n3A_715 : vector<16xi32> to vector<1x16xi32>
      tpu.vector_store %arg8[%swap3A_717, %swap3A_718], %swap3A_721 {strides = array<i32>} : memref<3x128xi32, #tpu.memory_space<vmem>>, vector<1x16xi32>,
      %get3A_722 = arith.constant 2 : i32
      %get3A_723 = arith.index_cast %get3A_722 : i32 to index
      %get3A_724 = arith.constant 208 : index
      %get3A_725 = tpu.vector_load %arg7[%get3A_723, %get3A_724] {strides = array<i32>} : memref<3x256xi32, #tpu.memory_space<vmem>>, vector<1x16xi32>,
      %get3A_726 = vector.shape_cast %get3A_725 : vector<1x16xi32> to vector<16xi32>
      %sub3A_727 = vector.broadcast %mul3A_0 : i32 to vector<16xi32>
      %sub3A_728 = arith.subi %get3A_726, %sub3A_727 : vector<16xi32>
      %ge3A_729 = arith.constant 0 : i32
      %ge3A_730 = vector.broadcast %ge3A_729 : i32 to vector<16xi32>
      %ge3A_731 = arith.cmpi sge, %sub3A_728, %ge3A_730 : vector<16xi32>
      %lt3A_732 = arith.constant 25024 : i32
      %lt3A_733 = vector.broadcast %lt3A_732 : i32 to vector<16xi32>
      %lt3A_734 = arith.cmpi slt, %sub3A_728, %lt3A_733 : vector<16xi32>
      %and3A_735 = arith.andi %ge3A_731, %lt3A_734 : vector<16xi1>
      %jit3A_736 = arith.constant 25024 : i32
      %broadcast_in_dim3A_737 = vector.broadcast %jit3A_736 : i32 to vector<16xi32>
      %select_n3A_738 = arith.select %and3A_735, %sub3A_728, %broadcast_in_dim3A_737 : vector<16xi1>, vector<16xi32>
      %swap3A_739 = arith.constant 2 : i32
      %swap3A_740 = arith.index_cast %swap3A_739 : i32 to index
      %swap3A_741 = arith.constant 80 : index
      %swap3A_742 = tpu.vector_load %arg8[%swap3A_740, %swap3A_741] {strides = array<i32>} : memref<3x128xi32, #tpu.memory_space<vmem>>, vector<1x16xi32>,
      %swap3A_743 = vector.shape_cast %swap3A_742 : vector<1x16xi32> to vector<16xi32>
      %swap3A_744 = vector.shape_cast %select_n3A_738 : vector<16xi32> to vector<1x16xi32>
      tpu.vector_store %arg8[%swap3A_740, %swap3A_741], %swap3A_744 {strides = array<i32>} : memref<3x128xi32, #tpu.memory_space<vmem>>, vector<1x16xi32>,
      %get3A_745 = arith.constant 2 : i32
      %get3A_746 = arith.index_cast %get3A_745 : i32 to index
      %get3A_747 = arith.constant 224 : index
      %get3A_748 = tpu.vector_load %arg7[%get3A_746, %get3A_747] {strides = array<i32>} : memref<3x256xi32, #tpu.memory_space<vmem>>, vector<1x16xi32>,
      %get3A_749 = vector.shape_cast %get3A_748 : vector<1x16xi32> to vector<16xi32>
      %sub3A_750 = vector.broadcast %mul3A_0 : i32 to vector<16xi32>
      %sub3A_751 = arith.subi %get3A_749, %sub3A_750 : vector<16xi32>
      %ge3A_752 = arith.constant 0 : i32
      %ge3A_753 = vector.broadcast %ge3A_752 : i32 to vector<16xi32>
      %ge3A_754 = arith.cmpi sge, %sub3A_751, %ge3A_753 : vector<16xi32>
      %lt3A_755 = arith.constant 25024 : i32
      %lt3A_756 = vector.broadcast %lt3A_755 : i32 to vector<16xi32>
      %lt3A_757 = arith.cmpi slt, %sub3A_751, %lt3A_756 : vector<16xi32>
      %and3A_758 = arith.andi %ge3A_754, %lt3A_757 : vector<16xi1>
      %jit3A_759 = arith.constant 25024 : i32
      %broadcast_in_dim3A_760 = vector.broadcast %jit3A_759 : i32 to vector<16xi32>
      %select_n3A_761 = arith.select %and3A_758, %sub3A_751, %broadcast_in_dim3A_760 : vector<16xi1>, vector<16xi32>
      %swap3A_762 = arith.constant 2 : i32
      %swap3A_763 = arith.index_cast %swap3A_762 : i32 to index
      %swap3A_764 = arith.constant 96 : index
      %swap3A_765 = tpu.vector_load %arg8[%swap3A_763, %swap3A_764] {strides = array<i32>} : memref<3x128xi32, #tpu.memory_space<vmem>>, vector<1x16xi32>,
      %swap3A_766 = vector.shape_cast %swap3A_765 : vector<1x16xi32> to vector<16xi32>
      %swap3A_767 = vector.shape_cast %select_n3A_761 : vector<16xi32> to vector<1x16xi32>
      tpu.vector_store %arg8[%swap3A_763, %swap3A_764], %swap3A_767 {strides = array<i32>} : memref<3x128xi32, #tpu.memory_space<vmem>>, vector<1x16xi32>,
      %get3A_768 = arith.constant 2 : i32
      %get3A_769 = arith.index_cast %get3A_768 : i32 to index
      %get3A_770 = arith.constant 240 : index
      %get3A_771 = tpu.vector_load %arg7[%get3A_769, %get3A_770] {strides = array<i32>} : memref<3x256xi32, #tpu.memory_space<vmem>>, vector<1x16xi32>,
      %get3A_772 = vector.shape_cast %get3A_771 : vector<1x16xi32> to vector<16xi32>
      %sub3A_773 = vector.broadcast %mul3A_0 : i32 to vector<16xi32>
      %sub3A_774 = arith.subi %get3A_772, %sub3A_773 : vector<16xi32>
      %ge3A_775 = arith.constant 0 : i32
      %ge3A_776 = vector.broadcast %ge3A_775 : i32 to vector<16xi32>
      %ge3A_777 = arith.cmpi sge, %sub3A_774, %ge3A_776 : vector<16xi32>
      %lt3A_778 = arith.constant 25024 : i32
      %lt3A_779 = vector.broadcast %lt3A_778 : i32 to vector<16xi32>
      %lt3A_780 = arith.cmpi slt, %sub3A_774, %lt3A_779 : vector<16xi32>
      %and3A_781 = arith.andi %ge3A_777, %lt3A_780 : vector<16xi1>
      %jit3A_782 = arith.constant 25024 : i32
      %broadcast_in_dim3A_783 = vector.broadcast %jit3A_782 : i32 to vector<16xi32>
      %select_n3A_784 = arith.select %and3A_781, %sub3A_774, %broadcast_in_dim3A_783 : vector<16xi1>, vector<16xi32>
      %swap3A_785 = arith.constant 2 : i32
      %swap3A_786 = arith.index_cast %swap3A_785 : i32 to index
      %swap3A_787 = arith.constant 112 : index
      %swap3A_788 = tpu.vector_load %arg8[%swap3A_786, %swap3A_787] {strides = array<i32>} : memref<3x128xi32, #tpu.memory_space<vmem>>, vector<1x16xi32>,
      %swap3A_789 = vector.shape_cast %swap3A_788 : vector<1x16xi32> to vector<16xi32>
      %swap3A_790 = vector.shape_cast %select_n3A_784 : vector<16xi32> to vector<1x16xi32>
      tpu.vector_store %arg8[%swap3A_786, %swap3A_787], %swap3A_790 {strides = array<i32>} : memref<3x128xi32, #tpu.memory_space<vmem>>, vector<1x16xi32>,
      %dma_start3A_791 = arith.constant 2 : i32
      %dma_start3A_792 = arith.constant 2 : i32
      %dma_start3A_793 = arith.constant 0 : i32
      %dma_start3A_794 = arith.constant 0 : i32
      %dma_start3A_795 = tpu.memref_slice %arg9[%dma_start3A_792, %dma_start3A_793, %dma_start3A_794] : memref<3x128x64xf32, #tpu.memory_space<vmem>> -> memref<1x128x64xf32, #tpu.memory_space<vmem>>
      %dma_start3A_796 = tpu.memref_squeeze %dma_start3A_795 : memref<1x128x64xf32, #tpu.memory_space<vmem>> -> memref<128x64xf32, #tpu.memory_space<vmem>>
      %dma_start3A_797 = arith.constant 0 : i32
      %dma_start3A_798 = tpu.memref_slice %arg7[%dma_start3A_791, %dma_start3A_797] : memref<3x256xi32, #tpu.memory_space<vmem>> -> memref<1x128xi32, #tpu.memory_space<vmem>>
      %dma_start3A_799 = tpu.memref_squeeze %dma_start3A_798 : memref<1x128xi32, #tpu.memory_space<vmem>> -> memref<128xi32, #tpu.memory_space<vmem>>
      %dma_start3A_800 = arith.constant 0 : i32
      %dma_start3A_801 = arith.constant 0 : i32
      %dma_start3A_802 = tpu.memref_slice %arg2[%dma_start3A_800, %dma_start3A_801] : memref<50048x64xf32, #tpu.memory_space<hbm>> -> memref<50048x64xf32, #tpu.memory_space<hbm>>
      tpu.enqueue_indirect_dma source(%dma_start3A_802 : memref<50048x64xf32, #tpu.memory_space<hbm>>) target(%dma_start3A_796 : memref<128x64xf32, #tpu.memory_space<vmem>>) offsets(%dma_start3A_799 : memref<128xi32, #tpu.memory_space<vmem>>) semaphore(%arg15 : memref<!tpu.dma_semaphore, #tpu.memory_space<semaphore_mem>>)
      %dma_wait3A_803 = arith.constant 1 : i32
      %dma_wait3A_804 = arith.constant 1 : i32
      %dma_wait3A_805 = arith.constant 0 : i32
      %dma_wait3A_806 = arith.constant 0 : i32
      %dma_wait3A_807 = tpu.memref_slice %arg9[%dma_wait3A_804, %dma_wait3A_805, %dma_wait3A_806] : memref<3x128x64xf32, #tpu.memory_space<vmem>> -> memref<1x128x64xf32, #tpu.memory_space<vmem>>
      %dma_wait3A_808 = tpu.memref_squeeze %dma_wait3A_807 : memref<1x128x64xf32, #tpu.memory_space<vmem>> -> memref<128x64xf32, #tpu.memory_space<vmem>>
      %dma_wait3A_809 = arith.constant 0 : i32
      %dma_wait3A_810 = tpu.memref_slice %arg7[%dma_wait3A_803, %dma_wait3A_809] : memref<3x256xi32, #tpu.memory_space<vmem>> -> memref<1x128xi32, #tpu.memory_space<vmem>>
      %dma_wait3A_811 = tpu.memref_squeeze %dma_wait3A_810 : memref<1x128xi32, #tpu.memory_space<vmem>> -> memref<128xi32, #tpu.memory_space<vmem>>
      %dma_wait3A_812 = arith.constant 0 : i32
      %dma_wait3A_813 = arith.constant 0 : i32
      %dma_wait3A_814 = tpu.memref_slice %arg2[%dma_wait3A_812, %dma_wait3A_813] : memref<50048x64xf32, #tpu.memory_space<hbm>> -> memref<50048x64xf32, #tpu.memory_space<hbm>>
      tpu.wait_indirect_dma semaphore(%arg14 : memref<!tpu.dma_semaphore, #tpu.memory_space<semaphore_mem>>) src(%dma_wait3A_814 : memref<50048x64xf32, #tpu.memory_space<hbm>>) dst(%dma_wait3A_808 : memref<128x64xf32, #tpu.memory_space<vmem>>)
      %dma_start3A_815 = arith.constant 1 : i32
      %dma_start3A_816 = arith.constant 1 : i32
      %dma_start3A_817 = arith.constant 0 : i32
      %dma_start3A_818 = arith.constant 0 : i32
      %dma_start3A_819 = tpu.memref_slice %arg9[%dma_start3A_815, %dma_start3A_817, %dma_start3A_818] : memref<3x128x64xf32, #tpu.memory_space<vmem>> -> memref<1x128x64xf32, #tpu.memory_space<vmem>>
      %dma_start3A_820 = tpu.memref_squeeze %dma_start3A_819 : memref<1x128x64xf32, #tpu.memory_space<vmem>> -> memref<128x64xf32, #tpu.memory_space<vmem>>
      %dma_start3A_821 = arith.constant 0 : i32
      %dma_start3A_822 = tpu.memref_slice %arg8[%dma_start3A_816, %dma_start3A_821] : memref<3x128xi32, #tpu.memory_space<vmem>> -> memref<1x128xi32, #tpu.memory_space<vmem>>
      %dma_start3A_823 = tpu.memref_squeeze %dma_start3A_822 : memref<1x128xi32, #tpu.memory_space<vmem>> -> memref<128xi32, #tpu.memory_space<vmem>>
      %dma_start3A_824 = arith.constant 0 : i32
      %dma_start3A_825 = arith.constant 0 : i32
      %dma_start3A_826 = tpu.memref_slice %arg6[%dma_start3A_824, %dma_start3A_825] : memref<25032x64xf32, #tpu.memory_space<vmem_shared>> -> memref<25032x64xf32, #tpu.memory_space<vmem_shared>>
      tpu.enqueue_indirect_dma source(%dma_start3A_820 : memref<128x64xf32, #tpu.memory_space<vmem>>) target(%dma_start3A_826 : memref<25032x64xf32, #tpu.memory_space<vmem_shared>>) offsets(%dma_start3A_823 : memref<128xi32, #tpu.memory_space<vmem>>) semaphore(%arg17 : memref<!tpu.dma_semaphore, #tpu.memory_space<semaphore_mem>>) {add = true}
      %le3A_827 = arith.constant 132 : i32
      %le3A_828 = arith.cmpi sle, %scan3A_105, %le3A_827 : i32
      %convert_element_type3A_829 = arith.extui %le3A_828 : i1 to i32
      %cond3A_830 = arith.constant 0 : i32
      %cond3A_831 = arith.cmpi ne, %convert_element_type3A_829, %cond3A_830 : i32
      scf.if %cond3A_831 {
        %add3A_832 = arith.constant 2 : i32
        %add3A_833 = arith.addi %add3A_587, %add3A_832 : i32
        %mul3A_834 = arith.constant 402 : i32
        %mul3A_835 = arith.muli %arg1, %mul3A_834 : i32
        %add3A_836 = arith.addi %mul3A_835, %add3A_833 : i32
        %mul3A_837 = arith.constant 256 : i32
        %mul3A_838 = arith.muli %add3A_836, %mul3A_837 : i32
        %dma_start3A_839 = arith.constant 1 : i32
        %dma_start3A_840 = arith.constant 0 : i32
        %dma_start3A_841 = tpu.memref_slice %arg7[%dma_start3A_839, %dma_start3A_840] : memref<3x256xi32, #tpu.memory_space<vmem>> -> memref<1x256xi32, #tpu.memory_space<vmem>>
        %dma_start3A_842 = tpu.memref_squeeze %dma_start3A_841 : memref<1x256xi32, #tpu.memory_space<vmem>> -> memref<256xi32, #tpu.memory_space<vmem>>
        %dma_start3A_843 = tpu.memref_slice %arg3[%mul3A_838] : memref<1646592xi32, #tpu.memory_space<hbm>> -> memref<256xi32, #tpu.memory_space<hbm>>
        %dma_start3A_844 = arith.constant 0 : i32
        %dma_start3A_845 = tpu.memref_slice %arg7[%dma_start3A_839, %dma_start3A_844] : memref<3x256xi32, #tpu.memory_space<vmem>> -> memref<1x256xi32, #tpu.memory_space<vmem>>
        %dma_start3A_846 = tpu.memref_squeeze %dma_start3A_845 : memref<1x256xi32, #tpu.memory_space<vmem>> -> memref<256xi32, #tpu.memory_space<vmem>>
        %dma_start3A_847 = tpu.memref_slice %arg3[%mul3A_838] : memref<1646592xi32, #tpu.memory_space<hbm>> -> memref<256xi32, #tpu.memory_space<hbm>>
        tpu.enqueue_dma source(%dma_start3A_847 : memref<256xi32, #tpu.memory_space<hbm>>) target(%dma_start3A_846 : memref<256xi32, #tpu.memory_space<vmem>>) target_semaphore(%arg11 : memref<!tpu.dma_semaphore, #tpu.memory_space<semaphore_mem>>)
      } else {
      }
    }
    %scan3A_37 = arith.constant 134 : i32
    %dma_wait3A = arith.constant 2 : i32
    %dma_wait3A_38 = arith.constant 2 : i32
    %dma_wait3A_39 = arith.constant 0 : i32
    %dma_wait3A_40 = arith.constant 0 : i32
    %dma_wait3A_41 = tpu.memref_slice %arg9[%dma_wait3A_38, %dma_wait3A_39, %dma_wait3A_40] : memref<3x128x64xf32, #tpu.memory_space<vmem>> -> memref<1x128x64xf32, #tpu.memory_space<vmem>>
    %dma_wait3A_42 = tpu.memref_squeeze %dma_wait3A_41 : memref<1x128x64xf32, #tpu.memory_space<vmem>> -> memref<128x64xf32, #tpu.memory_space<vmem>>
    %dma_wait3A_43 = arith.constant 0 : i32
    %dma_wait3A_44 = tpu.memref_slice %arg7[%dma_wait3A, %dma_wait3A_43] : memref<3x256xi32, #tpu.memory_space<vmem>> -> memref<1x128xi32, #tpu.memory_space<vmem>>
    %dma_wait3A_45 = tpu.memref_squeeze %dma_wait3A_44 : memref<1x128xi32, #tpu.memory_space<vmem>> -> memref<128xi32, #tpu.memory_space<vmem>>
    %dma_wait3A_46 = arith.constant 0 : i32
    %dma_wait3A_47 = arith.constant 0 : i32
    %dma_wait3A_48 = tpu.memref_slice %arg2[%dma_wait3A_46, %dma_wait3A_47] : memref<50048x64xf32, #tpu.memory_space<hbm>> -> memref<50048x64xf32, #tpu.memory_space<hbm>>
    tpu.wait_indirect_dma semaphore(%arg15 : memref<!tpu.dma_semaphore, #tpu.memory_space<semaphore_mem>>) src(%dma_wait3A_48 : memref<50048x64xf32, #tpu.memory_space<hbm>>) dst(%dma_wait3A_42 : memref<128x64xf32, #tpu.memory_space<vmem>>)
    %dma_start3A_49 = arith.constant 2 : i32
    %dma_start3A_50 = arith.constant 2 : i32
    %dma_start3A_51 = arith.constant 0 : i32
    %dma_start3A_52 = arith.constant 0 : i32
    %dma_start3A_53 = tpu.memref_slice %arg9[%dma_start3A_49, %dma_start3A_51, %dma_start3A_52] : memref<3x128x64xf32, #tpu.memory_space<vmem>> -> memref<1x128x64xf32, #tpu.memory_space<vmem>>
    %dma_start3A_54 = tpu.memref_squeeze %dma_start3A_53 : memref<1x128x64xf32, #tpu.memory_space<vmem>> -> memref<128x64xf32, #tpu.memory_space<vmem>>
    %dma_start3A_55 = arith.constant 0 : i32
    %dma_start3A_56 = tpu.memref_slice %arg8[%dma_start3A_50, %dma_start3A_55] : memref<3x128xi32, #tpu.memory_space<vmem>> -> memref<1x128xi32, #tpu.memory_space<vmem>>
    %dma_start3A_57 = tpu.memref_squeeze %dma_start3A_56 : memref<1x128xi32, #tpu.memory_space<vmem>> -> memref<128xi32, #tpu.memory_space<vmem>>
    %dma_start3A_58 = arith.constant 0 : i32
    %dma_start3A_59 = arith.constant 0 : i32
    %dma_start3A_60 = tpu.memref_slice %arg6[%dma_start3A_58, %dma_start3A_59] : memref<25032x64xf32, #tpu.memory_space<vmem_shared>> -> memref<25032x64xf32, #tpu.memory_space<vmem_shared>>
    tpu.enqueue_indirect_dma source(%dma_start3A_54 : memref<128x64xf32, #tpu.memory_space<vmem>>) target(%dma_start3A_60 : memref<25032x64xf32, #tpu.memory_space<vmem_shared>>) offsets(%dma_start3A_57 : memref<128xi32, #tpu.memory_space<vmem>>) semaphore(%arg18 : memref<!tpu.dma_semaphore, #tpu.memory_space<semaphore_mem>>) {add = true}
    %dma_wait3A_61 = arith.constant 0 : i32
    %dma_wait3A_62 = arith.constant 0 : i32
    %dma_wait3A_63 = arith.constant 0 : i32
    %dma_wait3A_64 = arith.constant 0 : i32
    %dma_wait3A_65 = tpu.memref_slice %arg9[%dma_wait3A_61, %dma_wait3A_63, %dma_wait3A_64] : memref<3x128x64xf32, #tpu.memory_space<vmem>> -> memref<1x128x64xf32, #tpu.memory_space<vmem>>
    %dma_wait3A_66 = tpu.memref_squeeze %dma_wait3A_65 : memref<1x128x64xf32, #tpu.memory_space<vmem>> -> memref<128x64xf32, #tpu.memory_space<vmem>>
    %dma_wait3A_67 = arith.constant 0 : i32
    %dma_wait3A_68 = tpu.memref_slice %arg8[%dma_wait3A_62, %dma_wait3A_67] : memref<3x128xi32, #tpu.memory_space<vmem>> -> memref<1x128xi32, #tpu.memory_space<vmem>>
    %dma_wait3A_69 = tpu.memref_squeeze %dma_wait3A_68 : memref<1x128xi32, #tpu.memory_space<vmem>> -> memref<128xi32, #tpu.memory_space<vmem>>
    %dma_wait3A_70 = arith.constant 0 : i32
    %dma_wait3A_71 = arith.constant 0 : i32
    %dma_wait3A_72 = tpu.memref_slice %arg6[%dma_wait3A_70, %dma_wait3A_71] : memref<25032x64xf32, #tpu.memory_space<vmem_shared>> -> memref<25032x64xf32, #tpu.memory_space<vmem_shared>>
    tpu.wait_indirect_dma semaphore(%arg16 : memref<!tpu.dma_semaphore, #tpu.memory_space<semaphore_mem>>) src(%dma_wait3A_66 : memref<128x64xf32, #tpu.memory_space<vmem>>) dst(%dma_wait3A_72 : memref<25032x64xf32, #tpu.memory_space<vmem_shared>>)
    %dma_wait3A_73 = arith.constant 1 : i32
    %dma_wait3A_74 = arith.constant 1 : i32
    %dma_wait3A_75 = arith.constant 0 : i32
    %dma_wait3A_76 = arith.constant 0 : i32
    %dma_wait3A_77 = tpu.memref_slice %arg9[%dma_wait3A_73, %dma_wait3A_75, %dma_wait3A_76] : memref<3x128x64xf32, #tpu.memory_space<vmem>> -> memref<1x128x64xf32, #tpu.memory_space<vmem>>
    %dma_wait3A_78 = tpu.memref_squeeze %dma_wait3A_77 : memref<1x128x64xf32, #tpu.memory_space<vmem>> -> memref<128x64xf32, #tpu.memory_space<vmem>>
    %dma_wait3A_79 = arith.constant 0 : i32
    %dma_wait3A_80 = tpu.memref_slice %arg8[%dma_wait3A_74, %dma_wait3A_79] : memref<3x128xi32, #tpu.memory_space<vmem>> -> memref<1x128xi32, #tpu.memory_space<vmem>>
    %dma_wait3A_81 = tpu.memref_squeeze %dma_wait3A_80 : memref<1x128xi32, #tpu.memory_space<vmem>> -> memref<128xi32, #tpu.memory_space<vmem>>
    %dma_wait3A_82 = arith.constant 0 : i32
    %dma_wait3A_83 = arith.constant 0 : i32
    %dma_wait3A_84 = tpu.memref_slice %arg6[%dma_wait3A_82, %dma_wait3A_83] : memref<25032x64xf32, #tpu.memory_space<vmem_shared>> -> memref<25032x64xf32, #tpu.memory_space<vmem_shared>>
    tpu.wait_indirect_dma semaphore(%arg17 : memref<!tpu.dma_semaphore, #tpu.memory_space<semaphore_mem>>) src(%dma_wait3A_78 : memref<128x64xf32, #tpu.memory_space<vmem>>) dst(%dma_wait3A_84 : memref<25032x64xf32, #tpu.memory_space<vmem_shared>>)
    %dma_wait3A_85 = arith.constant 2 : i32
    %dma_wait3A_86 = arith.constant 2 : i32
    %dma_wait3A_87 = arith.constant 0 : i32
    %dma_wait3A_88 = arith.constant 0 : i32
    %dma_wait3A_89 = tpu.memref_slice %arg9[%dma_wait3A_85, %dma_wait3A_87, %dma_wait3A_88] : memref<3x128x64xf32, #tpu.memory_space<vmem>> -> memref<1x128x64xf32, #tpu.memory_space<vmem>>
    %dma_wait3A_90 = tpu.memref_squeeze %dma_wait3A_89 : memref<1x128x64xf32, #tpu.memory_space<vmem>> -> memref<128x64xf32, #tpu.memory_space<vmem>>
    %dma_wait3A_91 = arith.constant 0 : i32
    %dma_wait3A_92 = tpu.memref_slice %arg8[%dma_wait3A_86, %dma_wait3A_91] : memref<3x128xi32, #tpu.memory_space<vmem>> -> memref<1x128xi32, #tpu.memory_space<vmem>>
    %dma_wait3A_93 = tpu.memref_squeeze %dma_wait3A_92 : memref<1x128xi32, #tpu.memory_space<vmem>> -> memref<128xi32, #tpu.memory_space<vmem>>
    %dma_wait3A_94 = arith.constant 0 : i32
    %dma_wait3A_95 = arith.constant 0 : i32
    %dma_wait3A_96 = tpu.memref_slice %arg6[%dma_wait3A_94, %dma_wait3A_95] : memref<25032x64xf32, #tpu.memory_space<vmem_shared>> -> memref<25032x64xf32, #tpu.memory_space<vmem_shared>>
    tpu.wait_indirect_dma semaphore(%arg18 : memref<!tpu.dma_semaphore, #tpu.memory_space<semaphore_mem>>) src(%dma_wait3A_90 : memref<128x64xf32, #tpu.memory_space<vmem>>) dst(%dma_wait3A_96 : memref<25032x64xf32, #tpu.memory_space<vmem_shared>>)
    %barrier3A_97 = arith.constant 0 : index
    tpu.barrier barrier_id(%barrier3A_97)
    %mul3A_98 = arith.constant 1564 : i32
    %mul3A_99 = arith.muli %arg1, %mul3A_98 : i32
    %mul3A_100 = arith.constant 25024 : i32
    %mul3A_101 = arith.muli %arg0, %mul3A_100 : i32
    %mul3A_102 = arith.constant 1564 : i32
    %mul3A_103 = arith.muli %arg1, %mul3A_102 : i32
    %add3A_104 = arith.addi %mul3A_101, %mul3A_103 : i32
    "tpu.region"() ({
      %run_scoped3A = tpu.sem_alloc : memref<!tpu.dma_semaphore, #tpu.memory_space<semaphore_mem>>
      %dma_start3A_105 = arith.constant 0 : i32
      %dma_start3A_106 = tpu.memref_slice %arg5[%add3A_104, %dma_start3A_105] : memref<50048x64xf32, #tpu.memory_space<hbm>> -> memref<1564x64xf32, #tpu.memory_space<hbm>>
      %dma_start3A_107 = arith.constant 0 : i32
      %dma_start3A_108 = tpu.memref_slice %arg6[%mul3A_99, %dma_start3A_107] : memref<25032x64xf32, #tpu.memory_space<vmem_shared>> -> memref<1564x64xf32, #tpu.memory_space<vmem_shared>>
      tpu.enqueue_dma source(%dma_start3A_108 : memref<1564x64xf32, #tpu.memory_space<vmem_shared>>) target(%dma_start3A_106 : memref<1564x64xf32, #tpu.memory_space<hbm>>) target_semaphore(%run_scoped3A : memref<!tpu.dma_semaphore, #tpu.memory_space<semaphore_mem>>)
      %dma_wait3A_109 = arith.constant 0 : i32
      %dma_wait3A_110 = tpu.memref_slice %arg5[%add3A_104, %dma_wait3A_109] : memref<50048x64xf32, #tpu.memory_space<hbm>> -> memref<1564x64xf32, #tpu.memory_space<hbm>>
      %dma_wait3A_111 = arith.constant 0 : i32
      %dma_wait3A_112 = tpu.memref_slice %arg6[%mul3A_99, %dma_wait3A_111] : memref<25032x64xf32, #tpu.memory_space<vmem_shared>> -> memref<1564x64xf32, #tpu.memory_space<vmem_shared>>
      tpu.wait_dma2 semaphore(%run_scoped3A : memref<!tpu.dma_semaphore, #tpu.memory_space<semaphore_mem>>) src(%dma_wait3A_112 : memref<1564x64xf32, #tpu.memory_space<vmem_shared>>) dst(%dma_wait3A_110 : memref<1564x64xf32, #tpu.memory_space<hbm>>)
      tpu.yield
    }) : () -> ()
    return
  }
}

#map = affine_map<(d0, d1) -> (0, 0)>
#map1 = affine_map<(d0, d1) -> (0)>
module attributes {stable_mosaic.version = 14 : i64} {
  func.func @_scalar_pass(%arg0: i32, %arg1: i32, %arg2: memref<50048x16xf32, #tpu.memory_space<hbm>>, %arg3: memref<1646592xi32, #tpu.memory_space<hbm>>, %arg4: memref<3128x16xf32, #tpu.memory_space<hbm>>, %arg5: memref<100096x16xf32, #tpu.memory_space<hbm>>, %arg6: memref<50064x16xf32, #tpu.memory_space<vmem_shared>>, %arg7: memref<3x256xi32, #tpu.memory_space<vmem>>, %arg8: memref<3x128xi32, #tpu.memory_space<vmem>>, %arg9: memref<3x128x16xf32, #tpu.memory_space<vmem>>, %arg10: memref<!tpu.dma_semaphore, #tpu.memory_space<semaphore_mem>>, %arg11: memref<!tpu.dma_semaphore, #tpu.memory_space<semaphore_mem>>, %arg12: memref<!tpu.dma_semaphore, #tpu.memory_space<semaphore_mem>>, %arg13: memref<!tpu.dma_semaphore, #tpu.memory_space<semaphore_mem>>, %arg14: memref<!tpu.dma_semaphore, #tpu.memory_space<semaphore_mem>>, %arg15: memref<!tpu.dma_semaphore, #tpu.memory_space<semaphore_mem>>, %arg16: memref<!tpu.dma_semaphore, #tpu.memory_space<semaphore_mem>>, %arg17: memref<!tpu.dma_semaphore, #tpu.memory_space<semaphore_mem>>, %arg18: memref<!tpu.dma_semaphore, #tpu.memory_space<semaphore_mem>>) attributes {dimension_semantics = [#tpu.dimension_semantics<core_parallel>, #tpu.dimension_semantics<subcore_parallel>], iteration_bounds = array<i64: 2, 16>, scalar_prefetch = 0 : i64, scratch_operands = 13 : i64, tpu.core_type = #tpu.core_type<sc_vector_subcore>, window_params = [{transform_indices = #map}, {transform_indices = #map1}, {transform_indices = #map}, {transform_indices = #map}]} {
    %mul3A = arith.constant 16 : i32
    %mul3A_0 = arith.muli %arg0, %mul3A : i32
    %add3A = arith.addi %mul3A_0, %arg1 : i32
    %mul3A_1 = arith.constant 3128 : i32
    %mul3A_2 = arith.muli %arg1, %mul3A_1 : i32
    "tpu.region"() ({
      %run_scoped3A = tpu.sem_alloc : memref<!tpu.dma_semaphore, #tpu.memory_space<semaphore_mem>>
      %dma_start3A_106 = arith.constant 0 : i32
      %dma_start3A_107 = tpu.memref_slice %arg6[%mul3A_2, %dma_start3A_106] : memref<50064x16xf32, #tpu.memory_space<vmem_shared>> -> memref<3128x16xf32, #tpu.memory_space<vmem_shared>>
      %dma_start3A_108 = arith.constant 0 : i32
      %dma_start3A_109 = arith.constant 0 : i32
      %dma_start3A_110 = tpu.memref_slice %arg4[%dma_start3A_108, %dma_start3A_109] : memref<3128x16xf32, #tpu.memory_space<hbm>> -> memref<3128x16xf32, #tpu.memory_space<hbm>>
      tpu.enqueue_dma source(%dma_start3A_110 : memref<3128x16xf32, #tpu.memory_space<hbm>>) target(%dma_start3A_107 : memref<3128x16xf32, #tpu.memory_space<vmem_shared>>) target_semaphore(%run_scoped3A : memref<!tpu.dma_semaphore, #tpu.memory_space<semaphore_mem>>)
      %dma_wait3A_111 = arith.constant 0 : i32
      %dma_wait3A_112 = tpu.memref_slice %arg6[%mul3A_2, %dma_wait3A_111] : memref<50064x16xf32, #tpu.memory_space<vmem_shared>> -> memref<3128x16xf32, #tpu.memory_space<vmem_shared>>
      %dma_wait3A_113 = arith.constant 0 : i32
      %dma_wait3A_114 = arith.constant 0 : i32
      %dma_wait3A_115 = tpu.memref_slice %arg4[%dma_wait3A_113, %dma_wait3A_114] : memref<3128x16xf32, #tpu.memory_space<hbm>> -> memref<3128x16xf32, #tpu.memory_space<hbm>>
      tpu.wait_dma2 semaphore(%run_scoped3A : memref<!tpu.dma_semaphore, #tpu.memory_space<semaphore_mem>>) src(%dma_wait3A_115 : memref<3128x16xf32, #tpu.memory_space<hbm>>) dst(%dma_wait3A_112 : memref<3128x16xf32, #tpu.memory_space<vmem_shared>>)
      tpu.yield
    }) : () -> ()
    %eq3A = arith.constant 0 : i32
    %eq3A_3 = arith.cmpi eq, %arg1, %eq3A : i32
    %convert_element_type3A = arith.extui %eq3A_3 : i1 to i32
    %cond3A = arith.constant 0 : i32
    %cond3A_4 = arith.cmpi ne, %convert_element_type3A, %cond3A : i32
    scf.if %cond3A_4 {
      "tpu.region"() ({
        %run_scoped3A = tpu.sem_alloc : memref<!tpu.dma_semaphore, #tpu.memory_space<semaphore_mem>>
        %dma_start3A_106 = arith.constant 50048 : i32
        %dma_start3A_107 = arith.constant 0 : i32
        %dma_start3A_108 = tpu.memref_slice %arg6[%dma_start3A_106, %dma_start3A_107] : memref<50064x16xf32, #tpu.memory_space<vmem_shared>> -> memref<16x16xf32, #tpu.memory_space<vmem_shared>>
        %dma_start3A_109 = arith.constant 0 : i32
        %dma_start3A_110 = arith.constant 0 : i32
        %dma_start3A_111 = tpu.memref_slice %arg4[%dma_start3A_109, %dma_start3A_110] : memref<3128x16xf32, #tpu.memory_space<hbm>> -> memref<16x16xf32, #tpu.memory_space<hbm>>
        tpu.enqueue_dma source(%dma_start3A_111 : memref<16x16xf32, #tpu.memory_space<hbm>>) target(%dma_start3A_108 : memref<16x16xf32, #tpu.memory_space<vmem_shared>>) target_semaphore(%run_scoped3A : memref<!tpu.dma_semaphore, #tpu.memory_space<semaphore_mem>>)
        %dma_wait3A_112 = arith.constant 50048 : i32
        %dma_wait3A_113 = arith.constant 0 : i32
        %dma_wait3A_114 = tpu.memref_slice %arg6[%dma_wait3A_112, %dma_wait3A_113] : memref<50064x16xf32, #tpu.memory_space<vmem_shared>> -> memref<16x16xf32, #tpu.memory_space<vmem_shared>>
        %dma_wait3A_115 = arith.constant 0 : i32
        %dma_wait3A_116 = arith.constant 0 : i32
        %dma_wait3A_117 = tpu.memref_slice %arg4[%dma_wait3A_115, %dma_wait3A_116] : memref<3128x16xf32, #tpu.memory_space<hbm>> -> memref<16x16xf32, #tpu.memory_space<hbm>>
        tpu.wait_dma2 semaphore(%run_scoped3A : memref<!tpu.dma_semaphore, #tpu.memory_space<semaphore_mem>>) src(%dma_wait3A_117 : memref<16x16xf32, #tpu.memory_space<hbm>>) dst(%dma_wait3A_114 : memref<16x16xf32, #tpu.memory_space<vmem_shared>>)
        tpu.yield
      }) : () -> ()
    } else {
    }
    %barrier3A = arith.constant 0 : index
    tpu.barrier barrier_id(%barrier3A)
    %mul3A_5 = arith.constant 201 : i32
    %mul3A_6 = arith.muli %add3A, %mul3A_5 : i32
    %add3A_7 = arith.constant 0 : i32
    %add3A_8 = arith.addi %mul3A_6, %add3A_7 : i32
    %mul3A_9 = arith.constant 256 : i32
    %mul3A_10 = arith.muli %add3A_8, %mul3A_9 : i32
    %dma_start3A = arith.constant 0 : i32
    %dma_start3A_11 = arith.constant 0 : i32
    %dma_start3A_12 = tpu.memref_slice %arg7[%dma_start3A, %dma_start3A_11] : memref<3x256xi32, #tpu.memory_space<vmem>> -> memref<1x256xi32, #tpu.memory_space<vmem>>
    %dma_start3A_13 = tpu.memref_squeeze %dma_start3A_12 : memref<1x256xi32, #tpu.memory_space<vmem>> -> memref<256xi32, #tpu.memory_space<vmem>>
    %dma_start3A_14 = tpu.memref_slice %arg3[%mul3A_10] : memref<1646592xi32, #tpu.memory_space<hbm>> -> memref<256xi32, #tpu.memory_space<hbm>>
    %dma_start3A_15 = arith.constant 0 : i32
    %dma_start3A_16 = tpu.memref_slice %arg7[%dma_start3A, %dma_start3A_15] : memref<3x256xi32, #tpu.memory_space<vmem>> -> memref<1x256xi32, #tpu.memory_space<vmem>>
    %dma_start3A_17 = tpu.memref_squeeze %dma_start3A_16 : memref<1x256xi32, #tpu.memory_space<vmem>> -> memref<256xi32, #tpu.memory_space<vmem>>
    %dma_start3A_18 = tpu.memref_slice %arg3[%mul3A_10] : memref<1646592xi32, #tpu.memory_space<hbm>> -> memref<256xi32, #tpu.memory_space<hbm>>
    tpu.enqueue_dma source(%dma_start3A_18 : memref<256xi32, #tpu.memory_space<hbm>>) target(%dma_start3A_17 : memref<256xi32, #tpu.memory_space<vmem>>) target_semaphore(%arg10 : memref<!tpu.dma_semaphore, #tpu.memory_space<semaphore_mem>>)
    %mul3A_19 = arith.constant 201 : i32
    %mul3A_20 = arith.muli %add3A, %mul3A_19 : i32
    %add3A_21 = arith.constant 1 : i32
    %add3A_22 = arith.addi %mul3A_20, %add3A_21 : i32
    %mul3A_23 = arith.constant 256 : i32
    %mul3A_24 = arith.muli %add3A_22, %mul3A_23 : i32
    %dma_start3A_25 = arith.constant 1 : i32
    %dma_start3A_26 = arith.constant 0 : i32
    %dma_start3A_27 = tpu.memref_slice %arg7[%dma_start3A_25, %dma_start3A_26] : memref<3x256xi32, #tpu.memory_space<vmem>> -> memref<1x256xi32, #tpu.memory_space<vmem>>
    %dma_start3A_28 = tpu.memref_squeeze %dma_start3A_27 : memref<1x256xi32, #tpu.memory_space<vmem>> -> memref<256xi32, #tpu.memory_space<vmem>>
    %dma_start3A_29 = tpu.memref_slice %arg3[%mul3A_24] : memref<1646592xi32, #tpu.memory_space<hbm>> -> memref<256xi32, #tpu.memory_space<hbm>>
    %dma_start3A_30 = arith.constant 0 : i32
    %dma_start3A_31 = tpu.memref_slice %arg7[%dma_start3A_25, %dma_start3A_30] : memref<3x256xi32, #tpu.memory_space<vmem>> -> memref<1x256xi32, #tpu.memory_space<vmem>>
    %dma_start3A_32 = tpu.memref_squeeze %dma_start3A_31 : memref<1x256xi32, #tpu.memory_space<vmem>> -> memref<256xi32, #tpu.memory_space<vmem>>
    %dma_start3A_33 = tpu.memref_slice %arg3[%mul3A_24] : memref<1646592xi32, #tpu.memory_space<hbm>> -> memref<256xi32, #tpu.memory_space<hbm>>
    tpu.enqueue_dma source(%dma_start3A_33 : memref<256xi32, #tpu.memory_space<hbm>>) target(%dma_start3A_32 : memref<256xi32, #tpu.memory_space<vmem>>) target_semaphore(%arg11 : memref<!tpu.dma_semaphore, #tpu.memory_space<semaphore_mem>>)
    %scan3A = arith.constant 0 : i32
    %scan3A_34 = arith.constant 0 : i32
    %scan3A_35 = arith.constant 67 : i32
    %scan3A_36 = arith.addi %scan3A_34, %scan3A_35 : i32
    %scan3A_37 = arith.constant 1 : i32
    scf.for %scan3A_106 = %scan3A_34 to %scan3A_36 step %scan3A_37  : i32 {
      %mul3A_107 = arith.constant 3 : i32
      %mul3A_108 = arith.muli %scan3A_106, %mul3A_107 : i32
      %add3A_109 = arith.constant 0 : i32
      %add3A_110 = arith.addi %mul3A_108, %add3A_109 : i32
      %ge3A = arith.constant 1 : i32
      %ge3A_111 = arith.cmpi sge, %scan3A_106, %ge3A : i32
      %convert_element_type3A_112 = arith.extui %ge3A_111 : i1 to i32
      %cond3A_113 = arith.constant 0 : i32
      %cond3A_114 = arith.cmpi ne, %convert_element_type3A_112, %cond3A_113 : i32
      scf.if %cond3A_114 {
        %dma_wait3A_551 = arith.constant 0 : i32
        %dma_wait3A_552 = arith.constant 0 : i32
        %dma_wait3A_553 = arith.constant 0 : i32
        %dma_wait3A_554 = arith.constant 0 : i32
        %dma_wait3A_555 = tpu.memref_slice %arg9[%dma_wait3A_551, %dma_wait3A_553, %dma_wait3A_554] : memref<3x128x16xf32, #tpu.memory_space<vmem>> -> memref<1x128x16xf32, #tpu.memory_space<vmem>>
        %dma_wait3A_556 = tpu.memref_squeeze %dma_wait3A_555 : memref<1x128x16xf32, #tpu.memory_space<vmem>> -> memref<128x16xf32, #tpu.memory_space<vmem>>
        %dma_wait3A_557 = arith.constant 0 : i32
        %dma_wait3A_558 = tpu.memref_slice %arg8[%dma_wait3A_552, %dma_wait3A_557] : memref<3x128xi32, #tpu.memory_space<vmem>> -> memref<1x128xi32, #tpu.memory_space<vmem>>
        %dma_wait3A_559 = tpu.memref_squeeze %dma_wait3A_558 : memref<1x128xi32, #tpu.memory_space<vmem>> -> memref<128xi32, #tpu.memory_space<vmem>>
        %dma_wait3A_560 = arith.constant 0 : i32
        %dma_wait3A_561 = arith.constant 0 : i32
        %dma_wait3A_562 = tpu.memref_slice %arg6[%dma_wait3A_560, %dma_wait3A_561] : memref<50064x16xf32, #tpu.memory_space<vmem_shared>> -> memref<50064x16xf32, #tpu.memory_space<vmem_shared>>
        tpu.wait_indirect_dma semaphore(%arg16 : memref<!tpu.dma_semaphore, #tpu.memory_space<semaphore_mem>>) src(%dma_wait3A_556 : memref<128x16xf32, #tpu.memory_space<vmem>>) dst(%dma_wait3A_562 : memref<50064x16xf32, #tpu.memory_space<vmem_shared>>)
      } else {
      }
      %mul3A_115 = arith.constant 201 : i32
      %mul3A_116 = arith.muli %add3A, %mul3A_115 : i32
      %add3A_117 = arith.addi %mul3A_116, %add3A_110 : i32
      %mul3A_118 = arith.constant 256 : i32
      %mul3A_119 = arith.muli %add3A_117, %mul3A_118 : i32
      %dma_wait3A_120 = arith.constant 0 : i32
      %dma_wait3A_121 = arith.constant 0 : i32
      %dma_wait3A_122 = tpu.memref_slice %arg7[%dma_wait3A_120, %dma_wait3A_121] : memref<3x256xi32, #tpu.memory_space<vmem>> -> memref<1x256xi32, #tpu.memory_space<vmem>>
      %dma_wait3A_123 = tpu.memref_squeeze %dma_wait3A_122 : memref<1x256xi32, #tpu.memory_space<vmem>> -> memref<256xi32, #tpu.memory_space<vmem>>
      %dma_wait3A_124 = tpu.memref_slice %arg3[%mul3A_119] : memref<1646592xi32, #tpu.memory_space<hbm>> -> memref<256xi32, #tpu.memory_space<hbm>>
      %dma_wait3A_125 = arith.constant 0 : i32
      %dma_wait3A_126 = tpu.memref_slice %arg7[%dma_wait3A_120, %dma_wait3A_125] : memref<3x256xi32, #tpu.memory_space<vmem>> -> memref<1x256xi32, #tpu.memory_space<vmem>>
      %dma_wait3A_127 = tpu.memref_squeeze %dma_wait3A_126 : memref<1x256xi32, #tpu.memory_space<vmem>> -> memref<256xi32, #tpu.memory_space<vmem>>
      %dma_wait3A_128 = tpu.memref_slice %arg3[%mul3A_119] : memref<1646592xi32, #tpu.memory_space<hbm>> -> memref<256xi32, #tpu.memory_space<hbm>>
      tpu.wait_dma2 semaphore(%arg10 : memref<!tpu.dma_semaphore, #tpu.memory_space<semaphore_mem>>) src(%dma_wait3A_128 : memref<256xi32, #tpu.memory_space<hbm>>) dst(%dma_wait3A_127 : memref<256xi32, #tpu.memory_space<vmem>>)
      %get3A = arith.constant 0 : i32
      %get3A_129 = arith.index_cast %get3A : i32 to index
      %get3A_130 = arith.constant 128 : index
      %get3A_131 = tpu.vector_load %arg7[%get3A_129, %get3A_130] {strides = array<i32>} : memref<3x256xi32, #tpu.memory_space<vmem>>, vector<1x16xi32>,
      %get3A_132 = vector.shape_cast %get3A_131 : vector<1x16xi32> to vector<16xi32>
      %swap3A = arith.constant 0 : i32
      %swap3A_133 = arith.index_cast %swap3A : i32 to index
      %swap3A_134 = arith.constant 0 : index
      %swap3A_135 = tpu.vector_load %arg8[%swap3A_133, %swap3A_134] {strides = array<i32>} : memref<3x128xi32, #tpu.memory_space<vmem>>, vector<1x16xi32>,
      %swap3A_136 = vector.shape_cast %swap3A_135 : vector<1x16xi32> to vector<16xi32>
      %swap3A_137 = vector.shape_cast %get3A_132 : vector<16xi32> to vector<1x16xi32>
      tpu.vector_store %arg8[%swap3A_133, %swap3A_134], %swap3A_137 {strides = array<i32>} : memref<3x128xi32, #tpu.memory_space<vmem>>, vector<1x16xi32>,
      %get3A_138 = arith.constant 0 : i32
      %get3A_139 = arith.index_cast %get3A_138 : i32 to index
      %get3A_140 = arith.constant 144 : index
      %get3A_141 = tpu.vector_load %arg7[%get3A_139, %get3A_140] {strides = array<i32>} : memref<3x256xi32, #tpu.memory_space<vmem>>, vector<1x16xi32>,
      %get3A_142 = vector.shape_cast %get3A_141 : vector<1x16xi32> to vector<16xi32>
      %swap3A_143 = arith.constant 0 : i32
      %swap3A_144 = arith.index_cast %swap3A_143 : i32 to index
      %swap3A_145 = arith.constant 16 : index
      %swap3A_146 = tpu.vector_load %arg8[%swap3A_144, %swap3A_145] {strides = array<i32>} : memref<3x128xi32, #tpu.memory_space<vmem>>, vector<1x16xi32>,
      %swap3A_147 = vector.shape_cast %swap3A_146 : vector<1x16xi32> to vector<16xi32>
      %swap3A_148 = vector.shape_cast %get3A_142 : vector<16xi32> to vector<1x16xi32>
      tpu.vector_store %arg8[%swap3A_144, %swap3A_145], %swap3A_148 {strides = array<i32>} : memref<3x128xi32, #tpu.memory_space<vmem>>, vector<1x16xi32>,
      %get3A_149 = arith.constant 0 : i32
      %get3A_150 = arith.index_cast %get3A_149 : i32 to index
      %get3A_151 = arith.constant 160 : index
      %get3A_152 = tpu.vector_load %arg7[%get3A_150, %get3A_151] {strides = array<i32>} : memref<3x256xi32, #tpu.memory_space<vmem>>, vector<1x16xi32>,
      %get3A_153 = vector.shape_cast %get3A_152 : vector<1x16xi32> to vector<16xi32>
      %swap3A_154 = arith.constant 0 : i32
      %swap3A_155 = arith.index_cast %swap3A_154 : i32 to index
      %swap3A_156 = arith.constant 32 : index
      %swap3A_157 = tpu.vector_load %arg8[%swap3A_155, %swap3A_156] {strides = array<i32>} : memref<3x128xi32, #tpu.memory_space<vmem>>, vector<1x16xi32>,
      %swap3A_158 = vector.shape_cast %swap3A_157 : vector<1x16xi32> to vector<16xi32>
      %swap3A_159 = vector.shape_cast %get3A_153 : vector<16xi32> to vector<1x16xi32>
      tpu.vector_store %arg8[%swap3A_155, %swap3A_156], %swap3A_159 {strides = array<i32>} : memref<3x128xi32, #tpu.memory_space<vmem>>, vector<1x16xi32>,
      %get3A_160 = arith.constant 0 : i32
      %get3A_161 = arith.index_cast %get3A_160 : i32 to index
      %get3A_162 = arith.constant 176 : index
      %get3A_163 = tpu.vector_load %arg7[%get3A_161, %get3A_162] {strides = array<i32>} : memref<3x256xi32, #tpu.memory_space<vmem>>, vector<1x16xi32>,
      %get3A_164 = vector.shape_cast %get3A_163 : vector<1x16xi32> to vector<16xi32>
      %swap3A_165 = arith.constant 0 : i32
      %swap3A_166 = arith.index_cast %swap3A_165 : i32 to index
      %swap3A_167 = arith.constant 48 : index
      %swap3A_168 = tpu.vector_load %arg8[%swap3A_166, %swap3A_167] {strides = array<i32>} : memref<3x128xi32, #tpu.memory_space<vmem>>, vector<1x16xi32>,
      %swap3A_169 = vector.shape_cast %swap3A_168 : vector<1x16xi32> to vector<16xi32>
      %swap3A_170 = vector.shape_cast %get3A_164 : vector<16xi32> to vector<1x16xi32>
      tpu.vector_store %arg8[%swap3A_166, %swap3A_167], %swap3A_170 {strides = array<i32>} : memref<3x128xi32, #tpu.memory_space<vmem>>, vector<1x16xi32>,
      %get3A_171 = arith.constant 0 : i32
      %get3A_172 = arith.index_cast %get3A_171 : i32 to index
      %get3A_173 = arith.constant 192 : index
      %get3A_174 = tpu.vector_load %arg7[%get3A_172, %get3A_173] {strides = array<i32>} : memref<3x256xi32, #tpu.memory_space<vmem>>, vector<1x16xi32>,
      %get3A_175 = vector.shape_cast %get3A_174 : vector<1x16xi32> to vector<16xi32>
      %swap3A_176 = arith.constant 0 : i32
      %swap3A_177 = arith.index_cast %swap3A_176 : i32 to index
      %swap3A_178 = arith.constant 64 : index
      %swap3A_179 = tpu.vector_load %arg8[%swap3A_177, %swap3A_178] {strides = array<i32>} : memref<3x128xi32, #tpu.memory_space<vmem>>, vector<1x16xi32>,
      %swap3A_180 = vector.shape_cast %swap3A_179 : vector<1x16xi32> to vector<16xi32>
      %swap3A_181 = vector.shape_cast %get3A_175 : vector<16xi32> to vector<1x16xi32>
      tpu.vector_store %arg8[%swap3A_177, %swap3A_178], %swap3A_181 {strides = array<i32>} : memref<3x128xi32, #tpu.memory_space<vmem>>, vector<1x16xi32>,
      %get3A_182 = arith.constant 0 : i32
      %get3A_183 = arith.index_cast %get3A_182 : i32 to index
      %get3A_184 = arith.constant 208 : index
      %get3A_185 = tpu.vector_load %arg7[%get3A_183, %get3A_184] {strides = array<i32>} : memref<3x256xi32, #tpu.memory_space<vmem>>, vector<1x16xi32>,
      %get3A_186 = vector.shape_cast %get3A_185 : vector<1x16xi32> to vector<16xi32>
      %swap3A_187 = arith.constant 0 : i32
      %swap3A_188 = arith.index_cast %swap3A_187 : i32 to index
      %swap3A_189 = arith.constant 80 : index
      %swap3A_190 = tpu.vector_load %arg8[%swap3A_188, %swap3A_189] {strides = array<i32>} : memref<3x128xi32, #tpu.memory_space<vmem>>, vector<1x16xi32>,
      %swap3A_191 = vector.shape_cast %swap3A_190 : vector<1x16xi32> to vector<16xi32>
      %swap3A_192 = vector.shape_cast %get3A_186 : vector<16xi32> to vector<1x16xi32>
      tpu.vector_store %arg8[%swap3A_188, %swap3A_189], %swap3A_192 {strides = array<i32>} : memref<3x128xi32, #tpu.memory_space<vmem>>, vector<1x16xi32>,
      %get3A_193 = arith.constant 0 : i32
      %get3A_194 = arith.index_cast %get3A_193 : i32 to index
      %get3A_195 = arith.constant 224 : index
      %get3A_196 = tpu.vector_load %arg7[%get3A_194, %get3A_195] {strides = array<i32>} : memref<3x256xi32, #tpu.memory_space<vmem>>, vector<1x16xi32>,
      %get3A_197 = vector.shape_cast %get3A_196 : vector<1x16xi32> to vector<16xi32>
      %swap3A_198 = arith.constant 0 : i32
      %swap3A_199 = arith.index_cast %swap3A_198 : i32 to index
      %swap3A_200 = arith.constant 96 : index
      %swap3A_201 = tpu.vector_load %arg8[%swap3A_199, %swap3A_200] {strides = array<i32>} : memref<3x128xi32, #tpu.memory_space<vmem>>, vector<1x16xi32>,
      %swap3A_202 = vector.shape_cast %swap3A_201 : vector<1x16xi32> to vector<16xi32>
      %swap3A_203 = vector.shape_cast %get3A_197 : vector<16xi32> to vector<1x16xi32>
      tpu.vector_store %arg8[%swap3A_199, %swap3A_200], %swap3A_203 {strides = array<i32>} : memref<3x128xi32, #tpu.memory_space<vmem>>, vector<1x16xi32>,
      %get3A_204 = arith.constant 0 : i32
      %get3A_205 = arith.index_cast %get3A_204 : i32 to index
      %get3A_206 = arith.constant 240 : index
      %get3A_207 = tpu.vector_load %arg7[%get3A_205, %get3A_206] {strides = array<i32>} : memref<3x256xi32, #tpu.memory_space<vmem>>, vector<1x16xi32>,
      %get3A_208 = vector.shape_cast %get3A_207 : vector<1x16xi32> to vector<16xi32>
      %swap3A_209 = arith.constant 0 : i32
      %swap3A_210 = arith.index_cast %swap3A_209 : i32 to index
      %swap3A_211 = arith.constant 112 : index
      %swap3A_212 = tpu.vector_load %arg8[%swap3A_210, %swap3A_211] {strides = array<i32>} : memref<3x128xi32, #tpu.memory_space<vmem>>, vector<1x16xi32>,
      %swap3A_213 = vector.shape_cast %swap3A_212 : vector<1x16xi32> to vector<16xi32>
      %swap3A_214 = vector.shape_cast %get3A_208 : vector<16xi32> to vector<1x16xi32>
      tpu.vector_store %arg8[%swap3A_210, %swap3A_211], %swap3A_214 {strides = array<i32>} : memref<3x128xi32, #tpu.memory_space<vmem>>, vector<1x16xi32>,
      %dma_start3A_215 = arith.constant 0 : i32
      %dma_start3A_216 = arith.constant 0 : i32
      %dma_start3A_217 = arith.constant 0 : i32
      %dma_start3A_218 = arith.constant 0 : i32
      %dma_start3A_219 = tpu.memref_slice %arg9[%dma_start3A_216, %dma_start3A_217, %dma_start3A_218] : memref<3x128x16xf32, #tpu.memory_space<vmem>> -> memref<1x128x16xf32, #tpu.memory_space<vmem>>
      %dma_start3A_220 = tpu.memref_squeeze %dma_start3A_219 : memref<1x128x16xf32, #tpu.memory_space<vmem>> -> memref<128x16xf32, #tpu.memory_space<vmem>>
      %dma_start3A_221 = arith.constant 0 : i32
      %dma_start3A_222 = tpu.memref_slice %arg7[%dma_start3A_215, %dma_start3A_221] : memref<3x256xi32, #tpu.memory_space<vmem>> -> memref<1x128xi32, #tpu.memory_space<vmem>>
      %dma_start3A_223 = tpu.memref_squeeze %dma_start3A_222 : memref<1x128xi32, #tpu.memory_space<vmem>> -> memref<128xi32, #tpu.memory_space<vmem>>
      %dma_start3A_224 = arith.constant 0 : i32
      %dma_start3A_225 = arith.constant 0 : i32
      %dma_start3A_226 = tpu.memref_slice %arg2[%dma_start3A_224, %dma_start3A_225] : memref<50048x16xf32, #tpu.memory_space<hbm>> -> memref<50048x16xf32, #tpu.memory_space<hbm>>
      tpu.enqueue_indirect_dma source(%dma_start3A_226 : memref<50048x16xf32, #tpu.memory_space<hbm>>) target(%dma_start3A_220 : memref<128x16xf32, #tpu.memory_space<vmem>>) offsets(%dma_start3A_223 : memref<128xi32, #tpu.memory_space<vmem>>) semaphore(%arg13 : memref<!tpu.dma_semaphore, #tpu.memory_space<semaphore_mem>>)
      %ge3A_227 = arith.constant 1 : i32
      %ge3A_228 = arith.cmpi sge, %scan3A_106, %ge3A_227 : i32
      %convert_element_type3A_229 = arith.extui %ge3A_228 : i1 to i32
      %cond3A_230 = arith.constant 0 : i32
      %cond3A_231 = arith.cmpi ne, %convert_element_type3A_229, %cond3A_230 : i32
      scf.if %cond3A_231 {
        %dma_wait3A_551 = arith.constant 2 : i32
        %dma_wait3A_552 = arith.constant 2 : i32
        %dma_wait3A_553 = arith.constant 0 : i32
        %dma_wait3A_554 = arith.constant 0 : i32
        %dma_wait3A_555 = tpu.memref_slice %arg9[%dma_wait3A_552, %dma_wait3A_553, %dma_wait3A_554] : memref<3x128x16xf32, #tpu.memory_space<vmem>> -> memref<1x128x16xf32, #tpu.memory_space<vmem>>
        %dma_wait3A_556 = tpu.memref_squeeze %dma_wait3A_555 : memref<1x128x16xf32, #tpu.memory_space<vmem>> -> memref<128x16xf32, #tpu.memory_space<vmem>>
        %dma_wait3A_557 = arith.constant 0 : i32
        %dma_wait3A_558 = tpu.memref_slice %arg7[%dma_wait3A_551, %dma_wait3A_557] : memref<3x256xi32, #tpu.memory_space<vmem>> -> memref<1x128xi32, #tpu.memory_space<vmem>>
        %dma_wait3A_559 = tpu.memref_squeeze %dma_wait3A_558 : memref<1x128xi32, #tpu.memory_space<vmem>> -> memref<128xi32, #tpu.memory_space<vmem>>
        %dma_wait3A_560 = arith.constant 0 : i32
        %dma_wait3A_561 = arith.constant 0 : i32
        %dma_wait3A_562 = tpu.memref_slice %arg2[%dma_wait3A_560, %dma_wait3A_561] : memref<50048x16xf32, #tpu.memory_space<hbm>> -> memref<50048x16xf32, #tpu.memory_space<hbm>>
        tpu.wait_indirect_dma semaphore(%arg15 : memref<!tpu.dma_semaphore, #tpu.memory_space<semaphore_mem>>) src(%dma_wait3A_562 : memref<50048x16xf32, #tpu.memory_space<hbm>>) dst(%dma_wait3A_556 : memref<128x16xf32, #tpu.memory_space<vmem>>)
        %dma_start3A_563 = arith.constant 2 : i32
        %dma_start3A_564 = arith.constant 2 : i32
        %dma_start3A_565 = arith.constant 0 : i32
        %dma_start3A_566 = arith.constant 0 : i32
        %dma_start3A_567 = tpu.memref_slice %arg9[%dma_start3A_563, %dma_start3A_565, %dma_start3A_566] : memref<3x128x16xf32, #tpu.memory_space<vmem>> -> memref<1x128x16xf32, #tpu.memory_space<vmem>>
        %dma_start3A_568 = tpu.memref_squeeze %dma_start3A_567 : memref<1x128x16xf32, #tpu.memory_space<vmem>> -> memref<128x16xf32, #tpu.memory_space<vmem>>
        %dma_start3A_569 = arith.constant 0 : i32
        %dma_start3A_570 = tpu.memref_slice %arg8[%dma_start3A_564, %dma_start3A_569] : memref<3x128xi32, #tpu.memory_space<vmem>> -> memref<1x128xi32, #tpu.memory_space<vmem>>
        %dma_start3A_571 = tpu.memref_squeeze %dma_start3A_570 : memref<1x128xi32, #tpu.memory_space<vmem>> -> memref<128xi32, #tpu.memory_space<vmem>>
        %dma_start3A_572 = arith.constant 0 : i32
        %dma_start3A_573 = arith.constant 0 : i32
        %dma_start3A_574 = tpu.memref_slice %arg6[%dma_start3A_572, %dma_start3A_573] : memref<50064x16xf32, #tpu.memory_space<vmem_shared>> -> memref<50064x16xf32, #tpu.memory_space<vmem_shared>>
        tpu.enqueue_indirect_dma source(%dma_start3A_568 : memref<128x16xf32, #tpu.memory_space<vmem>>) target(%dma_start3A_574 : memref<50064x16xf32, #tpu.memory_space<vmem_shared>>) offsets(%dma_start3A_571 : memref<128xi32, #tpu.memory_space<vmem>>) semaphore(%arg18 : memref<!tpu.dma_semaphore, #tpu.memory_space<semaphore_mem>>) {add = true}
      } else {
      }
      %add3A_232 = arith.constant 2 : i32
      %add3A_233 = arith.addi %add3A_110, %add3A_232 : i32
      %mul3A_234 = arith.constant 201 : i32
      %mul3A_235 = arith.muli %add3A, %mul3A_234 : i32
      %add3A_236 = arith.addi %mul3A_235, %add3A_233 : i32
      %mul3A_237 = arith.constant 256 : i32
      %mul3A_238 = arith.muli %add3A_236, %mul3A_237 : i32
      %dma_start3A_239 = arith.constant 2 : i32
      %dma_start3A_240 = arith.constant 0 : i32
      %dma_start3A_241 = tpu.memref_slice %arg7[%dma_start3A_239, %dma_start3A_240] : memref<3x256xi32, #tpu.memory_space<vmem>> -> memref<1x256xi32, #tpu.memory_space<vmem>>
      %dma_start3A_242 = tpu.memref_squeeze %dma_start3A_241 : memref<1x256xi32, #tpu.memory_space<vmem>> -> memref<256xi32, #tpu.memory_space<vmem>>
      %dma_start3A_243 = tpu.memref_slice %arg3[%mul3A_238] : memref<1646592xi32, #tpu.memory_space<hbm>> -> memref<256xi32, #tpu.memory_space<hbm>>
      %dma_start3A_244 = arith.constant 0 : i32
      %dma_start3A_245 = tpu.memref_slice %arg7[%dma_start3A_239, %dma_start3A_244] : memref<3x256xi32, #tpu.memory_space<vmem>> -> memref<1x256xi32, #tpu.memory_space<vmem>>
      %dma_start3A_246 = tpu.memref_squeeze %dma_start3A_245 : memref<1x256xi32, #tpu.memory_space<vmem>> -> memref<256xi32, #tpu.memory_space<vmem>>
      %dma_start3A_247 = tpu.memref_slice %arg3[%mul3A_238] : memref<1646592xi32, #tpu.memory_space<hbm>> -> memref<256xi32, #tpu.memory_space<hbm>>
      tpu.enqueue_dma source(%dma_start3A_247 : memref<256xi32, #tpu.memory_space<hbm>>) target(%dma_start3A_246 : memref<256xi32, #tpu.memory_space<vmem>>) target_semaphore(%arg12 : memref<!tpu.dma_semaphore, #tpu.memory_space<semaphore_mem>>)
      %mul3A_248 = arith.constant 3 : i32
      %mul3A_249 = arith.muli %scan3A_106, %mul3A_248 : i32
      %add3A_250 = arith.constant 1 : i32
      %add3A_251 = arith.addi %mul3A_249, %add3A_250 : i32
      %ge3A_252 = arith.constant 1 : i32
      %ge3A_253 = arith.cmpi sge, %scan3A_106, %ge3A_252 : i32
      %convert_element_type3A_254 = arith.extui %ge3A_253 : i1 to i32
      %cond3A_255 = arith.constant 0 : i32
      %cond3A_256 = arith.cmpi ne, %convert_element_type3A_254, %cond3A_255 : i32
      scf.if %cond3A_256 {
        %dma_wait3A_551 = arith.constant 1 : i32
        %dma_wait3A_552 = arith.constant 1 : i32
        %dma_wait3A_553 = arith.constant 0 : i32
        %dma_wait3A_554 = arith.constant 0 : i32
        %dma_wait3A_555 = tpu.memref_slice %arg9[%dma_wait3A_551, %dma_wait3A_553, %dma_wait3A_554] : memref<3x128x16xf32, #tpu.memory_space<vmem>> -> memref<1x128x16xf32, #tpu.memory_space<vmem>>
        %dma_wait3A_556 = tpu.memref_squeeze %dma_wait3A_555 : memref<1x128x16xf32, #tpu.memory_space<vmem>> -> memref<128x16xf32, #tpu.memory_space<vmem>>
        %dma_wait3A_557 = arith.constant 0 : i32
        %dma_wait3A_558 = tpu.memref_slice %arg8[%dma_wait3A_552, %dma_wait3A_557] : memref<3x128xi32, #tpu.memory_space<vmem>> -> memref<1x128xi32, #tpu.memory_space<vmem>>
        %dma_wait3A_559 = tpu.memref_squeeze %dma_wait3A_558 : memref<1x128xi32, #tpu.memory_space<vmem>> -> memref<128xi32, #tpu.memory_space<vmem>>
        %dma_wait3A_560 = arith.constant 0 : i32
        %dma_wait3A_561 = arith.constant 0 : i32
        %dma_wait3A_562 = tpu.memref_slice %arg6[%dma_wait3A_560, %dma_wait3A_561] : memref<50064x16xf32, #tpu.memory_space<vmem_shared>> -> memref<50064x16xf32, #tpu.memory_space<vmem_shared>>
        tpu.wait_indirect_dma semaphore(%arg17 : memref<!tpu.dma_semaphore, #tpu.memory_space<semaphore_mem>>) src(%dma_wait3A_556 : memref<128x16xf32, #tpu.memory_space<vmem>>) dst(%dma_wait3A_562 : memref<50064x16xf32, #tpu.memory_space<vmem_shared>>)
      } else {
      }
      %mul3A_257 = arith.constant 201 : i32
      %mul3A_258 = arith.muli %add3A, %mul3A_257 : i32
      %add3A_259 = arith.addi %mul3A_258, %add3A_251 : i32
      %mul3A_260 = arith.constant 256 : i32
      %mul3A_261 = arith.muli %add3A_259, %mul3A_260 : i32
      %dma_wait3A_262 = arith.constant 1 : i32
      %dma_wait3A_263 = arith.constant 0 : i32
      %dma_wait3A_264 = tpu.memref_slice %arg7[%dma_wait3A_262, %dma_wait3A_263] : memref<3x256xi32, #tpu.memory_space<vmem>> -> memref<1x256xi32, #tpu.memory_space<vmem>>
      %dma_wait3A_265 = tpu.memref_squeeze %dma_wait3A_264 : memref<1x256xi32, #tpu.memory_space<vmem>> -> memref<256xi32, #tpu.memory_space<vmem>>
      %dma_wait3A_266 = tpu.memref_slice %arg3[%mul3A_261] : memref<1646592xi32, #tpu.memory_space<hbm>> -> memref<256xi32, #tpu.memory_space<hbm>>
      %dma_wait3A_267 = arith.constant 0 : i32
      %dma_wait3A_268 = tpu.memref_slice %arg7[%dma_wait3A_262, %dma_wait3A_267] : memref<3x256xi32, #tpu.memory_space<vmem>> -> memref<1x256xi32, #tpu.memory_space<vmem>>
      %dma_wait3A_269 = tpu.memref_squeeze %dma_wait3A_268 : memref<1x256xi32, #tpu.memory_space<vmem>> -> memref<256xi32, #tpu.memory_space<vmem>>
      %dma_wait3A_270 = tpu.memref_slice %arg3[%mul3A_261] : memref<1646592xi32, #tpu.memory_space<hbm>> -> memref<256xi32, #tpu.memory_space<hbm>>
      tpu.wait_dma2 semaphore(%arg11 : memref<!tpu.dma_semaphore, #tpu.memory_space<semaphore_mem>>) src(%dma_wait3A_270 : memref<256xi32, #tpu.memory_space<hbm>>) dst(%dma_wait3A_269 : memref<256xi32, #tpu.memory_space<vmem>>)
      %get3A_271 = arith.constant 1 : i32
      %get3A_272 = arith.index_cast %get3A_271 : i32 to index
      %get3A_273 = arith.constant 128 : index
      %get3A_274 = tpu.vector_load %arg7[%get3A_272, %get3A_273] {strides = array<i32>} : memref<3x256xi32, #tpu.memory_space<vmem>>, vector<1x16xi32>,
      %get3A_275 = vector.shape_cast %get3A_274 : vector<1x16xi32> to vector<16xi32>
      %swap3A_276 = arith.constant 1 : i32
      %swap3A_277 = arith.index_cast %swap3A_276 : i32 to index
      %swap3A_278 = arith.constant 0 : index
      %swap3A_279 = tpu.vector_load %arg8[%swap3A_277, %swap3A_278] {strides = array<i32>} : memref<3x128xi32, #tpu.memory_space<vmem>>, vector<1x16xi32>,
      %swap3A_280 = vector.shape_cast %swap3A_279 : vector<1x16xi32> to vector<16xi32>
      %swap3A_281 = vector.shape_cast %get3A_275 : vector<16xi32> to vector<1x16xi32>
      tpu.vector_store %arg8[%swap3A_277, %swap3A_278], %swap3A_281 {strides = array<i32>} : memref<3x128xi32, #tpu.memory_space<vmem>>, vector<1x16xi32>,
      %get3A_282 = arith.constant 1 : i32
      %get3A_283 = arith.index_cast %get3A_282 : i32 to index
      %get3A_284 = arith.constant 144 : index
      %get3A_285 = tpu.vector_load %arg7[%get3A_283, %get3A_284] {strides = array<i32>} : memref<3x256xi32, #tpu.memory_space<vmem>>, vector<1x16xi32>,
      %get3A_286 = vector.shape_cast %get3A_285 : vector<1x16xi32> to vector<16xi32>
      %swap3A_287 = arith.constant 1 : i32
      %swap3A_288 = arith.index_cast %swap3A_287 : i32 to index
      %swap3A_289 = arith.constant 16 : index
      %swap3A_290 = tpu.vector_load %arg8[%swap3A_288, %swap3A_289] {strides = array<i32>} : memref<3x128xi32, #tpu.memory_space<vmem>>, vector<1x16xi32>,
      %swap3A_291 = vector.shape_cast %swap3A_290 : vector<1x16xi32> to vector<16xi32>
      %swap3A_292 = vector.shape_cast %get3A_286 : vector<16xi32> to vector<1x16xi32>
      tpu.vector_store %arg8[%swap3A_288, %swap3A_289], %swap3A_292 {strides = array<i32>} : memref<3x128xi32, #tpu.memory_space<vmem>>, vector<1x16xi32>,
      %get3A_293 = arith.constant 1 : i32
      %get3A_294 = arith.index_cast %get3A_293 : i32 to index
      %get3A_295 = arith.constant 160 : index
      %get3A_296 = tpu.vector_load %arg7[%get3A_294, %get3A_295] {strides = array<i32>} : memref<3x256xi32, #tpu.memory_space<vmem>>, vector<1x16xi32>,
      %get3A_297 = vector.shape_cast %get3A_296 : vector<1x16xi32> to vector<16xi32>
      %swap3A_298 = arith.constant 1 : i32
      %swap3A_299 = arith.index_cast %swap3A_298 : i32 to index
      %swap3A_300 = arith.constant 32 : index
      %swap3A_301 = tpu.vector_load %arg8[%swap3A_299, %swap3A_300] {strides = array<i32>} : memref<3x128xi32, #tpu.memory_space<vmem>>, vector<1x16xi32>,
      %swap3A_302 = vector.shape_cast %swap3A_301 : vector<1x16xi32> to vector<16xi32>
      %swap3A_303 = vector.shape_cast %get3A_297 : vector<16xi32> to vector<1x16xi32>
      tpu.vector_store %arg8[%swap3A_299, %swap3A_300], %swap3A_303 {strides = array<i32>} : memref<3x128xi32, #tpu.memory_space<vmem>>, vector<1x16xi32>,
      %get3A_304 = arith.constant 1 : i32
      %get3A_305 = arith.index_cast %get3A_304 : i32 to index
      %get3A_306 = arith.constant 176 : index
      %get3A_307 = tpu.vector_load %arg7[%get3A_305, %get3A_306] {strides = array<i32>} : memref<3x256xi32, #tpu.memory_space<vmem>>, vector<1x16xi32>,
      %get3A_308 = vector.shape_cast %get3A_307 : vector<1x16xi32> to vector<16xi32>
      %swap3A_309 = arith.constant 1 : i32
      %swap3A_310 = arith.index_cast %swap3A_309 : i32 to index
      %swap3A_311 = arith.constant 48 : index
      %swap3A_312 = tpu.vector_load %arg8[%swap3A_310, %swap3A_311] {strides = array<i32>} : memref<3x128xi32, #tpu.memory_space<vmem>>, vector<1x16xi32>,
      %swap3A_313 = vector.shape_cast %swap3A_312 : vector<1x16xi32> to vector<16xi32>
      %swap3A_314 = vector.shape_cast %get3A_308 : vector<16xi32> to vector<1x16xi32>
      tpu.vector_store %arg8[%swap3A_310, %swap3A_311], %swap3A_314 {strides = array<i32>} : memref<3x128xi32, #tpu.memory_space<vmem>>, vector<1x16xi32>,
      %get3A_315 = arith.constant 1 : i32
      %get3A_316 = arith.index_cast %get3A_315 : i32 to index
      %get3A_317 = arith.constant 192 : index
      %get3A_318 = tpu.vector_load %arg7[%get3A_316, %get3A_317] {strides = array<i32>} : memref<3x256xi32, #tpu.memory_space<vmem>>, vector<1x16xi32>,
      %get3A_319 = vector.shape_cast %get3A_318 : vector<1x16xi32> to vector<16xi32>
      %swap3A_320 = arith.constant 1 : i32
      %swap3A_321 = arith.index_cast %swap3A_320 : i32 to index
      %swap3A_322 = arith.constant 64 : index
      %swap3A_323 = tpu.vector_load %arg8[%swap3A_321, %swap3A_322] {strides = array<i32>} : memref<3x128xi32, #tpu.memory_space<vmem>>, vector<1x16xi32>,
      %swap3A_324 = vector.shape_cast %swap3A_323 : vector<1x16xi32> to vector<16xi32>
      %swap3A_325 = vector.shape_cast %get3A_319 : vector<16xi32> to vector<1x16xi32>
      tpu.vector_store %arg8[%swap3A_321, %swap3A_322], %swap3A_325 {strides = array<i32>} : memref<3x128xi32, #tpu.memory_space<vmem>>, vector<1x16xi32>,
      %get3A_326 = arith.constant 1 : i32
      %get3A_327 = arith.index_cast %get3A_326 : i32 to index
      %get3A_328 = arith.constant 208 : index
      %get3A_329 = tpu.vector_load %arg7[%get3A_327, %get3A_328] {strides = array<i32>} : memref<3x256xi32, #tpu.memory_space<vmem>>, vector<1x16xi32>,
      %get3A_330 = vector.shape_cast %get3A_329 : vector<1x16xi32> to vector<16xi32>
      %swap3A_331 = arith.constant 1 : i32
      %swap3A_332 = arith.index_cast %swap3A_331 : i32 to index
      %swap3A_333 = arith.constant 80 : index
      %swap3A_334 = tpu.vector_load %arg8[%swap3A_332, %swap3A_333] {strides = array<i32>} : memref<3x128xi32, #tpu.memory_space<vmem>>, vector<1x16xi32>,
      %swap3A_335 = vector.shape_cast %swap3A_334 : vector<1x16xi32> to vector<16xi32>
      %swap3A_336 = vector.shape_cast %get3A_330 : vector<16xi32> to vector<1x16xi32>
      tpu.vector_store %arg8[%swap3A_332, %swap3A_333], %swap3A_336 {strides = array<i32>} : memref<3x128xi32, #tpu.memory_space<vmem>>, vector<1x16xi32>,
      %get3A_337 = arith.constant 1 : i32
      %get3A_338 = arith.index_cast %get3A_337 : i32 to index
      %get3A_339 = arith.constant 224 : index
      %get3A_340 = tpu.vector_load %arg7[%get3A_338, %get3A_339] {strides = array<i32>} : memref<3x256xi32, #tpu.memory_space<vmem>>, vector<1x16xi32>,
      %get3A_341 = vector.shape_cast %get3A_340 : vector<1x16xi32> to vector<16xi32>
      %swap3A_342 = arith.constant 1 : i32
      %swap3A_343 = arith.index_cast %swap3A_342 : i32 to index
      %swap3A_344 = arith.constant 96 : index
      %swap3A_345 = tpu.vector_load %arg8[%swap3A_343, %swap3A_344] {strides = array<i32>} : memref<3x128xi32, #tpu.memory_space<vmem>>, vector<1x16xi32>,
      %swap3A_346 = vector.shape_cast %swap3A_345 : vector<1x16xi32> to vector<16xi32>
      %swap3A_347 = vector.shape_cast %get3A_341 : vector<16xi32> to vector<1x16xi32>
      tpu.vector_store %arg8[%swap3A_343, %swap3A_344], %swap3A_347 {strides = array<i32>} : memref<3x128xi32, #tpu.memory_space<vmem>>, vector<1x16xi32>,
      %get3A_348 = arith.constant 1 : i32
      %get3A_349 = arith.index_cast %get3A_348 : i32 to index
      %get3A_350 = arith.constant 240 : index
      %get3A_351 = tpu.vector_load %arg7[%get3A_349, %get3A_350] {strides = array<i32>} : memref<3x256xi32, #tpu.memory_space<vmem>>, vector<1x16xi32>,
      %get3A_352 = vector.shape_cast %get3A_351 : vector<1x16xi32> to vector<16xi32>
      %swap3A_353 = arith.constant 1 : i32
      %swap3A_354 = arith.index_cast %swap3A_353 : i32 to index
      %swap3A_355 = arith.constant 112 : index
      %swap3A_356 = tpu.vector_load %arg8[%swap3A_354, %swap3A_355] {strides = array<i32>} : memref<3x128xi32, #tpu.memory_space<vmem>>, vector<1x16xi32>,
      %swap3A_357 = vector.shape_cast %swap3A_356 : vector<1x16xi32> to vector<16xi32>
      %swap3A_358 = vector.shape_cast %get3A_352 : vector<16xi32> to vector<1x16xi32>
      tpu.vector_store %arg8[%swap3A_354, %swap3A_355], %swap3A_358 {strides = array<i32>} : memref<3x128xi32, #tpu.memory_space<vmem>>, vector<1x16xi32>,
      %dma_start3A_359 = arith.constant 1 : i32
      %dma_start3A_360 = arith.constant 1 : i32
      %dma_start3A_361 = arith.constant 0 : i32
      %dma_start3A_362 = arith.constant 0 : i32
      %dma_start3A_363 = tpu.memref_slice %arg9[%dma_start3A_360, %dma_start3A_361, %dma_start3A_362] : memref<3x128x16xf32, #tpu.memory_space<vmem>> -> memref<1x128x16xf32, #tpu.memory_space<vmem>>
      %dma_start3A_364 = tpu.memref_squeeze %dma_start3A_363 : memref<1x128x16xf32, #tpu.memory_space<vmem>> -> memref<128x16xf32, #tpu.memory_space<vmem>>
      %dma_start3A_365 = arith.constant 0 : i32
      %dma_start3A_366 = tpu.memref_slice %arg7[%dma_start3A_359, %dma_start3A_365] : memref<3x256xi32, #tpu.memory_space<vmem>> -> memref<1x128xi32, #tpu.memory_space<vmem>>
      %dma_start3A_367 = tpu.memref_squeeze %dma_start3A_366 : memref<1x128xi32, #tpu.memory_space<vmem>> -> memref<128xi32, #tpu.memory_space<vmem>>
      %dma_start3A_368 = arith.constant 0 : i32
      %dma_start3A_369 = arith.constant 0 : i32
      %dma_start3A_370 = tpu.memref_slice %arg2[%dma_start3A_368, %dma_start3A_369] : memref<50048x16xf32, #tpu.memory_space<hbm>> -> memref<50048x16xf32, #tpu.memory_space<hbm>>
      tpu.enqueue_indirect_dma source(%dma_start3A_370 : memref<50048x16xf32, #tpu.memory_space<hbm>>) target(%dma_start3A_364 : memref<128x16xf32, #tpu.memory_space<vmem>>) offsets(%dma_start3A_367 : memref<128xi32, #tpu.memory_space<vmem>>) semaphore(%arg14 : memref<!tpu.dma_semaphore, #tpu.memory_space<semaphore_mem>>)
      %dma_wait3A_371 = arith.constant 0 : i32
      %dma_wait3A_372 = arith.constant 0 : i32
      %dma_wait3A_373 = arith.constant 0 : i32
      %dma_wait3A_374 = arith.constant 0 : i32
      %dma_wait3A_375 = tpu.memref_slice %arg9[%dma_wait3A_372, %dma_wait3A_373, %dma_wait3A_374] : memref<3x128x16xf32, #tpu.memory_space<vmem>> -> memref<1x128x16xf32, #tpu.memory_space<vmem>>
      %dma_wait3A_376 = tpu.memref_squeeze %dma_wait3A_375 : memref<1x128x16xf32, #tpu.memory_space<vmem>> -> memref<128x16xf32, #tpu.memory_space<vmem>>
      %dma_wait3A_377 = arith.constant 0 : i32
      %dma_wait3A_378 = tpu.memref_slice %arg7[%dma_wait3A_371, %dma_wait3A_377] : memref<3x256xi32, #tpu.memory_space<vmem>> -> memref<1x128xi32, #tpu.memory_space<vmem>>
      %dma_wait3A_379 = tpu.memref_squeeze %dma_wait3A_378 : memref<1x128xi32, #tpu.memory_space<vmem>> -> memref<128xi32, #tpu.memory_space<vmem>>
      %dma_wait3A_380 = arith.constant 0 : i32
      %dma_wait3A_381 = arith.constant 0 : i32
      %dma_wait3A_382 = tpu.memref_slice %arg2[%dma_wait3A_380, %dma_wait3A_381] : memref<50048x16xf32, #tpu.memory_space<hbm>> -> memref<50048x16xf32, #tpu.memory_space<hbm>>
      tpu.wait_indirect_dma semaphore(%arg13 : memref<!tpu.dma_semaphore, #tpu.memory_space<semaphore_mem>>) src(%dma_wait3A_382 : memref<50048x16xf32, #tpu.memory_space<hbm>>) dst(%dma_wait3A_376 : memref<128x16xf32, #tpu.memory_space<vmem>>)
      %dma_start3A_383 = arith.constant 0 : i32
      %dma_start3A_384 = arith.constant 0 : i32
      %dma_start3A_385 = arith.constant 0 : i32
      %dma_start3A_386 = arith.constant 0 : i32
      %dma_start3A_387 = tpu.memref_slice %arg9[%dma_start3A_383, %dma_start3A_385, %dma_start3A_386] : memref<3x128x16xf32, #tpu.memory_space<vmem>> -> memref<1x128x16xf32, #tpu.memory_space<vmem>>
      %dma_start3A_388 = tpu.memref_squeeze %dma_start3A_387 : memref<1x128x16xf32, #tpu.memory_space<vmem>> -> memref<128x16xf32, #tpu.memory_space<vmem>>
      %dma_start3A_389 = arith.constant 0 : i32
      %dma_start3A_390 = tpu.memref_slice %arg8[%dma_start3A_384, %dma_start3A_389] : memref<3x128xi32, #tpu.memory_space<vmem>> -> memref<1x128xi32, #tpu.memory_space<vmem>>
      %dma_start3A_391 = tpu.memref_squeeze %dma_start3A_390 : memref<1x128xi32, #tpu.memory_space<vmem>> -> memref<128xi32, #tpu.memory_space<vmem>>
      %dma_start3A_392 = arith.constant 0 : i32
      %dma_start3A_393 = arith.constant 0 : i32
      %dma_start3A_394 = tpu.memref_slice %arg6[%dma_start3A_392, %dma_start3A_393] : memref<50064x16xf32, #tpu.memory_space<vmem_shared>> -> memref<50064x16xf32, #tpu.memory_space<vmem_shared>>
      tpu.enqueue_indirect_dma source(%dma_start3A_388 : memref<128x16xf32, #tpu.memory_space<vmem>>) target(%dma_start3A_394 : memref<50064x16xf32, #tpu.memory_space<vmem_shared>>) offsets(%dma_start3A_391 : memref<128xi32, #tpu.memory_space<vmem>>) semaphore(%arg16 : memref<!tpu.dma_semaphore, #tpu.memory_space<semaphore_mem>>) {add = true}
      %le3A = arith.constant 65 : i32
      %le3A_395 = arith.cmpi sle, %scan3A_106, %le3A : i32
      %convert_element_type3A_396 = arith.extui %le3A_395 : i1 to i32
      %cond3A_397 = arith.constant 0 : i32
      %cond3A_398 = arith.cmpi ne, %convert_element_type3A_396, %cond3A_397 : i32
      scf.if %cond3A_398 {
        %add3A_551 = arith.constant 2 : i32
        %add3A_552 = arith.addi %add3A_251, %add3A_551 : i32
        %mul3A_553 = arith.constant 201 : i32
        %mul3A_554 = arith.muli %add3A, %mul3A_553 : i32
        %add3A_555 = arith.addi %mul3A_554, %add3A_552 : i32
        %mul3A_556 = arith.constant 256 : i32
        %mul3A_557 = arith.muli %add3A_555, %mul3A_556 : i32
        %dma_start3A_558 = arith.constant 0 : i32
        %dma_start3A_559 = arith.constant 0 : i32
        %dma_start3A_560 = tpu.memref_slice %arg7[%dma_start3A_558, %dma_start3A_559] : memref<3x256xi32, #tpu.memory_space<vmem>> -> memref<1x256xi32, #tpu.memory_space<vmem>>
        %dma_start3A_561 = tpu.memref_squeeze %dma_start3A_560 : memref<1x256xi32, #tpu.memory_space<vmem>> -> memref<256xi32, #tpu.memory_space<vmem>>
        %dma_start3A_562 = tpu.memref_slice %arg3[%mul3A_557] : memref<1646592xi32, #tpu.memory_space<hbm>> -> memref<256xi32, #tpu.memory_space<hbm>>
        %dma_start3A_563 = arith.constant 0 : i32
        %dma_start3A_564 = tpu.memref_slice %arg7[%dma_start3A_558, %dma_start3A_563] : memref<3x256xi32, #tpu.memory_space<vmem>> -> memref<1x256xi32, #tpu.memory_space<vmem>>
        %dma_start3A_565 = tpu.memref_squeeze %dma_start3A_564 : memref<1x256xi32, #tpu.memory_space<vmem>> -> memref<256xi32, #tpu.memory_space<vmem>>
        %dma_start3A_566 = tpu.memref_slice %arg3[%mul3A_557] : memref<1646592xi32, #tpu.memory_space<hbm>> -> memref<256xi32, #tpu.memory_space<hbm>>
        tpu.enqueue_dma source(%dma_start3A_566 : memref<256xi32, #tpu.memory_space<hbm>>) target(%dma_start3A_565 : memref<256xi32, #tpu.memory_space<vmem>>) target_semaphore(%arg10 : memref<!tpu.dma_semaphore, #tpu.memory_space<semaphore_mem>>)
      } else {
      }
      %mul3A_399 = arith.constant 3 : i32
      %mul3A_400 = arith.muli %scan3A_106, %mul3A_399 : i32
      %add3A_401 = arith.constant 2 : i32
      %add3A_402 = arith.addi %mul3A_400, %add3A_401 : i32
      %ge3A_403 = arith.constant 1 : i32
      %ge3A_404 = arith.cmpi sge, %scan3A_106, %ge3A_403 : i32
      %convert_element_type3A_405 = arith.extui %ge3A_404 : i1 to i32
      %cond3A_406 = arith.constant 0 : i32
      %cond3A_407 = arith.cmpi ne, %convert_element_type3A_405, %cond3A_406 : i32
      scf.if %cond3A_407 {
        %dma_wait3A_551 = arith.constant 2 : i32
        %dma_wait3A_552 = arith.constant 2 : i32
        %dma_wait3A_553 = arith.constant 0 : i32
        %dma_wait3A_554 = arith.constant 0 : i32
        %dma_wait3A_555 = tpu.memref_slice %arg9[%dma_wait3A_551, %dma_wait3A_553, %dma_wait3A_554] : memref<3x128x16xf32, #tpu.memory_space<vmem>> -> memref<1x128x16xf32, #tpu.memory_space<vmem>>
        %dma_wait3A_556 = tpu.memref_squeeze %dma_wait3A_555 : memref<1x128x16xf32, #tpu.memory_space<vmem>> -> memref<128x16xf32, #tpu.memory_space<vmem>>
        %dma_wait3A_557 = arith.constant 0 : i32
        %dma_wait3A_558 = tpu.memref_slice %arg8[%dma_wait3A_552, %dma_wait3A_557] : memref<3x128xi32, #tpu.memory_space<vmem>> -> memref<1x128xi32, #tpu.memory_space<vmem>>
        %dma_wait3A_559 = tpu.memref_squeeze %dma_wait3A_558 : memref<1x128xi32, #tpu.memory_space<vmem>> -> memref<128xi32, #tpu.memory_space<vmem>>
        %dma_wait3A_560 = arith.constant 0 : i32
        %dma_wait3A_561 = arith.constant 0 : i32
        %dma_wait3A_562 = tpu.memref_slice %arg6[%dma_wait3A_560, %dma_wait3A_561] : memref<50064x16xf32, #tpu.memory_space<vmem_shared>> -> memref<50064x16xf32, #tpu.memory_space<vmem_shared>>
        tpu.wait_indirect_dma semaphore(%arg18 : memref<!tpu.dma_semaphore, #tpu.memory_space<semaphore_mem>>) src(%dma_wait3A_556 : memref<128x16xf32, #tpu.memory_space<vmem>>) dst(%dma_wait3A_562 : memref<50064x16xf32, #tpu.memory_space<vmem_shared>>)
      } else {
      }
      %mul3A_408 = arith.constant 201 : i32
      %mul3A_409 = arith.muli %add3A, %mul3A_408 : i32
      %add3A_410 = arith.addi %mul3A_409, %add3A_402 : i32
      %mul3A_411 = arith.constant 256 : i32
      %mul3A_412 = arith.muli %add3A_410, %mul3A_411 : i32
      %dma_wait3A_413 = arith.constant 2 : i32
      %dma_wait3A_414 = arith.constant 0 : i32
      %dma_wait3A_415 = tpu.memref_slice %arg7[%dma_wait3A_413, %dma_wait3A_414] : memref<3x256xi32, #tpu.memory_space<vmem>> -> memref<1x256xi32, #tpu.memory_space<vmem>>
      %dma_wait3A_416 = tpu.memref_squeeze %dma_wait3A_415 : memref<1x256xi32, #tpu.memory_space<vmem>> -> memref<256xi32, #tpu.memory_space<vmem>>
      %dma_wait3A_417 = tpu.memref_slice %arg3[%mul3A_412] : memref<1646592xi32, #tpu.memory_space<hbm>> -> memref<256xi32, #tpu.memory_space<hbm>>
      %dma_wait3A_418 = arith.constant 0 : i32
      %dma_wait3A_419 = tpu.memref_slice %arg7[%dma_wait3A_413, %dma_wait3A_418] : memref<3x256xi32, #tpu.memory_space<vmem>> -> memref<1x256xi32, #tpu.memory_space<vmem>>
      %dma_wait3A_420 = tpu.memref_squeeze %dma_wait3A_419 : memref<1x256xi32, #tpu.memory_space<vmem>> -> memref<256xi32, #tpu.memory_space<vmem>>
      %dma_wait3A_421 = tpu.memref_slice %arg3[%mul3A_412] : memref<1646592xi32, #tpu.memory_space<hbm>> -> memref<256xi32, #tpu.memory_space<hbm>>
      tpu.wait_dma2 semaphore(%arg12 : memref<!tpu.dma_semaphore, #tpu.memory_space<semaphore_mem>>) src(%dma_wait3A_421 : memref<256xi32, #tpu.memory_space<hbm>>) dst(%dma_wait3A_420 : memref<256xi32, #tpu.memory_space<vmem>>)
      %get3A_422 = arith.constant 2 : i32
      %get3A_423 = arith.index_cast %get3A_422 : i32 to index
      %get3A_424 = arith.constant 128 : index
      %get3A_425 = tpu.vector_load %arg7[%get3A_423, %get3A_424] {strides = array<i32>} : memref<3x256xi32, #tpu.memory_space<vmem>>, vector<1x16xi32>,
      %get3A_426 = vector.shape_cast %get3A_425 : vector<1x16xi32> to vector<16xi32>
      %swap3A_427 = arith.constant 2 : i32
      %swap3A_428 = arith.index_cast %swap3A_427 : i32 to index
      %swap3A_429 = arith.constant 0 : index
      %swap3A_430 = tpu.vector_load %arg8[%swap3A_428, %swap3A_429] {strides = array<i32>} : memref<3x128xi32, #tpu.memory_space<vmem>>, vector<1x16xi32>,
      %swap3A_431 = vector.shape_cast %swap3A_430 : vector<1x16xi32> to vector<16xi32>
      %swap3A_432 = vector.shape_cast %get3A_426 : vector<16xi32> to vector<1x16xi32>
      tpu.vector_store %arg8[%swap3A_428, %swap3A_429], %swap3A_432 {strides = array<i32>} : memref<3x128xi32, #tpu.memory_space<vmem>>, vector<1x16xi32>,
      %get3A_433 = arith.constant 2 : i32
      %get3A_434 = arith.index_cast %get3A_433 : i32 to index
      %get3A_435 = arith.constant 144 : index
      %get3A_436 = tpu.vector_load %arg7[%get3A_434, %get3A_435] {strides = array<i32>} : memref<3x256xi32, #tpu.memory_space<vmem>>, vector<1x16xi32>,
      %get3A_437 = vector.shape_cast %get3A_436 : vector<1x16xi32> to vector<16xi32>
      %swap3A_438 = arith.constant 2 : i32
      %swap3A_439 = arith.index_cast %swap3A_438 : i32 to index
      %swap3A_440 = arith.constant 16 : index
      %swap3A_441 = tpu.vector_load %arg8[%swap3A_439, %swap3A_440] {strides = array<i32>} : memref<3x128xi32, #tpu.memory_space<vmem>>, vector<1x16xi32>,
      %swap3A_442 = vector.shape_cast %swap3A_441 : vector<1x16xi32> to vector<16xi32>
      %swap3A_443 = vector.shape_cast %get3A_437 : vector<16xi32> to vector<1x16xi32>
      tpu.vector_store %arg8[%swap3A_439, %swap3A_440], %swap3A_443 {strides = array<i32>} : memref<3x128xi32, #tpu.memory_space<vmem>>, vector<1x16xi32>,
      %get3A_444 = arith.constant 2 : i32
      %get3A_445 = arith.index_cast %get3A_444 : i32 to index
      %get3A_446 = arith.constant 160 : index
      %get3A_447 = tpu.vector_load %arg7[%get3A_445, %get3A_446] {strides = array<i32>} : memref<3x256xi32, #tpu.memory_space<vmem>>, vector<1x16xi32>,
      %get3A_448 = vector.shape_cast %get3A_447 : vector<1x16xi32> to vector<16xi32>
      %swap3A_449 = arith.constant 2 : i32
      %swap3A_450 = arith.index_cast %swap3A_449 : i32 to index
      %swap3A_451 = arith.constant 32 : index
      %swap3A_452 = tpu.vector_load %arg8[%swap3A_450, %swap3A_451] {strides = array<i32>} : memref<3x128xi32, #tpu.memory_space<vmem>>, vector<1x16xi32>,
      %swap3A_453 = vector.shape_cast %swap3A_452 : vector<1x16xi32> to vector<16xi32>
      %swap3A_454 = vector.shape_cast %get3A_448 : vector<16xi32> to vector<1x16xi32>
      tpu.vector_store %arg8[%swap3A_450, %swap3A_451], %swap3A_454 {strides = array<i32>} : memref<3x128xi32, #tpu.memory_space<vmem>>, vector<1x16xi32>,
      %get3A_455 = arith.constant 2 : i32
      %get3A_456 = arith.index_cast %get3A_455 : i32 to index
      %get3A_457 = arith.constant 176 : index
      %get3A_458 = tpu.vector_load %arg7[%get3A_456, %get3A_457] {strides = array<i32>} : memref<3x256xi32, #tpu.memory_space<vmem>>, vector<1x16xi32>,
      %get3A_459 = vector.shape_cast %get3A_458 : vector<1x16xi32> to vector<16xi32>
      %swap3A_460 = arith.constant 2 : i32
      %swap3A_461 = arith.index_cast %swap3A_460 : i32 to index
      %swap3A_462 = arith.constant 48 : index
      %swap3A_463 = tpu.vector_load %arg8[%swap3A_461, %swap3A_462] {strides = array<i32>} : memref<3x128xi32, #tpu.memory_space<vmem>>, vector<1x16xi32>,
      %swap3A_464 = vector.shape_cast %swap3A_463 : vector<1x16xi32> to vector<16xi32>
      %swap3A_465 = vector.shape_cast %get3A_459 : vector<16xi32> to vector<1x16xi32>
      tpu.vector_store %arg8[%swap3A_461, %swap3A_462], %swap3A_465 {strides = array<i32>} : memref<3x128xi32, #tpu.memory_space<vmem>>, vector<1x16xi32>,
      %get3A_466 = arith.constant 2 : i32
      %get3A_467 = arith.index_cast %get3A_466 : i32 to index
      %get3A_468 = arith.constant 192 : index
      %get3A_469 = tpu.vector_load %arg7[%get3A_467, %get3A_468] {strides = array<i32>} : memref<3x256xi32, #tpu.memory_space<vmem>>, vector<1x16xi32>,
      %get3A_470 = vector.shape_cast %get3A_469 : vector<1x16xi32> to vector<16xi32>
      %swap3A_471 = arith.constant 2 : i32
      %swap3A_472 = arith.index_cast %swap3A_471 : i32 to index
      %swap3A_473 = arith.constant 64 : index
      %swap3A_474 = tpu.vector_load %arg8[%swap3A_472, %swap3A_473] {strides = array<i32>} : memref<3x128xi32, #tpu.memory_space<vmem>>, vector<1x16xi32>,
      %swap3A_475 = vector.shape_cast %swap3A_474 : vector<1x16xi32> to vector<16xi32>
      %swap3A_476 = vector.shape_cast %get3A_470 : vector<16xi32> to vector<1x16xi32>
      tpu.vector_store %arg8[%swap3A_472, %swap3A_473], %swap3A_476 {strides = array<i32>} : memref<3x128xi32, #tpu.memory_space<vmem>>, vector<1x16xi32>,
      %get3A_477 = arith.constant 2 : i32
      %get3A_478 = arith.index_cast %get3A_477 : i32 to index
      %get3A_479 = arith.constant 208 : index
      %get3A_480 = tpu.vector_load %arg7[%get3A_478, %get3A_479] {strides = array<i32>} : memref<3x256xi32, #tpu.memory_space<vmem>>, vector<1x16xi32>,
      %get3A_481 = vector.shape_cast %get3A_480 : vector<1x16xi32> to vector<16xi32>
      %swap3A_482 = arith.constant 2 : i32
      %swap3A_483 = arith.index_cast %swap3A_482 : i32 to index
      %swap3A_484 = arith.constant 80 : index
      %swap3A_485 = tpu.vector_load %arg8[%swap3A_483, %swap3A_484] {strides = array<i32>} : memref<3x128xi32, #tpu.memory_space<vmem>>, vector<1x16xi32>,
      %swap3A_486 = vector.shape_cast %swap3A_485 : vector<1x16xi32> to vector<16xi32>
      %swap3A_487 = vector.shape_cast %get3A_481 : vector<16xi32> to vector<1x16xi32>
      tpu.vector_store %arg8[%swap3A_483, %swap3A_484], %swap3A_487 {strides = array<i32>} : memref<3x128xi32, #tpu.memory_space<vmem>>, vector<1x16xi32>,
      %get3A_488 = arith.constant 2 : i32
      %get3A_489 = arith.index_cast %get3A_488 : i32 to index
      %get3A_490 = arith.constant 224 : index
      %get3A_491 = tpu.vector_load %arg7[%get3A_489, %get3A_490] {strides = array<i32>} : memref<3x256xi32, #tpu.memory_space<vmem>>, vector<1x16xi32>,
      %get3A_492 = vector.shape_cast %get3A_491 : vector<1x16xi32> to vector<16xi32>
      %swap3A_493 = arith.constant 2 : i32
      %swap3A_494 = arith.index_cast %swap3A_493 : i32 to index
      %swap3A_495 = arith.constant 96 : index
      %swap3A_496 = tpu.vector_load %arg8[%swap3A_494, %swap3A_495] {strides = array<i32>} : memref<3x128xi32, #tpu.memory_space<vmem>>, vector<1x16xi32>,
      %swap3A_497 = vector.shape_cast %swap3A_496 : vector<1x16xi32> to vector<16xi32>
      %swap3A_498 = vector.shape_cast %get3A_492 : vector<16xi32> to vector<1x16xi32>
      tpu.vector_store %arg8[%swap3A_494, %swap3A_495], %swap3A_498 {strides = array<i32>} : memref<3x128xi32, #tpu.memory_space<vmem>>, vector<1x16xi32>,
      %get3A_499 = arith.constant 2 : i32
      %get3A_500 = arith.index_cast %get3A_499 : i32 to index
      %get3A_501 = arith.constant 240 : index
      %get3A_502 = tpu.vector_load %arg7[%get3A_500, %get3A_501] {strides = array<i32>} : memref<3x256xi32, #tpu.memory_space<vmem>>, vector<1x16xi32>,
      %get3A_503 = vector.shape_cast %get3A_502 : vector<1x16xi32> to vector<16xi32>
      %swap3A_504 = arith.constant 2 : i32
      %swap3A_505 = arith.index_cast %swap3A_504 : i32 to index
      %swap3A_506 = arith.constant 112 : index
      %swap3A_507 = tpu.vector_load %arg8[%swap3A_505, %swap3A_506] {strides = array<i32>} : memref<3x128xi32, #tpu.memory_space<vmem>>, vector<1x16xi32>,
      %swap3A_508 = vector.shape_cast %swap3A_507 : vector<1x16xi32> to vector<16xi32>
      %swap3A_509 = vector.shape_cast %get3A_503 : vector<16xi32> to vector<1x16xi32>
      tpu.vector_store %arg8[%swap3A_505, %swap3A_506], %swap3A_509 {strides = array<i32>} : memref<3x128xi32, #tpu.memory_space<vmem>>, vector<1x16xi32>,
      %dma_start3A_510 = arith.constant 2 : i32
      %dma_start3A_511 = arith.constant 2 : i32
      %dma_start3A_512 = arith.constant 0 : i32
      %dma_start3A_513 = arith.constant 0 : i32
      %dma_start3A_514 = tpu.memref_slice %arg9[%dma_start3A_511, %dma_start3A_512, %dma_start3A_513] : memref<3x128x16xf32, #tpu.memory_space<vmem>> -> memref<1x128x16xf32, #tpu.memory_space<vmem>>
      %dma_start3A_515 = tpu.memref_squeeze %dma_start3A_514 : memref<1x128x16xf32, #tpu.memory_space<vmem>> -> memref<128x16xf32, #tpu.memory_space<vmem>>
      %dma_start3A_516 = arith.constant 0 : i32
      %dma_start3A_517 = tpu.memref_slice %arg7[%dma_start3A_510, %dma_start3A_516] : memref<3x256xi32, #tpu.memory_space<vmem>> -> memref<1x128xi32, #tpu.memory_space<vmem>>
      %dma_start3A_518 = tpu.memref_squeeze %dma_start3A_517 : memref<1x128xi32, #tpu.memory_space<vmem>> -> memref<128xi32, #tpu.memory_space<vmem>>
      %dma_start3A_519 = arith.constant 0 : i32
      %dma_start3A_520 = arith.constant 0 : i32
      %dma_start3A_521 = tpu.memref_slice %arg2[%dma_start3A_519, %dma_start3A_520] : memref<50048x16xf32, #tpu.memory_space<hbm>> -> memref<50048x16xf32, #tpu.memory_space<hbm>>
      tpu.enqueue_indirect_dma source(%dma_start3A_521 : memref<50048x16xf32, #tpu.memory_space<hbm>>) target(%dma_start3A_515 : memref<128x16xf32, #tpu.memory_space<vmem>>) offsets(%dma_start3A_518 : memref<128xi32, #tpu.memory_space<vmem>>) semaphore(%arg15 : memref<!tpu.dma_semaphore, #tpu.memory_space<semaphore_mem>>)
      %dma_wait3A_522 = arith.constant 1 : i32
      %dma_wait3A_523 = arith.constant 1 : i32
      %dma_wait3A_524 = arith.constant 0 : i32
      %dma_wait3A_525 = arith.constant 0 : i32
      %dma_wait3A_526 = tpu.memref_slice %arg9[%dma_wait3A_523, %dma_wait3A_524, %dma_wait3A_525] : memref<3x128x16xf32, #tpu.memory_space<vmem>> -> memref<1x128x16xf32, #tpu.memory_space<vmem>>
      %dma_wait3A_527 = tpu.memref_squeeze %dma_wait3A_526 : memref<1x128x16xf32, #tpu.memory_space<vmem>> -> memref<128x16xf32, #tpu.memory_space<vmem>>
      %dma_wait3A_528 = arith.constant 0 : i32
      %dma_wait3A_529 = tpu.memref_slice %arg7[%dma_wait3A_522, %dma_wait3A_528] : memref<3x256xi32, #tpu.memory_space<vmem>> -> memref<1x128xi32, #tpu.memory_space<vmem>>
      %dma_wait3A_530 = tpu.memref_squeeze %dma_wait3A_529 : memref<1x128xi32, #tpu.memory_space<vmem>> -> memref<128xi32, #tpu.memory_space<vmem>>
      %dma_wait3A_531 = arith.constant 0 : i32
      %dma_wait3A_532 = arith.constant 0 : i32
      %dma_wait3A_533 = tpu.memref_slice %arg2[%dma_wait3A_531, %dma_wait3A_532] : memref<50048x16xf32, #tpu.memory_space<hbm>> -> memref<50048x16xf32, #tpu.memory_space<hbm>>
      tpu.wait_indirect_dma semaphore(%arg14 : memref<!tpu.dma_semaphore, #tpu.memory_space<semaphore_mem>>) src(%dma_wait3A_533 : memref<50048x16xf32, #tpu.memory_space<hbm>>) dst(%dma_wait3A_527 : memref<128x16xf32, #tpu.memory_space<vmem>>)
      %dma_start3A_534 = arith.constant 1 : i32
      %dma_start3A_535 = arith.constant 1 : i32
      %dma_start3A_536 = arith.constant 0 : i32
      %dma_start3A_537 = arith.constant 0 : i32
      %dma_start3A_538 = tpu.memref_slice %arg9[%dma_start3A_534, %dma_start3A_536, %dma_start3A_537] : memref<3x128x16xf32, #tpu.memory_space<vmem>> -> memref<1x128x16xf32, #tpu.memory_space<vmem>>
      %dma_start3A_539 = tpu.memref_squeeze %dma_start3A_538 : memref<1x128x16xf32, #tpu.memory_space<vmem>> -> memref<128x16xf32, #tpu.memory_space<vmem>>
      %dma_start3A_540 = arith.constant 0 : i32
      %dma_start3A_541 = tpu.memref_slice %arg8[%dma_start3A_535, %dma_start3A_540] : memref<3x128xi32, #tpu.memory_space<vmem>> -> memref<1x128xi32, #tpu.memory_space<vmem>>
      %dma_start3A_542 = tpu.memref_squeeze %dma_start3A_541 : memref<1x128xi32, #tpu.memory_space<vmem>> -> memref<128xi32, #tpu.memory_space<vmem>>
      %dma_start3A_543 = arith.constant 0 : i32
      %dma_start3A_544 = arith.constant 0 : i32
      %dma_start3A_545 = tpu.memref_slice %arg6[%dma_start3A_543, %dma_start3A_544] : memref<50064x16xf32, #tpu.memory_space<vmem_shared>> -> memref<50064x16xf32, #tpu.memory_space<vmem_shared>>
      tpu.enqueue_indirect_dma source(%dma_start3A_539 : memref<128x16xf32, #tpu.memory_space<vmem>>) target(%dma_start3A_545 : memref<50064x16xf32, #tpu.memory_space<vmem_shared>>) offsets(%dma_start3A_542 : memref<128xi32, #tpu.memory_space<vmem>>) semaphore(%arg17 : memref<!tpu.dma_semaphore, #tpu.memory_space<semaphore_mem>>) {add = true}
      %le3A_546 = arith.constant 65 : i32
      %le3A_547 = arith.cmpi sle, %scan3A_106, %le3A_546 : i32
      %convert_element_type3A_548 = arith.extui %le3A_547 : i1 to i32
      %cond3A_549 = arith.constant 0 : i32
      %cond3A_550 = arith.cmpi ne, %convert_element_type3A_548, %cond3A_549 : i32
      scf.if %cond3A_550 {
        %add3A_551 = arith.constant 2 : i32
        %add3A_552 = arith.addi %add3A_402, %add3A_551 : i32
        %mul3A_553 = arith.constant 201 : i32
        %mul3A_554 = arith.muli %add3A, %mul3A_553 : i32
        %add3A_555 = arith.addi %mul3A_554, %add3A_552 : i32
        %mul3A_556 = arith.constant 256 : i32
        %mul3A_557 = arith.muli %add3A_555, %mul3A_556 : i32
        %dma_start3A_558 = arith.constant 1 : i32
        %dma_start3A_559 = arith.constant 0 : i32
        %dma_start3A_560 = tpu.memref_slice %arg7[%dma_start3A_558, %dma_start3A_559] : memref<3x256xi32, #tpu.memory_space<vmem>> -> memref<1x256xi32, #tpu.memory_space<vmem>>
        %dma_start3A_561 = tpu.memref_squeeze %dma_start3A_560 : memref<1x256xi32, #tpu.memory_space<vmem>> -> memref<256xi32, #tpu.memory_space<vmem>>
        %dma_start3A_562 = tpu.memref_slice %arg3[%mul3A_557] : memref<1646592xi32, #tpu.memory_space<hbm>> -> memref<256xi32, #tpu.memory_space<hbm>>
        %dma_start3A_563 = arith.constant 0 : i32
        %dma_start3A_564 = tpu.memref_slice %arg7[%dma_start3A_558, %dma_start3A_563] : memref<3x256xi32, #tpu.memory_space<vmem>> -> memref<1x256xi32, #tpu.memory_space<vmem>>
        %dma_start3A_565 = tpu.memref_squeeze %dma_start3A_564 : memref<1x256xi32, #tpu.memory_space<vmem>> -> memref<256xi32, #tpu.memory_space<vmem>>
        %dma_start3A_566 = tpu.memref_slice %arg3[%mul3A_557] : memref<1646592xi32, #tpu.memory_space<hbm>> -> memref<256xi32, #tpu.memory_space<hbm>>
        tpu.enqueue_dma source(%dma_start3A_566 : memref<256xi32, #tpu.memory_space<hbm>>) target(%dma_start3A_565 : memref<256xi32, #tpu.memory_space<vmem>>) target_semaphore(%arg11 : memref<!tpu.dma_semaphore, #tpu.memory_space<semaphore_mem>>)
      } else {
      }
    }
    %scan3A_38 = arith.constant 67 : i32
    %dma_wait3A = arith.constant 2 : i32
    %dma_wait3A_39 = arith.constant 2 : i32
    %dma_wait3A_40 = arith.constant 0 : i32
    %dma_wait3A_41 = arith.constant 0 : i32
    %dma_wait3A_42 = tpu.memref_slice %arg9[%dma_wait3A_39, %dma_wait3A_40, %dma_wait3A_41] : memref<3x128x16xf32, #tpu.memory_space<vmem>> -> memref<1x128x16xf32, #tpu.memory_space<vmem>>
    %dma_wait3A_43 = tpu.memref_squeeze %dma_wait3A_42 : memref<1x128x16xf32, #tpu.memory_space<vmem>> -> memref<128x16xf32, #tpu.memory_space<vmem>>
    %dma_wait3A_44 = arith.constant 0 : i32
    %dma_wait3A_45 = tpu.memref_slice %arg7[%dma_wait3A, %dma_wait3A_44] : memref<3x256xi32, #tpu.memory_space<vmem>> -> memref<1x128xi32, #tpu.memory_space<vmem>>
    %dma_wait3A_46 = tpu.memref_squeeze %dma_wait3A_45 : memref<1x128xi32, #tpu.memory_space<vmem>> -> memref<128xi32, #tpu.memory_space<vmem>>
    %dma_wait3A_47 = arith.constant 0 : i32
    %dma_wait3A_48 = arith.constant 0 : i32
    %dma_wait3A_49 = tpu.memref_slice %arg2[%dma_wait3A_47, %dma_wait3A_48] : memref<50048x16xf32, #tpu.memory_space<hbm>> -> memref<50048x16xf32, #tpu.memory_space<hbm>>
    tpu.wait_indirect_dma semaphore(%arg15 : memref<!tpu.dma_semaphore, #tpu.memory_space<semaphore_mem>>) src(%dma_wait3A_49 : memref<50048x16xf32, #tpu.memory_space<hbm>>) dst(%dma_wait3A_43 : memref<128x16xf32, #tpu.memory_space<vmem>>)
    %dma_start3A_50 = arith.constant 2 : i32
    %dma_start3A_51 = arith.constant 2 : i32
    %dma_start3A_52 = arith.constant 0 : i32
    %dma_start3A_53 = arith.constant 0 : i32
    %dma_start3A_54 = tpu.memref_slice %arg9[%dma_start3A_50, %dma_start3A_52, %dma_start3A_53] : memref<3x128x16xf32, #tpu.memory_space<vmem>> -> memref<1x128x16xf32, #tpu.memory_space<vmem>>
    %dma_start3A_55 = tpu.memref_squeeze %dma_start3A_54 : memref<1x128x16xf32, #tpu.memory_space<vmem>> -> memref<128x16xf32, #tpu.memory_space<vmem>>
    %dma_start3A_56 = arith.constant 0 : i32
    %dma_start3A_57 = tpu.memref_slice %arg8[%dma_start3A_51, %dma_start3A_56] : memref<3x128xi32, #tpu.memory_space<vmem>> -> memref<1x128xi32, #tpu.memory_space<vmem>>
    %dma_start3A_58 = tpu.memref_squeeze %dma_start3A_57 : memref<1x128xi32, #tpu.memory_space<vmem>> -> memref<128xi32, #tpu.memory_space<vmem>>
    %dma_start3A_59 = arith.constant 0 : i32
    %dma_start3A_60 = arith.constant 0 : i32
    %dma_start3A_61 = tpu.memref_slice %arg6[%dma_start3A_59, %dma_start3A_60] : memref<50064x16xf32, #tpu.memory_space<vmem_shared>> -> memref<50064x16xf32, #tpu.memory_space<vmem_shared>>
    tpu.enqueue_indirect_dma source(%dma_start3A_55 : memref<128x16xf32, #tpu.memory_space<vmem>>) target(%dma_start3A_61 : memref<50064x16xf32, #tpu.memory_space<vmem_shared>>) offsets(%dma_start3A_58 : memref<128xi32, #tpu.memory_space<vmem>>) semaphore(%arg18 : memref<!tpu.dma_semaphore, #tpu.memory_space<semaphore_mem>>) {add = true}
    %dma_wait3A_62 = arith.constant 0 : i32
    %dma_wait3A_63 = arith.constant 0 : i32
    %dma_wait3A_64 = arith.constant 0 : i32
    %dma_wait3A_65 = arith.constant 0 : i32
    %dma_wait3A_66 = tpu.memref_slice %arg9[%dma_wait3A_62, %dma_wait3A_64, %dma_wait3A_65] : memref<3x128x16xf32, #tpu.memory_space<vmem>> -> memref<1x128x16xf32, #tpu.memory_space<vmem>>
    %dma_wait3A_67 = tpu.memref_squeeze %dma_wait3A_66 : memref<1x128x16xf32, #tpu.memory_space<vmem>> -> memref<128x16xf32, #tpu.memory_space<vmem>>
    %dma_wait3A_68 = arith.constant 0 : i32
    %dma_wait3A_69 = tpu.memref_slice %arg8[%dma_wait3A_63, %dma_wait3A_68] : memref<3x128xi32, #tpu.memory_space<vmem>> -> memref<1x128xi32, #tpu.memory_space<vmem>>
    %dma_wait3A_70 = tpu.memref_squeeze %dma_wait3A_69 : memref<1x128xi32, #tpu.memory_space<vmem>> -> memref<128xi32, #tpu.memory_space<vmem>>
    %dma_wait3A_71 = arith.constant 0 : i32
    %dma_wait3A_72 = arith.constant 0 : i32
    %dma_wait3A_73 = tpu.memref_slice %arg6[%dma_wait3A_71, %dma_wait3A_72] : memref<50064x16xf32, #tpu.memory_space<vmem_shared>> -> memref<50064x16xf32, #tpu.memory_space<vmem_shared>>
    tpu.wait_indirect_dma semaphore(%arg16 : memref<!tpu.dma_semaphore, #tpu.memory_space<semaphore_mem>>) src(%dma_wait3A_67 : memref<128x16xf32, #tpu.memory_space<vmem>>) dst(%dma_wait3A_73 : memref<50064x16xf32, #tpu.memory_space<vmem_shared>>)
    %dma_wait3A_74 = arith.constant 1 : i32
    %dma_wait3A_75 = arith.constant 1 : i32
    %dma_wait3A_76 = arith.constant 0 : i32
    %dma_wait3A_77 = arith.constant 0 : i32
    %dma_wait3A_78 = tpu.memref_slice %arg9[%dma_wait3A_74, %dma_wait3A_76, %dma_wait3A_77] : memref<3x128x16xf32, #tpu.memory_space<vmem>> -> memref<1x128x16xf32, #tpu.memory_space<vmem>>
    %dma_wait3A_79 = tpu.memref_squeeze %dma_wait3A_78 : memref<1x128x16xf32, #tpu.memory_space<vmem>> -> memref<128x16xf32, #tpu.memory_space<vmem>>
    %dma_wait3A_80 = arith.constant 0 : i32
    %dma_wait3A_81 = tpu.memref_slice %arg8[%dma_wait3A_75, %dma_wait3A_80] : memref<3x128xi32, #tpu.memory_space<vmem>> -> memref<1x128xi32, #tpu.memory_space<vmem>>
    %dma_wait3A_82 = tpu.memref_squeeze %dma_wait3A_81 : memref<1x128xi32, #tpu.memory_space<vmem>> -> memref<128xi32, #tpu.memory_space<vmem>>
    %dma_wait3A_83 = arith.constant 0 : i32
    %dma_wait3A_84 = arith.constant 0 : i32
    %dma_wait3A_85 = tpu.memref_slice %arg6[%dma_wait3A_83, %dma_wait3A_84] : memref<50064x16xf32, #tpu.memory_space<vmem_shared>> -> memref<50064x16xf32, #tpu.memory_space<vmem_shared>>
    tpu.wait_indirect_dma semaphore(%arg17 : memref<!tpu.dma_semaphore, #tpu.memory_space<semaphore_mem>>) src(%dma_wait3A_79 : memref<128x16xf32, #tpu.memory_space<vmem>>) dst(%dma_wait3A_85 : memref<50064x16xf32, #tpu.memory_space<vmem_shared>>)
    %dma_wait3A_86 = arith.constant 2 : i32
    %dma_wait3A_87 = arith.constant 2 : i32
    %dma_wait3A_88 = arith.constant 0 : i32
    %dma_wait3A_89 = arith.constant 0 : i32
    %dma_wait3A_90 = tpu.memref_slice %arg9[%dma_wait3A_86, %dma_wait3A_88, %dma_wait3A_89] : memref<3x128x16xf32, #tpu.memory_space<vmem>> -> memref<1x128x16xf32, #tpu.memory_space<vmem>>
    %dma_wait3A_91 = tpu.memref_squeeze %dma_wait3A_90 : memref<1x128x16xf32, #tpu.memory_space<vmem>> -> memref<128x16xf32, #tpu.memory_space<vmem>>
    %dma_wait3A_92 = arith.constant 0 : i32
    %dma_wait3A_93 = tpu.memref_slice %arg8[%dma_wait3A_87, %dma_wait3A_92] : memref<3x128xi32, #tpu.memory_space<vmem>> -> memref<1x128xi32, #tpu.memory_space<vmem>>
    %dma_wait3A_94 = tpu.memref_squeeze %dma_wait3A_93 : memref<1x128xi32, #tpu.memory_space<vmem>> -> memref<128xi32, #tpu.memory_space<vmem>>
    %dma_wait3A_95 = arith.constant 0 : i32
    %dma_wait3A_96 = arith.constant 0 : i32
    %dma_wait3A_97 = tpu.memref_slice %arg6[%dma_wait3A_95, %dma_wait3A_96] : memref<50064x16xf32, #tpu.memory_space<vmem_shared>> -> memref<50064x16xf32, #tpu.memory_space<vmem_shared>>
    tpu.wait_indirect_dma semaphore(%arg18 : memref<!tpu.dma_semaphore, #tpu.memory_space<semaphore_mem>>) src(%dma_wait3A_91 : memref<128x16xf32, #tpu.memory_space<vmem>>) dst(%dma_wait3A_97 : memref<50064x16xf32, #tpu.memory_space<vmem_shared>>)
    %barrier3A_98 = arith.constant 0 : index
    tpu.barrier barrier_id(%barrier3A_98)
    %mul3A_99 = arith.constant 3128 : i32
    %mul3A_100 = arith.muli %arg1, %mul3A_99 : i32
    %mul3A_101 = arith.constant 50048 : i32
    %mul3A_102 = arith.muli %arg0, %mul3A_101 : i32
    %mul3A_103 = arith.constant 3128 : i32
    %mul3A_104 = arith.muli %arg1, %mul3A_103 : i32
    %add3A_105 = arith.addi %mul3A_102, %mul3A_104 : i32
    "tpu.region"() ({
      %run_scoped3A = tpu.sem_alloc : memref<!tpu.dma_semaphore, #tpu.memory_space<semaphore_mem>>
      %dma_start3A_106 = arith.constant 0 : i32
      %dma_start3A_107 = tpu.memref_slice %arg5[%add3A_105, %dma_start3A_106] : memref<100096x16xf32, #tpu.memory_space<hbm>> -> memref<3128x16xf32, #tpu.memory_space<hbm>>
      %dma_start3A_108 = arith.constant 0 : i32
      %dma_start3A_109 = tpu.memref_slice %arg6[%mul3A_100, %dma_start3A_108] : memref<50064x16xf32, #tpu.memory_space<vmem_shared>> -> memref<3128x16xf32, #tpu.memory_space<vmem_shared>>
      tpu.enqueue_dma source(%dma_start3A_109 : memref<3128x16xf32, #tpu.memory_space<vmem_shared>>) target(%dma_start3A_107 : memref<3128x16xf32, #tpu.memory_space<hbm>>) target_semaphore(%run_scoped3A : memref<!tpu.dma_semaphore, #tpu.memory_space<semaphore_mem>>)
      %dma_wait3A_110 = arith.constant 0 : i32
      %dma_wait3A_111 = tpu.memref_slice %arg5[%add3A_105, %dma_wait3A_110] : memref<100096x16xf32, #tpu.memory_space<hbm>> -> memref<3128x16xf32, #tpu.memory_space<hbm>>
      %dma_wait3A_112 = arith.constant 0 : i32
      %dma_wait3A_113 = tpu.memref_slice %arg6[%mul3A_100, %dma_wait3A_112] : memref<50064x16xf32, #tpu.memory_space<vmem_shared>> -> memref<3128x16xf32, #tpu.memory_space<vmem_shared>>
      tpu.wait_dma2 semaphore(%run_scoped3A : memref<!tpu.dma_semaphore, #tpu.memory_space<semaphore_mem>>) src(%dma_wait3A_113 : memref<3128x16xf32, #tpu.memory_space<vmem_shared>>) dst(%dma_wait3A_111 : memref<3128x16xf32, #tpu.memory_space<hbm>>)
      tpu.yield
    }) : () -> ()
    return
  }
}

module attributes {stable_mosaic.version = 14 : i64} {
  func.func @_tc_prep_body(%arg0: memref<2x391x128xf32, #tpu.memory_space<vmem>>, %arg1: memref<391x128xf32, #tpu.memory_space<vmem>>, %arg2: memref<391x128xf32, #tpu.memory_space<vmem>>, %arg3: memref<391x128xf32, #tpu.memory_space<vmem>>) attributes {dimension_semantics = [], scalar_prefetch = 0 : i64, scratch_operands = 0 : i64, tpu.core_type = #tpu.core_type<tc>} {
    %get3A = arith.constant 0 : index
    %get3A_0 = arith.constant 0 : index
    %get3A_1 = arith.constant 0 : index
    %get3A_2 = vector.load %arg0[%get3A, %get3A_0, %get3A_1] : memref<2x391x128xf32, #tpu.memory_space<vmem>>, vector<1x391x128xf32>
    %get3A_3 = vector.shape_cast %get3A_2 : vector<1x391x128xf32> to vector<391x128xf32>
    %get3A_4 = arith.constant 1 : index
    %get3A_5 = arith.constant 0 : index
    %get3A_6 = arith.constant 0 : index
    %get3A_7 = vector.load %arg0[%get3A_4, %get3A_5, %get3A_6] : memref<2x391x128xf32, #tpu.memory_space<vmem>>, vector<1x391x128xf32>
    %get3A_8 = vector.shape_cast %get3A_7 : vector<1x391x128xf32> to vector<391x128xf32>
    %add3A = arith.addf %get3A_3, %get3A_8 : vector<391x128xf32>
    %add3A_9 = arith.constant 1.000000e+00 : f32
    %add3A_10 = vector.broadcast %add3A_9 : f32 to vector<391x128xf32>
    %add3A_11 = arith.addf %add3A, %add3A_10 : vector<391x128xf32>
    %iota3A = tpu.iota {dimensions = array<i32: 0>} : vector<391x128xi32>
    %mul3A = arith.constant 128 : i32
    %mul3A_12 = vector.broadcast %mul3A : i32 to vector<391x128xi32>
    %mul3A_13 = arith.muli %iota3A, %mul3A_12 : vector<391x128xi32>
    %iota3A_14 = tpu.iota {dimensions = array<i32: 1>} : vector<391x128xi32>
    %add3A_15 = arith.addi %mul3A_13, %iota3A_14 : vector<391x128xi32>
    %lt3A = arith.constant 50000 : i32
    %lt3A_16 = vector.broadcast %lt3A : i32 to vector<391x128xi32>
    %lt3A_17 = arith.cmpi slt, %add3A_15, %lt3A_16 : vector<391x128xi32>
    %rsqrt3A = math.rsqrt %add3A_11 : vector<391x128xf32>
    %jit3A = arith.constant 0.000000e+00 : f32
    %broadcast_in_dim3A = vector.broadcast %jit3A : f32 to vector<391x128xf32>
    %select_n3A = arith.select %lt3A_17, %rsqrt3A, %broadcast_in_dim3A : vector<391x128xi1>, vector<391x128xf32>
    %swap3A = arith.constant 0 : index
    %swap3A_18 = arith.constant 0 : index
    %swap3A_19 = vector.load %arg2[%swap3A, %swap3A_18] : memref<391x128xf32, #tpu.memory_space<vmem>>, vector<391x128xf32>
    tpu.vector_store %arg2[%swap3A, %swap3A_18], %select_n3A {strides = array<i32>} : memref<391x128xf32, #tpu.memory_space<vmem>>, vector<391x128xf32>,
    %get3A_20 = arith.constant 0 : index
    %get3A_21 = arith.constant 0 : index
    %get3A_22 = vector.load %arg1[%get3A_20, %get3A_21] : memref<391x128xf32, #tpu.memory_space<vmem>>, vector<391x128xf32>
    %mul3A_23 = arith.mulf %select_n3A, %get3A_22 : vector<391x128xf32>
    %swap3A_24 = arith.constant 0 : index
    %swap3A_25 = arith.constant 0 : index
    %swap3A_26 = vector.load %arg3[%swap3A_24, %swap3A_25] : memref<391x128xf32, #tpu.memory_space<vmem>>, vector<391x128xf32>
    tpu.vector_store %arg3[%swap3A_24, %swap3A_25], %mul3A_23 {strides = array<i32>} : memref<391x128xf32, #tpu.memory_space<vmem>>, vector<391x128xf32>,
    return
  }
}

module attributes {stable_mosaic.version = 14 : i64} {
  func.func @_tc_q_body(%arg0: memref<2x391x128xf32, #tpu.memory_space<vmem>>, %arg1: memref<391x128xf32, #tpu.memory_space<vmem>>, %arg2: memref<391x128xf32, #tpu.memory_space<vmem>>, %arg3: memref<391x128xf32, #tpu.memory_space<vmem>>) attributes {dimension_semantics = [], scalar_prefetch = 0 : i64, scratch_operands = 0 : i64, tpu.core_type = #tpu.core_type<tc>} {
    %get3A = arith.constant 0 : index
    %get3A_0 = arith.constant 0 : index
    %get3A_1 = vector.load %arg2[%get3A, %get3A_0] : memref<391x128xf32, #tpu.memory_space<vmem>>, vector<391x128xf32>
    %get3A_2 = arith.constant 0 : index
    %get3A_3 = arith.constant 0 : index
    %get3A_4 = arith.constant 0 : index
    %get3A_5 = vector.load %arg0[%get3A_2, %get3A_3, %get3A_4] : memref<2x391x128xf32, #tpu.memory_space<vmem>>, vector<1x391x128xf32>
    %get3A_6 = vector.shape_cast %get3A_5 : vector<1x391x128xf32> to vector<391x128xf32>
    %get3A_7 = arith.constant 1 : index
    %get3A_8 = arith.constant 0 : index
    %get3A_9 = arith.constant 0 : index
    %get3A_10 = vector.load %arg0[%get3A_7, %get3A_8, %get3A_9] : memref<2x391x128xf32, #tpu.memory_space<vmem>>, vector<1x391x128xf32>
    %get3A_11 = vector.shape_cast %get3A_10 : vector<1x391x128xf32> to vector<391x128xf32>
    %add3A = arith.addf %get3A_6, %get3A_11 : vector<391x128xf32>
    %get3A_12 = arith.constant 0 : index
    %get3A_13 = arith.constant 0 : index
    %get3A_14 = vector.load %arg1[%get3A_12, %get3A_13] : memref<391x128xf32, #tpu.memory_space<vmem>>, vector<391x128xf32>
    %add3A_15 = arith.addf %add3A, %get3A_14 : vector<391x128xf32>
    %mul3A = arith.mulf %get3A_1, %add3A_15 : vector<391x128xf32>
    %swap3A = arith.constant 0 : index
    %swap3A_16 = arith.constant 0 : index
    %swap3A_17 = vector.load %arg3[%swap3A, %swap3A_16] : memref<391x128xf32, #tpu.memory_space<vmem>>, vector<391x128xf32>
    tpu.vector_store %arg3[%swap3A, %swap3A_16], %mul3A {strides = array<i32>} : memref<391x128xf32, #tpu.memory_space<vmem>>, vector<391x128xf32>,
    return
  }
}

module attributes {stable_mosaic.version = 14 : i64} {
  func.func @_tc_l1_body(%arg0: i32, %arg1: memref<6256x1xf32, #tpu.memory_space<vmem>>, %arg2: memref<6256x1xf32, #tpu.memory_space<vmem>>, %arg3: memref<1x64xf32, #tpu.memory_space<vmem>>, %arg4: memref<1x64xf32, #tpu.memory_space<vmem>>, %arg5: memref<64x64xf32, #tpu.memory_space<vmem>>, %arg6: memref<6256x64xf32, #tpu.memory_space<vmem>>) attributes {dimension_semantics = [#tpu.dimension_semantics<arbitrary>], iteration_bounds = array<i64: 8>, scalar_prefetch = 0 : i64, scratch_operands = 0 : i64, tpu.core_type = #tpu.core_type<tc>, window_params = [{transform_indices = @transform_0, window_bounds = array<i64: 6256, 1>}, {transform_indices = @transform_1, window_bounds = array<i64: 6256, 1>}, {pipeline_mode = #tpu.pipeline_mode<synchronous>, transform_indices = @transform_2, window_bounds = array<i64: 1, 64>}, {pipeline_mode = #tpu.pipeline_mode<synchronous>, transform_indices = @transform_3, window_bounds = array<i64: 1, 64>}, {pipeline_mode = #tpu.pipeline_mode<synchronous>, transform_indices = @transform_4, window_bounds = array<i64: 64, 64>}, {transform_indices = @transform_5, window_bounds = array<i64: 6256, 64>}]} {
    %get3A = arith.constant 0 : index
    %get3A_0 = arith.constant 0 : index
    %get3A_1 = vector.load %arg1[%get3A, %get3A_0] : memref<6256x1xf32, #tpu.memory_space<vmem>>, vector<6256x1xf32>
    %get3A_2 = arith.constant 0 : index
    %get3A_3 = arith.constant 0 : index
    %get3A_4 = vector.load %arg3[%get3A_2, %get3A_3] : memref<1x64xf32, #tpu.memory_space<vmem>>, vector<1x64xf32>
    %mul3A = vector.broadcast %get3A_1 : vector<6256x1xf32> to vector<6256x64xf32>
    %mul3A_5 = vector.broadcast %get3A_4 : vector<1x64xf32> to vector<6256x64xf32>
    %mul3A_6 = arith.mulf %mul3A, %mul3A_5 : vector<6256x64xf32>
    %get3A_7 = arith.constant 0 : index
    %get3A_8 = arith.constant 0 : index
    %get3A_9 = vector.load %arg4[%get3A_7, %get3A_8] : memref<1x64xf32, #tpu.memory_space<vmem>>, vector<1x64xf32>
    %add3A = vector.broadcast %get3A_9 : vector<1x64xf32> to vector<6256x64xf32>
    %add3A_10 = arith.addf %mul3A_6, %add3A : vector<6256x64xf32>
    %max3A = arith.constant 0.000000e+00 : f32
    %max3A_11 = vector.broadcast %max3A : f32 to vector<6256x64xf32>
    %max3A_12 = arith.maximumf %add3A_10, %max3A_11 : vector<6256x64xf32>
    %get3A_13 = arith.constant 0 : index
    %get3A_14 = arith.constant 0 : index
    %get3A_15 = vector.load %arg2[%get3A_13, %get3A_14] : memref<6256x1xf32, #tpu.memory_space<vmem>>, vector<6256x1xf32>
    %get3A_16 = arith.constant 0 : index
    %get3A_17 = arith.constant 0 : index
    %get3A_18 = vector.load %arg5[%get3A_16, %get3A_17] : memref<64x64xf32, #tpu.memory_space<vmem>>, vector<64x64xf32>
    %dot_general3A = arith.constant dense<0.000000e+00> : vector<6256x64xf32>
    %dot_general3A_19 = tpu.matmul %max3A_12, %get3A_18, %dot_general3A {dimension_numbers = #tpu.dot_dimension_numbers<[1], [0], [0], [1], [0, 0, 1, 1], [], []>, transpose_lhs_hint = false} : vector<6256x64xf32>, vector<64x64xf32>, vector<6256x64xf32> -> vector<6256x64xf32>
    %mul3A_20 = vector.broadcast %get3A_15 : vector<6256x1xf32> to vector<6256x64xf32>
    %mul3A_21 = arith.mulf %mul3A_20, %dot_general3A_19 : vector<6256x64xf32>
    %swap3A = arith.constant 0 : index
    %swap3A_22 = arith.constant 0 : index
    %swap3A_23 = vector.load %arg6[%swap3A, %swap3A_22] : memref<6256x64xf32, #tpu.memory_space<vmem>>, vector<6256x64xf32>
    tpu.vector_store %arg6[%swap3A, %swap3A_22], %mul3A_21 {strides = array<i32>} : memref<6256x64xf32, #tpu.memory_space<vmem>>, vector<6256x64xf32>,
    return
  }
  func.func @transform_0(%arg0: i32) -> (i32, i32) {
    %c0_i32 = arith.constant 0 : i32
    %c0_i32_0 = arith.constant 0 : i32
    return %arg0, %c0_i32 : i32, i32
  }
  func.func @transform_1(%arg0: i32) -> (i32, i32) {
    %c0_i32 = arith.constant 0 : i32
    %c0_i32_0 = arith.constant 0 : i32
    return %arg0, %c0_i32 : i32, i32
  }
  func.func @transform_2(%arg0: i32) -> (i32, i32) {
    %c0_i32 = arith.constant 0 : i32
    %c0_i32_0 = arith.constant 0 : i32
    %c0_i32_1 = arith.constant 0 : i32
    return %c0_i32, %c0_i32_0 : i32, i32
  }
  func.func @transform_3(%arg0: i32) -> (i32, i32) {
    %c0_i32 = arith.constant 0 : i32
    %c0_i32_0 = arith.constant 0 : i32
    %c0_i32_1 = arith.constant 0 : i32
    return %c0_i32, %c0_i32_0 : i32, i32
  }
  func.func @transform_4(%arg0: i32) -> (i32, i32) {
    %c0_i32 = arith.constant 0 : i32
    %c0_i32_0 = arith.constant 0 : i32
    %c0_i32_1 = arith.constant 0 : i32
    return %c0_i32, %c0_i32_0 : i32, i32
  }
  func.func @transform_5(%arg0: i32) -> (i32, i32) {
    %c0_i32 = arith.constant 0 : i32
    %c0_i32_0 = arith.constant 0 : i32
    return %arg0, %c0_i32 : i32, i32
  }
}

module attributes {stable_mosaic.version = 14 : i64} {
  func.func @_tc_layer_body(%arg0: i32, %arg1: memref<6256x64xf32, #tpu.memory_space<vmem>>, %arg2: memref<6256x64xf32, #tpu.memory_space<vmem>>, %arg3: memref<6256x1xf32, #tpu.memory_space<vmem>>, %arg4: memref<1x64xf32, #tpu.memory_space<vmem>>, %arg5: memref<64x64xf32, #tpu.memory_space<vmem>>, %arg6: memref<6256x64xf32, #tpu.memory_space<vmem>>) attributes {dimension_semantics = [#tpu.dimension_semantics<arbitrary>], iteration_bounds = array<i64: 8>, scalar_prefetch = 0 : i64, scratch_operands = 0 : i64, tpu.core_type = #tpu.core_type<tc>, window_params = [{transform_indices = @transform_0, window_bounds = array<i64: 6256, 64>}, {transform_indices = @transform_1, window_bounds = array<i64: 6256, 64>}, {transform_indices = @transform_2, window_bounds = array<i64: 6256, 1>}, {pipeline_mode = #tpu.pipeline_mode<synchronous>, transform_indices = @transform_3, window_bounds = array<i64: 1, 64>}, {pipeline_mode = #tpu.pipeline_mode<synchronous>, transform_indices = @transform_4, window_bounds = array<i64: 64, 64>}, {transform_indices = @transform_5, window_bounds = array<i64: 6256, 64>}]} {
    %get3A = arith.constant 0 : index
    %get3A_0 = arith.constant 0 : index
    %get3A_1 = vector.load %arg3[%get3A, %get3A_0] : memref<6256x1xf32, #tpu.memory_space<vmem>>, vector<6256x1xf32>
    %get3A_2 = arith.constant 0 : index
    %get3A_3 = arith.constant 0 : index
    %get3A_4 = vector.load %arg1[%get3A_2, %get3A_3] : memref<6256x64xf32, #tpu.memory_space<vmem>>, vector<6256x64xf32>
    %get3A_5 = arith.constant 0 : index
    %get3A_6 = arith.constant 0 : index
    %get3A_7 = vector.load %arg2[%get3A_5, %get3A_6] : memref<6256x64xf32, #tpu.memory_space<vmem>>, vector<6256x64xf32>
    %add3A = arith.addf %get3A_4, %get3A_7 : vector<6256x64xf32>
    %mul3A = vector.broadcast %get3A_1 : vector<6256x1xf32> to vector<6256x64xf32>
    %mul3A_8 = arith.mulf %mul3A, %add3A : vector<6256x64xf32>
    %get3A_9 = arith.constant 0 : index
    %get3A_10 = arith.constant 0 : index
    %get3A_11 = vector.load %arg4[%get3A_9, %get3A_10] : memref<1x64xf32, #tpu.memory_space<vmem>>, vector<1x64xf32>
    %add3A_12 = vector.broadcast %get3A_11 : vector<1x64xf32> to vector<6256x64xf32>
    %add3A_13 = arith.addf %mul3A_8, %add3A_12 : vector<6256x64xf32>
    %max3A = arith.constant 0.000000e+00 : f32
    %max3A_14 = vector.broadcast %max3A : f32 to vector<6256x64xf32>
    %max3A_15 = arith.maximumf %add3A_13, %max3A_14 : vector<6256x64xf32>
    %get3A_16 = arith.constant 0 : index
    %get3A_17 = arith.constant 0 : index
    %get3A_18 = vector.load %arg3[%get3A_16, %get3A_17] : memref<6256x1xf32, #tpu.memory_space<vmem>>, vector<6256x1xf32>
    %get3A_19 = arith.constant 0 : index
    %get3A_20 = arith.constant 0 : index
    %get3A_21 = vector.load %arg5[%get3A_19, %get3A_20] : memref<64x64xf32, #tpu.memory_space<vmem>>, vector<64x64xf32>
    %dot_general3A = arith.constant dense<0.000000e+00> : vector<6256x64xf32>
    %dot_general3A_22 = tpu.matmul %max3A_15, %get3A_21, %dot_general3A {dimension_numbers = #tpu.dot_dimension_numbers<[1], [0], [0], [1], [0, 0, 1, 1], [], []>, transpose_lhs_hint = false} : vector<6256x64xf32>, vector<64x64xf32>, vector<6256x64xf32> -> vector<6256x64xf32>
    %mul3A_23 = vector.broadcast %get3A_18 : vector<6256x1xf32> to vector<6256x64xf32>
    %mul3A_24 = arith.mulf %mul3A_23, %dot_general3A_22 : vector<6256x64xf32>
    %swap3A = arith.constant 0 : index
    %swap3A_25 = arith.constant 0 : index
    %swap3A_26 = vector.load %arg6[%swap3A, %swap3A_25] : memref<6256x64xf32, #tpu.memory_space<vmem>>, vector<6256x64xf32>
    tpu.vector_store %arg6[%swap3A, %swap3A_25], %mul3A_24 {strides = array<i32>} : memref<6256x64xf32, #tpu.memory_space<vmem>>, vector<6256x64xf32>,
    return
  }
  func.func @transform_0(%arg0: i32) -> (i32, i32) {
    %c0_i32 = arith.constant 0 : i32
    %c0_i32_0 = arith.constant 0 : i32
    return %arg0, %c0_i32 : i32, i32
  }
  func.func @transform_1(%arg0: i32) -> (i32, i32) {
    %c0_i32 = arith.constant 0 : i32
    %c0_i32_0 = arith.constant 0 : i32
    return %arg0, %c0_i32 : i32, i32
  }
  func.func @transform_2(%arg0: i32) -> (i32, i32) {
    %c0_i32 = arith.constant 0 : i32
    %c0_i32_0 = arith.constant 0 : i32
    return %arg0, %c0_i32 : i32, i32
  }
  func.func @transform_3(%arg0: i32) -> (i32, i32) {
    %c0_i32 = arith.constant 0 : i32
    %c0_i32_0 = arith.constant 0 : i32
    %c0_i32_1 = arith.constant 0 : i32
    return %c0_i32, %c0_i32_0 : i32, i32
  }
  func.func @transform_4(%arg0: i32) -> (i32, i32) {
    %c0_i32 = arith.constant 0 : i32
    %c0_i32_0 = arith.constant 0 : i32
    %c0_i32_1 = arith.constant 0 : i32
    return %c0_i32, %c0_i32_0 : i32, i32
  }
  func.func @transform_5(%arg0: i32) -> (i32, i32) {
    %c0_i32 = arith.constant 0 : i32
    %c0_i32_0 = arith.constant 0 : i32
    return %arg0, %c0_i32 : i32, i32
  }
}

module attributes {stable_mosaic.version = 14 : i64} {
  func.func @_tc_final_body(%arg0: i32, %arg1: memref<6256x64xf32, #tpu.memory_space<vmem>>, %arg2: memref<6256x64xf32, #tpu.memory_space<vmem>>, %arg3: memref<6256x1xf32, #tpu.memory_space<vmem>>, %arg4: memref<1x64xf32, #tpu.memory_space<vmem>>, %arg5: memref<6256x1xi32, #tpu.memory_space<vmem>>, %arg6: memref<64x32xf32, #tpu.memory_space<vmem>>, %arg7: memref<1x32xf32, #tpu.memory_space<vmem>>, %arg8: memref<32x16xf32, #tpu.memory_space<vmem>>, %arg9: memref<1x16xf32, #tpu.memory_space<vmem>>, %arg10: memref<16x4xf32, #tpu.memory_space<vmem>>, %arg11: memref<1x4xf32, #tpu.memory_space<vmem>>, %arg12: memref<64x4xf32, #tpu.memory_space<vmem>>, %arg13: memref<64x64xf32, #tpu.memory_space<vmem>>, %arg14: memref<64x64xf32, #tpu.memory_space<vmem>>) attributes {dimension_semantics = [#tpu.dimension_semantics<arbitrary>], iteration_bounds = array<i64: 8>, scalar_prefetch = 0 : i64, scratch_operands = 2 : i64, tpu.core_type = #tpu.core_type<tc>, window_params = [{transform_indices = @transform_0, window_bounds = array<i64: 6256, 64>}, {transform_indices = @transform_1, window_bounds = array<i64: 6256, 64>}, {transform_indices = @transform_2, window_bounds = array<i64: 6256, 1>}, {pipeline_mode = #tpu.pipeline_mode<synchronous>, transform_indices = @transform_3, window_bounds = array<i64: 1, 64>}, {transform_indices = @transform_4, window_bounds = array<i64: 6256, 1>}, {pipeline_mode = #tpu.pipeline_mode<synchronous>, transform_indices = @transform_5, window_bounds = array<i64: 64, 32>}, {pipeline_mode = #tpu.pipeline_mode<synchronous>, transform_indices = @transform_6, window_bounds = array<i64: 1, 32>}, {pipeline_mode = #tpu.pipeline_mode<synchronous>, transform_indices = @transform_7, window_bounds = array<i64: 32, 16>}, {pipeline_mode = #tpu.pipeline_mode<synchronous>, transform_indices = @transform_8, window_bounds = array<i64: 1, 16>}, {pipeline_mode = #tpu.pipeline_mode<synchronous>, transform_indices = @transform_9, window_bounds = array<i64: 16, 4>}, {pipeline_mode = #tpu.pipeline_mode<synchronous>, transform_indices = @transform_10, window_bounds = array<i64: 1, 4>}, {pipeline_mode = #tpu.pipeline_mode<synchronous>, transform_indices = @transform_11, window_bounds = array<i64: 64, 4>}]} {
    %eq3A = arith.constant 0 : i32
    %eq3A_0 = arith.cmpi eq, %arg0, %eq3A : i32
    %convert_element_type3A = arith.extui %eq3A_0 : i1 to i32
    %cond3A = arith.constant 0 : i32
    %cond3A_1 = arith.cmpi ne, %convert_element_type3A, %cond3A : i32
    scf.if %cond3A_1 {
      %broadcast_in_dim3A_47 = arith.constant 0.000000e+00 : f32
      %broadcast_in_dim3A_48 = vector.broadcast %broadcast_in_dim3A_47 : f32 to vector<64x64xf32>
      %swap3A_49 = arith.constant 0 : index
      %swap3A_50 = arith.constant 0 : index
      %swap3A_51 = vector.load %arg13[%swap3A_49, %swap3A_50] : memref<64x64xf32, #tpu.memory_space<vmem>>, vector<64x64xf32>
      tpu.vector_store %arg13[%swap3A_49, %swap3A_50], %broadcast_in_dim3A_48 {strides = array<i32>} : memref<64x64xf32, #tpu.memory_space<vmem>>, vector<64x64xf32>,
      %broadcast_in_dim3A_52 = arith.constant 0.000000e+00 : f32
      %broadcast_in_dim3A_53 = vector.broadcast %broadcast_in_dim3A_52 : f32 to vector<64x64xf32>
      %swap3A_54 = arith.constant 0 : index
      %swap3A_55 = arith.constant 0 : index
      %swap3A_56 = vector.load %arg14[%swap3A_54, %swap3A_55] : memref<64x64xf32, #tpu.memory_space<vmem>>, vector<64x64xf32>
      tpu.vector_store %arg14[%swap3A_54, %swap3A_55], %broadcast_in_dim3A_53 {strides = array<i32>} : memref<64x64xf32, #tpu.memory_space<vmem>>, vector<64x64xf32>,
    } else {
    }
    %get3A = arith.constant 0 : index
    %get3A_2 = arith.constant 0 : index
    %get3A_3 = vector.load %arg3[%get3A, %get3A_2] : memref<6256x1xf32, #tpu.memory_space<vmem>>, vector<6256x1xf32>
    %get3A_4 = arith.constant 0 : index
    %get3A_5 = arith.constant 0 : index
    %get3A_6 = vector.load %arg1[%get3A_4, %get3A_5] : memref<6256x64xf32, #tpu.memory_space<vmem>>, vector<6256x64xf32>
    %get3A_7 = arith.constant 0 : index
    %get3A_8 = arith.constant 0 : index
    %get3A_9 = vector.load %arg2[%get3A_7, %get3A_8] : memref<6256x64xf32, #tpu.memory_space<vmem>>, vector<6256x64xf32>
    %add3A = arith.addf %get3A_6, %get3A_9 : vector<6256x64xf32>
    %mul3A = vector.broadcast %get3A_3 : vector<6256x1xf32> to vector<6256x64xf32>
    %mul3A_10 = arith.mulf %mul3A, %add3A : vector<6256x64xf32>
    %get3A_11 = arith.constant 0 : index
    %get3A_12 = arith.constant 0 : index
    %get3A_13 = vector.load %arg4[%get3A_11, %get3A_12] : memref<1x64xf32, #tpu.memory_space<vmem>>, vector<1x64xf32>
    %add3A_14 = vector.broadcast %get3A_13 : vector<1x64xf32> to vector<6256x64xf32>
    %add3A_15 = arith.addf %mul3A_10, %add3A_14 : vector<6256x64xf32>
    %max3A = arith.constant 0.000000e+00 : f32
    %max3A_16 = vector.broadcast %max3A : f32 to vector<6256x64xf32>
    %max3A_17 = arith.maximumf %add3A_15, %max3A_16 : vector<6256x64xf32>
    %iota3A = tpu.iota {dimensions = array<i32: 1>} : vector<6256x64xi32>
    %get3A_18 = arith.constant 0 : index
    %get3A_19 = arith.constant 0 : index
    %get3A_20 = vector.load %arg5[%get3A_18, %get3A_19] : memref<6256x1xi32, #tpu.memory_space<vmem>>, vector<6256x1xi32>
    %eq3A_21 = vector.broadcast %get3A_20 : vector<6256x1xi32> to vector<6256x64xi32>
    %eq3A_22 = arith.cmpi eq, %eq3A_21, %iota3A : vector<6256x64xi32>
    %convert_element_type3A_23 = arith.extui %eq3A_22 : vector<6256x64xi1> to vector<6256x64xi32>
    %convert_element_type3A_24 = arith.sitofp %convert_element_type3A_23 : vector<6256x64xi32> to vector<6256x64xf32>
    %get3A_25 = arith.constant 0 : index
    %get3A_26 = arith.constant 0 : index
    %get3A_27 = vector.load %arg13[%get3A_25, %get3A_26] : memref<64x64xf32, #tpu.memory_space<vmem>>, vector<64x64xf32>
    %dot_general3A = arith.constant dense<0.000000e+00> : vector<64x64xf32>
    %dot_general3A_28 = tpu.matmul %convert_element_type3A_24, %max3A_17, %dot_general3A {dimension_numbers = #tpu.dot_dimension_numbers<[0], [0], [1], [1], [0, 1, 1, 1], [], []>, transpose_lhs_hint = false} : vector<6256x64xf32>, vector<6256x64xf32>, vector<64x64xf32> -> vector<64x64xf32>
    %add3A_29 = arith.addf %get3A_27, %dot_general3A_28 : vector<64x64xf32>
    %swap3A = arith.constant 0 : index
    %swap3A_30 = arith.constant 0 : index
    %swap3A_31 = vector.load %arg13[%swap3A, %swap3A_30] : memref<64x64xf32, #tpu.memory_space<vmem>>, vector<64x64xf32>
    tpu.vector_store %arg13[%swap3A, %swap3A_30], %add3A_29 {strides = array<i32>} : memref<64x64xf32, #tpu.memory_space<vmem>>, vector<64x64xf32>,
    %get3A_32 = arith.constant 0 : index
    %get3A_33 = arith.constant 0 : index
    %get3A_34 = vector.load %arg14[%get3A_32, %get3A_33] : memref<64x64xf32, #tpu.memory_space<vmem>>, vector<64x64xf32>
    %broadcast_in_dim3A = arith.constant 1.000000e+00 : f32
    %broadcast_in_dim3A_35 = vector.broadcast %broadcast_in_dim3A : f32 to vector<6256x64xf32>
    %dot_general3A_36 = arith.constant dense<0.000000e+00> : vector<64x64xf32>
    %dot_general3A_37 = tpu.matmul %convert_element_type3A_24, %broadcast_in_dim3A_35, %dot_general3A_36 {dimension_numbers = #tpu.dot_dimension_numbers<[0], [0], [1], [1], [0, 1, 1, 1], [], []>, transpose_lhs_hint = false} : vector<6256x64xf32>, vector<6256x64xf32>, vector<64x64xf32> -> vector<64x64xf32>
    %add3A_38 = arith.addf %get3A_34, %dot_general3A_37 : vector<64x64xf32>
    %swap3A_39 = arith.constant 0 : index
    %swap3A_40 = arith.constant 0 : index
    %swap3A_41 = vector.load %arg14[%swap3A_39, %swap3A_40] : memref<64x64xf32, #tpu.memory_space<vmem>>, vector<64x64xf32>
    tpu.vector_store %arg14[%swap3A_39, %swap3A_40], %add3A_38 {strides = array<i32>} : memref<64x64xf32, #tpu.memory_space<vmem>>, vector<64x64xf32>,
    %eq3A_42 = arith.constant 7 : i32
    %eq3A_43 = arith.cmpi eq, %arg0, %eq3A_42 : i32
    %convert_element_type3A_44 = arith.extui %eq3A_43 : i1 to i32
    %cond3A_45 = arith.constant 0 : i32
    %cond3A_46 = arith.cmpi ne, %convert_element_type3A_44, %cond3A_45 : i32
    scf.if %cond3A_46 {
      %get3A_47 = arith.constant 0 : index
      %get3A_48 = arith.constant 0 : index
      %get3A_49 = vector.load %arg13[%get3A_47, %get3A_48] : memref<64x64xf32, #tpu.memory_space<vmem>>, vector<64x64xf32>
      %get3A_50 = arith.constant 0 : index
      %get3A_51 = arith.constant 0 : index
      %get3A_52 = vector.load %arg14[%get3A_50, %get3A_51] : memref<64x64xf32, #tpu.memory_space<vmem>>, vector<64x64xf32>
      %max3A_53 = arith.constant 1.000000e+00 : f32
      %max3A_54 = vector.broadcast %max3A_53 : f32 to vector<64x64xf32>
      %max3A_55 = arith.maximumf %get3A_52, %max3A_54 : vector<64x64xf32>
      %div3A = arith.divf %get3A_49, %max3A_55 : vector<64x64xf32>
      %get3A_56 = arith.constant 0 : index
      %get3A_57 = arith.constant 0 : index
      %get3A_58 = vector.load %arg6[%get3A_56, %get3A_57] : memref<64x32xf32, #tpu.memory_space<vmem>>, vector<64x32xf32>
      %dot_general3A_59 = arith.constant dense<0.000000e+00> : vector<64x32xf32>
      %dot_general3A_60 = tpu.matmul %div3A, %get3A_58, %dot_general3A_59 {dimension_numbers = #tpu.dot_dimension_numbers<[1], [0], [0], [1], [0, 0, 1, 1], [], []>, transpose_lhs_hint = false} : vector<64x64xf32>, vector<64x32xf32>, vector<64x32xf32> -> vector<64x32xf32>
      %get3A_61 = arith.constant 0 : index
      %get3A_62 = arith.constant 0 : index
      %get3A_63 = vector.load %arg7[%get3A_61, %get3A_62] : memref<1x32xf32, #tpu.memory_space<vmem>>, vector<1x32xf32>
      %add3A_64 = vector.broadcast %get3A_63 : vector<1x32xf32> to vector<64x32xf32>
      %add3A_65 = arith.addf %dot_general3A_60, %add3A_64 : vector<64x32xf32>
      %max3A_66 = arith.constant 0.000000e+00 : f32
      %max3A_67 = vector.broadcast %max3A_66 : f32 to vector<64x32xf32>
      %max3A_68 = arith.maximumf %add3A_65, %max3A_67 : vector<64x32xf32>
      %get3A_69 = arith.constant 0 : index
      %get3A_70 = arith.constant 0 : index
      %get3A_71 = vector.load %arg8[%get3A_69, %get3A_70] : memref<32x16xf32, #tpu.memory_space<vmem>>, vector<32x16xf32>
      %dot_general3A_72 = arith.constant dense<0.000000e+00> : vector<64x16xf32>
      %dot_general3A_73 = tpu.matmul %max3A_68, %get3A_71, %dot_general3A_72 {dimension_numbers = #tpu.dot_dimension_numbers<[1], [0], [0], [1], [0, 0, 1, 1], [], []>, transpose_lhs_hint = false} : vector<64x32xf32>, vector<32x16xf32>, vector<64x16xf32> -> vector<64x16xf32>
      %get3A_74 = arith.constant 0 : index
      %get3A_75 = arith.constant 0 : index
      %get3A_76 = vector.load %arg9[%get3A_74, %get3A_75] : memref<1x16xf32, #tpu.memory_space<vmem>>, vector<1x16xf32>
      %add3A_77 = vector.broadcast %get3A_76 : vector<1x16xf32> to vector<64x16xf32>
      %add3A_78 = arith.addf %dot_general3A_73, %add3A_77 : vector<64x16xf32>
      %max3A_79 = arith.constant 0.000000e+00 : f32
      %max3A_80 = vector.broadcast %max3A_79 : f32 to vector<64x16xf32>
      %max3A_81 = arith.maximumf %add3A_78, %max3A_80 : vector<64x16xf32>
      %get3A_82 = arith.constant 0 : index
      %get3A_83 = arith.constant 0 : index
      %get3A_84 = vector.load %arg10[%get3A_82, %get3A_83] : memref<16x4xf32, #tpu.memory_space<vmem>>, vector<16x4xf32>
      %dot_general3A_85 = arith.constant dense<0.000000e+00> : vector<64x4xf32>
      %dot_general3A_86 = tpu.matmul %max3A_81, %get3A_84, %dot_general3A_85 {dimension_numbers = #tpu.dot_dimension_numbers<[1], [0], [0], [1], [0, 0, 1, 1], [], []>, transpose_lhs_hint = false} : vector<64x16xf32>, vector<16x4xf32>, vector<64x4xf32> -> vector<64x4xf32>
      %get3A_87 = arith.constant 0 : index
      %get3A_88 = arith.constant 0 : index
      %get3A_89 = vector.load %arg11[%get3A_87, %get3A_88] : memref<1x4xf32, #tpu.memory_space<vmem>>, vector<1x4xf32>
      %add3A_90 = vector.broadcast %get3A_89 : vector<1x4xf32> to vector<64x4xf32>
      %add3A_91 = arith.addf %dot_general3A_86, %add3A_90 : vector<64x4xf32>
      %swap3A_92 = arith.constant 0 : index
      %swap3A_93 = arith.constant 0 : index
      %swap3A_94 = vector.load %arg12[%swap3A_92, %swap3A_93] : memref<64x4xf32, #tpu.memory_space<vmem>>, vector<64x4xf32>
      tpu.vector_store %arg12[%swap3A_92, %swap3A_93], %add3A_91 {strides = array<i32>} : memref<64x4xf32, #tpu.memory_space<vmem>>, vector<64x4xf32>,
    } else {
    }
    return
  }
  func.func @transform_0(%arg0: i32) -> (i32, i32) {
    %c0_i32 = arith.constant 0 : i32
    %c0_i32_0 = arith.constant 0 : i32
    return %arg0, %c0_i32 : i32, i32
  }
  func.func @transform_1(%arg0: i32) -> (i32, i32) {
    %c0_i32 = arith.constant 0 : i32
    %c0_i32_0 = arith.constant 0 : i32
    return %arg0, %c0_i32 : i32, i32
  }
  func.func @transform_2(%arg0: i32) -> (i32, i32) {
    %c0_i32 = arith.constant 0 : i32
    %c0_i32_0 = arith.constant 0 : i32
    return %arg0, %c0_i32 : i32, i32
  }
  func.func @transform_3(%arg0: i32) -> (i32, i32) {
    %c0_i32 = arith.constant 0 : i32
    %c0_i32_0 = arith.constant 0 : i32
    %c0_i32_1 = arith.constant 0 : i32
    return %c0_i32, %c0_i32_0 : i32, i32
  }
  func.func @transform_4(%arg0: i32) -> (i32, i32) {
    %c0_i32 = arith.constant 0 : i32
    %c0_i32_0 = arith.constant 0 : i32
    return %arg0, %c0_i32 : i32, i32
  }
  func.func @transform_5(%arg0: i32) -> (i32, i32) {
    %c0_i32 = arith.constant 0 : i32
    %c0_i32_0 = arith.constant 0 : i32
    %c0_i32_1 = arith.constant 0 : i32
    return %c0_i32, %c0_i32_0 : i32, i32
  }
  func.func @transform_6(%arg0: i32) -> (i32, i32) {
    %c0_i32 = arith.constant 0 : i32
    %c0_i32_0 = arith.constant 0 : i32
    %c0_i32_1 = arith.constant 0 : i32
    return %c0_i32, %c0_i32_0 : i32, i32
  }
  func.func @transform_7(%arg0: i32) -> (i32, i32) {
    %c0_i32 = arith.constant 0 : i32
    %c0_i32_0 = arith.constant 0 : i32
    %c0_i32_1 = arith.constant 0 : i32
    return %c0_i32, %c0_i32_0 : i32, i32
  }
  func.func @transform_8(%arg0: i32) -> (i32, i32) {
    %c0_i32 = arith.constant 0 : i32
    %c0_i32_0 = arith.constant 0 : i32
    %c0_i32_1 = arith.constant 0 : i32
    return %c0_i32, %c0_i32_0 : i32, i32
  }
  func.func @transform_9(%arg0: i32) -> (i32, i32) {
    %c0_i32 = arith.constant 0 : i32
    %c0_i32_0 = arith.constant 0 : i32
    %c0_i32_1 = arith.constant 0 : i32
    return %c0_i32, %c0_i32_0 : i32, i32
  }
  func.func @transform_10(%arg0: i32) -> (i32, i32) {
    %c0_i32 = arith.constant 0 : i32
    %c0_i32_0 = arith.constant 0 : i32
    %c0_i32_1 = arith.constant 0 : i32
    return %c0_i32, %c0_i32_0 : i32, i32
  }
  func.func @transform_11(%arg0: i32) -> (i32, i32) {
    %c0_i32 = arith.constant 0 : i32
    %c0_i32_0 = arith.constant 0 : i32
    %c0_i32_1 = arith.constant 0 : i32
    return %c0_i32, %c0_i32_0 : i32, i32
  }
}

</mosaic_0001>

<sc_bundles>
// kernel: kernel.11.cloned.1.call-start
scs
__scs_entry_jumppad:
0x0: {  	(pc) =	sbr.rel $0x88, $3  }
0x1: {  	(tag) =	ssettag $0x0;
	lr =	simm.s32 $0x1  }
0x2: {  	[smem:$0x3F92] =	sst lr;
	_ =	strace $0xD0000000  }
0x3: {  	_ = 	snop  }
0x4: {  	_ = 	snop  }
0x5: {  	_ = 	snop  }
0x6: {  	_ = 	snop  }
0x7: {  	_ = 	snop  }
__scs_overlays_trampoline_lowered:
0x8: {  	[smem:$0x3FA1] =	sst s0  }
0x9: {  	[smem:$0x3FA2] =	sst s1  }
0xa: {  	[smem:$0x3FA3] =	sst s2  }
0xb: {  	[smem:$0x3FA4] =	sst s3  }
0xc: {  	[smem:$0x3FA5] =	sst s4  }
0xd: {  	[smem:$0x3FA6] =	sst s5  }
0xe: {  	[smem:$0x3FA7] =	sst s6  }
0xf: {  	[smem:$0x3FA8] =	sst s7  }
0x10: {  	[smem:$0x3FA9] =	sst s8  }
0x11: {  	[smem:$0x3FAA] =	sst s9;
	s0 =	simm.s32 @!p0 $0x0  }
0x12: {  	s1 =	sld [smem:$0x3F90];
	s0 =	simm.s32 @p0 $0x1  }
0x13: {  	[smem:$0x3FAB] =	sst s0;
	s0 =	simm.s32 @!p1 $0x0  }
0x14: {  	s2 =	sld [smem:$0x3F8F];
	s0 =	simm.s32 @p1 $0x1  }
0x15: {  	[smem:$0x3FAC] =	sst s0;
	s0 =	simm.s32 @!p2 $0x0  }
0x16: {  	s3 =	sld [smem:$0x3FDB];
	s0 =	simm.s32 @p2 $0x1  }
0x17: {  	s4 =	simm.s32 $0x1BF5;
	[smem:$0x3FAE] =	sst s0  }
0x18: {  	s0 =	sld [smem:$0x3F91];
	_ =	swait.ge [sflag:s4], $0x0  }
0x19: {  	s7 =	sld [smem:$0x3F92]  }
0x1a: {  	s8 =	sadd.s32 $0xFFFFE003, lr  }
0x1b: {  	s9 =	sadd.s32 $0xFFFFFEF7, lr;
	s5 =	simm.s32 $0xFFFFFFFF;
	p2 =	slt.u32 s8, $0xFFFFF086  }
0x1c: {  	p1 =	slt.u32 s9, $0xF7A;
	s5 =	simm.s32 @!p2 $0x0  }
0x1d: {  	s5 =	simm.s32 @p1 $0x1;
	p0 =	seq.s32 s7, s2  }
0x1e: {  	s7 =	smul.u32 @!p0 $0xF7A, s2;
	p2 =	seq.s32 @!p0 s5, $0x0  }
0x1f: {  	s9 =	smul.u32 $0xF7A, s1;
	s8 =	simm.s32 @!p0 $0x1BF5;
	p2 =	por !p2, p0  }
0x20: {  	[sflag:s8] =	ssyncset.s32 @!p0 $0xFFFFF086;
	s6 =	sadd.s32 @!p0 s3, s7;
	s7 =	simm.s32 @!p0 $0x108  }
0x21: {  	s3 =	sadd.s32 s3, s9;
	s6 =	sadd.s32 @!p0 $0x88, s6;
	s7 =	simm.s32 @p2 $0x1082  }
0x22: {  	[simem:s7], [sflag:s8] =	dma.local @!p0 [hbm:s6], $0xF7A  }
0x23: {  	s9 =	sor.u32 $0xD0000000, s2;
	s6 =	simm.s32 $0x108;
	_ =	swait.ge @!p0 [sflag:s8], $0x0  }
0x24: {  	s3 =	sadd.s32 $0x88, s3;
	s6 =	simm.s32 @!p1 $0x1082;
	[sflag:s4] =	ssyncset.s32 $0xFFFFF086  }
0x25: {  	[simem:s6], [sflag:s4] =	dma.local [hbm:s3], $0xF7A  }
0x26: {  	[smem:$0x3F92] =	sst s1;
	(tag) =	ssettag s2;
	_ =	strace s9  }
0x27: {  	s1 =	sld [smem:$0x3FA2]  }
0x28: {  	s2 =	sld [smem:$0x3FA3]  }
0x29: {  	s4 =	sld [smem:$0x3FA5]  }
0x2a: {  	p0 =	seq.s32 s5, $0x0;
	s5 =	sld [smem:$0x3FA6]  }
0x2b: {  	s6 =	sld [smem:$0x3FA7]  }
0x2c: {  	s7 =	sld [smem:$0x3FA8]  }
0x2d: {  	s3 =	simm.s32 $0x108;
	s8 =	sld [smem:$0x3FA9]  }
0x2e: {  	s3 =	simm.s32 @!p0 $0x1082;
	s9 =	sld [smem:$0x3FAA]  }
0x2f: {  	lr =	sadd.s32 s0, s3;
	s0 =	sld [smem:$0x3FA1]  }
0x30: {  	s3 =	sld [smem:$0x3FA4]  }
0x31: {  	[smem:$0x3FAD] =	sst s10  }
0x32: {  	s10 =	sld [smem:$0x3FAB];
	_ =	sdelay $0x3  }
0x33: {  	p0 =	seq.s32 s10, $0x1;
	s10 =	sld [smem:$0x3FAD];
	_ =	sdelay $0x3  }
0x34: {  	[smem:$0x3FAD] =	sst s10  }
0x35: {  	s10 =	sld [smem:$0x3FAC];
	_ =	sdelay $0x3  }
0x36: {  	p1 =	seq.s32 s10, $0x1;
	s10 =	sld [smem:$0x3FAD];
	_ =	sdelay $0x3  }
0x37: {  	[smem:$0x3FAD] =	sst s10  }
0x38: {  	s10 =	sld [smem:$0x3FAE]  }
0x39: {  	_ = 	snop;
	(pc) =	sbr.ind lr, $3  }
0x3a: {  	_ = 	snop  }
0x3b: {  	_ = 	snop  }
0x3c: {  	p2 =	seq.s32 s10, $0x1;
	s10 =	sld [smem:$0x3FAD]  }
0x3d: {  	_ =	shalt  }
0x3e: {  	_ =	shalt  }
0x3f: {  	_ =	shalt  }
0x40: {  	_ =	shalt  }
0x41: {  	_ =	shalt  }
0x42: {  	_ =	shalt  }
0x43: {  	_ =	shalt  }
0x44: {  	_ =	shalt  }
0x45: {  	_ =	shalt  }
0x46: {  	_ =	shalt  }
0x47: {  	_ =	shalt  }
0x48: {  	_ =	shalt  }
0x49: {  	_ =	shalt  }
0x4a: {  	_ =	shalt  }
0x4b: {  	_ =	shalt  }
0x4c: {  	_ =	shalt  }
0x4d: {  	_ =	shalt  }
0x4e: {  	_ =	shalt  }
0x4f: {  	_ =	shalt  }
0x50: {  	_ =	shalt  }
0x51: {  	_ =	shalt  }
0x52: {  	_ =	shalt  }
0x53: {  	_ =	shalt  }
0x54: {  	_ =	shalt  }
0x55: {  	_ =	shalt  }
0x56: {  	_ =	shalt  }
0x57: {  	_ =	shalt  }
0x58: {  	_ =	shalt  }
0x59: {  	_ =	shalt  }
0x5a: {  	_ =	shalt  }
0x5b: {  	_ =	shalt  }
0x5c: {  	_ =	shalt  }
0x5d: {  	_ =	shalt  }
0x5e: {  	_ =	shalt  }
0x5f: {  	_ =	shalt  }
0x60: {  	_ =	shalt  }
0x61: {  	_ =	shalt  }
0x62: {  	_ =	shalt  }
0x63: {  	_ =	shalt  }
0x64: {  	_ =	shalt  }
0x65: {  	_ =	shalt  }
0x66: {  	_ =	shalt  }
0x67: {  	_ =	shalt  }
0x68: {  	_ =	shalt  }
0x69: {  	_ =	shalt  }
0x6a: {  	_ =	shalt  }
0x6b: {  	_ =	shalt  }
0x6c: {  	_ =	shalt  }
0x6d: {  	_ =	shalt  }
0x6e: {  	_ =	shalt  }
0x6f: {  	_ =	shalt  }
0x70: {  	_ =	shalt  }
0x71: {  	_ =	shalt  }
0x72: {  	_ =	shalt  }
0x73: {  	_ =	shalt  }
0x74: {  	_ =	shalt  }
0x75: {  	_ =	shalt  }
0x76: {  	_ =	shalt  }
0x77: {  	_ =	shalt  }
0x78: {  	_ =	shalt  }
0x79: {  	_ =	shalt  }
0x7a: {  	_ =	shalt  }
0x7b: {  	_ =	shalt  }
0x7c: {  	_ =	shalt  }
0x7d: {  	_ =	shalt  }
0x7e: {  	_ =	shalt  }
0x7f: {  	_ =	shalt  }
0x80: {  	_ =	shalt  }
0x81: {  	_ =	shalt  }
0x82: {  	_ =	shalt  }
0x83: {  	_ =	shalt  }
0x84: {  	_ =	shalt  }
0x85: {  	_ =	shalt  }
0x86: {  	_ =	shalt  }
0x87: {  	_ =	shalt  }
.Lfunc_end0:
.L_simem_size_0:
called_computation_lowered:
.L_overlay_start_0:
0x88: {  	s2 =	sld [smem:$0x3FD9]  }
0x89: {  	s3 =	sld [smem:$0x3FFE];
	_ =	sdelay $0x1  }
0x8a: {  	s1 =	srdreg.scid  }
0x8b: {  	s0 =	sand.u32 $0x1, s1  }
0x8c: {  	s16 =	sshll.u32 s0, $0xA;
	s2 =	sadd.s32 s3, s2  }
0x8d: {  	s2 =	sadd.s32 s2, s16  }
0x8e: {  	[smem:$0x3FB9] =	sst s2  }
0x8f: {  	_ = 	snop  }
0x90: {  	(tm) =	ssettm $0x1  }
0x91: {  	s17 =	sld [smem:$0x3FFB];
	_ =	sdelay $0x3  }
0x92: {  	_ =	strace s17  }
0x93: {  	s2 =	sld [smem:$0x3FFC];
	_ =	sdelay $0x3  }
0x94: {  	_ =	strace s2  }
0x95: {  	s2 =	sld [smem:$0x3FFD];
	_ =	sdelay $0x3  }
0x96: {  	_ =	strace s2  }
0x97: {  	_ =	strace $0x8FFFFFFF  }
0x98: {  	s18 =	sld [smem:$0x3FDB];
	_ =	sdelay $0x1  }
0x99: {  	s19 =	simm.s32 $_scs_section_size  }
0x9a: {  	s4 =	simm.s32 $_size__tile_overlayer_lowered;
	s5 =	simm.s32 $_tile_overlayer_lowered  }
0x9b: {  	s22 =	simm.s32 $0x1BFF;
	s21 =	sshll.u32 s5, $0x1;
	s2 =	sadd.s32 s19, s18  }
0x9c: {  	s6 =	simm.s32 $0x0;
	s20 =	sshll.u32 s4, $0x1;
	s4 =	sadd.s32 s21, s2  }
0x9d: {  	[timem:s6], [sflag:s22] =	dma.local [hbm:s4], s20  }
0x9e: {  	_ =	swait.ge [sflag:s22], s20  }
0x9f: {  	s3 =	ssub.s32 $0x0, s20;
	[sflag:s22] =	ssyncset.done $0x0  }
0xa0: {  	[sflag:s22] =	ssyncadd.s32 s3;
	_ =	sdelay $0x1  }
0xa1: {  	s23 =	simm.s32 $0x1B8B  }
0xa2: {  	_ =	swait.ge [sflag:s23], $0x1  }
0xa3: {  	[sflag:s23] =	ssyncset.done $0x0  }
0xa4: {  	s25 =	simm.s32 $0x1B8E;
	s24 =	sld [smem:$0x3FFE];
	[sflag:s23] =	ssyncadd.s32 $0xFFFFFFFF  }
0xa5: {  	s26 =	simm.s32 $execute0_lowered;
	[smem:$0x3FD2] =	sst s25  }
0xa6: {  	s4 =	sshll.u32 s26, $0x1;
	_ =	strace $0x80000046;
	[dreg:$0x1] =	wrdreg $0xFFFFFFFF  }
0xa7: {  	s28 =	simm.s32 $_size_execute0_lowered;
	s2 =	sadd.s32 s2, s4;
	[dreg:$0x0] =	wrdreg $0x0  }
0xa8: {  	s4 =	sshll.u32 s28, $0x1;
	[dreg:$0x2] =	wrdreg s2  }
0xa9: {  	[dreg:$0x3] =	wrdreg s4  }
0xaa: {  	[dreg:$0x4] =	wrdreg $0xC0  }
0xab: {  	_ =	task [dreg:s6], $0x5FFFF  }
0xac: {  	[dreg:$0x1] =	wrdreg $0xFFFFFFFF  }
0xad: {  	[dreg:$0x0] =	wrdreg $0x60  }
0xae: {  	[dreg:$0x2] =	wrdreg s24  }
0xaf: {  	[dreg:$0x3] =	wrdreg $0x0  }
0xb0: {  	[dreg:$0x4] =	wrdreg $0x9  }
0xb1: {  	_ =	task.clear_ibuf [dreg:s6], $0x5FFFF;
	_ =	strace $0x90000046  }
0xb2: {  	s29 =	simm.s32 $0x9;
	_ =	strace $0x80000048  }
0xb3: {  	_ =	swait.ge [sflag:s29], $0x1  }
0xb4: {  	[sflag:s29] =	ssyncadd.s32 $0xFFFFFFFF  }
0xb5: {  	_ =	strace $0x90000048  }
0xb6: {  	_ =	sfence  }
0xb7: {  	s30 =	sld [smem:$0x0];
	_ =	sdelay $0x2  }
0xb8: {  	s31 =	sshll.u32 s1, $0xD;
	s1 =	sshrl.u32 s1, $0x2  }
0xb9: {  	s3 =	sand.u32 $0x4000, s31;
	s1 =	sadd.s32 s1, s30  }
0xba: {  	s0 =	sor.u32 s3, s0;
	s1 =	sshll.u32 s1, $0x11  }
0xbb: {  	s0 =	sor.u32 s1, s0  }
0xbc: {  	s0 =	sadd.s32 $0x8F2B, s0  }
0xbd: {  	[sflag:s0] =	ssyncadd.remote.s32 $0x1  }
0xbe: {  	_ =	sfence.sel $0xFFFF  }
0xbf: {  	[dreg:$0x0] =	wrdreg $0xFFFFFFFF;
	(pc) =	sbr.abs _section_cstart, $3  }
0xc0: {  	[dreg:$0x1] =	wrdreg $0xFFFFFFFF  }
0xc1: {  	_ =	task.clear_ibuf [dreg:s6], $0x2FFFF;
	_ =	strace $0x9FFFFFFF  }
0xc2: {  	(tm) =	ssettm $0x7FFFFFFF  }
0xc3: {  	_ =	shalt  }
tec
execute0_lowered:
.L_overlay_start_1:
0x0: {  	(tag) =	ssettag $0x1  }
0x1: {  	s0 =	rddreg [dreg:$0x0]  }
0x2: {  	s1 =	rddreg [dreg:$0x1];
	s2 =	simm.s32 $0x0;
	s3 =	srdreg.scid  }
0x3: {  	s14 =	stileid.u32;
	s17 =	simm.s32 $0xC810;
	s28 =	simm.s32 $0x4  }
0x4: {  	s29 =	simm.s32 $0x5;
	s30 =	simm.s32 $0x6;
	s31 =	simm.s32 $0x0  }
0x5: {  	[smem:$0x7FF] =	sst s2;
	s11 =	sadd.s32 $0x1400, s0;
	s6 =	smul.u32 $0x1870, s14  }
0x6: {  	s5 =	sand.u32 $0x1, s3;
	s19 =	sadd.s32 $0x35200, s0;
	s9 =	smul.u32 $0x30E00, s14  }
0x7: {  	s4 =	sadd.s32 $0x33800, s0;
	s24 =	sshll.u32 s14, $0x6;
	s25 =	smul.u32 $0xC9, s14  }
0x8: {  	s16 =	sadd.s32 $0xC3800, s1;
	p0 =	sne.s32 s14, $0x0;
	_ =	strace $0x80000047  }
0x9: {  	[dreg:$0x3] =	wrdreg s19;
	s7 =	smul.u32 $0x18700, s5;
	s8 =	sshll.u32 s5, $0x4  }
0xa: {  	s20 =	ssub.s32 $0x2, s5;
	s23 =	smul.u32 $0xC90, s5;
	s5 =	sor.u32 $0x1C07, s24  }
0xb: {  	s16 =	sshrl.u32 @!p0 s16, $0x3;
	s19 =	simm.s32 $0xC490;
	s8 =	sor.u32 s14, s8  }
0xc: {  	s24 =	simm.s32 $0x3;
	s21 =	sshrl.u32 s20, $0x1;
	s10 =	smul.u32 $0x1920, s8  }
0xd: {  	s22 =	sshrl.u32 s9, $0x2;
	s6 =	sadd.s32 s6, s7;
	s8 =	smul.u32 $0xC900, s8  }
0xe: {  	s12 =	ssub.s32 s20, s21;
	s15 =	sadd.s32 s22, s1;
	s9 =	sadd.s32 s25, s23  }
0xf: {  	s20 =	simm.s32 $0x1;
	s21 =	simm.s32 $0x2;
	s22 =	simm.s32 $0x80  }
0x10: {  	s23 =	simm.s32 $0xC690;
	s25 =	simm.s32 $0xC710;
	s0 =	sadd.s32 s6, s0  }
.Ltmp0:
0x11: {  	s13 =	sshll.u32 s9, $0x5;
	s14 =	sshrl.u32 s15, $0x3;
	(pc) =	sbr.rel .LBB2_1-.Ltmp0, $4  }
0x12: {  	s15 =	simm.s32 $0x7;
	s8 =	sshrl.u32 s8, $0x3;
	s6 =	sadd.s32 s11, s10  }
0x13: {  	s9 =	sadd.s32 $0x35400, s0;
	s10 =	smax.u32 s12, $0x1;
	s26 =	sadd.s32 s13, s11  }
0x14: {  	s8 =	sadd.s32 s11, s8;
	s11 =	sadd.s32 $0x80, s26;
	s12 =	sadd.s32 $0x60, s26  }
0x15: {  	s13 =	sadd.s32 $0x40, s26;
	s7 =	sadd.s32 $0x20, s8;
	s8 =	sadd.s32 $0x40, s6  }
.LBB2_4:
0x16: {  	s0 =	simm.s32 $0xC790  }
0x17: {  	[spmem:s1] =	stream.indirect.scatter.add.f32 [tilespmem:s17], [sflag:$0x6], $0x10, s0, s22, $0xb8;
	[tilespmem:$0xD010] =	vst v63  }
0x18: {  	_ =	swait.ge [sflag:s28], $0x800  }
0x19: {  	[sflag:s28] =	ssyncset.done $0x0  }
0x1a: {  	[sflag:s28] =	ssyncadd.s32 $0xFFFFF800  }
0x1b: {  	_ =	swait.ge [sflag:s29], $0x800  }
0x1c: {  	[sflag:s29] =	ssyncset.done $0x0  }
0x1d: {  	[sflag:s29] =	ssyncadd.s32 $0xFFFFF800  }
0x1e: {  	_ =	swait.ge [sflag:s30], $0x800  }
0x1f: {  	s31 =	sadd.s32 $0x1, s31;
	[sflag:s30] =	ssyncset.done $0x0  }
0x20: {  	p1 =	sne.s32 s31, s10;
	[sflag:s30] =	ssyncadd.s32 $0xFFFFF800  }
.Ltmp1:
0x21: {  	[bflag:$0x0] =	sbarrier.arrive $0xFFFF;
	(pc) =	sbr.rel @!p1 .LBB2_5-.Ltmp1, $4  }
0x22: {  	[hbm:s9], [sflag:s5] =	dma.local [spmem:s14], $0x1870  }
0x23: {  	_ =	swait.ge [sflag:s15], $0x1870  }
0x24: {  	[sflag:s15] =	ssyncset.done $0x0  }
0x25: {  	[sflag:s15] =	ssyncadd.s32 $0xFFFFE790  }
.LBB2_1:
0x26: {  	[spmem:s14], [sflag:s5] =	dma.local [hbm:s4], $0x1870  }
0x27: {  	_ =	swait.ge [sflag:s15], $0x1870  }
0x28: {  	[sflag:s15] =	ssyncset.done $0x0  }
0x29: {  	s0 =	simm.s32 @!p0 $0x7;
	[sflag:s15] =	ssyncadd.s32 $0xFFFFE790  }
0x2a: {  	[spmem:s16], [sflag:s5] =	dma.local @!p0 [hbm:s4], $0x20  }
0x2b: {  	_ =	swait.ge @!p0 [sflag:s0], $0x20  }
0x2c: {  	[sflag:s0] =	ssyncset.done @!p0 $0x0  }
0x2d: {  	s18 =	rddreg [dreg:$0x3];
	[sflag:s0] =	ssyncadd.s32 @!p0 $0xFFFFFFE0  }
0x2e: {  	[tilespmem:s17], [sflag:$0x7] =	stream.linear.gather [hbm4b:s18+s2], $0x800, $0x38;
	[tilespmem:$0xD010] =	vst v63  }
0x2f: {  	_ =	swait.ge [sflag:s15], $0x800  }
0x30: {  	[sflag:s15] =	ssyncset.done $0x0  }
0x31: {  	[sflag:s15] =	ssyncadd.s32 $0xFFFFF800  }
0x32: {  	s26 =	simm.s32 $0xC390;
	[bflag:$0x0] =	sbarrier.arrive $0xFFFF  }
0x33: {  	[tilespmem:s26], [sflag:$0x1] =	stream.linear.gather [hbm4b:s6+s2], $0x100, $0x38;
	[tilespmem:$0xD010] =	vst v63  }
0x34: {  	s0 =	simm.s32 $0x0  }
0x35: {  	[tilespmem:s19], [sflag:$0x2] =	stream.linear.gather [hbm4b:s7+s2], $0x100, $0x38;
	[tilespmem:$0xD010] =	vst v63  }
.LBB2_2:
0x36: {  	p1 =	seq.s32 s0, $0x0  }
0x37: {  	s18 =	simm.s32 @!p1 $0x4  }
0x38: {  	_ =	swait.ge @!p1 [sflag:s18], $0x800  }
0x39: {  	[sflag:s18] =	ssyncset.done @!p1 $0x0  }
0x3a: {  	[sflag:s18] =	ssyncadd.s32 @!p1 $0xFFFFF800  }
0x3b: {  	_ =	swait.ge [sflag:s20], $0x100  }
0x3c: {  	[sflag:s20] =	ssyncset.done $0x0  }
0x3d: {  	[sflag:s20] =	ssyncadd.s32 $0xFFFFFF00  }
0x3e: {  	v0 =	vld [tilespmem:$0xC410]  }
0x3f: {  	v1 =	vld [tilespmem:$0xC420]  }
0x40: {  	v2 =	vld [tilespmem:$0xC430]  }
0x41: {  	v3 =	vld [tilespmem:$0xC440]  }
0x42: {  	v4 =	vld [tilespmem:$0xC450]  }
0x43: {  	v45 =	vld [tilespmem:$0xC460];
	[tilespmem:$0xC690] =	vst v0  }
0x44: {  	v46 =	vld [tilespmem:$0xC470];
	[tilespmem:$0xC6A0] =	vst v1  }
0x45: {  	v47 =	vld [tilespmem:$0xC480];
	[tilespmem:$0xC6B0] =	vst v2  }
0x46: {  	[tilespmem:$0xC6C0] =	vst v3  }
0x47: {  	[tilespmem:$0xC6D0] =	vst v4  }
0x48: {  	[tilespmem:$0xC6E0] =	vst v45  }
0x49: {  	[tilespmem:$0xC6F0] =	vst v46  }
0x4a: {  	s26 =	simm.s32 @p1 $0xC590;
	s18 =	simm.s32 @p1 $0x0;
	[tilespmem:$0xC700] =	vst v47  }
0x4b: {  	[tilespmem:s26], [sflag:$0x3] =	stream.linear.gather @p1 [hbm4b:s8+s18], $0x100, $0x38;
	[tilespmem:$0xD010] =	vst v63  }
0x4c: {  	s3 =	simm.s32 @!p1 $0xC810;
	s18 =	simm.s32 @!p1 $0x80;
	s26 =	simm.s32 @!p1 $0xC790  }
0x4d: {  	[spmem:s1] =	stream.indirect.scatter.add.f32 @!p1 [tilespmem:s3], [sflag:$0x6], $0x10, s26, s18, $0xb8;
	[tilespmem:$0xD010] =	vst v63  }
0x4e: {  	s3 =	sadd.s32 @!p1 s0, s13;
	s18 =	simm.s32 @!p1 $0x0;
	s26 =	simm.s32 @!p1 $0xC590  }
0x4f: {  	[tilespmem:s26], [sflag:$0x3] =	stream.linear.gather @!p1 [hbm4b:s3+s18], $0x100, $0x38;
	[tilespmem:$0xD010] =	vst v63  }
0x50: {  	s3 =	simm.s32 @!p1 $0x5  }
0x51: {  	_ =	swait.ge @!p1 [sflag:s3], $0x800  }
0x52: {  	[sflag:s3] =	ssyncset.done @!p1 $0x0  }
0x53: {  	[sflag:s3] =	ssyncadd.s32 @!p1 $0xFFFFF800  }
0x54: {  	_ =	swait.ge [sflag:s21], $0x100  }
0x55: {  	[sflag:s21] =	ssyncset.done $0x0  }
0x56: {  	[sflag:s21] =	ssyncadd.s32 $0xFFFFFF00  }
0x57: {  	v48 =	vld [tilespmem:$0xC510]  }
0x58: {  	v49 =	vld [tilespmem:$0xC520]  }
0x59: {  	v50 =	vld [tilespmem:$0xC530]  }
0x5a: {  	v51 =	vld [tilespmem:$0xC540]  }
0x5b: {  	v52 =	vld [tilespmem:$0xC550]  }
0x5c: {  	v53 =	vld [tilespmem:$0xC560];
	[tilespmem:$0xC710] =	vst v48  }
0x5d: {  	v54 =	vld [tilespmem:$0xC570];
	[tilespmem:$0xC720] =	vst v49  }
0x5e: {  	v55 =	vld [tilespmem:$0xC580];
	[tilespmem:$0xC730] =	vst v50  }
0x5f: {  	[tilespmem:$0xC740] =	vst v51  }
0x60: {  	[tilespmem:$0xC750] =	vst v52  }
0x61: {  	[tilespmem:$0xC760] =	vst v53  }
0x62: {  	p1 =	seq.s32 s0, $0x18C0;
	[tilespmem:$0xC770] =	vst v54  }
0x63: {  	p2 =	seq.s32 @!p1 s0, $0x0;
	s3 =	sadd.s32 @!p1 s0, s12;
	[tilespmem:$0xC780] =	vst v55  }
0x64: {  	[spmem:s1] =	stream.indirect.scatter.add.f32 [tilespmem:s17], [sflag:$0x4], $0x10, s23, s22, $0xb8;
	[tilespmem:$0xD010] =	vst v63  }
0x65: {  	s18 =	simm.s32 @!p1 $0x0;
	s26 =	simm.s32 @!p1 $0xC390;
	p2 =	por p1, !p2  }
0x66: {  	[tilespmem:s26], [sflag:$0x1] =	stream.linear.gather @!p1 [hbm4b:s3+s18], $0x100, $0x38;
	[tilespmem:$0xD010] =	vst v63  }
0x67: {  	_ =	swait.ge @p2 [sflag:s30], $0x800  }
0x68: {  	[sflag:s30] =	ssyncset.done @p2 $0x0  }
0x69: {  	[sflag:s30] =	ssyncadd.s32 @p2 $0xFFFFF800  }
0x6a: {  	_ =	swait.ge [sflag:s24], $0x100  }
0x6b: {  	[sflag:s24] =	ssyncset.done $0x0  }
0x6c: {  	[sflag:s24] =	ssyncadd.s32 $0xFFFFFF00  }
0x6d: {  	v56 =	vld [tilespmem:$0xC610]  }
0x6e: {  	v57 =	vld [tilespmem:$0xC620]  }
0x6f: {  	v58 =	vld [tilespmem:$0xC630]  }
0x70: {  	v59 =	vld [tilespmem:$0xC640]  }
0x71: {  	v60 =	vld [tilespmem:$0xC650]  }
0x72: {  	v61 =	vld [tilespmem:$0xC660];
	[tilespmem:$0xC790] =	vst v56  }
0x73: {  	v62 =	vld [tilespmem:$0xC670];
	[tilespmem:$0xC7A0] =	vst v57  }
0x74: {  	v63 =	vld [tilespmem:$0xC680];
	[tilespmem:$0xC7B0] =	vst v58  }
0x75: {  	[tilespmem:$0xC7C0] =	vst v59  }
.Ltmp2:
0x76: {  	[tilespmem:$0xC7D0] =	vst v60;
	(pc) =	sbr.rel @p1 .LBB2_4-.Ltmp2, $4  }
0x77: {  	[tilespmem:$0xC7E0] =	vst v61  }
0x78: {  	[tilespmem:$0xC7F0] =	vst v62  }
0x79: {  	[tilespmem:$0xC800] =	vst v63  }
0x7a: {  	[spmem:s1] =	stream.indirect.scatter.add.f32 [tilespmem:s17], [sflag:$0x5], $0x10, s25, s22, $0xb8;
	[tilespmem:$0xD010] =	vst v63  }
.Ltmp3:
0x7b: {  	(pc) =	sbr.rel .LBB2_2-.Ltmp3, $3  }
0x7c: {  	_ =	sdelay $0x1  }
0x7d: {  	s3 =	sadd.s32 s0, s11;
	s0 =	sadd.s32 $0x60, s0  }
0x7e: {  	[tilespmem:s19], [sflag:$0x2] =	stream.linear.gather [hbm4b:s3+s2], $0x100, $0x38;
	[tilespmem:$0xD010] =	vst v63  }
.LBB2_5:
0x7f: {  	_ =	sfence.sel $0x180000  }
0x80: {  	[bflag:$0x0] =	sbarrier.arrive $0xFFFF  }
0x81: {  	_ =	strace $0x90000047  }
0x82: {  	[bflag:$0x2] =	sbarrier.arrive $0xFFFF  }
0x83: {  	s0 =	rddreg [dreg:$0x2]  }
0x84: {  	s0 =	sadd.s32 @!p0 $0x100000, s0  }
0x85: {  	[sflag:s0] =	ssyncadd.tile.s32 @!p0 $0x1;
	_ =	shalt  }
.Lfunc_end2:
_tile_overlayer_lowered:
.L_overlay_start_2:
0x86: {  	(tag) =	ssettag $0x2  }
0x87: {  	s0 =	rddreg [dreg:$0x0];
	s2 =	stileid.u32  }
0x88: {  	s1 =	rddreg [dreg:$0x1];
	p0 =	sne.s32 s2, $0x0  }
0x89: {  	s3 =	rddreg [dreg:$0x2];
	[bflag:$0x3] =	sbarrier.arrive $0xFFFF;
	s2 =	simm.s32 @!p0 $0x1C07  }
0x8a: {  	[timem:s3], [sflag:s2] =	dma.local @!p0 [hbm:s0], s1  }
0x8b: {  	s0 =	simm.s32 @!p0 $0x7  }
0x8c: {  	_ =	swait.ge @!p0 [sflag:s0], s1  }
0x8d: {  	s1 =	ssub.s32 @!p0 $0x0, s1;
	[sflag:s0] =	ssyncset.done @!p0 $0x0  }
0x8e: {  	[sflag:s0] =	ssyncadd.s32 @!p0 s1  }
0x8f: {  	[bflag:$0x3] =	sbarrier.arrive $0xFFFF  }
0x90: {  	_ =	shalt  }

// kernel: kernel.14.cloned.1.call-start
scs
__scs_entry_jumppad:
0x0: {  	(pc) =	sbr.rel $0x88, $3  }
0x1: {  	(tag) =	ssettag $0x0;
	lr =	simm.s32 $0x1  }
0x2: {  	[smem:$0x3F92] =	sst lr;
	_ =	strace $0xD0000000  }
0x3: {  	_ = 	snop  }
0x4: {  	_ = 	snop  }
0x5: {  	_ = 	snop  }
0x6: {  	_ = 	snop  }
0x7: {  	_ = 	snop  }
__scs_overlays_trampoline_lowered:
0x8: {  	[smem:$0x3FA1] =	sst s0  }
0x9: {  	[smem:$0x3FA2] =	sst s1  }
0xa: {  	[smem:$0x3FA3] =	sst s2  }
0xb: {  	[smem:$0x3FA4] =	sst s3  }
0xc: {  	[smem:$0x3FA5] =	sst s4  }
0xd: {  	[smem:$0x3FA6] =	sst s5  }
0xe: {  	[smem:$0x3FA7] =	sst s6  }
0xf: {  	[smem:$0x3FA8] =	sst s7  }
0x10: {  	[smem:$0x3FA9] =	sst s8  }
0x11: {  	[smem:$0x3FAA] =	sst s9;
	s0 =	simm.s32 @!p0 $0x0  }
0x12: {  	s1 =	sld [smem:$0x3F90];
	s0 =	simm.s32 @p0 $0x1  }
0x13: {  	[smem:$0x3FAB] =	sst s0;
	s0 =	simm.s32 @!p1 $0x0  }
0x14: {  	s2 =	sld [smem:$0x3F8F];
	s0 =	simm.s32 @p1 $0x1  }
0x15: {  	[smem:$0x3FAC] =	sst s0;
	s0 =	simm.s32 @!p2 $0x0  }
0x16: {  	s3 =	sld [smem:$0x3FDB];
	s0 =	simm.s32 @p2 $0x1  }
0x17: {  	s4 =	simm.s32 $0x1BF5;
	[smem:$0x3FAE] =	sst s0  }
0x18: {  	s0 =	sld [smem:$0x3F91];
	_ =	swait.ge [sflag:s4], $0x0  }
0x19: {  	s7 =	sld [smem:$0x3F92]  }
0x1a: {  	s8 =	sadd.s32 $0xFFFFE003, lr  }
0x1b: {  	s9 =	sadd.s32 $0xFFFFFEF7, lr;
	s5 =	simm.s32 $0xFFFFFFFF;
	p2 =	slt.u32 s8, $0xFFFFF086  }
0x1c: {  	p1 =	slt.u32 s9, $0xF7A;
	s5 =	simm.s32 @!p2 $0x0  }
0x1d: {  	s5 =	simm.s32 @p1 $0x1;
	p0 =	seq.s32 s7, s2  }
0x1e: {  	s7 =	smul.u32 @!p0 $0xF7A, s2;
	p2 =	seq.s32 @!p0 s5, $0x0  }
0x1f: {  	s9 =	smul.u32 $0xF7A, s1;
	s8 =	simm.s32 @!p0 $0x1BF5;
	p2 =	por !p2, p0  }
0x20: {  	[sflag:s8] =	ssyncset.s32 @!p0 $0xFFFFF086;
	s6 =	sadd.s32 @!p0 s3, s7;
	s7 =	simm.s32 @!p0 $0x108  }
0x21: {  	s3 =	sadd.s32 s3, s9;
	s6 =	sadd.s32 @!p0 $0x88, s6;
	s7 =	simm.s32 @p2 $0x1082  }
0x22: {  	[simem:s7], [sflag:s8] =	dma.local @!p0 [hbm:s6], $0xF7A  }
0x23: {  	s9 =	sor.u32 $0xD0000000, s2;
	s6 =	simm.s32 $0x108;
	_ =	swait.ge @!p0 [sflag:s8], $0x0  }
0x24: {  	s3 =	sadd.s32 $0x88, s3;
	s6 =	simm.s32 @!p1 $0x1082;
	[sflag:s4] =	ssyncset.s32 $0xFFFFF086  }
0x25: {  	[simem:s6], [sflag:s4] =	dma.local [hbm:s3], $0xF7A  }
0x26: {  	[smem:$0x3F92] =	sst s1;
	(tag) =	ssettag s2;
	_ =	strace s9  }
0x27: {  	s1 =	sld [smem:$0x3FA2]  }
0x28: {  	s2 =	sld [smem:$0x3FA3]  }
0x29: {  	s4 =	sld [smem:$0x3FA5]  }
0x2a: {  	p0 =	seq.s32 s5, $0x0;
	s5 =	sld [smem:$0x3FA6]  }
0x2b: {  	s6 =	sld [smem:$0x3FA7]  }
0x2c: {  	s7 =	sld [smem:$0x3FA8]  }
0x2d: {  	s3 =	simm.s32 $0x108;
	s8 =	sld [smem:$0x3FA9]  }
0x2e: {  	s3 =	simm.s32 @!p0 $0x1082;
	s9 =	sld [smem:$0x3FAA]  }
0x2f: {  	lr =	sadd.s32 s0, s3;
	s0 =	sld [smem:$0x3FA1]  }
0x30: {  	s3 =	sld [smem:$0x3FA4]  }
0x31: {  	[smem:$0x3FAD] =	sst s10  }
0x32: {  	s10 =	sld [smem:$0x3FAB];
	_ =	sdelay $0x3  }
0x33: {  	p0 =	seq.s32 s10, $0x1;
	s10 =	sld [smem:$0x3FAD];
	_ =	sdelay $0x3  }
0x34: {  	[smem:$0x3FAD] =	sst s10  }
0x35: {  	s10 =	sld [smem:$0x3FAC];
	_ =	sdelay $0x3  }
0x36: {  	p1 =	seq.s32 s10, $0x1;
	s10 =	sld [smem:$0x3FAD];
	_ =	sdelay $0x3  }
0x37: {  	[smem:$0x3FAD] =	sst s10  }
0x38: {  	s10 =	sld [smem:$0x3FAE]  }
0x39: {  	_ = 	snop;
	(pc) =	sbr.ind lr, $3  }
0x3a: {  	_ = 	snop  }
0x3b: {  	_ = 	snop  }
0x3c: {  	p2 =	seq.s32 s10, $0x1;
	s10 =	sld [smem:$0x3FAD]  }
0x3d: {  	_ =	shalt  }
0x3e: {  	_ =	shalt  }
0x3f: {  	_ =	shalt  }
0x40: {  	_ =	shalt  }
0x41: {  	_ =	shalt  }
0x42: {  	_ =	shalt  }
0x43: {  	_ =	shalt  }
0x44: {  	_ =	shalt  }
0x45: {  	_ =	shalt  }
0x46: {  	_ =	shalt  }
0x47: {  	_ =	shalt  }
0x48: {  	_ =	shalt  }
0x49: {  	_ =	shalt  }
0x4a: {  	_ =	shalt  }
0x4b: {  	_ =	shalt  }
0x4c: {  	_ =	shalt  }
0x4d: {  	_ =	shalt  }
0x4e: {  	_ =	shalt  }
0x4f: {  	_ =	shalt  }
0x50: {  	_ =	shalt  }
0x51: {  	_ =	shalt  }
0x52: {  	_ =	shalt  }
0x53: {  	_ =	shalt  }
0x54: {  	_ =	shalt  }
0x55: {  	_ =	shalt  }
0x56: {  	_ =	shalt  }
0x57: {  	_ =	shalt  }
0x58: {  	_ =	shalt  }
0x59: {  	_ =	shalt  }
0x5a: {  	_ =	shalt  }
0x5b: {  	_ =	shalt  }
0x5c: {  	_ =	shalt  }
0x5d: {  	_ =	shalt  }
0x5e: {  	_ =	shalt  }
0x5f: {  	_ =	shalt  }
0x60: {  	_ =	shalt  }
0x61: {  	_ =	shalt  }
0x62: {  	_ =	shalt  }
0x63: {  	_ =	shalt  }
0x64: {  	_ =	shalt  }
0x65: {  	_ =	shalt  }
0x66: {  	_ =	shalt  }
0x67: {  	_ =	shalt  }
0x68: {  	_ =	shalt  }
0x69: {  	_ =	shalt  }
0x6a: {  	_ =	shalt  }
0x6b: {  	_ =	shalt  }
0x6c: {  	_ =	shalt  }
0x6d: {  	_ =	shalt  }
0x6e: {  	_ =	shalt  }
0x6f: {  	_ =	shalt  }
0x70: {  	_ =	shalt  }
0x71: {  	_ =	shalt  }
0x72: {  	_ =	shalt  }
0x73: {  	_ =	shalt  }
0x74: {  	_ =	shalt  }
0x75: {  	_ =	shalt  }
0x76: {  	_ =	shalt  }
0x77: {  	_ =	shalt  }
0x78: {  	_ =	shalt  }
0x79: {  	_ =	shalt  }
0x7a: {  	_ =	shalt  }
0x7b: {  	_ =	shalt  }
0x7c: {  	_ =	shalt  }
0x7d: {  	_ =	shalt  }
0x7e: {  	_ =	shalt  }
0x7f: {  	_ =	shalt  }
0x80: {  	_ =	shalt  }
0x81: {  	_ =	shalt  }
0x82: {  	_ =	shalt  }
0x83: {  	_ =	shalt  }
0x84: {  	_ =	shalt  }
0x85: {  	_ =	shalt  }
0x86: {  	_ =	shalt  }
0x87: {  	_ =	shalt  }
.Lfunc_end0:
.L_simem_size_0:
called_computation.1_lowered:
.L_overlay_start_0:
0x88: {  	s2 =	sld [smem:$0x3FD9]  }
0x89: {  	s3 =	sld [smem:$0x3FFE];
	_ =	sdelay $0x1  }
0x8a: {  	s1 =	srdreg.scid  }
0x8b: {  	s0 =	sand.u32 $0x1, s1  }
0x8c: {  	s16 =	sshll.u32 s0, $0xA;
	s2 =	sadd.s32 s3, s2  }
0x8d: {  	s2 =	sadd.s32 s2, s16  }
0x8e: {  	[smem:$0x3FB9] =	sst s2  }
0x8f: {  	_ = 	snop  }
0x90: {  	(tm) =	ssettm $0x1  }
0x91: {  	s17 =	sld [smem:$0x3FFB];
	_ =	sdelay $0x3  }
0x92: {  	_ =	strace s17  }
0x93: {  	s2 =	sld [smem:$0x3FFC];
	_ =	sdelay $0x3  }
0x94: {  	_ =	strace s2  }
0x95: {  	s2 =	sld [smem:$0x3FFD];
	_ =	sdelay $0x3  }
0x96: {  	_ =	strace s2  }
0x97: {  	_ =	strace $0x8FFFFFFF  }
0x98: {  	s18 =	sld [smem:$0x3FDB];
	_ =	sdelay $0x1  }
0x99: {  	s19 =	simm.s32 $_scs_section_size  }
0x9a: {  	s4 =	simm.s32 $_size__tile_overlayer_lowered;
	s5 =	simm.s32 $_tile_overlayer_lowered  }
0x9b: {  	s22 =	simm.s32 $0x1BFF;
	s21 =	sshll.u32 s5, $0x1;
	s2 =	sadd.s32 s19, s18  }
0x9c: {  	s6 =	simm.s32 $0x0;
	s20 =	sshll.u32 s4, $0x1;
	s4 =	sadd.s32 s21, s2  }
0x9d: {  	[timem:s6], [sflag:s22] =	dma.local [hbm:s4], s20  }
0x9e: {  	_ =	swait.ge [sflag:s22], s20  }
0x9f: {  	s3 =	ssub.s32 $0x0, s20;
	[sflag:s22] =	ssyncset.done $0x0  }
0xa0: {  	[sflag:s22] =	ssyncadd.s32 s3;
	_ =	sdelay $0x1  }
0xa1: {  	s23 =	simm.s32 $0x1B8B  }
0xa2: {  	_ =	swait.ge [sflag:s23], $0x1  }
0xa3: {  	[sflag:s23] =	ssyncset.done $0x0  }
0xa4: {  	s25 =	simm.s32 $0x1B8E;
	s24 =	sld [smem:$0x3FFE];
	[sflag:s23] =	ssyncadd.s32 $0xFFFFFFFF  }
0xa5: {  	s26 =	simm.s32 $execute0_lowered;
	[smem:$0x3FD2] =	sst s25  }
0xa6: {  	s4 =	sshll.u32 s26, $0x1;
	_ =	strace $0x80000049;
	[dreg:$0x1] =	wrdreg $0xFFFFFFFF  }
0xa7: {  	s28 =	simm.s32 $_size_execute0_lowered;
	s2 =	sadd.s32 s2, s4;
	[dreg:$0x0] =	wrdreg $0x0  }
0xa8: {  	s4 =	sshll.u32 s28, $0x1;
	[dreg:$0x2] =	wrdreg s2  }
0xa9: {  	[dreg:$0x3] =	wrdreg s4  }
0xaa: {  	[dreg:$0x4] =	wrdreg $0xC0  }
0xab: {  	_ =	task [dreg:s6], $0x5FFFF  }
0xac: {  	[dreg:$0x1] =	wrdreg $0xFFFFFFFF  }
0xad: {  	[dreg:$0x0] =	wrdreg $0x60  }
0xae: {  	[dreg:$0x2] =	wrdreg s24  }
0xaf: {  	[dreg:$0x3] =	wrdreg $0x0  }
0xb0: {  	[dreg:$0x4] =	wrdreg $0x9  }
0xb1: {  	_ =	task.clear_ibuf [dreg:s6], $0x5FFFF;
	_ =	strace $0x90000049  }
0xb2: {  	s29 =	simm.s32 $0x9;
	_ =	strace $0x8000004B  }
0xb3: {  	_ =	swait.ge [sflag:s29], $0x1  }
0xb4: {  	[sflag:s29] =	ssyncadd.s32 $0xFFFFFFFF  }
0xb5: {  	_ =	strace $0x9000004B  }
0xb6: {  	_ =	sfence  }
0xb7: {  	s30 =	sld [smem:$0x0];
	_ =	sdelay $0x2  }
0xb8: {  	s31 =	sshll.u32 s1, $0xD;
	s1 =	sshrl.u32 s1, $0x2  }
0xb9: {  	s3 =	sand.u32 $0x4000, s31;
	s1 =	sadd.s32 s1, s30  }
0xba: {  	s0 =	sor.u32 s3, s0;
	s1 =	sshll.u32 s1, $0x11  }
0xbb: {  	s0 =	sor.u32 s1, s0  }
0xbc: {  	s0 =	sadd.s32 $0x8F2B, s0  }
0xbd: {  	[sflag:s0] =	ssyncadd.remote.s32 $0x1  }
0xbe: {  	_ =	sfence.sel $0xFFFF  }
0xbf: {  	[dreg:$0x0] =	wrdreg $0xFFFFFFFF;
	(pc) =	sbr.abs _section_cstart, $3  }
0xc0: {  	[dreg:$0x1] =	wrdreg $0xFFFFFFFF  }
0xc1: {  	_ =	task.clear_ibuf [dreg:s6], $0x2FFFF;
	_ =	strace $0x9FFFFFFF  }
0xc2: {  	(tm) =	ssettm $0x7FFFFFFF  }
0xc3: {  	_ =	shalt  }
tec
execute0_lowered:
.L_overlay_start_1:
0x0: {  	(tag) =	ssettag $0x1  }
0x1: {  	s0 =	rddreg [dreg:$0x0]  }
0x2: {  	s1 =	rddreg [dreg:$0x1];
	s2 =	simm.s32 $0x0  }
0x3: {  	s4 =	srdreg.scid;
	s6 =	stileid.u32;
	s15 =	simm.s32 $0xA  }
0x4: {  	s17 =	simm.s32 $0xC390;
	s18 =	simm.s32 $0xC490;
	s19 =	simm.s32 $0x1  }
0x5: {  	s20 =	simm.s32 $0x80;
	s28 =	simm.s32 $0xC590;
	s29 =	simm.s32 $0xD810  }
0x6: {  	s30 =	simm.s32 $0x5;
	s31 =	simm.s32 $0xC710;
	[smem:$0x7FF] =	sst s2  }
0x7: {  	s3 =	sadd.s32 $0xF8A00, s0;
	s5 =	sand.u32 $0x1, s4;
	s7 =	smul.u32 $0x1870, s6  }
0x8: {  	s8 =	sadd.s32 $0x1400, s0;
	s4 =	sadd.s32 $0x33800, s0;
	s11 =	smul.u32 $0x30E00, s6  }
0x9: {  	s25 =	sshll.u32 s6, $0x6;
	s13 =	smul.u32 $0xC9, s6;
	s16 =	sadd.s32 $0xC3800, s1  }
0xa: {  	p0 =	sne.s32 s6, $0x0;
	_ =	strace $0x8000004A;
	s9 =	smul.u32 $0x18700, s5  }
0xb: {  	s10 =	sshll.u32 s5, $0x4;
	s21 =	ssub.s32 $0x2, s5;
	s24 =	smul.u32 $0xC90, s5  }
0xc: {  	s5 =	sor.u32 $0x1C0A, s25;
	s25 =	simm.s32 $0xC690;
	s10 =	sor.u32 s6, s10  }
0xd: {  	s22 =	sshrl.u32 s21, $0x1;
	s23 =	sshrl.u32 s11, $0x2;
	s12 =	smul.u32 $0x1920, s10  }
0xe: {  	s6 =	simm.s32 $0x0;
	s7 =	sadd.s32 s7, s9;
	s10 =	smul.u32 $0xC900, s10  }
0xf: {  	s9 =	sadd.s32 s23, s1;
	s11 =	sadd.s32 s13, s24;
	s23 =	simm.s32 $0xD010  }
0x10: {  	s24 =	simm.s32 $0x4;
	s0 =	sadd.s32 s7, s0;
	s7 =	ssub.s32 s21, s22  }
0x11: {  	s26 =	sshll.u32 s11, $0x5;
	s14 =	sshrl.u32 s9, $0x3;
	s21 =	simm.s32 $0xC810  }
0x12: {  	s22 =	simm.s32 $0x2;
	s10 =	sshrl.u32 s10, $0x3;
	s0 =	sadd.s32 $0x35200, s0  }
0x13: {  	s12 =	sadd.s32 s8, s12;
	s7 =	smax.u32 s7, $0x1;
	[dreg:$0x5] =	wrdreg s0  }
.Ltmp0:
0x14: {  	s10 =	sadd.s32 s8, s10;
	[dreg:$0x6] =	wrdreg s7;
	(pc) =	sbr.rel .LBB2_1-.Ltmp0, $4  }
0x15: {  	[dreg:$0x3] =	wrdreg s12;
	s0 =	sadd.s32 s26, s8;
	s10 =	sadd.s32 $0x20, s10  }
0x16: {  	s11 =	sadd.s32 $0x80, s0;
	s13 =	sadd.s32 $0x40, s0;
	[dreg:$0x4] =	wrdreg s10  }
0x17: {  	s10 =	sadd.s32 $0x40, s12;
	s12 =	sadd.s32 $0x60, s0;
	s0 =	sshrl.u32 @!p0 s16, $0x3  }
0x18: {  	s9 =	simm.s32 $0x9;
	s26 =	simm.s32 $0x3;
	[dreg:$0x7] =	wrdreg s0  }
.LBB2_4:
0x19: {  	s0 =	simm.s32 $0x6  }
0x1a: {  	_ =	swait.ge [sflag:s0], $0x800  }
0x1b: {  	[sflag:s0] =	ssyncset.done $0x0  }
0x1c: {  	s8 =	simm.s32 $0xC790;
	s16 =	simm.s32 $0x7;
	[sflag:s0] =	ssyncadd.s32 $0xFFFFF800  }
0x1d: {  	[spmem:s1] =	stream.indirect.scatter.add.f32 [tilespmem:s29], [sflag:$0x9], $0x10, s8, s20, $0xb8;
	[tilespmem:$0xE010] =	vst v63  }
0x1e: {  	_ =	swait.ge [sflag:s16], $0x800  }
0x1f: {  	[sflag:s16] =	ssyncset.done $0x0  }
0x20: {  	s7 =	simm.s32 $0x8;
	[sflag:s16] =	ssyncadd.s32 $0xFFFFF800  }
0x21: {  	_ =	swait.ge [sflag:s7], $0x800  }
0x22: {  	[sflag:s7] =	ssyncset.done $0x0  }
0x23: {  	[sflag:s7] =	ssyncadd.s32 $0xFFFFF800  }
0x24: {  	_ =	swait.ge [sflag:s9], $0x800  }
0x25: {  	[sflag:s9] =	ssyncset.done $0x0  }
0x26: {  	[sflag:s9] =	ssyncadd.s32 $0xFFFFF800  }
0x27: {  	[bflag:$0x0] =	sbarrier.arrive $0xFFFF  }
0x28: {  	s8 =	rddreg [dreg:$0x5]  }
0x29: {  	[hbm:s8], [sflag:s5] =	dma.local [spmem:s14], $0x1870  }
0x2a: {  	_ =	swait.ge [sflag:s15], $0x1870  }
0x2b: {  	s6 =	sadd.s32 $0x1, s6;
	s16 =	rddreg [dreg:$0x6]  }
0x2c: {  	p1 =	sne.s32 s6, s16  }
.Ltmp1:
0x2d: {  	_ = 	snop;
	(pc) =	sbr.rel @!p1 .LBB2_5-.Ltmp1, $3  }
0x2e: {  	_ =	sdelay $0x1  }
0x2f: {  	[sflag:s15] =	ssyncset.done $0x0  }
0x30: {  	[sflag:s15] =	ssyncadd.s32 $0xFFFFE790  }
.LBB2_1:
0x31: {  	[spmem:s14], [sflag:s5] =	dma.local [hbm:s4], $0x1870  }
0x32: {  	_ =	swait.ge [sflag:s15], $0x1870  }
0x33: {  	[sflag:s15] =	ssyncset.done $0x0  }
0x34: {  	s16 =	simm.s32 @!p0 $0xA;
	s0 =	rddreg [dreg:$0x7];
	[sflag:s15] =	ssyncadd.s32 $0xFFFFE790  }
0x35: {  	[spmem:s0], [sflag:s5] =	dma.local @!p0 [hbm:s4], $0x20  }
0x36: {  	_ =	swait.ge @!p0 [sflag:s16], $0x20  }
0x37: {  	[sflag:s16] =	ssyncset.done @!p0 $0x0  }
0x38: {  	[sflag:s16] =	ssyncadd.s32 @!p0 $0xFFFFFFE0  }
0x39: {  	[bflag:$0x0] =	sbarrier.arrive $0xFFFF  }
0x3a: {  	s8 =	rddreg [dreg:$0x3]  }
0x3b: {  	[tilespmem:s17], [sflag:$0x1] =	stream.linear.gather [hbm4b:s8+s2], $0x100, $0x38;
	[tilespmem:$0xE010] =	vst v63  }
0x3c: {  	s16 =	rddreg [dreg:$0x4]  }
0x3d: {  	[tilespmem:s18], [sflag:$0x2] =	stream.linear.gather [hbm4b:s16+s2], $0x100, $0x38;
	[tilespmem:$0xE010] =	vst v63  }
0x3e: {  	s16 =	simm.s32 $0x0  }
.LBB2_2:
0x3f: {  	p1 =	seq.s32 s16, $0x0  }
0x40: {  	s0 =	simm.s32 @!p1 $0x7  }
0x41: {  	_ =	swait.ge @!p1 [sflag:s0], $0x800  }
0x42: {  	[sflag:s0] =	ssyncset.done @!p1 $0x0  }
0x43: {  	[sflag:s0] =	ssyncadd.s32 @!p1 $0xFFFFF800  }
0x44: {  	_ =	swait.ge [sflag:s19], $0x100  }
0x45: {  	[sflag:s19] =	ssyncset.done $0x0  }
0x46: {  	[sflag:s19] =	ssyncadd.s32 $0xFFFFFF00  }
0x47: {  	v0 =	vld [tilespmem:$0xC410]  }
0x48: {  	v1 =	vld [tilespmem:$0xC420]  }
0x49: {  	v2 =	vld [tilespmem:$0xC430]  }
0x4a: {  	v3 =	vld [tilespmem:$0xC440]  }
0x4b: {  	v4 =	vld [tilespmem:$0xC450]  }
0x4c: {  	v45 =	vld [tilespmem:$0xC460];
	[tilespmem:$0xC690] =	vst v0  }
0x4d: {  	v46 =	vld [tilespmem:$0xC470];
	[tilespmem:$0xC6A0] =	vst v1  }
0x4e: {  	v47 =	vld [tilespmem:$0xC480];
	[tilespmem:$0xC6B0] =	vst v2  }
0x4f: {  	[tilespmem:$0xC6C0] =	vst v3  }
0x50: {  	[tilespmem:$0xC6D0] =	vst v4  }
0x51: {  	[tilespmem:$0xC6E0] =	vst v45  }
0x52: {  	[tilespmem:$0xC6F0] =	vst v46  }
0x53: {  	[tilespmem:$0xC700] =	vst v47  }
0x54: {  	[tilespmem:s21], [sflag:$0x4] =	stream.indirect.gather [hbm4b:s3+s20], $0x10, s17, s20, $0xb8;
	[tilespmem:$0xE010] =	vst v63  }
0x55: {  	s7 =	simm.s32 @p1 $0xC590;
	s0 =	simm.s32 @p1 $0x0  }
0x56: {  	[tilespmem:s7], [sflag:$0x3] =	stream.linear.gather @p1 [hbm4b:s10+s0], $0x100, $0x38;
	[tilespmem:$0xE010] =	vst v63  }
0x57: {  	s0 =	simm.s32 @!p1 $0x6  }
0x58: {  	_ =	swait.ge @!p1 [sflag:s0], $0x800  }
0x59: {  	s8 =	simm.s32 @!p1 $0xD810;
	[sflag:s0] =	ssyncset.done @!p1 $0x0  }
0x5a: {  	s7 =	simm.s32 @!p1 $0xC790;
	[sflag:s0] =	ssyncadd.s32 @!p1 $0xFFFFF800;
	s0 =	simm.s32 @!p1 $0x80  }
0x5b: {  	[spmem:s1] =	stream.indirect.scatter.add.f32 @!p1 [tilespmem:s8], [sflag:$0x9], $0x10, s7, s0, $0xb8;
	[tilespmem:$0xE010] =	vst v63  }
0x5c: {  	s0 =	sadd.s32 @!p1 s16, s13;
	s7 =	simm.s32 @!p1 $0x0;
	s8 =	simm.s32 @!p1 $0xC590  }
0x5d: {  	[tilespmem:s8], [sflag:$0x3] =	stream.linear.gather @!p1 [hbm4b:s0+s7], $0x100, $0x38;
	[tilespmem:$0xE010] =	vst v63  }
0x5e: {  	s0 =	simm.s32 @!p1 $0x8  }
0x5f: {  	_ =	swait.ge @!p1 [sflag:s0], $0x800  }
0x60: {  	[sflag:s0] =	ssyncset.done @!p1 $0x0  }
0x61: {  	[sflag:s0] =	ssyncadd.s32 @!p1 $0xFFFFF800  }
0x62: {  	_ =	swait.ge [sflag:s22], $0x100  }
0x63: {  	[sflag:s22] =	ssyncset.done $0x0  }
0x64: {  	[sflag:s22] =	ssyncadd.s32 $0xFFFFFF00  }
0x65: {  	v48 =	vld [tilespmem:$0xC510]  }
0x66: {  	v49 =	vld [tilespmem:$0xC520]  }
0x67: {  	v50 =	vld [tilespmem:$0xC530]  }
0x68: {  	v51 =	vld [tilespmem:$0xC540]  }
0x69: {  	v52 =	vld [tilespmem:$0xC550]  }
0x6a: {  	v53 =	vld [tilespmem:$0xC560];
	[tilespmem:$0xC710] =	vst v48  }
0x6b: {  	v54 =	vld [tilespmem:$0xC570];
	[tilespmem:$0xC720] =	vst v49  }
0x6c: {  	v55 =	vld [tilespmem:$0xC580];
	[tilespmem:$0xC730] =	vst v50  }
0x6d: {  	[tilespmem:$0xC740] =	vst v51  }
0x6e: {  	[tilespmem:$0xC750] =	vst v52  }
0x6f: {  	[tilespmem:$0xC760] =	vst v53  }
0x70: {  	[tilespmem:$0xC770] =	vst v54  }
0x71: {  	[tilespmem:$0xC780] =	vst v55  }
0x72: {  	[tilespmem:s23], [sflag:$0x5] =	stream.indirect.gather [hbm4b:s3+s20], $0x10, s18, s20, $0xb8;
	[tilespmem:$0xE010] =	vst v63  }
0x73: {  	_ =	swait.ge [sflag:s24], $0x800  }
0x74: {  	p1 =	seq.s32 s16, $0x18C0;
	[sflag:s24] =	ssyncset.done $0x0  }
0x75: {  	p2 =	seq.s32 @!p1 s16, $0x0;
	s0 =	sadd.s32 @!p1 s16, s12;
	[sflag:s24] =	ssyncadd.s32 $0xFFFFF800  }
0x76: {  	[spmem:s1] =	stream.indirect.scatter.add.f32 [tilespmem:s21], [sflag:$0x7], $0x10, s25, s20, $0xb8;
	[tilespmem:$0xE010] =	vst v63  }
0x77: {  	s7 =	simm.s32 @!p1 $0x0;
	s8 =	simm.s32 @!p1 $0xC390;
	p2 =	por p1, !p2  }
0x78: {  	[tilespmem:s8], [sflag:$0x1] =	stream.linear.gather @!p1 [hbm4b:s0+s7], $0x100, $0x38;
	[tilespmem:$0xE010] =	vst v63  }
0x79: {  	_ =	swait.ge @p2 [sflag:s9], $0x800  }
0x7a: {  	[sflag:s9] =	ssyncset.done @p2 $0x0  }
0x7b: {  	[sflag:s9] =	ssyncadd.s32 @p2 $0xFFFFF800  }
0x7c: {  	_ =	swait.ge [sflag:s26], $0x100  }
0x7d: {  	[sflag:s26] =	ssyncset.done $0x0  }
0x7e: {  	[sflag:s26] =	ssyncadd.s32 $0xFFFFFF00  }
0x7f: {  	v56 =	vld [tilespmem:$0xC610]  }
0x80: {  	v57 =	vld [tilespmem:$0xC620]  }
0x81: {  	v58 =	vld [tilespmem:$0xC630]  }
0x82: {  	v59 =	vld [tilespmem:$0xC640]  }
0x83: {  	v60 =	vld [tilespmem:$0xC650]  }
0x84: {  	v61 =	vld [tilespmem:$0xC660];
	[tilespmem:$0xC790] =	vst v56  }
0x85: {  	v62 =	vld [tilespmem:$0xC670];
	[tilespmem:$0xC7A0] =	vst v57  }
0x86: {  	v63 =	vld [tilespmem:$0xC680];
	[tilespmem:$0xC7B0] =	vst v58  }
0x87: {  	[tilespmem:$0xC7C0] =	vst v59  }
0x88: {  	[tilespmem:$0xC7D0] =	vst v60  }
0x89: {  	[tilespmem:$0xC7E0] =	vst v61  }
0x8a: {  	[tilespmem:$0xC7F0] =	vst v62  }
0x8b: {  	[tilespmem:$0xC800] =	vst v63  }
0x8c: {  	[tilespmem:s29], [sflag:$0x6] =	stream.indirect.gather [hbm4b:s3+s20], $0x10, s28, s20, $0xb8;
	[tilespmem:$0xE010] =	vst v63  }
.Ltmp2:
0x8d: {  	_ = 	snop;
	(pc) =	sbr.rel @p1 .LBB2_4-.Ltmp2, $4  }
0x8e: {  	_ =	swait.ge [sflag:s30], $0x800  }
0x8f: {  	[sflag:s30] =	ssyncset.done $0x0  }
0x90: {  	[sflag:s30] =	ssyncadd.s32 $0xFFFFF800  }
0x91: {  	[spmem:s1] =	stream.indirect.scatter.add.f32 [tilespmem:s23], [sflag:$0x8], $0x10, s31, s20, $0xb8;
	[tilespmem:$0xE010] =	vst v63  }
.Ltmp3:
0x92: {  	(pc) =	sbr.rel .LBB2_2-.Ltmp3, $3  }
0x93: {  	_ =	sdelay $0x1  }
0x94: {  	s0 =	sadd.s32 s16, s11;
	s16 =	sadd.s32 $0x60, s16  }
0x95: {  	[tilespmem:s18], [sflag:$0x2] =	stream.linear.gather [hbm4b:s0+s2], $0x100, $0x38;
	[tilespmem:$0xE010] =	vst v63  }
.LBB2_5:
0x96: {  	_ =	sfence.sel $0x180000  }
0x97: {  	[bflag:$0x0] =	sbarrier.arrive $0xFFFF  }
0x98: {  	_ =	strace $0x9000004A  }
0x99: {  	[bflag:$0x2] =	sbarrier.arrive $0xFFFF  }
0x9a: {  	s0 =	rddreg [dreg:$0x2]  }
0x9b: {  	s0 =	sadd.s32 @!p0 $0x100000, s0  }
0x9c: {  	[sflag:s0] =	ssyncadd.tile.s32 @!p0 $0x1;
	_ =	shalt  }
.Lfunc_end2:
_tile_overlayer_lowered:
.L_overlay_start_2:
0x9d: {  	(tag) =	ssettag $0x2  }
0x9e: {  	s0 =	rddreg [dreg:$0x0];
	s2 =	stileid.u32  }
0x9f: {  	s1 =	rddreg [dreg:$0x1];
	p0 =	sne.s32 s2, $0x0  }
0xa0: {  	s3 =	rddreg [dreg:$0x2];
	[bflag:$0x3] =	sbarrier.arrive $0xFFFF;
	s2 =	simm.s32 @!p0 $0x1C0A  }
0xa1: {  	[timem:s3], [sflag:s2] =	dma.local @!p0 [hbm:s0], s1  }
0xa2: {  	s0 =	simm.s32 @!p0 $0xA  }
0xa3: {  	_ =	swait.ge @!p0 [sflag:s0], s1  }
0xa4: {  	s1 =	ssub.s32 @!p0 $0x0, s1;
	[sflag:s0] =	ssyncset.done @!p0 $0x0  }
0xa5: {  	[sflag:s0] =	ssyncadd.s32 @!p0 s1  }
0xa6: {  	[bflag:$0x3] =	sbarrier.arrive $0xFFFF  }
0xa7: {  	_ =	shalt  }

// kernel: kernel.17.cloned.1.call-start
scs
__scs_entry_jumppad:
0x0: {  	(pc) =	sbr.rel $0x88, $3  }
0x1: {  	(tag) =	ssettag $0x0;
	lr =	simm.s32 $0x1  }
0x2: {  	[smem:$0x3F92] =	sst lr;
	_ =	strace $0xD0000000  }
0x3: {  	_ = 	snop  }
0x4: {  	_ = 	snop  }
0x5: {  	_ = 	snop  }
0x6: {  	_ = 	snop  }
0x7: {  	_ = 	snop  }
__scs_overlays_trampoline_lowered:
0x8: {  	[smem:$0x3FA1] =	sst s0  }
0x9: {  	[smem:$0x3FA2] =	sst s1  }
0xa: {  	[smem:$0x3FA3] =	sst s2  }
0xb: {  	[smem:$0x3FA4] =	sst s3  }
0xc: {  	[smem:$0x3FA5] =	sst s4  }
0xd: {  	[smem:$0x3FA6] =	sst s5  }
0xe: {  	[smem:$0x3FA7] =	sst s6  }
0xf: {  	[smem:$0x3FA8] =	sst s7  }
0x10: {  	[smem:$0x3FA9] =	sst s8  }
0x11: {  	[smem:$0x3FAA] =	sst s9;
	s0 =	simm.s32 @!p0 $0x0  }
0x12: {  	s1 =	sld [smem:$0x3F90];
	s0 =	simm.s32 @p0 $0x1  }
0x13: {  	[smem:$0x3FAB] =	sst s0;
	s0 =	simm.s32 @!p1 $0x0  }
0x14: {  	s2 =	sld [smem:$0x3F8F];
	s0 =	simm.s32 @p1 $0x1  }
0x15: {  	[smem:$0x3FAC] =	sst s0;
	s0 =	simm.s32 @!p2 $0x0  }
0x16: {  	s3 =	sld [smem:$0x3FDB];
	s0 =	simm.s32 @p2 $0x1  }
0x17: {  	s4 =	simm.s32 $0x1BF5;
	[smem:$0x3FAE] =	sst s0  }
0x18: {  	s0 =	sld [smem:$0x3F91];
	_ =	swait.ge [sflag:s4], $0x0  }
0x19: {  	s7 =	sld [smem:$0x3F92]  }
0x1a: {  	s8 =	sadd.s32 $0xFFFFE003, lr  }
0x1b: {  	s9 =	sadd.s32 $0xFFFFFEF7, lr;
	s5 =	simm.s32 $0xFFFFFFFF;
	p2 =	slt.u32 s8, $0xFFFFF086  }
0x1c: {  	p1 =	slt.u32 s9, $0xF7A;
	s5 =	simm.s32 @!p2 $0x0  }
0x1d: {  	s5 =	simm.s32 @p1 $0x1;
	p0 =	seq.s32 s7, s2  }
0x1e: {  	s7 =	smul.u32 @!p0 $0xF7A, s2;
	p2 =	seq.s32 @!p0 s5, $0x0  }
0x1f: {  	s9 =	smul.u32 $0xF7A, s1;
	s8 =	simm.s32 @!p0 $0x1BF5;
	p2 =	por !p2, p0  }
0x20: {  	[sflag:s8] =	ssyncset.s32 @!p0 $0xFFFFF086;
	s6 =	sadd.s32 @!p0 s3, s7;
	s7 =	simm.s32 @!p0 $0x108  }
0x21: {  	s3 =	sadd.s32 s3, s9;
	s6 =	sadd.s32 @!p0 $0x88, s6;
	s7 =	simm.s32 @p2 $0x1082  }
0x22: {  	[simem:s7], [sflag:s8] =	dma.local @!p0 [hbm:s6], $0xF7A  }
0x23: {  	s9 =	sor.u32 $0xD0000000, s2;
	s6 =	simm.s32 $0x108;
	_ =	swait.ge @!p0 [sflag:s8], $0x0  }
0x24: {  	s3 =	sadd.s32 $0x88, s3;
	s6 =	simm.s32 @!p1 $0x1082;
	[sflag:s4] =	ssyncset.s32 $0xFFFFF086  }
0x25: {  	[simem:s6], [sflag:s4] =	dma.local [hbm:s3], $0xF7A  }
0x26: {  	[smem:$0x3F92] =	sst s1;
	(tag) =	ssettag s2;
	_ =	strace s9  }
0x27: {  	s1 =	sld [smem:$0x3FA2]  }
0x28: {  	s2 =	sld [smem:$0x3FA3]  }
0x29: {  	s4 =	sld [smem:$0x3FA5]  }
0x2a: {  	p0 =	seq.s32 s5, $0x0;
	s5 =	sld [smem:$0x3FA6]  }
0x2b: {  	s6 =	sld [smem:$0x3FA7]  }
0x2c: {  	s7 =	sld [smem:$0x3FA8]  }
0x2d: {  	s3 =	simm.s32 $0x108;
	s8 =	sld [smem:$0x3FA9]  }
0x2e: {  	s3 =	simm.s32 @!p0 $0x1082;
	s9 =	sld [smem:$0x3FAA]  }
0x2f: {  	lr =	sadd.s32 s0, s3;
	s0 =	sld [smem:$0x3FA1]  }
0x30: {  	s3 =	sld [smem:$0x3FA4]  }
0x31: {  	[smem:$0x3FAD] =	sst s10  }
0x32: {  	s10 =	sld [smem:$0x3FAB];
	_ =	sdelay $0x3  }
0x33: {  	p0 =	seq.s32 s10, $0x1;
	s10 =	sld [smem:$0x3FAD];
	_ =	sdelay $0x3  }
0x34: {  	[smem:$0x3FAD] =	sst s10  }
0x35: {  	s10 =	sld [smem:$0x3FAC];
	_ =	sdelay $0x3  }
0x36: {  	p1 =	seq.s32 s10, $0x1;
	s10 =	sld [smem:$0x3FAD];
	_ =	sdelay $0x3  }
0x37: {  	[smem:$0x3FAD] =	sst s10  }
0x38: {  	s10 =	sld [smem:$0x3FAE]  }
0x39: {  	_ = 	snop;
	(pc) =	sbr.ind lr, $3  }
0x3a: {  	_ = 	snop  }
0x3b: {  	_ = 	snop  }
0x3c: {  	p2 =	seq.s32 s10, $0x1;
	s10 =	sld [smem:$0x3FAD]  }
0x3d: {  	_ =	shalt  }
0x3e: {  	_ =	shalt  }
0x3f: {  	_ =	shalt  }
0x40: {  	_ =	shalt  }
0x41: {  	_ =	shalt  }
0x42: {  	_ =	shalt  }
0x43: {  	_ =	shalt  }
0x44: {  	_ =	shalt  }
0x45: {  	_ =	shalt  }
0x46: {  	_ =	shalt  }
0x47: {  	_ =	shalt  }
0x48: {  	_ =	shalt  }
0x49: {  	_ =	shalt  }
0x4a: {  	_ =	shalt  }
0x4b: {  	_ =	shalt  }
0x4c: {  	_ =	shalt  }
0x4d: {  	_ =	shalt  }
0x4e: {  	_ =	shalt  }
0x4f: {  	_ =	shalt  }
0x50: {  	_ =	shalt  }
0x51: {  	_ =	shalt  }
0x52: {  	_ =	shalt  }
0x53: {  	_ =	shalt  }
0x54: {  	_ =	shalt  }
0x55: {  	_ =	shalt  }
0x56: {  	_ =	shalt  }
0x57: {  	_ =	shalt  }
0x58: {  	_ =	shalt  }
0x59: {  	_ =	shalt  }
0x5a: {  	_ =	shalt  }
0x5b: {  	_ =	shalt  }
0x5c: {  	_ =	shalt  }
0x5d: {  	_ =	shalt  }
0x5e: {  	_ =	shalt  }
0x5f: {  	_ =	shalt  }
0x60: {  	_ =	shalt  }
0x61: {  	_ =	shalt  }
0x62: {  	_ =	shalt  }
0x63: {  	_ =	shalt  }
0x64: {  	_ =	shalt  }
0x65: {  	_ =	shalt  }
0x66: {  	_ =	shalt  }
0x67: {  	_ =	shalt  }
0x68: {  	_ =	shalt  }
0x69: {  	_ =	shalt  }
0x6a: {  	_ =	shalt  }
0x6b: {  	_ =	shalt  }
0x6c: {  	_ =	shalt  }
0x6d: {  	_ =	shalt  }
0x6e: {  	_ =	shalt  }
0x6f: {  	_ =	shalt  }
0x70: {  	_ =	shalt  }
0x71: {  	_ =	shalt  }
0x72: {  	_ =	shalt  }
0x73: {  	_ =	shalt  }
0x74: {  	_ =	shalt  }
0x75: {  	_ =	shalt  }
0x76: {  	_ =	shalt  }
0x77: {  	_ =	shalt  }
0x78: {  	_ =	shalt  }
0x79: {  	_ =	shalt  }
0x7a: {  	_ =	shalt  }
0x7b: {  	_ =	shalt  }
0x7c: {  	_ =	shalt  }
0x7d: {  	_ =	shalt  }
0x7e: {  	_ =	shalt  }
0x7f: {  	_ =	shalt  }
0x80: {  	_ =	shalt  }
0x81: {  	_ =	shalt  }
0x82: {  	_ =	shalt  }
0x83: {  	_ =	shalt  }
0x84: {  	_ =	shalt  }
0x85: {  	_ =	shalt  }
0x86: {  	_ =	shalt  }
0x87: {  	_ =	shalt  }
.Lfunc_end0:
.L_simem_size_0:
called_computation.2_lowered:
.L_overlay_start_0:
0x88: {  	s2 =	sld [smem:$0x3FD9]  }
0x89: {  	s3 =	sld [smem:$0x3FFE];
	_ =	sdelay $0x1  }
0x8a: {  	s1 =	srdreg.scid  }
0x8b: {  	s0 =	sand.u32 $0x1, s1  }
0x8c: {  	s16 =	sshll.u32 s0, $0xA;
	s2 =	sadd.s32 s3, s2  }
0x8d: {  	s2 =	sadd.s32 s2, s16  }
0x8e: {  	[smem:$0x3FB9] =	sst s2  }
0x8f: {  	_ = 	snop  }
0x90: {  	(tm) =	ssettm $0x1  }
0x91: {  	s17 =	sld [smem:$0x3FFB];
	_ =	sdelay $0x3  }
0x92: {  	_ =	strace s17  }
0x93: {  	s2 =	sld [smem:$0x3FFC];
	_ =	sdelay $0x3  }
0x94: {  	_ =	strace s2  }
0x95: {  	s2 =	sld [smem:$0x3FFD];
	_ =	sdelay $0x3  }
0x96: {  	_ =	strace s2  }
0x97: {  	_ =	strace $0x8FFFFFFF  }
0x98: {  	s18 =	sld [smem:$0x3FDB];
	_ =	sdelay $0x1  }
0x99: {  	s19 =	simm.s32 $_scs_section_size  }
0x9a: {  	s4 =	simm.s32 $_size__tile_overlayer_lowered;
	s5 =	simm.s32 $_tile_overlayer_lowered  }
0x9b: {  	s22 =	simm.s32 $0x1BFF;
	s21 =	sshll.u32 s5, $0x1;
	s2 =	sadd.s32 s19, s18  }
0x9c: {  	s6 =	simm.s32 $0x0;
	s20 =	sshll.u32 s4, $0x1;
	s4 =	sadd.s32 s21, s2  }
0x9d: {  	[timem:s6], [sflag:s22] =	dma.local [hbm:s4], s20  }
0x9e: {  	_ =	swait.ge [sflag:s22], s20  }
0x9f: {  	s3 =	ssub.s32 $0x0, s20;
	[sflag:s22] =	ssyncset.done $0x0  }
0xa0: {  	[sflag:s22] =	ssyncadd.s32 s3;
	_ =	sdelay $0x1  }
0xa1: {  	s23 =	simm.s32 $0x1B8B  }
0xa2: {  	_ =	swait.ge [sflag:s23], $0x1  }
0xa3: {  	[sflag:s23] =	ssyncset.done $0x0  }
0xa4: {  	s25 =	simm.s32 $0x1B8E;
	s24 =	sld [smem:$0x3FFE];
	[sflag:s23] =	ssyncadd.s32 $0xFFFFFFFF  }
0xa5: {  	s26 =	simm.s32 $execute0_lowered;
	[smem:$0x3FD2] =	sst s25  }
0xa6: {  	s4 =	sshll.u32 s26, $0x1;
	_ =	strace $0x8000004C;
	[dreg:$0x1] =	wrdreg $0xFFFFFFFF  }
0xa7: {  	s28 =	simm.s32 $_size_execute0_lowered;
	s2 =	sadd.s32 s2, s4;
	[dreg:$0x0] =	wrdreg $0x0  }
0xa8: {  	s4 =	sshll.u32 s28, $0x1;
	[dreg:$0x2] =	wrdreg s2  }
0xa9: {  	[dreg:$0x3] =	wrdreg s4  }
0xaa: {  	[dreg:$0x4] =	wrdreg $0xC0  }
0xab: {  	_ =	task [dreg:s6], $0x5FFFF  }
0xac: {  	[dreg:$0x1] =	wrdreg $0xFFFFFFFF  }
0xad: {  	[dreg:$0x0] =	wrdreg $0x60  }
0xae: {  	[dreg:$0x2] =	wrdreg s24  }
0xaf: {  	[dreg:$0x3] =	wrdreg $0x0  }
0xb0: {  	[dreg:$0x4] =	wrdreg $0x9  }
0xb1: {  	_ =	task.clear_ibuf [dreg:s6], $0x5FFFF;
	_ =	strace $0x9000004C  }
0xb2: {  	s29 =	simm.s32 $0x9;
	_ =	strace $0x8000004E  }
0xb3: {  	_ =	swait.ge [sflag:s29], $0x1  }
0xb4: {  	[sflag:s29] =	ssyncadd.s32 $0xFFFFFFFF  }
0xb5: {  	_ =	strace $0x9000004E  }
0xb6: {  	_ =	sfence  }
0xb7: {  	s30 =	sld [smem:$0x0];
	_ =	sdelay $0x2  }
0xb8: {  	s31 =	sshll.u32 s1, $0xD;
	s1 =	sshrl.u32 s1, $0x2  }
0xb9: {  	s3 =	sand.u32 $0x4000, s31;
	s1 =	sadd.s32 s1, s30  }
0xba: {  	s0 =	sor.u32 s3, s0;
	s1 =	sshll.u32 s1, $0x11  }
0xbb: {  	s0 =	sor.u32 s1, s0  }
0xbc: {  	s0 =	sadd.s32 $0x8F2B, s0  }
0xbd: {  	[sflag:s0] =	ssyncadd.remote.s32 $0x1  }
0xbe: {  	_ =	sfence.sel $0xFFFF  }
0xbf: {  	[dreg:$0x0] =	wrdreg $0xFFFFFFFF;
	(pc) =	sbr.abs _section_cstart, $3  }
0xc0: {  	[dreg:$0x1] =	wrdreg $0xFFFFFFFF  }
0xc1: {  	_ =	task.clear_ibuf [dreg:s6], $0x2FFFF;
	_ =	strace $0x9FFFFFFF  }
0xc2: {  	(tm) =	ssettm $0x7FFFFFFF  }
0xc3: {  	_ =	shalt  }
tec
execute0_lowered:
.L_overlay_start_1:
0x0: {  	(tag) =	ssettag $0x1  }
0x1: {  	s0 =	rddreg [dreg:$0x0];
	s2 =	srdreg.scid  }
0x2: {  	s1 =	rddreg [dreg:$0x1];
	s7 =	stileid.u32  }
0x3: {  	s15 =	simm.s32 $0x18820;
	s16 =	simm.s32 $0x1;
	s17 =	simm.s32 $0x80  }
0x4: {  	s18 =	simm.s32 $0x18BA0;
	s19 =	simm.s32 $0x2;
	s20 =	simm.s32 $0x1ABA0  }
0x5: {  	s21 =	simm.s32 $0x4;
	s22 =	simm.s32 $0x18A20;
	s23 =	simm.s32 $0x3  }
0x6: {  	s28 =	simm.s32 $0x18AA0;
	s31 =	simm.s32 $0x7;
	s4 =	smul.u32 $0x61C, s7  }
0x7: {  	s30 =	simm.s32 $0x9;
	s5 =	sand.u32 $0x1, s2;
	s6 =	smul.u32 $0x3240, s7  }
0x8: {  	s2 =	simm.s32 $0x0;
	s3 =	sadd.s32 $0x33800, s0;
	s9 =	smul.u32 $0x61C00, s7  }
0x9: {  	s11 =	sshll.u32 s7, $0x6;
	s14 =	sadd.s32 $0x187000, s1;
	p0 =	sne.s32 s7, $0x0  }
0xa: {  	s7 =	simm.s32 $0x0;
	s8 =	smul.u32 $0x61C0, s5;
	[smem:$0x7FF] =	sst s2  }
0xb: {  	s5 =	ssub.s32 $0x2, s5;
	_ =	strace $0x8000004D;
	s10 =	sadd.s32 s6, s0  }
0xc: {  	s25 =	sshrl.u32 s5, $0x1;
	s9 =	sshrl.u32 s9, $0x2;
	s4 =	sadd.s32 s4, s8  }
0xd: {  	s12 =	ssub.s32 s5, s25;
	s13 =	sadd.s32 s9, s1;
	s5 =	sor.u32 $0x1C0A, s11  }
0xe: {  	s6 =	sadd.s32 $0x1400, s10;
	s26 =	sadd.s32 $0x1420, s10;
	s10 =	sadd.s32 $0x1440, s10  }
0xf: {  	s25 =	simm.s32 $0x1CBA0;
	s24 =	sshll.u32 s4, $0x3;
	s4 =	sadd.s32 $0x95400, s0  }
.Ltmp0:
0x10: {  	[dreg:$0x3] =	wrdreg s26;
	s29 =	smax.u32 s12, $0x1;
	(pc) =	sbr.rel .LBB2_1-.Ltmp0, $4  }
0x11: {  	s11 =	sshrl.u32 s13, $0x3;
	s12 =	simm.s32 $0xA;
	s0 =	sadd.s32 s24, s0  }
0x12: {  	s26 =	simm.s32 $0x5;
	[dreg:$0x5] =	wrdreg s29;
	s0 =	sadd.s32 $0x98600, s0  }
0x13: {  	s24 =	simm.s32 $0x18920;
	[dreg:$0x4] =	wrdreg s0;
	s0 =	sshrl.u32 @!p0 s14, $0x3  }
0x14: {  	v0 =	vmov s8;
	s14 =	simm.s32 $0x18720;
	[dreg:$0x6] =	wrdreg s0;
	s0 =	simm.s32 $0x8  }
.LBB2_4:
0x15: {  	s8 =	simm.s32 $0x6  }
0x16: {  	_ =	swait.ge [sflag:s8], $0x2000  }
0x17: {  	[sflag:s8] =	ssyncset.done $0x0  }
0x18: {  	s9 =	simm.s32 $0x18B20;
	[sflag:s8] =	ssyncadd.s32 $0xFFFFE000  }
0x19: {  	[spmem:s1] =	stream.indirect.scatter.add.f32 [tilespmem:s25], [sflag:$0x9], $0x40, s9, s17, $0xb8;
	[tilespmem:$0x1EBA0] =	vst v63  }
0x1a: {  	_ =	swait.ge [sflag:s31], $0x2000  }
0x1b: {  	[sflag:s31] =	ssyncset.done $0x0  }
0x1c: {  	[sflag:s31] =	ssyncadd.s32 $0xFFFFE000  }
0x1d: {  	_ =	swait.ge [sflag:s0], $0x2000  }
0x1e: {  	[sflag:s0] =	ssyncset.done $0x0  }
0x1f: {  	[sflag:s0] =	ssyncadd.s32 $0xFFFFE000  }
0x20: {  	_ =	swait.ge [sflag:s30], $0x2000  }
0x21: {  	[sflag:s30] =	ssyncset.done $0x0  }
0x22: {  	[sflag:s30] =	ssyncadd.s32 $0xFFFFE000  }
0x23: {  	[bflag:$0x0] =	sbarrier.arrive $0xFFFF  }
0x24: {  	s13 =	rddreg [dreg:$0x4]  }
0x25: {  	[hbm:s13], [sflag:s5] =	dma.local [spmem:s11], $0x30E0  }
0x26: {  	_ =	swait.ge [sflag:s12], $0x30E0  }
0x27: {  	s7 =	sadd.s32 $0x1, s7;
	s29 =	rddreg [dreg:$0x5]  }
0x28: {  	p1 =	sne.s32 s7, s29  }
.Ltmp1:
0x29: {  	_ = 	snop;
	(pc) =	sbr.rel @!p1 .LBB2_5-.Ltmp1, $3  }
0x2a: {  	_ =	sdelay $0x1  }
0x2b: {  	[sflag:s12] =	ssyncset.done $0x0  }
0x2c: {  	[sflag:s12] =	ssyncadd.s32 $0xFFFFCF20  }
.LBB2_1:
0x2d: {  	[spmem:s11], [sflag:s5] =	dma.local [hbm:s4], $0x30E0  }
0x2e: {  	_ =	swait.ge [sflag:s12], $0x30E0  }
0x2f: {  	[sflag:s12] =	ssyncset.done $0x0  }
0x30: {  	s8 =	rddreg [dreg:$0x6];
	[sflag:s12] =	ssyncadd.s32 $0xFFFFCF20  }
0x31: {  	[spmem:s8], [sflag:s5] =	dma.local @!p0 [hbm:s4], $0x40  }
0x32: {  	s8 =	simm.s32 @!p0 $0xA  }
0x33: {  	_ =	swait.ge @!p0 [sflag:s8], $0x40  }
0x34: {  	[sflag:s8] =	ssyncset.done @!p0 $0x0  }
0x35: {  	[sflag:s8] =	ssyncadd.s32 @!p0 $0xFFFFFFC0  }
0x36: {  	[bflag:$0x0] =	sbarrier.arrive $0xFFFF  }
0x37: {  	[tilespmem:s14], [sflag:$0x1] =	stream.linear.gather [hbm4b:s6+s2], $0x100, $0x38;
	[tilespmem:$0x1EBA0] =	vst v63  }
0x38: {  	s8 =	simm.s32 $0x0;
	s29 =	rddreg [dreg:$0x3]  }
0x39: {  	[tilespmem:s15], [sflag:$0x2] =	stream.linear.gather [hbm4b:s29+s2], $0x100, $0x38;
	[tilespmem:$0x1EBA0] =	vst v63  }
.LBB2_2:
0x3a: {  	p1 =	seq.s32 s8, $0x0  }
0x3b: {  	s9 =	simm.s32 @!p1 $0x7  }
0x3c: {  	_ =	swait.ge @!p1 [sflag:s9], $0x2000  }
0x3d: {  	[sflag:s9] =	ssyncset.done @!p1 $0x0  }
0x3e: {  	[sflag:s9] =	ssyncadd.s32 @!p1 $0xFFFFE000  }
0x3f: {  	_ =	swait.ge [sflag:s16], $0x100  }
0x40: {  	[sflag:s16] =	ssyncset.done $0x0  }
0x41: {  	[sflag:s16] =	ssyncadd.s32 $0xFFFFFF00  }
0x42: {  	v1 =	vld [tilespmem:$0x187A0]  }
0x43: {  	v2 =	vld [tilespmem:$0x187B0]  }
0x44: {  	v3 =	vld [tilespmem:$0x187C0]  }
0x45: {  	v4 =	vld [tilespmem:$0x187D0]  }
0x46: {  	v5 =	vld [tilespmem:$0x187E0]  }
0x47: {  	v6 =	vld [tilespmem:$0x187F0];
	v1 =	vsub.s32 v1, v0  }
0x48: {  	v7 =	vld [tilespmem:$0x18800];
	v2 =	vsub.s32 v2, v0;
	v1 =	vmin.u32 v1, $0x61C0  }
0x49: {  	[tilespmem:$0x18A20] =	vst v1;
	v1 =	vmin.u32 v2, $0x61C0;
	v2 =	vsub.s32 v3, v0;
	v3 =	vld [tilespmem:$0x18810]  }
0x4a: {  	[tilespmem:$0x18A30] =	vst v1;
	v1 =	vmin.u32 v2, $0x61C0;
	v2 =	vsub.s32 v4, v0  }
0x4b: {  	[tilespmem:$0x18A40] =	vst v1;
	v1 =	vmin.u32 v2, $0x61C0;
	v2 =	vsub.s32 v5, v0  }
0x4c: {  	[tilespmem:$0x18A50] =	vst v1;
	v1 =	vmin.u32 v2, $0x61C0;
	v2 =	vsub.s32 v6, v0  }
0x4d: {  	[tilespmem:$0x18A60] =	vst v1;
	v1 =	vmin.u32 v2, $0x61C0;
	v2 =	vsub.s32 v7, v0  }
0x4e: {  	[tilespmem:$0x18A70] =	vst v1;
	v1 =	vmin.u32 v2, $0x61C0;
	v2 =	vsub.s32 v3, v0  }
0x4f: {  	[tilespmem:$0x18A80] =	vst v1;
	v1 =	vmin.u32 v2, $0x61C0  }
0x50: {  	[tilespmem:$0x18A90] =	vst v1  }
0x51: {  	[tilespmem:s18], [sflag:$0x4] =	stream.indirect.gather [hbm4b:s3+s17], $0x40, s14, s17, $0xb8;
	[tilespmem:$0x1EBA0] =	vst v63  }
0x52: {  	s13 =	simm.s32 @p1 $0x18920;
	s9 =	simm.s32 @p1 $0x0  }
0x53: {  	[tilespmem:s13], [sflag:$0x3] =	stream.linear.gather @p1 [hbm4b:s10+s9], $0x100, $0x38;
	[tilespmem:$0x1EBA0] =	vst v63  }
0x54: {  	s9 =	simm.s32 @!p1 $0x6  }
0x55: {  	_ =	swait.ge @!p1 [sflag:s9], $0x2000  }
0x56: {  	s29 =	simm.s32 @!p1 $0x1CBA0;
	[sflag:s9] =	ssyncset.done @!p1 $0x0  }
0x57: {  	s13 =	simm.s32 @!p1 $0x18B20;
	[sflag:s9] =	ssyncadd.s32 @!p1 $0xFFFFE000;
	s9 =	simm.s32 @!p1 $0x80  }
0x58: {  	[spmem:s1] =	stream.indirect.scatter.add.f32 @!p1 [tilespmem:s29], [sflag:$0x9], $0x40, s13, s9, $0xb8;
	[tilespmem:$0x1EBA0] =	vst v63  }
0x59: {  	s9 =	sadd.s32 @!p1 s8, s6  }
0x5a: {  	s13 =	simm.s32 @!p1 $0x0;
	s29 =	simm.s32 @!p1 $0x18920;
	s9 =	sadd.s32 @!p1 $0x40, s9  }
0x5b: {  	[tilespmem:s29], [sflag:$0x3] =	stream.linear.gather @!p1 [hbm4b:s9+s13], $0x100, $0x38;
	[tilespmem:$0x1EBA0] =	vst v63  }
0x5c: {  	s9 =	simm.s32 @!p1 $0x8  }
0x5d: {  	_ =	swait.ge @!p1 [sflag:s9], $0x2000  }
0x5e: {  	[sflag:s9] =	ssyncset.done @!p1 $0x0  }
0x5f: {  	[sflag:s9] =	ssyncadd.s32 @!p1 $0xFFFFE000  }
0x60: {  	_ =	swait.ge [sflag:s19], $0x100  }
0x61: {  	[sflag:s19] =	ssyncset.done $0x0  }
0x62: {  	[sflag:s19] =	ssyncadd.s32 $0xFFFFFF00  }
0x63: {  	v1 =	vld [tilespmem:$0x188A0]  }
0x64: {  	v2 =	vld [tilespmem:$0x188B0]  }
0x65: {  	v3 =	vld [tilespmem:$0x188C0]  }
0x66: {  	v56 =	vld [tilespmem:$0x188D0]  }
0x67: {  	v57 =	vld [tilespmem:$0x188E0]  }
0x68: {  	v58 =	vld [tilespmem:$0x188F0];
	v1 =	vsub.s32 v1, v0  }
0x69: {  	v59 =	vld [tilespmem:$0x18900];
	v2 =	vsub.s32 v2, v0;
	v1 =	vmin.u32 v1, $0x61C0  }
0x6a: {  	[tilespmem:$0x18AA0] =	vst v1;
	v1 =	vmin.u32 v2, $0x61C0;
	v2 =	vsub.s32 v3, v0;
	v3 =	vld [tilespmem:$0x18910]  }
0x6b: {  	[tilespmem:$0x18AB0] =	vst v1;
	v1 =	vmin.u32 v2, $0x61C0;
	v2 =	vsub.s32 v56, v0  }
0x6c: {  	[tilespmem:$0x18AC0] =	vst v1;
	v1 =	vmin.u32 v2, $0x61C0;
	v2 =	vsub.s32 v57, v0  }
0x6d: {  	[tilespmem:$0x18AD0] =	vst v1;
	v1 =	vmin.u32 v2, $0x61C0;
	v2 =	vsub.s32 v58, v0  }
0x6e: {  	[tilespmem:$0x18AE0] =	vst v1;
	v1 =	vmin.u32 v2, $0x61C0;
	v2 =	vsub.s32 v59, v0  }
0x6f: {  	[tilespmem:$0x18AF0] =	vst v1;
	v1 =	vmin.u32 v2, $0x61C0;
	v2 =	vsub.s32 v3, v0  }
0x70: {  	[tilespmem:$0x18B00] =	vst v1;
	v1 =	vmin.u32 v2, $0x61C0  }
0x71: {  	[tilespmem:$0x18B10] =	vst v1  }
0x72: {  	[tilespmem:s20], [sflag:$0x5] =	stream.indirect.gather [hbm4b:s3+s17], $0x40, s15, s17, $0xb8;
	[tilespmem:$0x1EBA0] =	vst v63  }
0x73: {  	p1 =	seq.s32 s8, $0x31E0;
	_ =	swait.ge [sflag:s21], $0x2000  }
0x74: {  	p2 =	seq.s32 @!p1 s8, $0x0;
	[sflag:s21] =	ssyncset.done $0x0  }
0x75: {  	s9 =	sadd.s32 @!p1 s8, s6;
	s13 =	simm.s32 @!p1 $0x0;
	[sflag:s21] =	ssyncadd.s32 $0xFFFFE000  }
0x76: {  	[spmem:s1] =	stream.indirect.scatter.add.f32 [tilespmem:s18], [sflag:$0x7], $0x40, s22, s17, $0xb8;
	[tilespmem:$0x1EBA0] =	vst v63  }
0x77: {  	s29 =	simm.s32 @!p1 $0x18720;
	s9 =	sadd.s32 @!p1 $0x60, s9;
	p2 =	por p1, !p2  }
0x78: {  	[tilespmem:s29], [sflag:$0x1] =	stream.linear.gather @!p1 [hbm4b:s9+s13], $0x100, $0x38;
	[tilespmem:$0x1EBA0] =	vst v63  }
0x79: {  	_ =	swait.ge @p2 [sflag:s30], $0x2000  }
0x7a: {  	[sflag:s30] =	ssyncset.done @p2 $0x0  }
0x7b: {  	[sflag:s30] =	ssyncadd.s32 @p2 $0xFFFFE000  }
0x7c: {  	_ =	swait.ge [sflag:s23], $0x100  }
0x7d: {  	[sflag:s23] =	ssyncset.done $0x0  }
0x7e: {  	[sflag:s23] =	ssyncadd.s32 $0xFFFFFF00  }
0x7f: {  	v1 =	vld [tilespmem:$0x189A0]  }
0x80: {  	v2 =	vld [tilespmem:$0x189B0]  }
0x81: {  	v3 =	vld [tilespmem:$0x189C0]  }
0x82: {  	v60 =	vld [tilespmem:$0x189D0]  }
0x83: {  	v61 =	vld [tilespmem:$0x189E0]  }
0x84: {  	v62 =	vld [tilespmem:$0x189F0];
	v1 =	vsub.s32 v1, v0  }
0x85: {  	v63 =	vld [tilespmem:$0x18A00];
	v2 =	vsub.s32 v2, v0;
	v1 =	vmin.u32 v1, $0x61C0  }
0x86: {  	[tilespmem:$0x18B20] =	vst v1;
	v1 =	vmin.u32 v2, $0x61C0;
	v2 =	vsub.s32 v3, v0;
	v3 =	vld [tilespmem:$0x18A10]  }
0x87: {  	[tilespmem:$0x18B30] =	vst v1;
	v1 =	vmin.u32 v2, $0x61C0;
	v2 =	vsub.s32 v60, v0  }
0x88: {  	[tilespmem:$0x18B40] =	vst v1;
	v1 =	vmin.u32 v2, $0x61C0;
	v2 =	vsub.s32 v61, v0  }
0x89: {  	[tilespmem:$0x18B50] =	vst v1;
	v1 =	vmin.u32 v2, $0x61C0;
	v2 =	vsub.s32 v62, v0  }
0x8a: {  	[tilespmem:$0x18B60] =	vst v1;
	v1 =	vmin.u32 v2, $0x61C0;
	v2 =	vsub.s32 v63, v0  }
0x8b: {  	[tilespmem:$0x18B70] =	vst v1;
	v1 =	vmin.u32 v2, $0x61C0;
	v2 =	vsub.s32 v3, v0  }
0x8c: {  	[tilespmem:$0x18B80] =	vst v1;
	v1 =	vmin.u32 v2, $0x61C0  }
0x8d: {  	[tilespmem:$0x18B90] =	vst v1  }
0x8e: {  	[tilespmem:s25], [sflag:$0x6] =	stream.indirect.gather [hbm4b:s3+s17], $0x40, s24, s17, $0xb8;
	[tilespmem:$0x1EBA0] =	vst v63  }
.Ltmp2:
0x8f: {  	_ = 	snop;
	(pc) =	sbr.rel @p1 .LBB2_4-.Ltmp2, $4  }
0x90: {  	_ =	swait.ge [sflag:s26], $0x2000  }
0x91: {  	[sflag:s26] =	ssyncset.done $0x0  }
0x92: {  	[sflag:s26] =	ssyncadd.s32 $0xFFFFE000  }
0x93: {  	[spmem:s1] =	stream.indirect.scatter.add.f32 [tilespmem:s20], [sflag:$0x8], $0x40, s28, s17, $0xb8;
	[tilespmem:$0x1EBA0] =	vst v63  }
.Ltmp3:
0x94: {  	(pc) =	sbr.rel .LBB2_2-.Ltmp3, $4  }
0x95: {  	_ = 	snop  }
0x96: {  	s9 =	sadd.s32 s8, s6  }
0x97: {  	s8 =	sadd.s32 $0x60, s8;
	s9 =	sadd.s32 $0x80, s9  }
0x98: {  	[tilespmem:s15], [sflag:$0x2] =	stream.linear.gather [hbm4b:s9+s2], $0x100, $0x38;
	[tilespmem:$0x1EBA0] =	vst v63  }
.LBB2_5:
0x99: {  	_ =	sfence.sel $0x180000  }
0x9a: {  	[bflag:$0x0] =	sbarrier.arrive $0xFFFF  }
0x9b: {  	_ =	strace $0x9000004D  }
0x9c: {  	[bflag:$0x2] =	sbarrier.arrive $0xFFFF  }
0x9d: {  	s0 =	rddreg [dreg:$0x2]  }
0x9e: {  	s0 =	sadd.s32 @!p0 $0x100000, s0  }
0x9f: {  	[sflag:s0] =	ssyncadd.tile.s32 @!p0 $0x1;
	_ =	shalt  }
.Lfunc_end2:
_tile_overlayer_lowered:
.L_overlay_start_2:
0xa0: {  	(tag) =	ssettag $0x2  }
0xa1: {  	s0 =	rddreg [dreg:$0x0];
	s2 =	stileid.u32  }
0xa2: {  	s1 =	rddreg [dreg:$0x1];
	p0 =	sne.s32 s2, $0x0  }
0xa3: {  	s3 =	rddreg [dreg:$0x2];
	[bflag:$0x3] =	sbarrier.arrive $0xFFFF;
	s2 =	simm.s32 @!p0 $0x1C0A  }
0xa4: {  	[timem:s3], [sflag:s2] =	dma.local @!p0 [hbm:s0], s1  }
0xa5: {  	s0 =	simm.s32 @!p0 $0xA  }
0xa6: {  	_ =	swait.ge @!p0 [sflag:s0], s1  }
0xa7: {  	s1 =	ssub.s32 @!p0 $0x0, s1;
	[sflag:s0] =	ssyncset.done @!p0 $0x0  }
0xa8: {  	[sflag:s0] =	ssyncadd.s32 @!p0 s1  }
0xa9: {  	[bflag:$0x3] =	sbarrier.arrive $0xFFFF  }
0xaa: {  	_ =	shalt  }

// kernel: kernel.20.cloned.1.call-start
scs
__scs_entry_jumppad:
0x0: {  	(pc) =	sbr.rel $0x88, $3  }
0x1: {  	(tag) =	ssettag $0x0;
	lr =	simm.s32 $0x1  }
0x2: {  	[smem:$0x3F92] =	sst lr;
	_ =	strace $0xD0000000  }
0x3: {  	_ = 	snop  }
0x4: {  	_ = 	snop  }
0x5: {  	_ = 	snop  }
0x6: {  	_ = 	snop  }
0x7: {  	_ = 	snop  }
__scs_overlays_trampoline_lowered:
0x8: {  	[smem:$0x3FA1] =	sst s0  }
0x9: {  	[smem:$0x3FA2] =	sst s1  }
0xa: {  	[smem:$0x3FA3] =	sst s2  }
0xb: {  	[smem:$0x3FA4] =	sst s3  }
0xc: {  	[smem:$0x3FA5] =	sst s4  }
0xd: {  	[smem:$0x3FA6] =	sst s5  }
0xe: {  	[smem:$0x3FA7] =	sst s6  }
0xf: {  	[smem:$0x3FA8] =	sst s7  }
0x10: {  	[smem:$0x3FA9] =	sst s8  }
0x11: {  	[smem:$0x3FAA] =	sst s9;
	s0 =	simm.s32 @!p0 $0x0  }
0x12: {  	s1 =	sld [smem:$0x3F90];
	s0 =	simm.s32 @p0 $0x1  }
0x13: {  	[smem:$0x3FAB] =	sst s0;
	s0 =	simm.s32 @!p1 $0x0  }
0x14: {  	s2 =	sld [smem:$0x3F8F];
	s0 =	simm.s32 @p1 $0x1  }
0x15: {  	[smem:$0x3FAC] =	sst s0;
	s0 =	simm.s32 @!p2 $0x0  }
0x16: {  	s3 =	sld [smem:$0x3FDB];
	s0 =	simm.s32 @p2 $0x1  }
0x17: {  	s4 =	simm.s32 $0x1BF5;
	[smem:$0x3FAE] =	sst s0  }
0x18: {  	s0 =	sld [smem:$0x3F91];
	_ =	swait.ge [sflag:s4], $0x0  }
0x19: {  	s7 =	sld [smem:$0x3F92]  }
0x1a: {  	s8 =	sadd.s32 $0xFFFFE003, lr  }
0x1b: {  	s9 =	sadd.s32 $0xFFFFFEF7, lr;
	s5 =	simm.s32 $0xFFFFFFFF;
	p2 =	slt.u32 s8, $0xFFFFF086  }
0x1c: {  	p1 =	slt.u32 s9, $0xF7A;
	s5 =	simm.s32 @!p2 $0x0  }
0x1d: {  	s5 =	simm.s32 @p1 $0x1;
	p0 =	seq.s32 s7, s2  }
0x1e: {  	s7 =	smul.u32 @!p0 $0xF7A, s2;
	p2 =	seq.s32 @!p0 s5, $0x0  }
0x1f: {  	s9 =	smul.u32 $0xF7A, s1;
	s8 =	simm.s32 @!p0 $0x1BF5;
	p2 =	por !p2, p0  }
0x20: {  	[sflag:s8] =	ssyncset.s32 @!p0 $0xFFFFF086;
	s6 =	sadd.s32 @!p0 s3, s7;
	s7 =	simm.s32 @!p0 $0x108  }
0x21: {  	s3 =	sadd.s32 s3, s9;
	s6 =	sadd.s32 @!p0 $0x88, s6;
	s7 =	simm.s32 @p2 $0x1082  }
0x22: {  	[simem:s7], [sflag:s8] =	dma.local @!p0 [hbm:s6], $0xF7A  }
0x23: {  	s9 =	sor.u32 $0xD0000000, s2;
	s6 =	simm.s32 $0x108;
	_ =	swait.ge @!p0 [sflag:s8], $0x0  }
0x24: {  	s3 =	sadd.s32 $0x88, s3;
	s6 =	simm.s32 @!p1 $0x1082;
	[sflag:s4] =	ssyncset.s32 $0xFFFFF086  }
0x25: {  	[simem:s6], [sflag:s4] =	dma.local [hbm:s3], $0xF7A  }
0x26: {  	[smem:$0x3F92] =	sst s1;
	(tag) =	ssettag s2;
	_ =	strace s9  }
0x27: {  	s1 =	sld [smem:$0x3FA2]  }
0x28: {  	s2 =	sld [smem:$0x3FA3]  }
0x29: {  	s4 =	sld [smem:$0x3FA5]  }
0x2a: {  	p0 =	seq.s32 s5, $0x0;
	s5 =	sld [smem:$0x3FA6]  }
0x2b: {  	s6 =	sld [smem:$0x3FA7]  }
0x2c: {  	s7 =	sld [smem:$0x3FA8]  }
0x2d: {  	s3 =	simm.s32 $0x108;
	s8 =	sld [smem:$0x3FA9]  }
0x2e: {  	s3 =	simm.s32 @!p0 $0x1082;
	s9 =	sld [smem:$0x3FAA]  }
0x2f: {  	lr =	sadd.s32 s0, s3;
	s0 =	sld [smem:$0x3FA1]  }
0x30: {  	s3 =	sld [smem:$0x3FA4]  }
0x31: {  	[smem:$0x3FAD] =	sst s10  }
0x32: {  	s10 =	sld [smem:$0x3FAB];
	_ =	sdelay $0x3  }
0x33: {  	p0 =	seq.s32 s10, $0x1;
	s10 =	sld [smem:$0x3FAD];
	_ =	sdelay $0x3  }
0x34: {  	[smem:$0x3FAD] =	sst s10  }
0x35: {  	s10 =	sld [smem:$0x3FAC];
	_ =	sdelay $0x3  }
0x36: {  	p1 =	seq.s32 s10, $0x1;
	s10 =	sld [smem:$0x3FAD];
	_ =	sdelay $0x3  }
0x37: {  	[smem:$0x3FAD] =	sst s10  }
0x38: {  	s10 =	sld [smem:$0x3FAE]  }
0x39: {  	_ = 	snop;
	(pc) =	sbr.ind lr, $3  }
0x3a: {  	_ = 	snop  }
0x3b: {  	_ = 	snop  }
0x3c: {  	p2 =	seq.s32 s10, $0x1;
	s10 =	sld [smem:$0x3FAD]  }
0x3d: {  	_ =	shalt  }
0x3e: {  	_ =	shalt  }
0x3f: {  	_ =	shalt  }
0x40: {  	_ =	shalt  }
0x41: {  	_ =	shalt  }
0x42: {  	_ =	shalt  }
0x43: {  	_ =	shalt  }
0x44: {  	_ =	shalt  }
0x45: {  	_ =	shalt  }
0x46: {  	_ =	shalt  }
0x47: {  	_ =	shalt  }
0x48: {  	_ =	shalt  }
0x49: {  	_ =	shalt  }
0x4a: {  	_ =	shalt  }
0x4b: {  	_ =	shalt  }
0x4c: {  	_ =	shalt  }
0x4d: {  	_ =	shalt  }
0x4e: {  	_ =	shalt  }
0x4f: {  	_ =	shalt  }
0x50: {  	_ =	shalt  }
0x51: {  	_ =	shalt  }
0x52: {  	_ =	shalt  }
0x53: {  	_ =	shalt  }
0x54: {  	_ =	shalt  }
0x55: {  	_ =	shalt  }
0x56: {  	_ =	shalt  }
0x57: {  	_ =	shalt  }
0x58: {  	_ =	shalt  }
0x59: {  	_ =	shalt  }
0x5a: {  	_ =	shalt  }
0x5b: {  	_ =	shalt  }
0x5c: {  	_ =	shalt  }
0x5d: {  	_ =	shalt  }
0x5e: {  	_ =	shalt  }
0x5f: {  	_ =	shalt  }
0x60: {  	_ =	shalt  }
0x61: {  	_ =	shalt  }
0x62: {  	_ =	shalt  }
0x63: {  	_ =	shalt  }
0x64: {  	_ =	shalt  }
0x65: {  	_ =	shalt  }
0x66: {  	_ =	shalt  }
0x67: {  	_ =	shalt  }
0x68: {  	_ =	shalt  }
0x69: {  	_ =	shalt  }
0x6a: {  	_ =	shalt  }
0x6b: {  	_ =	shalt  }
0x6c: {  	_ =	shalt  }
0x6d: {  	_ =	shalt  }
0x6e: {  	_ =	shalt  }
0x6f: {  	_ =	shalt  }
0x70: {  	_ =	shalt  }
0x71: {  	_ =	shalt  }
0x72: {  	_ =	shalt  }
0x73: {  	_ =	shalt  }
0x74: {  	_ =	shalt  }
0x75: {  	_ =	shalt  }
0x76: {  	_ =	shalt  }
0x77: {  	_ =	shalt  }
0x78: {  	_ =	shalt  }
0x79: {  	_ =	shalt  }
0x7a: {  	_ =	shalt  }
0x7b: {  	_ =	shalt  }
0x7c: {  	_ =	shalt  }
0x7d: {  	_ =	shalt  }
0x7e: {  	_ =	shalt  }
0x7f: {  	_ =	shalt  }
0x80: {  	_ =	shalt  }
0x81: {  	_ =	shalt  }
0x82: {  	_ =	shalt  }
0x83: {  	_ =	shalt  }
0x84: {  	_ =	shalt  }
0x85: {  	_ =	shalt  }
0x86: {  	_ =	shalt  }
0x87: {  	_ =	shalt  }
.Lfunc_end0:
.L_simem_size_0:
called_computation.3_lowered:
.L_overlay_start_0:
0x88: {  	s2 =	sld [smem:$0x3FD9]  }
0x89: {  	s3 =	sld [smem:$0x3FFE];
	_ =	sdelay $0x1  }
0x8a: {  	s1 =	srdreg.scid  }
0x8b: {  	s0 =	sand.u32 $0x1, s1  }
0x8c: {  	s16 =	sshll.u32 s0, $0xA;
	s2 =	sadd.s32 s3, s2  }
0x8d: {  	s2 =	sadd.s32 s2, s16  }
0x8e: {  	[smem:$0x3FB9] =	sst s2  }
0x8f: {  	_ = 	snop  }
0x90: {  	(tm) =	ssettm $0x1  }
0x91: {  	s17 =	sld [smem:$0x3FFB];
	_ =	sdelay $0x3  }
0x92: {  	_ =	strace s17  }
0x93: {  	s2 =	sld [smem:$0x3FFC];
	_ =	sdelay $0x3  }
0x94: {  	_ =	strace s2  }
0x95: {  	s2 =	sld [smem:$0x3FFD];
	_ =	sdelay $0x3  }
0x96: {  	_ =	strace s2  }
0x97: {  	_ =	strace $0x8FFFFFFF  }
0x98: {  	s18 =	sld [smem:$0x3FDB];
	_ =	sdelay $0x1  }
0x99: {  	s19 =	simm.s32 $_scs_section_size  }
0x9a: {  	s4 =	simm.s32 $_size__tile_overlayer_lowered;
	s5 =	simm.s32 $_tile_overlayer_lowered  }
0x9b: {  	s22 =	simm.s32 $0x1BFF;
	s21 =	sshll.u32 s5, $0x1;
	s2 =	sadd.s32 s19, s18  }
0x9c: {  	s6 =	simm.s32 $0x0;
	s20 =	sshll.u32 s4, $0x1;
	s4 =	sadd.s32 s21, s2  }
0x9d: {  	[timem:s6], [sflag:s22] =	dma.local [hbm:s4], s20  }
0x9e: {  	_ =	swait.ge [sflag:s22], s20  }
0x9f: {  	s3 =	ssub.s32 $0x0, s20;
	[sflag:s22] =	ssyncset.done $0x0  }
0xa0: {  	[sflag:s22] =	ssyncadd.s32 s3;
	_ =	sdelay $0x1  }
0xa1: {  	s23 =	simm.s32 $0x1B8B  }
0xa2: {  	_ =	swait.ge [sflag:s23], $0x1  }
0xa3: {  	[sflag:s23] =	ssyncset.done $0x0  }
0xa4: {  	s25 =	simm.s32 $0x1B8E;
	s24 =	sld [smem:$0x3FFE];
	[sflag:s23] =	ssyncadd.s32 $0xFFFFFFFF  }
0xa5: {  	s26 =	simm.s32 $execute0_lowered;
	[smem:$0x3FD2] =	sst s25  }
0xa6: {  	s4 =	sshll.u32 s26, $0x1;
	_ =	strace $0x8000004F;
	[dreg:$0x1] =	wrdreg $0xFFFFFFFF  }
0xa7: {  	s28 =	simm.s32 $_size_execute0_lowered;
	s2 =	sadd.s32 s2, s4;
	[dreg:$0x0] =	wrdreg $0x0  }
0xa8: {  	s4 =	sshll.u32 s28, $0x1;
	[dreg:$0x2] =	wrdreg s2  }
0xa9: {  	[dreg:$0x3] =	wrdreg s4  }
0xaa: {  	[dreg:$0x4] =	wrdreg $0xC0  }
0xab: {  	_ =	task [dreg:s6], $0x5FFFF  }
0xac: {  	[dreg:$0x1] =	wrdreg $0xFFFFFFFF  }
0xad: {  	[dreg:$0x0] =	wrdreg $0x60  }
0xae: {  	[dreg:$0x2] =	wrdreg s24  }
0xaf: {  	[dreg:$0x3] =	wrdreg $0x0  }
0xb0: {  	[dreg:$0x4] =	wrdreg $0x9  }
0xb1: {  	_ =	task.clear_ibuf [dreg:s6], $0x5FFFF;
	_ =	strace $0x9000004F  }
0xb2: {  	s29 =	simm.s32 $0x9;
	_ =	strace $0x80000051  }
0xb3: {  	_ =	swait.ge [sflag:s29], $0x1  }
0xb4: {  	[sflag:s29] =	ssyncadd.s32 $0xFFFFFFFF  }
0xb5: {  	_ =	strace $0x90000051  }
0xb6: {  	_ =	sfence  }
0xb7: {  	s30 =	sld [smem:$0x0];
	_ =	sdelay $0x2  }
0xb8: {  	s31 =	sshll.u32 s1, $0xD;
	s1 =	sshrl.u32 s1, $0x2  }
0xb9: {  	s3 =	sand.u32 $0x4000, s31;
	s1 =	sadd.s32 s1, s30  }
0xba: {  	s0 =	sor.u32 s3, s0;
	s1 =	sshll.u32 s1, $0x11  }
0xbb: {  	s0 =	sor.u32 s1, s0  }
0xbc: {  	s0 =	sadd.s32 $0x8F2B, s0  }
0xbd: {  	[sflag:s0] =	ssyncadd.remote.s32 $0x1  }
0xbe: {  	_ =	sfence.sel $0xFFFF  }
0xbf: {  	[dreg:$0x0] =	wrdreg $0xFFFFFFFF;
	(pc) =	sbr.abs _section_cstart, $3  }
0xc0: {  	[dreg:$0x1] =	wrdreg $0xFFFFFFFF  }
0xc1: {  	_ =	task.clear_ibuf [dreg:s6], $0x2FFFF;
	_ =	strace $0x9FFFFFFF  }
0xc2: {  	(tm) =	ssettm $0x7FFFFFFF  }
0xc3: {  	_ =	shalt  }
tec
execute0_lowered:
.L_overlay_start_1:
0x0: {  	(tag) =	ssettag $0x1  }
0x1: {  	s0 =	rddreg [dreg:$0x0];
	s2 =	srdreg.scid  }
0x2: {  	s1 =	rddreg [dreg:$0x1];
	s7 =	stileid.u32  }
0x3: {  	s15 =	simm.s32 $0x18820;
	s16 =	simm.s32 $0x1;
	s17 =	simm.s32 $0x80  }
0x4: {  	s18 =	simm.s32 $0x18BA0;
	s19 =	simm.s32 $0x2;
	s20 =	simm.s32 $0x1ABA0  }
0x5: {  	s21 =	simm.s32 $0x4;
	s22 =	simm.s32 $0x18A20;
	s23 =	simm.s32 $0x3  }
0x6: {  	s28 =	simm.s32 $0x18AA0;
	s31 =	simm.s32 $0x7;
	s4 =	smul.u32 $0x61C, s7  }
0x7: {  	s30 =	simm.s32 $0x9;
	s5 =	sand.u32 $0x1, s2;
	s6 =	smul.u32 $0x3240, s7  }
0x8: {  	s2 =	simm.s32 $0x0;
	s3 =	sadd.s32 $0x33800, s0;
	s9 =	smul.u32 $0x61C00, s7  }
0x9: {  	s11 =	sshll.u32 s7, $0x6;
	s14 =	sadd.s32 $0x187000, s1;
	p0 =	sne.s32 s7, $0x0  }
0xa: {  	s7 =	simm.s32 $0x0;
	s8 =	smul.u32 $0x61C0, s5;
	[smem:$0x7FF] =	sst s2  }
0xb: {  	s5 =	ssub.s32 $0x2, s5;
	_ =	strace $0x80000050;
	s10 =	sadd.s32 s6, s0  }
0xc: {  	s25 =	sshrl.u32 s5, $0x1;
	s9 =	sshrl.u32 s9, $0x2;
	s4 =	sadd.s32 s4, s8  }
0xd: {  	s12 =	ssub.s32 s5, s25;
	s13 =	sadd.s32 s9, s1;
	s5 =	sor.u32 $0x1C0A, s11  }
0xe: {  	s6 =	sadd.s32 $0x1400, s10;
	s26 =	sadd.s32 $0x1420, s10;
	s10 =	sadd.s32 $0x1440, s10  }
0xf: {  	s25 =	simm.s32 $0x1CBA0;
	s24 =	sshll.u32 s4, $0x3;
	s4 =	sadd.s32 $0x95400, s0  }
.Ltmp0:
0x10: {  	[dreg:$0x3] =	wrdreg s26;
	s29 =	smax.u32 s12, $0x1;
	(pc) =	sbr.rel .LBB2_1-.Ltmp0, $4  }
0x11: {  	s11 =	sshrl.u32 s13, $0x3;
	s12 =	simm.s32 $0xA;
	s0 =	sadd.s32 s24, s0  }
0x12: {  	s26 =	simm.s32 $0x5;
	[dreg:$0x5] =	wrdreg s29;
	s0 =	sadd.s32 $0x98600, s0  }
0x13: {  	s24 =	simm.s32 $0x18920;
	[dreg:$0x4] =	wrdreg s0;
	s0 =	sshrl.u32 @!p0 s14, $0x3  }
0x14: {  	v0 =	vmov s8;
	s14 =	simm.s32 $0x18720;
	[dreg:$0x6] =	wrdreg s0;
	s0 =	simm.s32 $0x8  }
.LBB2_4:
0x15: {  	s8 =	simm.s32 $0x6  }
0x16: {  	_ =	swait.ge [sflag:s8], $0x2000  }
0x17: {  	[sflag:s8] =	ssyncset.done $0x0  }
0x18: {  	s9 =	simm.s32 $0x18B20;
	[sflag:s8] =	ssyncadd.s32 $0xFFFFE000  }
0x19: {  	[spmem:s1] =	stream.indirect.scatter.add.f32 [tilespmem:s25], [sflag:$0x9], $0x40, s9, s17, $0xb8;
	[tilespmem:$0x1EBA0] =	vst v63  }
0x1a: {  	_ =	swait.ge [sflag:s31], $0x2000  }
0x1b: {  	[sflag:s31] =	ssyncset.done $0x0  }
0x1c: {  	[sflag:s31] =	ssyncadd.s32 $0xFFFFE000  }
0x1d: {  	_ =	swait.ge [sflag:s0], $0x2000  }
0x1e: {  	[sflag:s0] =	ssyncset.done $0x0  }
0x1f: {  	[sflag:s0] =	ssyncadd.s32 $0xFFFFE000  }
0x20: {  	_ =	swait.ge [sflag:s30], $0x2000  }
0x21: {  	[sflag:s30] =	ssyncset.done $0x0  }
0x22: {  	[sflag:s30] =	ssyncadd.s32 $0xFFFFE000  }
0x23: {  	[bflag:$0x0] =	sbarrier.arrive $0xFFFF  }
0x24: {  	s13 =	rddreg [dreg:$0x4]  }
0x25: {  	[hbm:s13], [sflag:s5] =	dma.local [spmem:s11], $0x30E0  }
0x26: {  	_ =	swait.ge [sflag:s12], $0x30E0  }
0x27: {  	s7 =	sadd.s32 $0x1, s7;
	s29 =	rddreg [dreg:$0x5]  }
0x28: {  	p1 =	sne.s32 s7, s29  }
.Ltmp1:
0x29: {  	_ = 	snop;
	(pc) =	sbr.rel @!p1 .LBB2_5-.Ltmp1, $3  }
0x2a: {  	_ =	sdelay $0x1  }
0x2b: {  	[sflag:s12] =	ssyncset.done $0x0  }
0x2c: {  	[sflag:s12] =	ssyncadd.s32 $0xFFFFCF20  }
.LBB2_1:
0x2d: {  	[spmem:s11], [sflag:s5] =	dma.local [hbm:s4], $0x30E0  }
0x2e: {  	_ =	swait.ge [sflag:s12], $0x30E0  }
0x2f: {  	[sflag:s12] =	ssyncset.done $0x0  }
0x30: {  	s8 =	rddreg [dreg:$0x6];
	[sflag:s12] =	ssyncadd.s32 $0xFFFFCF20  }
0x31: {  	[spmem:s8], [sflag:s5] =	dma.local @!p0 [hbm:s4], $0x40  }
0x32: {  	s8 =	simm.s32 @!p0 $0xA  }
0x33: {  	_ =	swait.ge @!p0 [sflag:s8], $0x40  }
0x34: {  	[sflag:s8] =	ssyncset.done @!p0 $0x0  }
0x35: {  	[sflag:s8] =	ssyncadd.s32 @!p0 $0xFFFFFFC0  }
0x36: {  	[bflag:$0x0] =	sbarrier.arrive $0xFFFF  }
0x37: {  	[tilespmem:s14], [sflag:$0x1] =	stream.linear.gather [hbm4b:s6+s2], $0x100, $0x38;
	[tilespmem:$0x1EBA0] =	vst v63  }
0x38: {  	s8 =	simm.s32 $0x0;
	s29 =	rddreg [dreg:$0x3]  }
0x39: {  	[tilespmem:s15], [sflag:$0x2] =	stream.linear.gather [hbm4b:s29+s2], $0x100, $0x38;
	[tilespmem:$0x1EBA0] =	vst v63  }
.LBB2_2:
0x3a: {  	p1 =	seq.s32 s8, $0x0  }
0x3b: {  	s9 =	simm.s32 @!p1 $0x7  }
0x3c: {  	_ =	swait.ge @!p1 [sflag:s9], $0x2000  }
0x3d: {  	[sflag:s9] =	ssyncset.done @!p1 $0x0  }
0x3e: {  	[sflag:s9] =	ssyncadd.s32 @!p1 $0xFFFFE000  }
0x3f: {  	_ =	swait.ge [sflag:s16], $0x100  }
0x40: {  	[sflag:s16] =	ssyncset.done $0x0  }
0x41: {  	[sflag:s16] =	ssyncadd.s32 $0xFFFFFF00  }
0x42: {  	v1 =	vld [tilespmem:$0x187A0]  }
0x43: {  	v2 =	vld [tilespmem:$0x187B0]  }
0x44: {  	v3 =	vld [tilespmem:$0x187C0]  }
0x45: {  	v4 =	vld [tilespmem:$0x187D0]  }
0x46: {  	v5 =	vld [tilespmem:$0x187E0]  }
0x47: {  	v6 =	vld [tilespmem:$0x187F0];
	v1 =	vsub.s32 v1, v0  }
0x48: {  	v7 =	vld [tilespmem:$0x18800];
	v2 =	vsub.s32 v2, v0;
	v1 =	vmin.u32 v1, $0x61C0  }
0x49: {  	[tilespmem:$0x18A20] =	vst v1;
	v1 =	vmin.u32 v2, $0x61C0;
	v2 =	vsub.s32 v3, v0;
	v3 =	vld [tilespmem:$0x18810]  }
0x4a: {  	[tilespmem:$0x18A30] =	vst v1;
	v1 =	vmin.u32 v2, $0x61C0;
	v2 =	vsub.s32 v4, v0  }
0x4b: {  	[tilespmem:$0x18A40] =	vst v1;
	v1 =	vmin.u32 v2, $0x61C0;
	v2 =	vsub.s32 v5, v0  }
0x4c: {  	[tilespmem:$0x18A50] =	vst v1;
	v1 =	vmin.u32 v2, $0x61C0;
	v2 =	vsub.s32 v6, v0  }
0x4d: {  	[tilespmem:$0x18A60] =	vst v1;
	v1 =	vmin.u32 v2, $0x61C0;
	v2 =	vsub.s32 v7, v0  }
0x4e: {  	[tilespmem:$0x18A70] =	vst v1;
	v1 =	vmin.u32 v2, $0x61C0;
	v2 =	vsub.s32 v3, v0  }
0x4f: {  	[tilespmem:$0x18A80] =	vst v1;
	v1 =	vmin.u32 v2, $0x61C0  }
0x50: {  	[tilespmem:$0x18A90] =	vst v1  }
0x51: {  	[tilespmem:s18], [sflag:$0x4] =	stream.indirect.gather [hbm4b:s3+s17], $0x40, s14, s17, $0xb8;
	[tilespmem:$0x1EBA0] =	vst v63  }
0x52: {  	s13 =	simm.s32 @p1 $0x18920;
	s9 =	simm.s32 @p1 $0x0  }
0x53: {  	[tilespmem:s13], [sflag:$0x3] =	stream.linear.gather @p1 [hbm4b:s10+s9], $0x100, $0x38;
	[tilespmem:$0x1EBA0] =	vst v63  }
0x54: {  	s9 =	simm.s32 @!p1 $0x6  }
0x55: {  	_ =	swait.ge @!p1 [sflag:s9], $0x2000  }
0x56: {  	s29 =	simm.s32 @!p1 $0x1CBA0;
	[sflag:s9] =	ssyncset.done @!p1 $0x0  }
0x57: {  	s13 =	simm.s32 @!p1 $0x18B20;
	[sflag:s9] =	ssyncadd.s32 @!p1 $0xFFFFE000;
	s9 =	simm.s32 @!p1 $0x80  }
0x58: {  	[spmem:s1] =	stream.indirect.scatter.add.f32 @!p1 [tilespmem:s29], [sflag:$0x9], $0x40, s13, s9, $0xb8;
	[tilespmem:$0x1EBA0] =	vst v63  }
0x59: {  	s9 =	sadd.s32 @!p1 s8, s6  }
0x5a: {  	s13 =	simm.s32 @!p1 $0x0;
	s29 =	simm.s32 @!p1 $0x18920;
	s9 =	sadd.s32 @!p1 $0x40, s9  }
0x5b: {  	[tilespmem:s29], [sflag:$0x3] =	stream.linear.gather @!p1 [hbm4b:s9+s13], $0x100, $0x38;
	[tilespmem:$0x1EBA0] =	vst v63  }
0x5c: {  	s9 =	simm.s32 @!p1 $0x8  }
0x5d: {  	_ =	swait.ge @!p1 [sflag:s9], $0x2000  }
0x5e: {  	[sflag:s9] =	ssyncset.done @!p1 $0x0  }
0x5f: {  	[sflag:s9] =	ssyncadd.s32 @!p1 $0xFFFFE000  }
0x60: {  	_ =	swait.ge [sflag:s19], $0x100  }
0x61: {  	[sflag:s19] =	ssyncset.done $0x0  }
0x62: {  	[sflag:s19] =	ssyncadd.s32 $0xFFFFFF00  }
0x63: {  	v1 =	vld [tilespmem:$0x188A0]  }
0x64: {  	v2 =	vld [tilespmem:$0x188B0]  }
0x65: {  	v3 =	vld [tilespmem:$0x188C0]  }
0x66: {  	v56 =	vld [tilespmem:$0x188D0]  }
0x67: {  	v57 =	vld [tilespmem:$0x188E0]  }
0x68: {  	v58 =	vld [tilespmem:$0x188F0];
	v1 =	vsub.s32 v1, v0  }
0x69: {  	v59 =	vld [tilespmem:$0x18900];
	v2 =	vsub.s32 v2, v0;
	v1 =	vmin.u32 v1, $0x61C0  }
0x6a: {  	[tilespmem:$0x18AA0] =	vst v1;
	v1 =	vmin.u32 v2, $0x61C0;
	v2 =	vsub.s32 v3, v0;
	v3 =	vld [tilespmem:$0x18910]  }
0x6b: {  	[tilespmem:$0x18AB0] =	vst v1;
	v1 =	vmin.u32 v2, $0x61C0;
	v2 =	vsub.s32 v56, v0  }
0x6c: {  	[tilespmem:$0x18AC0] =	vst v1;
	v1 =	vmin.u32 v2, $0x61C0;
	v2 =	vsub.s32 v57, v0  }
0x6d: {  	[tilespmem:$0x18AD0] =	vst v1;
	v1 =	vmin.u32 v2, $0x61C0;
	v2 =	vsub.s32 v58, v0  }
0x6e: {  	[tilespmem:$0x18AE0] =	vst v1;
	v1 =	vmin.u32 v2, $0x61C0;
	v2 =	vsub.s32 v59, v0  }
0x6f: {  	[tilespmem:$0x18AF0] =	vst v1;
	v1 =	vmin.u32 v2, $0x61C0;
	v2 =	vsub.s32 v3, v0  }
0x70: {  	[tilespmem:$0x18B00] =	vst v1;
	v1 =	vmin.u32 v2, $0x61C0  }
0x71: {  	[tilespmem:$0x18B10] =	vst v1  }
0x72: {  	[tilespmem:s20], [sflag:$0x5] =	stream.indirect.gather [hbm4b:s3+s17], $0x40, s15, s17, $0xb8;
	[tilespmem:$0x1EBA0] =	vst v63  }
0x73: {  	p1 =	seq.s32 s8, $0x31E0;
	_ =	swait.ge [sflag:s21], $0x2000  }
0x74: {  	p2 =	seq.s32 @!p1 s8, $0x0;
	[sflag:s21] =	ssyncset.done $0x0  }
0x75: {  	s9 =	sadd.s32 @!p1 s8, s6;
	s13 =	simm.s32 @!p1 $0x0;
	[sflag:s21] =	ssyncadd.s32 $0xFFFFE000  }
0x76: {  	[spmem:s1] =	stream.indirect.scatter.add.f32 [tilespmem:s18], [sflag:$0x7], $0x40, s22, s17, $0xb8;
	[tilespmem:$0x1EBA0] =	vst v63  }
0x77: {  	s29 =	simm.s32 @!p1 $0x18720;
	s9 =	sadd.s32 @!p1 $0x60, s9;
	p2 =	por p1, !p2  }
0x78: {  	[tilespmem:s29], [sflag:$0x1] =	stream.linear.gather @!p1 [hbm4b:s9+s13], $0x100, $0x38;
	[tilespmem:$0x1EBA0] =	vst v63  }
0x79: {  	_ =	swait.ge @p2 [sflag:s30], $0x2000  }
0x7a: {  	[sflag:s30] =	ssyncset.done @p2 $0x0  }
0x7b: {  	[sflag:s30] =	ssyncadd.s32 @p2 $0xFFFFE000  }
0x7c: {  	_ =	swait.ge [sflag:s23], $0x100  }
0x7d: {  	[sflag:s23] =	ssyncset.done $0x0  }
0x7e: {  	[sflag:s23] =	ssyncadd.s32 $0xFFFFFF00  }
0x7f: {  	v1 =	vld [tilespmem:$0x189A0]  }
0x80: {  	v2 =	vld [tilespmem:$0x189B0]  }
0x81: {  	v3 =	vld [tilespmem:$0x189C0]  }
0x82: {  	v60 =	vld [tilespmem:$0x189D0]  }
0x83: {  	v61 =	vld [tilespmem:$0x189E0]  }
0x84: {  	v62 =	vld [tilespmem:$0x189F0];
	v1 =	vsub.s32 v1, v0  }
0x85: {  	v63 =	vld [tilespmem:$0x18A00];
	v2 =	vsub.s32 v2, v0;
	v1 =	vmin.u32 v1, $0x61C0  }
0x86: {  	[tilespmem:$0x18B20] =	vst v1;
	v1 =	vmin.u32 v2, $0x61C0;
	v2 =	vsub.s32 v3, v0;
	v3 =	vld [tilespmem:$0x18A10]  }
0x87: {  	[tilespmem:$0x18B30] =	vst v1;
	v1 =	vmin.u32 v2, $0x61C0;
	v2 =	vsub.s32 v60, v0  }
0x88: {  	[tilespmem:$0x18B40] =	vst v1;
	v1 =	vmin.u32 v2, $0x61C0;
	v2 =	vsub.s32 v61, v0  }
0x89: {  	[tilespmem:$0x18B50] =	vst v1;
	v1 =	vmin.u32 v2, $0x61C0;
	v2 =	vsub.s32 v62, v0  }
0x8a: {  	[tilespmem:$0x18B60] =	vst v1;
	v1 =	vmin.u32 v2, $0x61C0;
	v2 =	vsub.s32 v63, v0  }
0x8b: {  	[tilespmem:$0x18B70] =	vst v1;
	v1 =	vmin.u32 v2, $0x61C0;
	v2 =	vsub.s32 v3, v0  }
0x8c: {  	[tilespmem:$0x18B80] =	vst v1;
	v1 =	vmin.u32 v2, $0x61C0  }
0x8d: {  	[tilespmem:$0x18B90] =	vst v1  }
0x8e: {  	[tilespmem:s25], [sflag:$0x6] =	stream.indirect.gather [hbm4b:s3+s17], $0x40, s24, s17, $0xb8;
	[tilespmem:$0x1EBA0] =	vst v63  }
.Ltmp2:
0x8f: {  	_ = 	snop;
	(pc) =	sbr.rel @p1 .LBB2_4-.Ltmp2, $4  }
0x90: {  	_ =	swait.ge [sflag:s26], $0x2000  }
0x91: {  	[sflag:s26] =	ssyncset.done $0x0  }
0x92: {  	[sflag:s26] =	ssyncadd.s32 $0xFFFFE000  }
0x93: {  	[spmem:s1] =	stream.indirect.scatter.add.f32 [tilespmem:s20], [sflag:$0x8], $0x40, s28, s17, $0xb8;
	[tilespmem:$0x1EBA0] =	vst v63  }
.Ltmp3:
0x94: {  	(pc) =	sbr.rel .LBB2_2-.Ltmp3, $4  }
0x95: {  	_ = 	snop  }
0x96: {  	s9 =	sadd.s32 s8, s6  }
0x97: {  	s8 =	sadd.s32 $0x60, s8;
	s9 =	sadd.s32 $0x80, s9  }
0x98: {  	[tilespmem:s15], [sflag:$0x2] =	stream.linear.gather [hbm4b:s9+s2], $0x100, $0x38;
	[tilespmem:$0x1EBA0] =	vst v63  }
.LBB2_5:
0x99: {  	_ =	sfence.sel $0x180000  }
0x9a: {  	[bflag:$0x0] =	sbarrier.arrive $0xFFFF  }
0x9b: {  	_ =	strace $0x90000050  }
0x9c: {  	[bflag:$0x2] =	sbarrier.arrive $0xFFFF  }
0x9d: {  	s0 =	rddreg [dreg:$0x2]  }
0x9e: {  	s0 =	sadd.s32 @!p0 $0x100000, s0  }
0x9f: {  	[sflag:s0] =	ssyncadd.tile.s32 @!p0 $0x1;
	_ =	shalt  }
.Lfunc_end2:
_tile_overlayer_lowered:
.L_overlay_start_2:
0xa0: {  	(tag) =	ssettag $0x2  }
0xa1: {  	s0 =	rddreg [dreg:$0x0];
	s2 =	stileid.u32  }
0xa2: {  	s1 =	rddreg [dreg:$0x1];
	p0 =	sne.s32 s2, $0x0  }
0xa3: {  	s3 =	rddreg [dreg:$0x2];
	[bflag:$0x3] =	sbarrier.arrive $0xFFFF;
	s2 =	simm.s32 @!p0 $0x1C0A  }
0xa4: {  	[timem:s3], [sflag:s2] =	dma.local @!p0 [hbm:s0], s1  }
0xa5: {  	s0 =	simm.s32 @!p0 $0xA  }
0xa6: {  	_ =	swait.ge @!p0 [sflag:s0], s1  }
0xa7: {  	s1 =	ssub.s32 @!p0 $0x0, s1;
	[sflag:s0] =	ssyncset.done @!p0 $0x0  }
0xa8: {  	[sflag:s0] =	ssyncadd.s32 @!p0 s1  }
0xa9: {  	[bflag:$0x3] =	sbarrier.arrive $0xFFFF  }
0xaa: {  	_ =	shalt  }

</sc_bundles>
